<compile_context>
chip_gen: v7x
topology: tpu7x:2x2x1
jax: 0.10.2.dev20260603
libtpu: 0.0.44.dev20260713+nightly
codegen_flags: <defaults>
</compile_context>

<pallas_src>
import jax
import jax.numpy as jnp
from jax import lax
from jax.experimental import pallas as pl
from jax.experimental.pallas import tpu as pltpu
from jax.experimental.pallas import tpu_sc as plsc

_N = 10000
_E = 320000
_M = 3
_D = 128
_H = 4
_C = 32
_R = _M + 1

_NC = 2
_NS = 16
_NW = _NC * _NS
_EW = _E // _NW
_K = 80
_NCHUNK = _EW // _K
_NPT = _N // _NS

_BLK = 400
_GRID = _N // _BLK



def _prep_body(feats_ref, wl_ref, bl_ref, wr_ref, br_ref, almat_ref, armat_ref,
               l_ref, r_ref, al_ref, ar_ref, maxal_ref, maxar_ref):
    i = pl.program_id(0)
    f = feats_ref[...]
    lblk = jax.lax.dot_general(f, wl_ref[...], (((1,), (0,)), ((), ())),
                               preferred_element_type=jnp.float32) + bl_ref[0:1, :]
    rblk = jax.lax.dot_general(f, wr_ref[...], (((1,), (0,)), ((), ())),
                               preferred_element_type=jnp.float32) + br_ref[0:1, :]
    l_ref[...] = lblk
    r_ref[...] = rblk
    al = jax.lax.dot_general(lblk, almat_ref[...], (((1,), (0,)), ((), ())),
                             preferred_element_type=jnp.float32)
    ar = jax.lax.dot_general(rblk, armat_ref[...], (((1,), (0,)), ((), ())),
                             preferred_element_type=jnp.float32)
    al_ref[...] = al
    ar_ref[...] = ar
    bm_al = jnp.broadcast_to(jnp.max(al, axis=0, keepdims=True), (8, 16))
    bm_ar = jnp.broadcast_to(jnp.max(ar, axis=0, keepdims=True), (8, 16))

    @pl.when(i == 0)
    def _():
        maxal_ref[...] = bm_al
        maxar_ref[...] = bm_ar

    @pl.when(i > 0)
    def _():
        maxal_ref[...] = jnp.maximum(maxal_ref[...], bm_al)
        maxar_ref[...] = jnp.maximum(maxar_ref[...], bm_ar)


def _prep(feats, W_l, b_l, W_r, b_r, attn):
    almat = jnp.zeros((_D, 16), jnp.float32)
    armat = jnp.zeros((_D, 16), jnp.float32)
    for m in range(_M):
        for h in range(_H):
            almat = almat.at[32 * h:32 * h + 32, 4 * m + h].set(attn[m, h, :_C])
            armat = armat.at[32 * h:32 * h + 32, 4 * m + h].set(attn[m, h, _C:])
    blb = jnp.broadcast_to(b_l[None, :], (8, _D))
    brb = jnp.broadcast_to(b_r[None, :], (8, _D))
    return pl.pallas_call(
        _prep_body,
        grid=(_GRID,),
        in_specs=[
            pl.BlockSpec((_BLK, _D), lambda i: (i, 0)),
            pl.BlockSpec((_D, _D), lambda i: (0, 0)),
            pl.BlockSpec((8, _D), lambda i: (0, 0)),
            pl.BlockSpec((_D, _D), lambda i: (0, 0)),
            pl.BlockSpec((8, _D), lambda i: (0, 0)),
            pl.BlockSpec((_D, 16), lambda i: (0, 0)),
            pl.BlockSpec((_D, 16), lambda i: (0, 0)),
        ],
        out_specs=[
            pl.BlockSpec((_BLK, _D), lambda i: (i, 0)),
            pl.BlockSpec((_BLK, _D), lambda i: (i, 0)),
            pl.BlockSpec((_BLK, 16), lambda i: (i, 0)),
            pl.BlockSpec((_BLK, 16), lambda i: (i, 0)),
            pl.BlockSpec((8, 16), lambda i: (0, 0)),
            pl.BlockSpec((8, 16), lambda i: (0, 0)),
        ],
        out_shape=[
            jax.ShapeDtypeStruct((_N, _D), jnp.float32),
            jax.ShapeDtypeStruct((_N, _D), jnp.float32),
            jax.ShapeDtypeStruct((_N, 16), jnp.float32),
            jax.ShapeDtypeStruct((_N, 16), jnp.float32),
            jax.ShapeDtypeStruct((8, 16), jnp.float32),
            jax.ShapeDtypeStruct((8, 16), jnp.float32),
        ],
    )(feats, W_l, blb, W_r, brb, almat, armat)



_K = 80
_TW = _E // _K // _NW
_HALF = _TW // 2
_SPAN = 624
_NTAIL = _N - _SPAN * _NS


def _sc_body(srcf_ref, dstf_ref, l_ref, al_ref, ar_ref, maxal_ref, maxar_ref,
             houtp_ref, denomp_ref,
             denom_s, msg_s,
             sbuf0, dbuf0, albuf0, arbuf0, rowbuf0, exbuf0, dscat0,
             sbuf1, dbuf1, albuf1, arbuf1, rowbuf1, exbuf1, dscat1,
             stage16, gmv, zb16, zb128,
             sem_i0, sem_g0, sem_s0, sem_i1, sem_g1, sem_s1):
    c = lax.axis_index("c")
    s = lax.axis_index("s")
    w = s * _NC + c
    iota = lax.iota(jnp.int32, 16)
    bufs = ((sbuf0, dbuf0, albuf0, arbuf0, rowbuf0, sem_i0, sem_g0, exbuf0, dscat0, sem_s0),
            (sbuf1, dbuf1, albuf1, arbuf1, rowbuf1, sem_i1, sem_g1, exbuf1, dscat1, sem_s1))

    pltpu.sync_copy(maxal_ref.at[0], gmv)
    pltpu.sync_copy(maxar_ref.at[0], stage16.at[0])
    gm = gmv[...] + stage16[0, :]
    gm = jnp.maximum(gm, 0.2 * gm)
    gmv[...] = gm

    def _zb16_row(j, carry):
        zb16[j, :] = jnp.zeros((16,), jnp.float32)
        return carry
    lax.fori_loop(0, 24, _zb16_row, 0)

    def _zb128_row(j, carry):
        for k in range(8):
            zb128[j, pl.ds(k * 16, 16)] = jnp.zeros((16,), jnp.float32)
        return carry
    lax.fori_loop(0, 24, _zb128_row, 0)

    base_n = s * _SPAN
    for z in range(26):
        pltpu.sync_copy(zb16, denom_s.at[pl.ds(base_n + z * 24, 24)])

    @pl.when(s == 0)
    def _():
        tb = _SPAN * _NS
        pltpu.sync_copy(zb16.at[pl.ds(0, _NTAIL)], denom_s.at[pl.ds(tb, _NTAIL)])
    plsc.subcore_barrier()

    def _fetch_idx(m, t, B):
        base_e = m * _E + (w * _TW + t) * _K
        pltpu.make_async_copy(srcf_ref.at[pl.ds(base_e, _K)], B[0], B[5]).start()
        pltpu.make_async_copy(dstf_ref.at[pl.ds(base_e, _K)], B[1], B[5]).start()

    def _wait_idx(m, t, B):
        base_e = m * _E + (w * _TW + t) * _K
        pltpu.make_async_copy(srcf_ref.at[pl.ds(base_e, _K)], B[0], B[5]).wait()
        pltpu.make_async_copy(dstf_ref.at[pl.ds(base_e, _K)], B[1], B[5]).wait()

    def _fetch_gath(B):
        pltpu.make_async_copy(al_ref.at[B[0]], B[2], B[6]).start()
        pltpu.make_async_copy(ar_ref.at[B[1]], B[3], B[6]).start()
        pltpu.make_async_copy(l_ref.at[B[0]], B[4], B[6]).start()

    def _wait_gath(B):
        pltpu.make_async_copy(al_ref.at[B[0]], B[2], B[6]).wait()
        pltpu.make_async_copy(ar_ref.at[B[1]], B[3], B[6]).wait()
        pltpu.make_async_copy(l_ref.at[B[0]], B[4], B[6]).wait()

    def _start_scat(m, B):
        pltpu.make_async_copy(B[7], denom_s.at[B[8]], B[9]).start(add=True)
        pltpu.make_async_copy(B[4], msg_s.at[B[8]], B[9]).start(add=True)

    def _wait_scat(m, B):
        pltpu.make_async_copy(B[7], denom_s.at[B[8]], B[9]).wait()
        pltpu.make_async_copy(B[4], msg_s.at[B[8]], B[9]).wait()

    def _compute_scatter(m, B):
        albuf, arbuf, rowbuf, exbuf = B[2], B[3], B[4], B[7]

        @plsc.parallel_loop(0, _K, step=16, unroll=2)
        def _score_g(gbase):
            ridx = gbase + iota
            for h in range(_H):
                col = jnp.full((16,), h, jnp.int32) + 4 * m
                a_l = plsc.load_gather(albuf, [ridx, col])
                a_r = plsc.load_gather(arbuf, [ridx, col])
                sc = a_l + a_r
                sc = jnp.maximum(sc, 0.2 * sc)
                ex = jnp.exp(sc - plsc.load_gather(gmv, [col]))
                plsc.store_scatter(exbuf, [ridx, col], ex)

        @plsc.parallel_loop(0, _K, step=1, unroll=4)
        def _scale_e(e):
            erow = jnp.full((16,), e, jnp.int32)
            for h in range(_H):
                col = jnp.full((16,), h, jnp.int32) + 4 * m
                exsp = plsc.load_gather(exbuf, [erow, col])
                for k2 in range(2):
                    sl = pl.ds(h * 32 + k2 * 16, 16)
                    rowbuf[e, sl] = rowbuf[e, sl] * exsp
        for g in range(_K // 16):
            B[8][pl.ds(g * 16, 16)] = B[1][pl.ds(g * 16, 16)]
        _start_scat(m, B)

    def _metapath(m, carry):
        for z in range(26):
            pltpu.sync_copy(zb128, msg_s.at[pl.ds(base_n + z * 24, 24)])

        @pl.when(s == 0)
        def _():
            tb = _SPAN * _NS
            pltpu.sync_copy(zb128.at[pl.ds(0, _NTAIL)], msg_s.at[pl.ds(tb, _NTAIL)])

        def _zex_row(j, carry2):
            exbuf0[j, :] = jnp.zeros((16,), jnp.float32)
            exbuf1[j, :] = jnp.zeros((16,), jnp.float32)
            return carry2
        lax.fori_loop(0, _K, _zex_row, 0)
        plsc.subcore_barrier()

        B0, B1 = bufs
        _fetch_idx(m, 0, B0)
        _wait_idx(m, 0, B0)
        _fetch_gath(B0)
        _fetch_idx(m, 1, B1)

        def _round(t, carry2):
            _wait_idx(m, 2 * t + 1, B1)

            @pl.when(t > 0)
            def _():
                _wait_scat(m, B1)
            _fetch_gath(B1)
            _wait_gath(B0)
            _compute_scatter(m, B0)
            _fetch_idx(m, 2 * t + 2, B0)
            _wait_idx(m, 2 * t + 2, B0)
            _wait_scat(m, B0)
            _fetch_gath(B0)
            _wait_gath(B1)
            _compute_scatter(m, B1)

            @pl.when(t < _HALF - 1)
            def _():
                _fetch_idx(m, 2 * t + 3, B1)
            return carry2
        lax.fori_loop(0, _HALF, _round, 0)
        _wait_gath(B0)
        _compute_scatter(m, B0)
        _wait_scat(m, B0)
        _wait_scat(m, B1)
        plsc.subcore_barrier()

        pltpu.sync_copy(msg_s.at[pl.ds(base_n, _SPAN)],
                        houtp_ref.at[c, m, pl.ds(base_n, _SPAN)])

        @pl.when(s == 0)
        def _():
            tb = _SPAN * _NS
            pltpu.sync_copy(msg_s.at[pl.ds(tb, _NTAIL)],
                            houtp_ref.at[c, m, pl.ds(tb, _NTAIL)])
        plsc.subcore_barrier()
        return carry
    lax.fori_loop(0, _M, _metapath, 0)

    pltpu.sync_copy(denom_s.at[pl.ds(base_n, _SPAN)],
                    denomp_ref.at[c, pl.ds(base_n, _SPAN)])

    @pl.when(s == 0)
    def _():
        tb = _SPAN * _NS
        pltpu.sync_copy(denom_s.at[pl.ds(tb, _NTAIL)],
                        denomp_ref.at[c, pl.ds(tb, _NTAIL)])


def _sc_messages(edge_index, l, al, ar, maxal, maxar):
    srcf = edge_index[:, 0, :].reshape(_M * _E)
    dstf = edge_index[:, 1, :].reshape(_M * _E)
    mesh = plsc.VectorSubcoreMesh(core_axis_name="c", subcore_axis_name="s",
                                  num_cores=_NC, num_subcores=_NS)
    kern = pl.kernel(
        _sc_body,
        compiler_params=pltpu.CompilerParams(needs_layout_passes=False, use_tc_tiling_on_sc=False),
        out_type=[
            jax.ShapeDtypeStruct((_NC, _M, _N, _D), jnp.float32),
            jax.ShapeDtypeStruct((_NC, _N, 16), jnp.float32),
        ],
        mesh=mesh,
        scratch_types=(
            [pltpu.VMEM_SHARED((_N, 16), jnp.float32),
             pltpu.VMEM_SHARED((_N, _D), jnp.float32)]
            + 2 * [pltpu.VMEM((_K,), jnp.int32),
                   pltpu.VMEM((_K,), jnp.int32),
                   pltpu.VMEM((_K, 16), jnp.float32),
                   pltpu.VMEM((_K, 16), jnp.float32),
                   pltpu.VMEM((_K, _D), jnp.float32),
                   pltpu.VMEM((_K, 16), jnp.float32),
                   pltpu.VMEM((_K,), jnp.int32)]
            + [pltpu.VMEM((8, 16), jnp.float32),
               pltpu.VMEM((16,), jnp.float32),
               pltpu.VMEM((24, 16), jnp.float32),
               pltpu.VMEM((24, _D), jnp.float32),
               pltpu.SemaphoreType.DMA,
               pltpu.SemaphoreType.DMA,
               pltpu.SemaphoreType.DMA,
               pltpu.SemaphoreType.DMA,
               pltpu.SemaphoreType.DMA,
               pltpu.SemaphoreType.DMA]
        ),
    )
    return kern(srcf, dstf, l, al, ar, maxal, maxar)



def _combine_body(houtp_ref, denomp_ref, l_ref, r_ref, rl_ref, rr_ref,
                  bias_ref, mask_ref, expand_ref, em_ref, out_ref):
    r = r_ref[...]
    beta_l = jnp.maximum(r * rl_ref[0:1, :], 0.0)
    mask = mask_ref[...]
    expand = expand_ref[...]
    recip = 1.0 / (denomp_ref[0] + denomp_ref[1] + 1e-16)

    h_rels = []
    for m in range(_M):
        hm = houtp_ref[0, m] + houtp_ref[1, m]
        recipb = jax.lax.dot_general(
            recip, em_ref[16 * m:16 * m + 16, :], (((1,), (0,)), ((), ())),
            preferred_element_type=jnp.float32)
        h_rels.append(hm * recipb)
    h_rels.append(l_ref[...])

    betas = []
    for rel in range(_R):
        beta_r = jnp.maximum(h_rels[rel] * rr_ref[rel:rel + 1, :], 0.0)
        prod = beta_l * beta_r
        b = jax.lax.dot_general(prod, mask, (((1,), (0,)), ((), ())),
                                preferred_element_type=jnp.float32)
        betas.append(b + bias_ref[rel:rel + 1, 0:8])
    bmax = betas[0]
    for rel in range(1, _R):
        bmax = jnp.maximum(bmax, betas[rel])
    exps = [jnp.exp(b - bmax) for b in betas]
    denom = exps[0]
    for rel in range(1, _R):
        denom = denom + exps[rel]
    acc = jnp.zeros_like(r)
    for rel in range(_R):
        wgt = exps[rel] / denom
        wb = jax.lax.dot_general(wgt, expand, (((1,), (0,)), ((), ())),
                                 preferred_element_type=jnp.float32)
        acc = acc + h_rels[rel] * wb
    out_ref[...] = jnp.maximum(acc, 0.0)


def _combine(houtp, denomp, l, r, rel_attn_l, rel_attn_r, rel_attn_bias):
    rl = jnp.zeros((8, _D), jnp.float32).at[0, :].set(rel_attn_l.reshape(_D))
    rr = jnp.zeros((8, _D), jnp.float32).at[:_R, :].set(rel_attn_r.reshape(_R, _D))
    bias = jnp.zeros((8, _D), jnp.float32).at[:_R, :].set(
        jnp.broadcast_to(rel_attn_bias[:, None], (_R, _D)))
    head_of_col = (jnp.arange(_D) // _C)
    mask = (head_of_col[:, None] == jnp.arange(8)[None, :]).astype(jnp.float32)
    expand = mask.T
    qs = jnp.arange(16)
    em = jnp.concatenate(
        [(qs[:, None] == (4 * m + head_of_col)[None, :]).astype(jnp.float32)
         for m in range(_M)], axis=0)

    return pl.pallas_call(
        _combine_body,
        grid=(_GRID,),
        in_specs=[
            pl.BlockSpec((_NC, _M, _BLK, _D), lambda i: (0, 0, i, 0)),
            pl.BlockSpec((_NC, _BLK, 16), lambda i: (0, i, 0)),
            pl.BlockSpec((_BLK, _D), lambda i: (i, 0)),
            pl.BlockSpec((_BLK, _D), lambda i: (i, 0)),
            pl.BlockSpec((8, _D), lambda i: (0, 0)),
            pl.BlockSpec((8, _D), lambda i: (0, 0)),
            pl.BlockSpec((8, _D), lambda i: (0, 0)),
            pl.BlockSpec((_D, 8), lambda i: (0, 0)),
            pl.BlockSpec((8, _D), lambda i: (0, 0)),
            pl.BlockSpec((48, _D), lambda i: (0, 0)),
        ],
        out_specs=pl.BlockSpec((_BLK, _D), lambda i: (i, 0)),
        out_shape=jax.ShapeDtypeStruct((_N, _D), jnp.float32),
    )(houtp, denomp, l, r, rl, rr, bias, mask, expand, em)


def kernel(feats, edge_index, W_l, b_l, W_r, b_r, attn, rel_attn_l, rel_attn_r, rel_attn_bias):
    l, r, al, ar, maxal, maxar = _prep(feats, W_l, b_l, W_r, b_r, attn)
    houtp, denomp = _sc_messages(edge_index, l, al, ar, maxal, maxar)
    return _combine(houtp, denomp, l, r, rel_attn_l, rel_attn_r, rel_attn_bias)

# --- scband reference (transcript-rebuilt; emitter-appended) ---
"""Pipeline reference for scband-latte-75222057222535 (READ-ONLY COPY).

The authoritative reference and input builder live on the scoring server;
editing this copy changes nothing except your own understanding.
"""

import jax, jax.numpy as jnp
import numpy as np

N = 10000      # nodes (single ntype 'node')
E = 320000     # edges per metapath
M = 3          # number of metapaths
D_IN = 128
D_OUT = 128
H = 4          # attn_heads
C = D_OUT // H # out_channels per head
R = M + 1      # num_tail_relations (metapaths + self relation)


def setup_inputs(seed: int = 0) -> dict:
    key = jax.random.key(seed)
    ks = jax.random.split(key, 12)
    feats = jax.random.normal(ks[0], (N, D_IN), dtype=jnp.float32)
    edge_index = jax.random.randint(ks[1], (M, 2, E), 0, N, dtype=jnp.int32)
    # learned parameters (linear_l / linear_r per ntype, metapath attention, relation attention)
    W_l = jax.random.normal(ks[2], (D_IN, D_OUT), dtype=jnp.float32) * 0.05
    b_l = jnp.zeros((D_OUT,), dtype=jnp.float32)
    W_r = jax.random.normal(ks[3], (D_IN, D_OUT), dtype=jnp.float32) * 0.05
    b_r = jnp.zeros((D_OUT,), dtype=jnp.float32)
    attn = jax.random.normal(ks[4], (M, H, 2 * C), dtype=jnp.float32) * 0.1
    rel_attn_l = jax.random.normal(ks[5], (H, C), dtype=jnp.float32) * 0.1
    rel_attn_r = jax.random.normal(ks[6], (R, H, C), dtype=jnp.float32) * 0.1
    rel_attn_bias = jnp.zeros((R,), dtype=jnp.float32)
    return {
        "feats": feats,
        "edge_index": edge_index,
        "W_l": W_l,
        "b_l": b_l,
        "W_r": W_r,
        "b_r": b_r,
        "attn": attn,
        "rel_attn_l": rel_attn_l,
        "rel_attn_r": rel_attn_r,
        "rel_attn_bias": rel_attn_bias,
    }


def reference(feats, edge_index, W_l, b_l, W_r, b_r, attn, rel_attn_l, rel_attn_r, rel_attn_bias):
    # projection: l_dict / r_dict, reshaped to heads
    l = (feats @ W_l + b_l).reshape(N, H, C)
    r = (feats @ W_r + b_r).reshape(N, H, C)

    h_rels = []
    for m in range(M):
        src = edge_index[m, 0]
        dst = edge_index[m, 1]
        x_src = jnp.take(l, src, axis=0)   # [E, H, C]  gather
        x_dst = jnp.take(r, dst, axis=0)   # [E, H, C]  gather
        e = jnp.concatenate([x_src, x_dst], axis=-1)        # [E, H, 2C]
        score = (e * attn[m][None, :, :]).sum(-1)           # [E, H]
        score = jax.nn.leaky_relu(score, negative_slope=0.2)
        # segment softmax over incoming edges per dst node
        smax = jax.ops.segment_max(score, dst, num_segments=N)
        smax = jnp.where(jnp.isfinite(smax), smax, 0.0)
        ex = jnp.exp(score - jnp.take(smax, dst, axis=0))
        denom = jax.ops.segment_sum(ex, dst, num_segments=N)
        alpha = ex / (jnp.take(denom, dst, axis=0) + 1e-16)  # [E, H]
        msg = x_src * alpha[..., None]                       # [E, H, C]
        h_m = jax.ops.segment_sum(msg, dst, num_segments=N)  # [N, H, C] scatter-add
        h_rels.append(h_m)
    # last relation slot is the self (projected-l) embedding: h_out[:, -1] = l_dict[ntype]
    h_rels.append(l)
    h_out = jnp.stack(h_rels, axis=1)  # [N, R, H, C]

    # get_beta_weights: relation-level attention
    beta_l = jax.nn.relu(r * rel_attn_l[None, :, :])                 # [N, H, C]
    beta_r = jax.nn.relu(h_out * rel_attn_r[None, :, :, :])          # [N, R, H, C]
    beta = (beta_l[:, None, :, :] * beta_r).sum(-1) + rel_attn_bias[None, :, None]  # [N, R, H]
    beta = jax.nn.softmax(beta, axis=1)

    out = (h_out * beta[..., None]).sum(1).reshape(N, D_OUT)
    out = jax.nn.relu(out)  # activation='relu'
    return out

if __name__ == "__main__":
    import jax
    _d = setup_inputs()
    print(jax.jit(kernel)(*tuple(_d.values())))

</pallas_src>

<mosaic_0001>
#map = affine_map<(d0, d1) -> (0)>
#map1 = affine_map<(d0, d1) -> (0, 0)>
#map2 = affine_map<(d0, d1) -> (0, 0, 0, 0)>
#map3 = affine_map<(d0, d1) -> (0, 0, 0)>
module attributes {stable_mosaic.version = 14 : i64} {
  func.func @_sc_body(%arg0: i32, %arg1: i32, %arg2: memref<960000xi32, #tpu.memory_space<hbm>>, %arg3: memref<960000xi32, #tpu.memory_space<hbm>>, %arg4: memref<10000x128xf32, #tpu.memory_space<hbm>>, %arg5: memref<10000x16xf32, #tpu.memory_space<hbm>>, %arg6: memref<10000x16xf32, #tpu.memory_space<hbm>>, %arg7: memref<8x16xf32, #tpu.memory_space<hbm>>, %arg8: memref<8x16xf32, #tpu.memory_space<hbm>>, %arg9: memref<2x3x10000x128xf32, #tpu.memory_space<hbm>>, %arg10: memref<2x10000x16xf32, #tpu.memory_space<hbm>>, %arg11: memref<10000x16xf32, #tpu.memory_space<vmem_shared>>, %arg12: memref<10000x128xf32, #tpu.memory_space<vmem_shared>>, %arg13: memref<80xi32, #tpu.memory_space<vmem>>, %arg14: memref<80xi32, #tpu.memory_space<vmem>>, %arg15: memref<80x16xf32, #tpu.memory_space<vmem>>, %arg16: memref<80x16xf32, #tpu.memory_space<vmem>>, %arg17: memref<80x128xf32, #tpu.memory_space<vmem>>, %arg18: memref<80x16xf32, #tpu.memory_space<vmem>>, %arg19: memref<80xi32, #tpu.memory_space<vmem>>, %arg20: memref<80xi32, #tpu.memory_space<vmem>>, %arg21: memref<80xi32, #tpu.memory_space<vmem>>, %arg22: memref<80x16xf32, #tpu.memory_space<vmem>>, %arg23: memref<80x16xf32, #tpu.memory_space<vmem>>, %arg24: memref<80x128xf32, #tpu.memory_space<vmem>>, %arg25: memref<80x16xf32, #tpu.memory_space<vmem>>, %arg26: memref<80xi32, #tpu.memory_space<vmem>>, %arg27: memref<8x16xf32, #tpu.memory_space<vmem>>, %arg28: memref<16xf32, #tpu.memory_space<vmem>>, %arg29: memref<24x16xf32, #tpu.memory_space<vmem>>, %arg30: memref<24x128xf32, #tpu.memory_space<vmem>>, %arg31: memref<!tpu.dma_semaphore, #tpu.memory_space<semaphore_mem>>, %arg32: memref<!tpu.dma_semaphore, #tpu.memory_space<semaphore_mem>>, %arg33: memref<!tpu.dma_semaphore, #tpu.memory_space<semaphore_mem>>, %arg34: memref<!tpu.dma_semaphore, #tpu.memory_space<semaphore_mem>>, %arg35: memref<!tpu.dma_semaphore, #tpu.memory_space<semaphore_mem>>, %arg36: memref<!tpu.dma_semaphore, #tpu.memory_space<semaphore_mem>>) attributes {dimension_semantics = [#tpu.dimension_semantics<core_parallel>, #tpu.dimension_semantics<subcore_parallel>], iteration_bounds = array<i64: 2, 16>, scalar_prefetch = 0 : i64, scratch_operands = 26 : i64, tpu.core_type = #tpu.core_type<sc_vector_subcore>, window_params = [{transform_indices = #map}, {transform_indices = #map}, {transform_indices = #map1}, {transform_indices = #map1}, {transform_indices = #map1}, {transform_indices = #map1}, {transform_indices = #map1}, {transform_indices = #map2}, {transform_indices = #map3}]} {
    %mul3A = arith.constant 2 : i32
    %mul3A_0 = arith.muli %arg1, %mul3A : i32
    %add3A = arith.addi %mul3A_0, %arg0 : i32
    %iota3A = tpu.iota {dimensions = array<i32: 0>} : vector<16xi32>
    %run_scoped3A = arith.constant 0 : i32
    "tpu.region"() ({
      %run_scoped3A_91 = tpu.sem_alloc : memref<!tpu.dma_semaphore, #tpu.memory_space<semaphore_mem>>
      %dma_start3A = arith.constant 0 : i32
      %dma_start3A_92 = tpu.memref_slice %arg7[%run_scoped3A, %dma_start3A] : memref<8x16xf32, #tpu.memory_space<hbm>> -> memref<1x16xf32, #tpu.memory_space<hbm>>
      %dma_start3A_93 = tpu.memref_squeeze %dma_start3A_92 : memref<1x16xf32, #tpu.memory_space<hbm>> -> memref<16xf32, #tpu.memory_space<hbm>>
      %dma_start3A_94 = arith.constant 0 : i32
      %dma_start3A_95 = tpu.memref_slice %arg7[%run_scoped3A, %dma_start3A_94] : memref<8x16xf32, #tpu.memory_space<hbm>> -> memref<1x16xf32, #tpu.memory_space<hbm>>
      %dma_start3A_96 = tpu.memref_squeeze %dma_start3A_95 : memref<1x16xf32, #tpu.memory_space<hbm>> -> memref<16xf32, #tpu.memory_space<hbm>>
      tpu.enqueue_dma source(%dma_start3A_96 : memref<16xf32, #tpu.memory_space<hbm>>) target(%arg28 : memref<16xf32, #tpu.memory_space<vmem>>) target_semaphore(%run_scoped3A_91 : memref<!tpu.dma_semaphore, #tpu.memory_space<semaphore_mem>>)
      %dma_wait3A = arith.constant 0 : i32
      %dma_wait3A_97 = tpu.memref_slice %arg7[%run_scoped3A, %dma_wait3A] : memref<8x16xf32, #tpu.memory_space<hbm>> -> memref<1x16xf32, #tpu.memory_space<hbm>>
      %dma_wait3A_98 = tpu.memref_squeeze %dma_wait3A_97 : memref<1x16xf32, #tpu.memory_space<hbm>> -> memref<16xf32, #tpu.memory_space<hbm>>
      %dma_wait3A_99 = arith.constant 0 : i32
      %dma_wait3A_100 = tpu.memref_slice %arg7[%run_scoped3A, %dma_wait3A_99] : memref<8x16xf32, #tpu.memory_space<hbm>> -> memref<1x16xf32, #tpu.memory_space<hbm>>
      %dma_wait3A_101 = tpu.memref_squeeze %dma_wait3A_100 : memref<1x16xf32, #tpu.memory_space<hbm>> -> memref<16xf32, #tpu.memory_space<hbm>>
      tpu.wait_dma2 semaphore(%run_scoped3A_91 : memref<!tpu.dma_semaphore, #tpu.memory_space<semaphore_mem>>) src(%dma_wait3A_101 : memref<16xf32, #tpu.memory_space<hbm>>) dst(%arg28 : memref<16xf32, #tpu.memory_space<vmem>>)
      tpu.yield
    }) : () -> ()
    %run_scoped3A_1 = arith.constant 0 : i32
    %run_scoped3A_2 = arith.constant 0 : i32
    "tpu.region"() ({
      %run_scoped3A_91 = tpu.sem_alloc : memref<!tpu.dma_semaphore, #tpu.memory_space<semaphore_mem>>
      %dma_start3A = arith.constant 0 : i32
      %dma_start3A_92 = tpu.memref_slice %arg27[%run_scoped3A_2, %dma_start3A] : memref<8x16xf32, #tpu.memory_space<vmem>> -> memref<1x16xf32, #tpu.memory_space<vmem>>
      %dma_start3A_93 = tpu.memref_squeeze %dma_start3A_92 : memref<1x16xf32, #tpu.memory_space<vmem>> -> memref<16xf32, #tpu.memory_space<vmem>>
      %dma_start3A_94 = arith.constant 0 : i32
      %dma_start3A_95 = tpu.memref_slice %arg8[%run_scoped3A_1, %dma_start3A_94] : memref<8x16xf32, #tpu.memory_space<hbm>> -> memref<1x16xf32, #tpu.memory_space<hbm>>
      %dma_start3A_96 = tpu.memref_squeeze %dma_start3A_95 : memref<1x16xf32, #tpu.memory_space<hbm>> -> memref<16xf32, #tpu.memory_space<hbm>>
      %dma_start3A_97 = arith.constant 0 : i32
      %dma_start3A_98 = tpu.memref_slice %arg27[%run_scoped3A_2, %dma_start3A_97] : memref<8x16xf32, #tpu.memory_space<vmem>> -> memref<1x16xf32, #tpu.memory_space<vmem>>
      %dma_start3A_99 = tpu.memref_squeeze %dma_start3A_98 : memref<1x16xf32, #tpu.memory_space<vmem>> -> memref<16xf32, #tpu.memory_space<vmem>>
      %dma_start3A_100 = arith.constant 0 : i32
      %dma_start3A_101 = tpu.memref_slice %arg8[%run_scoped3A_1, %dma_start3A_100] : memref<8x16xf32, #tpu.memory_space<hbm>> -> memref<1x16xf32, #tpu.memory_space<hbm>>
      %dma_start3A_102 = tpu.memref_squeeze %dma_start3A_101 : memref<1x16xf32, #tpu.memory_space<hbm>> -> memref<16xf32, #tpu.memory_space<hbm>>
      tpu.enqueue_dma source(%dma_start3A_102 : memref<16xf32, #tpu.memory_space<hbm>>) target(%dma_start3A_99 : memref<16xf32, #tpu.memory_space<vmem>>) target_semaphore(%run_scoped3A_91 : memref<!tpu.dma_semaphore, #tpu.memory_space<semaphore_mem>>)
      %dma_wait3A = arith.constant 0 : i32
      %dma_wait3A_103 = tpu.memref_slice %arg27[%run_scoped3A_2, %dma_wait3A] : memref<8x16xf32, #tpu.memory_space<vmem>> -> memref<1x16xf32, #tpu.memory_space<vmem>>
      %dma_wait3A_104 = tpu.memref_squeeze %dma_wait3A_103 : memref<1x16xf32, #tpu.memory_space<vmem>> -> memref<16xf32, #tpu.memory_space<vmem>>
      %dma_wait3A_105 = arith.constant 0 : i32
      %dma_wait3A_106 = tpu.memref_slice %arg8[%run_scoped3A_1, %dma_wait3A_105] : memref<8x16xf32, #tpu.memory_space<hbm>> -> memref<1x16xf32, #tpu.memory_space<hbm>>
      %dma_wait3A_107 = tpu.memref_squeeze %dma_wait3A_106 : memref<1x16xf32, #tpu.memory_space<hbm>> -> memref<16xf32, #tpu.memory_space<hbm>>
      %dma_wait3A_108 = arith.constant 0 : i32
      %dma_wait3A_109 = tpu.memref_slice %arg27[%run_scoped3A_2, %dma_wait3A_108] : memref<8x16xf32, #tpu.memory_space<vmem>> -> memref<1x16xf32, #tpu.memory_space<vmem>>
      %dma_wait3A_110 = tpu.memref_squeeze %dma_wait3A_109 : memref<1x16xf32, #tpu.memory_space<vmem>> -> memref<16xf32, #tpu.memory_space<vmem>>
      %dma_wait3A_111 = arith.constant 0 : i32
      %dma_wait3A_112 = tpu.memref_slice %arg8[%run_scoped3A_1, %dma_wait3A_111] : memref<8x16xf32, #tpu.memory_space<hbm>> -> memref<1x16xf32, #tpu.memory_space<hbm>>
      %dma_wait3A_113 = tpu.memref_squeeze %dma_wait3A_112 : memref<1x16xf32, #tpu.memory_space<hbm>> -> memref<16xf32, #tpu.memory_space<hbm>>
      tpu.wait_dma2 semaphore(%run_scoped3A_91 : memref<!tpu.dma_semaphore, #tpu.memory_space<semaphore_mem>>) src(%dma_wait3A_113 : memref<16xf32, #tpu.memory_space<hbm>>) dst(%dma_wait3A_110 : memref<16xf32, #tpu.memory_space<vmem>>)
      tpu.yield
    }) : () -> ()
    %get3A = arith.constant 0 : index
    %get3A_3 = tpu.vector_load %arg28[%get3A] {strides = array<i32>} : memref<16xf32, #tpu.memory_space<vmem>>, vector<16xf32>,
    %get3A_4 = arith.constant 0 : i32
    %get3A_5 = arith.index_cast %get3A_4 : i32 to index
    %get3A_6 = arith.constant 0 : index
    %get3A_7 = tpu.vector_load %arg27[%get3A_5, %get3A_6] {strides = array<i32>} : memref<8x16xf32, #tpu.memory_space<vmem>>, vector<16xf32>,
    %add3A_8 = arith.addf %get3A_3, %get3A_7 : vector<16xf32>
    %mul3A_9 = arith.constant 2.000000e-01 : f32
    %mul3A_10 = vector.broadcast %mul3A_9 : f32 to vector<16xf32>
    %mul3A_11 = arith.mulf %mul3A_10, %add3A_8 : vector<16xf32>
    %max3A = arith.maximumf %add3A_8, %mul3A_11 : vector<16xf32>
    %swap3A = arith.constant 0 : index
    %swap3A_12 = tpu.vector_load %arg28[%swap3A] {strides = array<i32>} : memref<16xf32, #tpu.memory_space<vmem>>, vector<16xf32>,
    tpu.vector_store %arg28[%swap3A], %max3A {strides = array<i32>} : memref<16xf32, #tpu.memory_space<vmem>>, vector<16xf32>,
    %scan3A = arith.constant 0 : i32
    %scan3A_13 = arith.constant 0 : i32
    %scan3A_14 = arith.constant 24 : i32
    %scan3A_15 = arith.addi %scan3A_13, %scan3A_14 : i32
    %scan3A_16 = arith.constant 1 : i32
    scf.for %scan3A_91 = %scan3A_13 to %scan3A_15 step %scan3A_16  : i32 {
      %broadcast_in_dim3A = arith.constant 0.000000e+00 : f32
      %broadcast_in_dim3A_92 = vector.broadcast %broadcast_in_dim3A : f32 to vector<16xf32>
      %swap3A_93 = arith.index_cast %scan3A_91 : i32 to index
      %swap3A_94 = arith.constant 0 : index
      %swap3A_95 = tpu.vector_load %arg29[%swap3A_93, %swap3A_94] {strides = array<i32>} : memref<24x16xf32, #tpu.memory_space<vmem>>, vector<16xf32>,
      tpu.vector_store %arg29[%swap3A_93, %swap3A_94], %broadcast_in_dim3A_92 {strides = array<i32>} : memref<24x16xf32, #tpu.memory_space<vmem>>, vector<16xf32>,
    }
    %scan3A_17 = arith.constant 24 : i32
    %scan3A_18 = arith.constant 0 : i32
    %scan3A_19 = arith.constant 0 : i32
    %scan3A_20 = arith.constant 24 : i32
    %scan3A_21 = arith.addi %scan3A_19, %scan3A_20 : i32
    %scan3A_22 = arith.constant 1 : i32
    scf.for %scan3A_91 = %scan3A_19 to %scan3A_21 step %scan3A_22  : i32 {
      %broadcast_in_dim3A = arith.constant 0.000000e+00 : f32
      %broadcast_in_dim3A_92 = vector.broadcast %broadcast_in_dim3A : f32 to vector<16xf32>
      %swap3A_93 = arith.index_cast %scan3A_91 : i32 to index
      %swap3A_94 = arith.constant 0 : index
      %swap3A_95 = tpu.vector_load %arg30[%swap3A_93, %swap3A_94] {strides = array<i32>} : memref<24x128xf32, #tpu.memory_space<vmem>>, vector<16xf32>,
      tpu.vector_store %arg30[%swap3A_93, %swap3A_94], %broadcast_in_dim3A_92 {strides = array<i32>} : memref<24x128xf32, #tpu.memory_space<vmem>>, vector<16xf32>,
      %broadcast_in_dim3A_96 = arith.constant 0.000000e+00 : f32
      %broadcast_in_dim3A_97 = vector.broadcast %broadcast_in_dim3A_96 : f32 to vector<16xf32>
      %swap3A_98 = arith.index_cast %scan3A_91 : i32 to index
      %swap3A_99 = arith.constant 16 : index
      %swap3A_100 = tpu.vector_load %arg30[%swap3A_98, %swap3A_99] {strides = array<i32>} : memref<24x128xf32, #tpu.memory_space<vmem>>, vector<16xf32>,
      tpu.vector_store %arg30[%swap3A_98, %swap3A_99], %broadcast_in_dim3A_97 {strides = array<i32>} : memref<24x128xf32, #tpu.memory_space<vmem>>, vector<16xf32>,
      %broadcast_in_dim3A_101 = arith.constant 0.000000e+00 : f32
      %broadcast_in_dim3A_102 = vector.broadcast %broadcast_in_dim3A_101 : f32 to vector<16xf32>
      %swap3A_103 = arith.index_cast %scan3A_91 : i32 to index
      %swap3A_104 = arith.constant 32 : index
      %swap3A_105 = tpu.vector_load %arg30[%swap3A_103, %swap3A_104] {strides = array<i32>} : memref<24x128xf32, #tpu.memory_space<vmem>>, vector<16xf32>,
      tpu.vector_store %arg30[%swap3A_103, %swap3A_104], %broadcast_in_dim3A_102 {strides = array<i32>} : memref<24x128xf32, #tpu.memory_space<vmem>>, vector<16xf32>,
      %broadcast_in_dim3A_106 = arith.constant 0.000000e+00 : f32
      %broadcast_in_dim3A_107 = vector.broadcast %broadcast_in_dim3A_106 : f32 to vector<16xf32>
      %swap3A_108 = arith.index_cast %scan3A_91 : i32 to index
      %swap3A_109 = arith.constant 48 : index
      %swap3A_110 = tpu.vector_load %arg30[%swap3A_108, %swap3A_109] {strides = array<i32>} : memref<24x128xf32, #tpu.memory_space<vmem>>, vector<16xf32>,
      tpu.vector_store %arg30[%swap3A_108, %swap3A_109], %broadcast_in_dim3A_107 {strides = array<i32>} : memref<24x128xf32, #tpu.memory_space<vmem>>, vector<16xf32>,
      %broadcast_in_dim3A_111 = arith.constant 0.000000e+00 : f32
      %broadcast_in_dim3A_112 = vector.broadcast %broadcast_in_dim3A_111 : f32 to vector<16xf32>
      %swap3A_113 = arith.index_cast %scan3A_91 : i32 to index
      %swap3A_114 = arith.constant 64 : index
      %swap3A_115 = tpu.vector_load %arg30[%swap3A_113, %swap3A_114] {strides = array<i32>} : memref<24x128xf32, #tpu.memory_space<vmem>>, vector<16xf32>,
      tpu.vector_store %arg30[%swap3A_113, %swap3A_114], %broadcast_in_dim3A_112 {strides = array<i32>} : memref<24x128xf32, #tpu.memory_space<vmem>>, vector<16xf32>,
      %broadcast_in_dim3A_116 = arith.constant 0.000000e+00 : f32
      %broadcast_in_dim3A_117 = vector.broadcast %broadcast_in_dim3A_116 : f32 to vector<16xf32>
      %swap3A_118 = arith.index_cast %scan3A_91 : i32 to index
      %swap3A_119 = arith.constant 80 : index
      %swap3A_120 = tpu.vector_load %arg30[%swap3A_118, %swap3A_119] {strides = array<i32>} : memref<24x128xf32, #tpu.memory_space<vmem>>, vector<16xf32>,
      tpu.vector_store %arg30[%swap3A_118, %swap3A_119], %broadcast_in_dim3A_117 {strides = array<i32>} : memref<24x128xf32, #tpu.memory_space<vmem>>, vector<16xf32>,
      %broadcast_in_dim3A_121 = arith.constant 0.000000e+00 : f32
      %broadcast_in_dim3A_122 = vector.broadcast %broadcast_in_dim3A_121 : f32 to vector<16xf32>
      %swap3A_123 = arith.index_cast %scan3A_91 : i32 to index
      %swap3A_124 = arith.constant 96 : index
      %swap3A_125 = tpu.vector_load %arg30[%swap3A_123, %swap3A_124] {strides = array<i32>} : memref<24x128xf32, #tpu.memory_space<vmem>>, vector<16xf32>,
      tpu.vector_store %arg30[%swap3A_123, %swap3A_124], %broadcast_in_dim3A_122 {strides = array<i32>} : memref<24x128xf32, #tpu.memory_space<vmem>>, vector<16xf32>,
      %broadcast_in_dim3A_126 = arith.constant 0.000000e+00 : f32
      %broadcast_in_dim3A_127 = vector.broadcast %broadcast_in_dim3A_126 : f32 to vector<16xf32>
      %swap3A_128 = arith.index_cast %scan3A_91 : i32 to index
      %swap3A_129 = arith.constant 112 : index
      %swap3A_130 = tpu.vector_load %arg30[%swap3A_128, %swap3A_129] {strides = array<i32>} : memref<24x128xf32, #tpu.memory_space<vmem>>, vector<16xf32>,
      tpu.vector_store %arg30[%swap3A_128, %swap3A_129], %broadcast_in_dim3A_127 {strides = array<i32>} : memref<24x128xf32, #tpu.memory_space<vmem>>, vector<16xf32>,
    }
    %scan3A_23 = arith.constant 24 : i32
    %mul3A_24 = arith.constant 624 : i32
    %mul3A_25 = arith.muli %arg1, %mul3A_24 : i32
    %add3A_26 = arith.constant 0 : i32
    %add3A_27 = arith.addi %mul3A_25, %add3A_26 : i32
    "tpu.region"() ({
      %run_scoped3A_91 = tpu.sem_alloc : memref<!tpu.dma_semaphore, #tpu.memory_space<semaphore_mem>>
      %dma_start3A = arith.constant 0 : i32
      %dma_start3A_92 = tpu.memref_slice %arg11[%add3A_27, %dma_start3A] : memref<10000x16xf32, #tpu.memory_space<vmem_shared>> -> memref<24x16xf32, #tpu.memory_space<vmem_shared>>
      %dma_start3A_93 = arith.constant 0 : i32
      %dma_start3A_94 = tpu.memref_slice %arg11[%add3A_27, %dma_start3A_93] : memref<10000x16xf32, #tpu.memory_space<vmem_shared>> -> memref<24x16xf32, #tpu.memory_space<vmem_shared>>
      tpu.enqueue_dma source(%arg29 : memref<24x16xf32, #tpu.memory_space<vmem>>) target(%dma_start3A_94 : memref<24x16xf32, #tpu.memory_space<vmem_shared>>) target_semaphore(%run_scoped3A_91 : memref<!tpu.dma_semaphore, #tpu.memory_space<semaphore_mem>>)
      %dma_wait3A = arith.constant 0 : i32
      %dma_wait3A_95 = tpu.memref_slice %arg11[%add3A_27, %dma_wait3A] : memref<10000x16xf32, #tpu.memory_space<vmem_shared>> -> memref<24x16xf32, #tpu.memory_space<vmem_shared>>
      %dma_wait3A_96 = arith.constant 0 : i32
      %dma_wait3A_97 = tpu.memref_slice %arg11[%add3A_27, %dma_wait3A_96] : memref<10000x16xf32, #tpu.memory_space<vmem_shared>> -> memref<24x16xf32, #tpu.memory_space<vmem_shared>>
      tpu.wait_dma2 semaphore(%run_scoped3A_91 : memref<!tpu.dma_semaphore, #tpu.memory_space<semaphore_mem>>) src(%arg29 : memref<24x16xf32, #tpu.memory_space<vmem>>) dst(%dma_wait3A_97 : memref<24x16xf32, #tpu.memory_space<vmem_shared>>)
      tpu.yield
    }) : () -> ()
    %add3A_28 = arith.constant 24 : i32
    %add3A_29 = arith.addi %mul3A_25, %add3A_28 : i32
    "tpu.region"() ({
      %run_scoped3A_91 = tpu.sem_alloc : memref<!tpu.dma_semaphore, #tpu.memory_space<semaphore_mem>>
      %dma_start3A = arith.constant 0 : i32
      %dma_start3A_92 = tpu.memref_slice %arg11[%add3A_29, %dma_start3A] : memref<10000x16xf32, #tpu.memory_space<vmem_shared>> -> memref<24x16xf32, #tpu.memory_space<vmem_shared>>
      %dma_start3A_93 = arith.constant 0 : i32
      %dma_start3A_94 = tpu.memref_slice %arg11[%add3A_29, %dma_start3A_93] : memref<10000x16xf32, #tpu.memory_space<vmem_shared>> -> memref<24x16xf32, #tpu.memory_space<vmem_shared>>
      tpu.enqueue_dma source(%arg29 : memref<24x16xf32, #tpu.memory_space<vmem>>) target(%dma_start3A_94 : memref<24x16xf32, #tpu.memory_space<vmem_shared>>) target_semaphore(%run_scoped3A_91 : memref<!tpu.dma_semaphore, #tpu.memory_space<semaphore_mem>>)
      %dma_wait3A = arith.constant 0 : i32
      %dma_wait3A_95 = tpu.memref_slice %arg11[%add3A_29, %dma_wait3A] : memref<10000x16xf32, #tpu.memory_space<vmem_shared>> -> memref<24x16xf32, #tpu.memory_space<vmem_shared>>
      %dma_wait3A_96 = arith.constant 0 : i32
      %dma_wait3A_97 = tpu.memref_slice %arg11[%add3A_29, %dma_wait3A_96] : memref<10000x16xf32, #tpu.memory_space<vmem_shared>> -> memref<24x16xf32, #tpu.memory_space<vmem_shared>>
      tpu.wait_dma2 semaphore(%run_scoped3A_91 : memref<!tpu.dma_semaphore, #tpu.memory_space<semaphore_mem>>) src(%arg29 : memref<24x16xf32, #tpu.memory_space<vmem>>) dst(%dma_wait3A_97 : memref<24x16xf32, #tpu.memory_space<vmem_shared>>)
      tpu.yield
    }) : () -> ()
    %add3A_30 = arith.constant 48 : i32
    %add3A_31 = arith.addi %mul3A_25, %add3A_30 : i32
    "tpu.region"() ({
      %run_scoped3A_91 = tpu.sem_alloc : memref<!tpu.dma_semaphore, #tpu.memory_space<semaphore_mem>>
      %dma_start3A = arith.constant 0 : i32
      %dma_start3A_92 = tpu.memref_slice %arg11[%add3A_31, %dma_start3A] : memref<10000x16xf32, #tpu.memory_space<vmem_shared>> -> memref<24x16xf32, #tpu.memory_space<vmem_shared>>
      %dma_start3A_93 = arith.constant 0 : i32
      %dma_start3A_94 = tpu.memref_slice %arg11[%add3A_31, %dma_start3A_93] : memref<10000x16xf32, #tpu.memory_space<vmem_shared>> -> memref<24x16xf32, #tpu.memory_space<vmem_shared>>
      tpu.enqueue_dma source(%arg29 : memref<24x16xf32, #tpu.memory_space<vmem>>) target(%dma_start3A_94 : memref<24x16xf32, #tpu.memory_space<vmem_shared>>) target_semaphore(%run_scoped3A_91 : memref<!tpu.dma_semaphore, #tpu.memory_space<semaphore_mem>>)
      %dma_wait3A = arith.constant 0 : i32
      %dma_wait3A_95 = tpu.memref_slice %arg11[%add3A_31, %dma_wait3A] : memref<10000x16xf32, #tpu.memory_space<vmem_shared>> -> memref<24x16xf32, #tpu.memory_space<vmem_shared>>
      %dma_wait3A_96 = arith.constant 0 : i32
      %dma_wait3A_97 = tpu.memref_slice %arg11[%add3A_31, %dma_wait3A_96] : memref<10000x16xf32, #tpu.memory_space<vmem_shared>> -> memref<24x16xf32, #tpu.memory_space<vmem_shared>>
      tpu.wait_dma2 semaphore(%run_scoped3A_91 : memref<!tpu.dma_semaphore, #tpu.memory_space<semaphore_mem>>) src(%arg29 : memref<24x16xf32, #tpu.memory_space<vmem>>) dst(%dma_wait3A_97 : memref<24x16xf32, #tpu.memory_space<vmem_shared>>)
      tpu.yield
    }) : () -> ()
    %add3A_32 = arith.constant 72 : i32
    %add3A_33 = arith.addi %mul3A_25, %add3A_32 : i32
    "tpu.region"() ({
      %run_scoped3A_91 = tpu.sem_alloc : memref<!tpu.dma_semaphore, #tpu.memory_space<semaphore_mem>>
      %dma_start3A = arith.constant 0 : i32
      %dma_start3A_92 = tpu.memref_slice %arg11[%add3A_33, %dma_start3A] : memref<10000x16xf32, #tpu.memory_space<vmem_shared>> -> memref<24x16xf32, #tpu.memory_space<vmem_shared>>
      %dma_start3A_93 = arith.constant 0 : i32
      %dma_start3A_94 = tpu.memref_slice %arg11[%add3A_33, %dma_start3A_93] : memref<10000x16xf32, #tpu.memory_space<vmem_shared>> -> memref<24x16xf32, #tpu.memory_space<vmem_shared>>
      tpu.enqueue_dma source(%arg29 : memref<24x16xf32, #tpu.memory_space<vmem>>) target(%dma_start3A_94 : memref<24x16xf32, #tpu.memory_space<vmem_shared>>) target_semaphore(%run_scoped3A_91 : memref<!tpu.dma_semaphore, #tpu.memory_space<semaphore_mem>>)
      %dma_wait3A = arith.constant 0 : i32
      %dma_wait3A_95 = tpu.memref_slice %arg11[%add3A_33, %dma_wait3A] : memref<10000x16xf32, #tpu.memory_space<vmem_shared>> -> memref<24x16xf32, #tpu.memory_space<vmem_shared>>
      %dma_wait3A_96 = arith.constant 0 : i32
      %dma_wait3A_97 = tpu.memref_slice %arg11[%add3A_33, %dma_wait3A_96] : memref<10000x16xf32, #tpu.memory_space<vmem_shared>> -> memref<24x16xf32, #tpu.memory_space<vmem_shared>>
      tpu.wait_dma2 semaphore(%run_scoped3A_91 : memref<!tpu.dma_semaphore, #tpu.memory_space<semaphore_mem>>) src(%arg29 : memref<24x16xf32, #tpu.memory_space<vmem>>) dst(%dma_wait3A_97 : memref<24x16xf32, #tpu.memory_space<vmem_shared>>)
      tpu.yield
    }) : () -> ()
    %add3A_34 = arith.constant 96 : i32
    %add3A_35 = arith.addi %mul3A_25, %add3A_34 : i32
    "tpu.region"() ({
      %run_scoped3A_91 = tpu.sem_alloc : memref<!tpu.dma_semaphore, #tpu.memory_space<semaphore_mem>>
      %dma_start3A = arith.constant 0 : i32
      %dma_start3A_92 = tpu.memref_slice %arg11[%add3A_35, %dma_start3A] : memref<10000x16xf32, #tpu.memory_space<vmem_shared>> -> memref<24x16xf32, #tpu.memory_space<vmem_shared>>
      %dma_start3A_93 = arith.constant 0 : i32
      %dma_start3A_94 = tpu.memref_slice %arg11[%add3A_35, %dma_start3A_93] : memref<10000x16xf32, #tpu.memory_space<vmem_shared>> -> memref<24x16xf32, #tpu.memory_space<vmem_shared>>
      tpu.enqueue_dma source(%arg29 : memref<24x16xf32, #tpu.memory_space<vmem>>) target(%dma_start3A_94 : memref<24x16xf32, #tpu.memory_space<vmem_shared>>) target_semaphore(%run_scoped3A_91 : memref<!tpu.dma_semaphore, #tpu.memory_space<semaphore_mem>>)
      %dma_wait3A = arith.constant 0 : i32
      %dma_wait3A_95 = tpu.memref_slice %arg11[%add3A_35, %dma_wait3A] : memref<10000x16xf32, #tpu.memory_space<vmem_shared>> -> memref<24x16xf32, #tpu.memory_space<vmem_shared>>
      %dma_wait3A_96 = arith.constant 0 : i32
      %dma_wait3A_97 = tpu.memref_slice %arg11[%add3A_35, %dma_wait3A_96] : memref<10000x16xf32, #tpu.memory_space<vmem_shared>> -> memref<24x16xf32, #tpu.memory_space<vmem_shared>>
      tpu.wait_dma2 semaphore(%run_scoped3A_91 : memref<!tpu.dma_semaphore, #tpu.memory_space<semaphore_mem>>) src(%arg29 : memref<24x16xf32, #tpu.memory_space<vmem>>) dst(%dma_wait3A_97 : memref<24x16xf32, #tpu.memory_space<vmem_shared>>)
      tpu.yield
    }) : () -> ()
    %add3A_36 = arith.constant 120 : i32
    %add3A_37 = arith.addi %mul3A_25, %add3A_36 : i32
    "tpu.region"() ({
      %run_scoped3A_91 = tpu.sem_alloc : memref<!tpu.dma_semaphore, #tpu.memory_space<semaphore_mem>>
      %dma_start3A = arith.constant 0 : i32
      %dma_start3A_92 = tpu.memref_slice %arg11[%add3A_37, %dma_start3A] : memref<10000x16xf32, #tpu.memory_space<vmem_shared>> -> memref<24x16xf32, #tpu.memory_space<vmem_shared>>
      %dma_start3A_93 = arith.constant 0 : i32
      %dma_start3A_94 = tpu.memref_slice %arg11[%add3A_37, %dma_start3A_93] : memref<10000x16xf32, #tpu.memory_space<vmem_shared>> -> memref<24x16xf32, #tpu.memory_space<vmem_shared>>
      tpu.enqueue_dma source(%arg29 : memref<24x16xf32, #tpu.memory_space<vmem>>) target(%dma_start3A_94 : memref<24x16xf32, #tpu.memory_space<vmem_shared>>) target_semaphore(%run_scoped3A_91 : memref<!tpu.dma_semaphore, #tpu.memory_space<semaphore_mem>>)
      %dma_wait3A = arith.constant 0 : i32
      %dma_wait3A_95 = tpu.memref_slice %arg11[%add3A_37, %dma_wait3A] : memref<10000x16xf32, #tpu.memory_space<vmem_shared>> -> memref<24x16xf32, #tpu.memory_space<vmem_shared>>
      %dma_wait3A_96 = arith.constant 0 : i32
      %dma_wait3A_97 = tpu.memref_slice %arg11[%add3A_37, %dma_wait3A_96] : memref<10000x16xf32, #tpu.memory_space<vmem_shared>> -> memref<24x16xf32, #tpu.memory_space<vmem_shared>>
      tpu.wait_dma2 semaphore(%run_scoped3A_91 : memref<!tpu.dma_semaphore, #tpu.memory_space<semaphore_mem>>) src(%arg29 : memref<24x16xf32, #tpu.memory_space<vmem>>) dst(%dma_wait3A_97 : memref<24x16xf32, #tpu.memory_space<vmem_shared>>)
      tpu.yield
    }) : () -> ()
    %add3A_38 = arith.constant 144 : i32
    %add3A_39 = arith.addi %mul3A_25, %add3A_38 : i32
    "tpu.region"() ({
      %run_scoped3A_91 = tpu.sem_alloc : memref<!tpu.dma_semaphore, #tpu.memory_space<semaphore_mem>>
      %dma_start3A = arith.constant 0 : i32
      %dma_start3A_92 = tpu.memref_slice %arg11[%add3A_39, %dma_start3A] : memref<10000x16xf32, #tpu.memory_space<vmem_shared>> -> memref<24x16xf32, #tpu.memory_space<vmem_shared>>
      %dma_start3A_93 = arith.constant 0 : i32
      %dma_start3A_94 = tpu.memref_slice %arg11[%add3A_39, %dma_start3A_93] : memref<10000x16xf32, #tpu.memory_space<vmem_shared>> -> memref<24x16xf32, #tpu.memory_space<vmem_shared>>
      tpu.enqueue_dma source(%arg29 : memref<24x16xf32, #tpu.memory_space<vmem>>) target(%dma_start3A_94 : memref<24x16xf32, #tpu.memory_space<vmem_shared>>) target_semaphore(%run_scoped3A_91 : memref<!tpu.dma_semaphore, #tpu.memory_space<semaphore_mem>>)
      %dma_wait3A = arith.constant 0 : i32
      %dma_wait3A_95 = tpu.memref_slice %arg11[%add3A_39, %dma_wait3A] : memref<10000x16xf32, #tpu.memory_space<vmem_shared>> -> memref<24x16xf32, #tpu.memory_space<vmem_shared>>
      %dma_wait3A_96 = arith.constant 0 : i32
      %dma_wait3A_97 = tpu.memref_slice %arg11[%add3A_39, %dma_wait3A_96] : memref<10000x16xf32, #tpu.memory_space<vmem_shared>> -> memref<24x16xf32, #tpu.memory_space<vmem_shared>>
      tpu.wait_dma2 semaphore(%run_scoped3A_91 : memref<!tpu.dma_semaphore, #tpu.memory_space<semaphore_mem>>) src(%arg29 : memref<24x16xf32, #tpu.memory_space<vmem>>) dst(%dma_wait3A_97 : memref<24x16xf32, #tpu.memory_space<vmem_shared>>)
      tpu.yield
    }) : () -> ()
    %add3A_40 = arith.constant 168 : i32
    %add3A_41 = arith.addi %mul3A_25, %add3A_40 : i32
    "tpu.region"() ({
      %run_scoped3A_91 = tpu.sem_alloc : memref<!tpu.dma_semaphore, #tpu.memory_space<semaphore_mem>>
      %dma_start3A = arith.constant 0 : i32
      %dma_start3A_92 = tpu.memref_slice %arg11[%add3A_41, %dma_start3A] : memref<10000x16xf32, #tpu.memory_space<vmem_shared>> -> memref<24x16xf32, #tpu.memory_space<vmem_shared>>
      %dma_start3A_93 = arith.constant 0 : i32
      %dma_start3A_94 = tpu.memref_slice %arg11[%add3A_41, %dma_start3A_93] : memref<10000x16xf32, #tpu.memory_space<vmem_shared>> -> memref<24x16xf32, #tpu.memory_space<vmem_shared>>
      tpu.enqueue_dma source(%arg29 : memref<24x16xf32, #tpu.memory_space<vmem>>) target(%dma_start3A_94 : memref<24x16xf32, #tpu.memory_space<vmem_shared>>) target_semaphore(%run_scoped3A_91 : memref<!tpu.dma_semaphore, #tpu.memory_space<semaphore_mem>>)
      %dma_wait3A = arith.constant 0 : i32
      %dma_wait3A_95 = tpu.memref_slice %arg11[%add3A_41, %dma_wait3A] : memref<10000x16xf32, #tpu.memory_space<vmem_shared>> -> memref<24x16xf32, #tpu.memory_space<vmem_shared>>
      %dma_wait3A_96 = arith.constant 0 : i32
      %dma_wait3A_97 = tpu.memref_slice %arg11[%add3A_41, %dma_wait3A_96] : memref<10000x16xf32, #tpu.memory_space<vmem_shared>> -> memref<24x16xf32, #tpu.memory_space<vmem_shared>>
      tpu.wait_dma2 semaphore(%run_scoped3A_91 : memref<!tpu.dma_semaphore, #tpu.memory_space<semaphore_mem>>) src(%arg29 : memref<24x16xf32, #tpu.memory_space<vmem>>) dst(%dma_wait3A_97 : memref<24x16xf32, #tpu.memory_space<vmem_shared>>)
      tpu.yield
    }) : () -> ()
    %add3A_42 = arith.constant 192 : i32
    %add3A_43 = arith.addi %mul3A_25, %add3A_42 : i32
    "tpu.region"() ({
      %run_scoped3A_91 = tpu.sem_alloc : memref<!tpu.dma_semaphore, #tpu.memory_space<semaphore_mem>>
      %dma_start3A = arith.constant 0 : i32
      %dma_start3A_92 = tpu.memref_slice %arg11[%add3A_43, %dma_start3A] : memref<10000x16xf32, #tpu.memory_space<vmem_shared>> -> memref<24x16xf32, #tpu.memory_space<vmem_shared>>
      %dma_start3A_93 = arith.constant 0 : i32
      %dma_start3A_94 = tpu.memref_slice %arg11[%add3A_43, %dma_start3A_93] : memref<10000x16xf32, #tpu.memory_space<vmem_shared>> -> memref<24x16xf32, #tpu.memory_space<vmem_shared>>
      tpu.enqueue_dma source(%arg29 : memref<24x16xf32, #tpu.memory_space<vmem>>) target(%dma_start3A_94 : memref<24x16xf32, #tpu.memory_space<vmem_shared>>) target_semaphore(%run_scoped3A_91 : memref<!tpu.dma_semaphore, #tpu.memory_space<semaphore_mem>>)
      %dma_wait3A = arith.constant 0 : i32
      %dma_wait3A_95 = tpu.memref_slice %arg11[%add3A_43, %dma_wait3A] : memref<10000x16xf32, #tpu.memory_space<vmem_shared>> -> memref<24x16xf32, #tpu.memory_space<vmem_shared>>
      %dma_wait3A_96 = arith.constant 0 : i32
      %dma_wait3A_97 = tpu.memref_slice %arg11[%add3A_43, %dma_wait3A_96] : memref<10000x16xf32, #tpu.memory_space<vmem_shared>> -> memref<24x16xf32, #tpu.memory_space<vmem_shared>>
      tpu.wait_dma2 semaphore(%run_scoped3A_91 : memref<!tpu.dma_semaphore, #tpu.memory_space<semaphore_mem>>) src(%arg29 : memref<24x16xf32, #tpu.memory_space<vmem>>) dst(%dma_wait3A_97 : memref<24x16xf32, #tpu.memory_space<vmem_shared>>)
      tpu.yield
    }) : () -> ()
    %add3A_44 = arith.constant 216 : i32
    %add3A_45 = arith.addi %mul3A_25, %add3A_44 : i32
    "tpu.region"() ({
      %run_scoped3A_91 = tpu.sem_alloc : memref<!tpu.dma_semaphore, #tpu.memory_space<semaphore_mem>>
      %dma_start3A = arith.constant 0 : i32
      %dma_start3A_92 = tpu.memref_slice %arg11[%add3A_45, %dma_start3A] : memref<10000x16xf32, #tpu.memory_space<vmem_shared>> -> memref<24x16xf32, #tpu.memory_space<vmem_shared>>
      %dma_start3A_93 = arith.constant 0 : i32
      %dma_start3A_94 = tpu.memref_slice %arg11[%add3A_45, %dma_start3A_93] : memref<10000x16xf32, #tpu.memory_space<vmem_shared>> -> memref<24x16xf32, #tpu.memory_space<vmem_shared>>
      tpu.enqueue_dma source(%arg29 : memref<24x16xf32, #tpu.memory_space<vmem>>) target(%dma_start3A_94 : memref<24x16xf32, #tpu.memory_space<vmem_shared>>) target_semaphore(%run_scoped3A_91 : memref<!tpu.dma_semaphore, #tpu.memory_space<semaphore_mem>>)
      %dma_wait3A = arith.constant 0 : i32
      %dma_wait3A_95 = tpu.memref_slice %arg11[%add3A_45, %dma_wait3A] : memref<10000x16xf32, #tpu.memory_space<vmem_shared>> -> memref<24x16xf32, #tpu.memory_space<vmem_shared>>
      %dma_wait3A_96 = arith.constant 0 : i32
      %dma_wait3A_97 = tpu.memref_slice %arg11[%add3A_45, %dma_wait3A_96] : memref<10000x16xf32, #tpu.memory_space<vmem_shared>> -> memref<24x16xf32, #tpu.memory_space<vmem_shared>>
      tpu.wait_dma2 semaphore(%run_scoped3A_91 : memref<!tpu.dma_semaphore, #tpu.memory_space<semaphore_mem>>) src(%arg29 : memref<24x16xf32, #tpu.memory_space<vmem>>) dst(%dma_wait3A_97 : memref<24x16xf32, #tpu.memory_space<vmem_shared>>)
      tpu.yield
    }) : () -> ()
    %add3A_46 = arith.constant 240 : i32
    %add3A_47 = arith.addi %mul3A_25, %add3A_46 : i32
    "tpu.region"() ({
      %run_scoped3A_91 = tpu.sem_alloc : memref<!tpu.dma_semaphore, #tpu.memory_space<semaphore_mem>>
      %dma_start3A = arith.constant 0 : i32
      %dma_start3A_92 = tpu.memref_slice %arg11[%add3A_47, %dma_start3A] : memref<10000x16xf32, #tpu.memory_space<vmem_shared>> -> memref<24x16xf32, #tpu.memory_space<vmem_shared>>
      %dma_start3A_93 = arith.constant 0 : i32
      %dma_start3A_94 = tpu.memref_slice %arg11[%add3A_47, %dma_start3A_93] : memref<10000x16xf32, #tpu.memory_space<vmem_shared>> -> memref<24x16xf32, #tpu.memory_space<vmem_shared>>
      tpu.enqueue_dma source(%arg29 : memref<24x16xf32, #tpu.memory_space<vmem>>) target(%dma_start3A_94 : memref<24x16xf32, #tpu.memory_space<vmem_shared>>) target_semaphore(%run_scoped3A_91 : memref<!tpu.dma_semaphore, #tpu.memory_space<semaphore_mem>>)
      %dma_wait3A = arith.constant 0 : i32
      %dma_wait3A_95 = tpu.memref_slice %arg11[%add3A_47, %dma_wait3A] : memref<10000x16xf32, #tpu.memory_space<vmem_shared>> -> memref<24x16xf32, #tpu.memory_space<vmem_shared>>
      %dma_wait3A_96 = arith.constant 0 : i32
      %dma_wait3A_97 = tpu.memref_slice %arg11[%add3A_47, %dma_wait3A_96] : memref<10000x16xf32, #tpu.memory_space<vmem_shared>> -> memref<24x16xf32, #tpu.memory_space<vmem_shared>>
      tpu.wait_dma2 semaphore(%run_scoped3A_91 : memref<!tpu.dma_semaphore, #tpu.memory_space<semaphore_mem>>) src(%arg29 : memref<24x16xf32, #tpu.memory_space<vmem>>) dst(%dma_wait3A_97 : memref<24x16xf32, #tpu.memory_space<vmem_shared>>)
      tpu.yield
    }) : () -> ()
    %add3A_48 = arith.constant 264 : i32
    %add3A_49 = arith.addi %mul3A_25, %add3A_48 : i32
    "tpu.region"() ({
      %run_scoped3A_91 = tpu.sem_alloc : memref<!tpu.dma_semaphore, #tpu.memory_space<semaphore_mem>>
      %dma_start3A = arith.constant 0 : i32
      %dma_start3A_92 = tpu.memref_slice %arg11[%add3A_49, %dma_start3A] : memref<10000x16xf32, #tpu.memory_space<vmem_shared>> -> memref<24x16xf32, #tpu.memory_space<vmem_shared>>
      %dma_start3A_93 = arith.constant 0 : i32
      %dma_start3A_94 = tpu.memref_slice %arg11[%add3A_49, %dma_start3A_93] : memref<10000x16xf32, #tpu.memory_space<vmem_shared>> -> memref<24x16xf32, #tpu.memory_space<vmem_shared>>
      tpu.enqueue_dma source(%arg29 : memref<24x16xf32, #tpu.memory_space<vmem>>) target(%dma_start3A_94 : memref<24x16xf32, #tpu.memory_space<vmem_shared>>) target_semaphore(%run_scoped3A_91 : memref<!tpu.dma_semaphore, #tpu.memory_space<semaphore_mem>>)
      %dma_wait3A = arith.constant 0 : i32
      %dma_wait3A_95 = tpu.memref_slice %arg11[%add3A_49, %dma_wait3A] : memref<10000x16xf32, #tpu.memory_space<vmem_shared>> -> memref<24x16xf32, #tpu.memory_space<vmem_shared>>
      %dma_wait3A_96 = arith.constant 0 : i32
      %dma_wait3A_97 = tpu.memref_slice %arg11[%add3A_49, %dma_wait3A_96] : memref<10000x16xf32, #tpu.memory_space<vmem_shared>> -> memref<24x16xf32, #tpu.memory_space<vmem_shared>>
      tpu.wait_dma2 semaphore(%run_scoped3A_91 : memref<!tpu.dma_semaphore, #tpu.memory_space<semaphore_mem>>) src(%arg29 : memref<24x16xf32, #tpu.memory_space<vmem>>) dst(%dma_wait3A_97 : memref<24x16xf32, #tpu.memory_space<vmem_shared>>)
      tpu.yield
    }) : () -> ()
    %add3A_50 = arith.constant 288 : i32
    %add3A_51 = arith.addi %mul3A_25, %add3A_50 : i32
    "tpu.region"() ({
      %run_scoped3A_91 = tpu.sem_alloc : memref<!tpu.dma_semaphore, #tpu.memory_space<semaphore_mem>>
      %dma_start3A = arith.constant 0 : i32
      %dma_start3A_92 = tpu.memref_slice %arg11[%add3A_51, %dma_start3A] : memref<10000x16xf32, #tpu.memory_space<vmem_shared>> -> memref<24x16xf32, #tpu.memory_space<vmem_shared>>
      %dma_start3A_93 = arith.constant 0 : i32
      %dma_start3A_94 = tpu.memref_slice %arg11[%add3A_51, %dma_start3A_93] : memref<10000x16xf32, #tpu.memory_space<vmem_shared>> -> memref<24x16xf32, #tpu.memory_space<vmem_shared>>
      tpu.enqueue_dma source(%arg29 : memref<24x16xf32, #tpu.memory_space<vmem>>) target(%dma_start3A_94 : memref<24x16xf32, #tpu.memory_space<vmem_shared>>) target_semaphore(%run_scoped3A_91 : memref<!tpu.dma_semaphore, #tpu.memory_space<semaphore_mem>>)
      %dma_wait3A = arith.constant 0 : i32
      %dma_wait3A_95 = tpu.memref_slice %arg11[%add3A_51, %dma_wait3A] : memref<10000x16xf32, #tpu.memory_space<vmem_shared>> -> memref<24x16xf32, #tpu.memory_space<vmem_shared>>
      %dma_wait3A_96 = arith.constant 0 : i32
      %dma_wait3A_97 = tpu.memref_slice %arg11[%add3A_51, %dma_wait3A_96] : memref<10000x16xf32, #tpu.memory_space<vmem_shared>> -> memref<24x16xf32, #tpu.memory_space<vmem_shared>>
      tpu.wait_dma2 semaphore(%run_scoped3A_91 : memref<!tpu.dma_semaphore, #tpu.memory_space<semaphore_mem>>) src(%arg29 : memref<24x16xf32, #tpu.memory_space<vmem>>) dst(%dma_wait3A_97 : memref<24x16xf32, #tpu.memory_space<vmem_shared>>)
      tpu.yield
    }) : () -> ()
    %add3A_52 = arith.constant 312 : i32
    %add3A_53 = arith.addi %mul3A_25, %add3A_52 : i32
    "tpu.region"() ({
      %run_scoped3A_91 = tpu.sem_alloc : memref<!tpu.dma_semaphore, #tpu.memory_space<semaphore_mem>>
      %dma_start3A = arith.constant 0 : i32
      %dma_start3A_92 = tpu.memref_slice %arg11[%add3A_53, %dma_start3A] : memref<10000x16xf32, #tpu.memory_space<vmem_shared>> -> memref<24x16xf32, #tpu.memory_space<vmem_shared>>
      %dma_start3A_93 = arith.constant 0 : i32
      %dma_start3A_94 = tpu.memref_slice %arg11[%add3A_53, %dma_start3A_93] : memref<10000x16xf32, #tpu.memory_space<vmem_shared>> -> memref<24x16xf32, #tpu.memory_space<vmem_shared>>
      tpu.enqueue_dma source(%arg29 : memref<24x16xf32, #tpu.memory_space<vmem>>) target(%dma_start3A_94 : memref<24x16xf32, #tpu.memory_space<vmem_shared>>) target_semaphore(%run_scoped3A_91 : memref<!tpu.dma_semaphore, #tpu.memory_space<semaphore_mem>>)
      %dma_wait3A = arith.constant 0 : i32
      %dma_wait3A_95 = tpu.memref_slice %arg11[%add3A_53, %dma_wait3A] : memref<10000x16xf32, #tpu.memory_space<vmem_shared>> -> memref<24x16xf32, #tpu.memory_space<vmem_shared>>
      %dma_wait3A_96 = arith.constant 0 : i32
      %dma_wait3A_97 = tpu.memref_slice %arg11[%add3A_53, %dma_wait3A_96] : memref<10000x16xf32, #tpu.memory_space<vmem_shared>> -> memref<24x16xf32, #tpu.memory_space<vmem_shared>>
      tpu.wait_dma2 semaphore(%run_scoped3A_91 : memref<!tpu.dma_semaphore, #tpu.memory_space<semaphore_mem>>) src(%arg29 : memref<24x16xf32, #tpu.memory_space<vmem>>) dst(%dma_wait3A_97 : memref<24x16xf32, #tpu.memory_space<vmem_shared>>)
      tpu.yield
    }) : () -> ()
    %add3A_54 = arith.constant 336 : i32
    %add3A_55 = arith.addi %mul3A_25, %add3A_54 : i32
    "tpu.region"() ({
      %run_scoped3A_91 = tpu.sem_alloc : memref<!tpu.dma_semaphore, #tpu.memory_space<semaphore_mem>>
      %dma_start3A = arith.constant 0 : i32
      %dma_start3A_92 = tpu.memref_slice %arg11[%add3A_55, %dma_start3A] : memref<10000x16xf32, #tpu.memory_space<vmem_shared>> -> memref<24x16xf32, #tpu.memory_space<vmem_shared>>
      %dma_start3A_93 = arith.constant 0 : i32
      %dma_start3A_94 = tpu.memref_slice %arg11[%add3A_55, %dma_start3A_93] : memref<10000x16xf32, #tpu.memory_space<vmem_shared>> -> memref<24x16xf32, #tpu.memory_space<vmem_shared>>
      tpu.enqueue_dma source(%arg29 : memref<24x16xf32, #tpu.memory_space<vmem>>) target(%dma_start3A_94 : memref<24x16xf32, #tpu.memory_space<vmem_shared>>) target_semaphore(%run_scoped3A_91 : memref<!tpu.dma_semaphore, #tpu.memory_space<semaphore_mem>>)
      %dma_wait3A = arith.constant 0 : i32
      %dma_wait3A_95 = tpu.memref_slice %arg11[%add3A_55, %dma_wait3A] : memref<10000x16xf32, #tpu.memory_space<vmem_shared>> -> memref<24x16xf32, #tpu.memory_space<vmem_shared>>
      %dma_wait3A_96 = arith.constant 0 : i32
      %dma_wait3A_97 = tpu.memref_slice %arg11[%add3A_55, %dma_wait3A_96] : memref<10000x16xf32, #tpu.memory_space<vmem_shared>> -> memref<24x16xf32, #tpu.memory_space<vmem_shared>>
      tpu.wait_dma2 semaphore(%run_scoped3A_91 : memref<!tpu.dma_semaphore, #tpu.memory_space<semaphore_mem>>) src(%arg29 : memref<24x16xf32, #tpu.memory_space<vmem>>) dst(%dma_wait3A_97 : memref<24x16xf32, #tpu.memory_space<vmem_shared>>)
      tpu.yield
    }) : () -> ()
    %add3A_56 = arith.constant 360 : i32
    %add3A_57 = arith.addi %mul3A_25, %add3A_56 : i32
    "tpu.region"() ({
      %run_scoped3A_91 = tpu.sem_alloc : memref<!tpu.dma_semaphore, #tpu.memory_space<semaphore_mem>>
      %dma_start3A = arith.constant 0 : i32
      %dma_start3A_92 = tpu.memref_slice %arg11[%add3A_57, %dma_start3A] : memref<10000x16xf32, #tpu.memory_space<vmem_shared>> -> memref<24x16xf32, #tpu.memory_space<vmem_shared>>
      %dma_start3A_93 = arith.constant 0 : i32
      %dma_start3A_94 = tpu.memref_slice %arg11[%add3A_57, %dma_start3A_93] : memref<10000x16xf32, #tpu.memory_space<vmem_shared>> -> memref<24x16xf32, #tpu.memory_space<vmem_shared>>
      tpu.enqueue_dma source(%arg29 : memref<24x16xf32, #tpu.memory_space<vmem>>) target(%dma_start3A_94 : memref<24x16xf32, #tpu.memory_space<vmem_shared>>) target_semaphore(%run_scoped3A_91 : memref<!tpu.dma_semaphore, #tpu.memory_space<semaphore_mem>>)
      %dma_wait3A = arith.constant 0 : i32
      %dma_wait3A_95 = tpu.memref_slice %arg11[%add3A_57, %dma_wait3A] : memref<10000x16xf32, #tpu.memory_space<vmem_shared>> -> memref<24x16xf32, #tpu.memory_space<vmem_shared>>
      %dma_wait3A_96 = arith.constant 0 : i32
      %dma_wait3A_97 = tpu.memref_slice %arg11[%add3A_57, %dma_wait3A_96] : memref<10000x16xf32, #tpu.memory_space<vmem_shared>> -> memref<24x16xf32, #tpu.memory_space<vmem_shared>>
      tpu.wait_dma2 semaphore(%run_scoped3A_91 : memref<!tpu.dma_semaphore, #tpu.memory_space<semaphore_mem>>) src(%arg29 : memref<24x16xf32, #tpu.memory_space<vmem>>) dst(%dma_wait3A_97 : memref<24x16xf32, #tpu.memory_space<vmem_shared>>)
      tpu.yield
    }) : () -> ()
    %add3A_58 = arith.constant 384 : i32
    %add3A_59 = arith.addi %mul3A_25, %add3A_58 : i32
    "tpu.region"() ({
      %run_scoped3A_91 = tpu.sem_alloc : memref<!tpu.dma_semaphore, #tpu.memory_space<semaphore_mem>>
      %dma_start3A = arith.constant 0 : i32
      %dma_start3A_92 = tpu.memref_slice %arg11[%add3A_59, %dma_start3A] : memref<10000x16xf32, #tpu.memory_space<vmem_shared>> -> memref<24x16xf32, #tpu.memory_space<vmem_shared>>
      %dma_start3A_93 = arith.constant 0 : i32
      %dma_start3A_94 = tpu.memref_slice %arg11[%add3A_59, %dma_start3A_93] : memref<10000x16xf32, #tpu.memory_space<vmem_shared>> -> memref<24x16xf32, #tpu.memory_space<vmem_shared>>
      tpu.enqueue_dma source(%arg29 : memref<24x16xf32, #tpu.memory_space<vmem>>) target(%dma_start3A_94 : memref<24x16xf32, #tpu.memory_space<vmem_shared>>) target_semaphore(%run_scoped3A_91 : memref<!tpu.dma_semaphore, #tpu.memory_space<semaphore_mem>>)
      %dma_wait3A = arith.constant 0 : i32
      %dma_wait3A_95 = tpu.memref_slice %arg11[%add3A_59, %dma_wait3A] : memref<10000x16xf32, #tpu.memory_space<vmem_shared>> -> memref<24x16xf32, #tpu.memory_space<vmem_shared>>
      %dma_wait3A_96 = arith.constant 0 : i32
      %dma_wait3A_97 = tpu.memref_slice %arg11[%add3A_59, %dma_wait3A_96] : memref<10000x16xf32, #tpu.memory_space<vmem_shared>> -> memref<24x16xf32, #tpu.memory_space<vmem_shared>>
      tpu.wait_dma2 semaphore(%run_scoped3A_91 : memref<!tpu.dma_semaphore, #tpu.memory_space<semaphore_mem>>) src(%arg29 : memref<24x16xf32, #tpu.memory_space<vmem>>) dst(%dma_wait3A_97 : memref<24x16xf32, #tpu.memory_space<vmem_shared>>)
      tpu.yield
    }) : () -> ()
    %add3A_60 = arith.constant 408 : i32
    %add3A_61 = arith.addi %mul3A_25, %add3A_60 : i32
    "tpu.region"() ({
      %run_scoped3A_91 = tpu.sem_alloc : memref<!tpu.dma_semaphore, #tpu.memory_space<semaphore_mem>>
      %dma_start3A = arith.constant 0 : i32
      %dma_start3A_92 = tpu.memref_slice %arg11[%add3A_61, %dma_start3A] : memref<10000x16xf32, #tpu.memory_space<vmem_shared>> -> memref<24x16xf32, #tpu.memory_space<vmem_shared>>
      %dma_start3A_93 = arith.constant 0 : i32
      %dma_start3A_94 = tpu.memref_slice %arg11[%add3A_61, %dma_start3A_93] : memref<10000x16xf32, #tpu.memory_space<vmem_shared>> -> memref<24x16xf32, #tpu.memory_space<vmem_shared>>
      tpu.enqueue_dma source(%arg29 : memref<24x16xf32, #tpu.memory_space<vmem>>) target(%dma_start3A_94 : memref<24x16xf32, #tpu.memory_space<vmem_shared>>) target_semaphore(%run_scoped3A_91 : memref<!tpu.dma_semaphore, #tpu.memory_space<semaphore_mem>>)
      %dma_wait3A = arith.constant 0 : i32
      %dma_wait3A_95 = tpu.memref_slice %arg11[%add3A_61, %dma_wait3A] : memref<10000x16xf32, #tpu.memory_space<vmem_shared>> -> memref<24x16xf32, #tpu.memory_space<vmem_shared>>
      %dma_wait3A_96 = arith.constant 0 : i32
      %dma_wait3A_97 = tpu.memref_slice %arg11[%add3A_61, %dma_wait3A_96] : memref<10000x16xf32, #tpu.memory_space<vmem_shared>> -> memref<24x16xf32, #tpu.memory_space<vmem_shared>>
      tpu.wait_dma2 semaphore(%run_scoped3A_91 : memref<!tpu.dma_semaphore, #tpu.memory_space<semaphore_mem>>) src(%arg29 : memref<24x16xf32, #tpu.memory_space<vmem>>) dst(%dma_wait3A_97 : memref<24x16xf32, #tpu.memory_space<vmem_shared>>)
      tpu.yield
    }) : () -> ()
    %add3A_62 = arith.constant 432 : i32
    %add3A_63 = arith.addi %mul3A_25, %add3A_62 : i32
    "tpu.region"() ({
      %run_scoped3A_91 = tpu.sem_alloc : memref<!tpu.dma_semaphore, #tpu.memory_space<semaphore_mem>>
      %dma_start3A = arith.constant 0 : i32
      %dma_start3A_92 = tpu.memref_slice %arg11[%add3A_63, %dma_start3A] : memref<10000x16xf32, #tpu.memory_space<vmem_shared>> -> memref<24x16xf32, #tpu.memory_space<vmem_shared>>
      %dma_start3A_93 = arith.constant 0 : i32
      %dma_start3A_94 = tpu.memref_slice %arg11[%add3A_63, %dma_start3A_93] : memref<10000x16xf32, #tpu.memory_space<vmem_shared>> -> memref<24x16xf32, #tpu.memory_space<vmem_shared>>
      tpu.enqueue_dma source(%arg29 : memref<24x16xf32, #tpu.memory_space<vmem>>) target(%dma_start3A_94 : memref<24x16xf32, #tpu.memory_space<vmem_shared>>) target_semaphore(%run_scoped3A_91 : memref<!tpu.dma_semaphore, #tpu.memory_space<semaphore_mem>>)
      %dma_wait3A = arith.constant 0 : i32
      %dma_wait3A_95 = tpu.memref_slice %arg11[%add3A_63, %dma_wait3A] : memref<10000x16xf32, #tpu.memory_space<vmem_shared>> -> memref<24x16xf32, #tpu.memory_space<vmem_shared>>
      %dma_wait3A_96 = arith.constant 0 : i32
      %dma_wait3A_97 = tpu.memref_slice %arg11[%add3A_63, %dma_wait3A_96] : memref<10000x16xf32, #tpu.memory_space<vmem_shared>> -> memref<24x16xf32, #tpu.memory_space<vmem_shared>>
      tpu.wait_dma2 semaphore(%run_scoped3A_91 : memref<!tpu.dma_semaphore, #tpu.memory_space<semaphore_mem>>) src(%arg29 : memref<24x16xf32, #tpu.memory_space<vmem>>) dst(%dma_wait3A_97 : memref<24x16xf32, #tpu.memory_space<vmem_shared>>)
      tpu.yield
    }) : () -> ()
    %add3A_64 = arith.constant 456 : i32
    %add3A_65 = arith.addi %mul3A_25, %add3A_64 : i32
    "tpu.region"() ({
      %run_scoped3A_91 = tpu.sem_alloc : memref<!tpu.dma_semaphore, #tpu.memory_space<semaphore_mem>>
      %dma_start3A = arith.constant 0 : i32
      %dma_start3A_92 = tpu.memref_slice %arg11[%add3A_65, %dma_start3A] : memref<10000x16xf32, #tpu.memory_space<vmem_shared>> -> memref<24x16xf32, #tpu.memory_space<vmem_shared>>
      %dma_start3A_93 = arith.constant 0 : i32
      %dma_start3A_94 = tpu.memref_slice %arg11[%add3A_65, %dma_start3A_93] : memref<10000x16xf32, #tpu.memory_space<vmem_shared>> -> memref<24x16xf32, #tpu.memory_space<vmem_shared>>
      tpu.enqueue_dma source(%arg29 : memref<24x16xf32, #tpu.memory_space<vmem>>) target(%dma_start3A_94 : memref<24x16xf32, #tpu.memory_space<vmem_shared>>) target_semaphore(%run_scoped3A_91 : memref<!tpu.dma_semaphore, #tpu.memory_space<semaphore_mem>>)
      %dma_wait3A = arith.constant 0 : i32
      %dma_wait3A_95 = tpu.memref_slice %arg11[%add3A_65, %dma_wait3A] : memref<10000x16xf32, #tpu.memory_space<vmem_shared>> -> memref<24x16xf32, #tpu.memory_space<vmem_shared>>
      %dma_wait3A_96 = arith.constant 0 : i32
      %dma_wait3A_97 = tpu.memref_slice %arg11[%add3A_65, %dma_wait3A_96] : memref<10000x16xf32, #tpu.memory_space<vmem_shared>> -> memref<24x16xf32, #tpu.memory_space<vmem_shared>>
      tpu.wait_dma2 semaphore(%run_scoped3A_91 : memref<!tpu.dma_semaphore, #tpu.memory_space<semaphore_mem>>) src(%arg29 : memref<24x16xf32, #tpu.memory_space<vmem>>) dst(%dma_wait3A_97 : memref<24x16xf32, #tpu.memory_space<vmem_shared>>)
      tpu.yield
    }) : () -> ()
    %add3A_66 = arith.constant 480 : i32
    %add3A_67 = arith.addi %mul3A_25, %add3A_66 : i32
    "tpu.region"() ({
      %run_scoped3A_91 = tpu.sem_alloc : memref<!tpu.dma_semaphore, #tpu.memory_space<semaphore_mem>>
      %dma_start3A = arith.constant 0 : i32
      %dma_start3A_92 = tpu.memref_slice %arg11[%add3A_67, %dma_start3A] : memref<10000x16xf32, #tpu.memory_space<vmem_shared>> -> memref<24x16xf32, #tpu.memory_space<vmem_shared>>
      %dma_start3A_93 = arith.constant 0 : i32
      %dma_start3A_94 = tpu.memref_slice %arg11[%add3A_67, %dma_start3A_93] : memref<10000x16xf32, #tpu.memory_space<vmem_shared>> -> memref<24x16xf32, #tpu.memory_space<vmem_shared>>
      tpu.enqueue_dma source(%arg29 : memref<24x16xf32, #tpu.memory_space<vmem>>) target(%dma_start3A_94 : memref<24x16xf32, #tpu.memory_space<vmem_shared>>) target_semaphore(%run_scoped3A_91 : memref<!tpu.dma_semaphore, #tpu.memory_space<semaphore_mem>>)
      %dma_wait3A = arith.constant 0 : i32
      %dma_wait3A_95 = tpu.memref_slice %arg11[%add3A_67, %dma_wait3A] : memref<10000x16xf32, #tpu.memory_space<vmem_shared>> -> memref<24x16xf32, #tpu.memory_space<vmem_shared>>
      %dma_wait3A_96 = arith.constant 0 : i32
      %dma_wait3A_97 = tpu.memref_slice %arg11[%add3A_67, %dma_wait3A_96] : memref<10000x16xf32, #tpu.memory_space<vmem_shared>> -> memref<24x16xf32, #tpu.memory_space<vmem_shared>>
      tpu.wait_dma2 semaphore(%run_scoped3A_91 : memref<!tpu.dma_semaphore, #tpu.memory_space<semaphore_mem>>) src(%arg29 : memref<24x16xf32, #tpu.memory_space<vmem>>) dst(%dma_wait3A_97 : memref<24x16xf32, #tpu.memory_space<vmem_shared>>)
      tpu.yield
    }) : () -> ()
    %add3A_68 = arith.constant 504 : i32
    %add3A_69 = arith.addi %mul3A_25, %add3A_68 : i32
    "tpu.region"() ({
      %run_scoped3A_91 = tpu.sem_alloc : memref<!tpu.dma_semaphore, #tpu.memory_space<semaphore_mem>>
      %dma_start3A = arith.constant 0 : i32
      %dma_start3A_92 = tpu.memref_slice %arg11[%add3A_69, %dma_start3A] : memref<10000x16xf32, #tpu.memory_space<vmem_shared>> -> memref<24x16xf32, #tpu.memory_space<vmem_shared>>
      %dma_start3A_93 = arith.constant 0 : i32
      %dma_start3A_94 = tpu.memref_slice %arg11[%add3A_69, %dma_start3A_93] : memref<10000x16xf32, #tpu.memory_space<vmem_shared>> -> memref<24x16xf32, #tpu.memory_space<vmem_shared>>
      tpu.enqueue_dma source(%arg29 : memref<24x16xf32, #tpu.memory_space<vmem>>) target(%dma_start3A_94 : memref<24x16xf32, #tpu.memory_space<vmem_shared>>) target_semaphore(%run_scoped3A_91 : memref<!tpu.dma_semaphore, #tpu.memory_space<semaphore_mem>>)
      %dma_wait3A = arith.constant 0 : i32
      %dma_wait3A_95 = tpu.memref_slice %arg11[%add3A_69, %dma_wait3A] : memref<10000x16xf32, #tpu.memory_space<vmem_shared>> -> memref<24x16xf32, #tpu.memory_space<vmem_shared>>
      %dma_wait3A_96 = arith.constant 0 : i32
      %dma_wait3A_97 = tpu.memref_slice %arg11[%add3A_69, %dma_wait3A_96] : memref<10000x16xf32, #tpu.memory_space<vmem_shared>> -> memref<24x16xf32, #tpu.memory_space<vmem_shared>>
      tpu.wait_dma2 semaphore(%run_scoped3A_91 : memref<!tpu.dma_semaphore, #tpu.memory_space<semaphore_mem>>) src(%arg29 : memref<24x16xf32, #tpu.memory_space<vmem>>) dst(%dma_wait3A_97 : memref<24x16xf32, #tpu.memory_space<vmem_shared>>)
      tpu.yield
    }) : () -> ()
    %add3A_70 = arith.constant 528 : i32
    %add3A_71 = arith.addi %mul3A_25, %add3A_70 : i32
    "tpu.region"() ({
      %run_scoped3A_91 = tpu.sem_alloc : memref<!tpu.dma_semaphore, #tpu.memory_space<semaphore_mem>>
      %dma_start3A = arith.constant 0 : i32
      %dma_start3A_92 = tpu.memref_slice %arg11[%add3A_71, %dma_start3A] : memref<10000x16xf32, #tpu.memory_space<vmem_shared>> -> memref<24x16xf32, #tpu.memory_space<vmem_shared>>
      %dma_start3A_93 = arith.constant 0 : i32
      %dma_start3A_94 = tpu.memref_slice %arg11[%add3A_71, %dma_start3A_93] : memref<10000x16xf32, #tpu.memory_space<vmem_shared>> -> memref<24x16xf32, #tpu.memory_space<vmem_shared>>
      tpu.enqueue_dma source(%arg29 : memref<24x16xf32, #tpu.memory_space<vmem>>) target(%dma_start3A_94 : memref<24x16xf32, #tpu.memory_space<vmem_shared>>) target_semaphore(%run_scoped3A_91 : memref<!tpu.dma_semaphore, #tpu.memory_space<semaphore_mem>>)
      %dma_wait3A = arith.constant 0 : i32
      %dma_wait3A_95 = tpu.memref_slice %arg11[%add3A_71, %dma_wait3A] : memref<10000x16xf32, #tpu.memory_space<vmem_shared>> -> memref<24x16xf32, #tpu.memory_space<vmem_shared>>
      %dma_wait3A_96 = arith.constant 0 : i32
      %dma_wait3A_97 = tpu.memref_slice %arg11[%add3A_71, %dma_wait3A_96] : memref<10000x16xf32, #tpu.memory_space<vmem_shared>> -> memref<24x16xf32, #tpu.memory_space<vmem_shared>>
      tpu.wait_dma2 semaphore(%run_scoped3A_91 : memref<!tpu.dma_semaphore, #tpu.memory_space<semaphore_mem>>) src(%arg29 : memref<24x16xf32, #tpu.memory_space<vmem>>) dst(%dma_wait3A_97 : memref<24x16xf32, #tpu.memory_space<vmem_shared>>)
      tpu.yield
    }) : () -> ()
    %add3A_72 = arith.constant 552 : i32
    %add3A_73 = arith.addi %mul3A_25, %add3A_72 : i32
    "tpu.region"() ({
      %run_scoped3A_91 = tpu.sem_alloc : memref<!tpu.dma_semaphore, #tpu.memory_space<semaphore_mem>>
      %dma_start3A = arith.constant 0 : i32
      %dma_start3A_92 = tpu.memref_slice %arg11[%add3A_73, %dma_start3A] : memref<10000x16xf32, #tpu.memory_space<vmem_shared>> -> memref<24x16xf32, #tpu.memory_space<vmem_shared>>
      %dma_start3A_93 = arith.constant 0 : i32
      %dma_start3A_94 = tpu.memref_slice %arg11[%add3A_73, %dma_start3A_93] : memref<10000x16xf32, #tpu.memory_space<vmem_shared>> -> memref<24x16xf32, #tpu.memory_space<vmem_shared>>
      tpu.enqueue_dma source(%arg29 : memref<24x16xf32, #tpu.memory_space<vmem>>) target(%dma_start3A_94 : memref<24x16xf32, #tpu.memory_space<vmem_shared>>) target_semaphore(%run_scoped3A_91 : memref<!tpu.dma_semaphore, #tpu.memory_space<semaphore_mem>>)
      %dma_wait3A = arith.constant 0 : i32
      %dma_wait3A_95 = tpu.memref_slice %arg11[%add3A_73, %dma_wait3A] : memref<10000x16xf32, #tpu.memory_space<vmem_shared>> -> memref<24x16xf32, #tpu.memory_space<vmem_shared>>
      %dma_wait3A_96 = arith.constant 0 : i32
      %dma_wait3A_97 = tpu.memref_slice %arg11[%add3A_73, %dma_wait3A_96] : memref<10000x16xf32, #tpu.memory_space<vmem_shared>> -> memref<24x16xf32, #tpu.memory_space<vmem_shared>>
      tpu.wait_dma2 semaphore(%run_scoped3A_91 : memref<!tpu.dma_semaphore, #tpu.memory_space<semaphore_mem>>) src(%arg29 : memref<24x16xf32, #tpu.memory_space<vmem>>) dst(%dma_wait3A_97 : memref<24x16xf32, #tpu.memory_space<vmem_shared>>)
      tpu.yield
    }) : () -> ()
    %add3A_74 = arith.constant 576 : i32
    %add3A_75 = arith.addi %mul3A_25, %add3A_74 : i32
    "tpu.region"() ({
      %run_scoped3A_91 = tpu.sem_alloc : memref<!tpu.dma_semaphore, #tpu.memory_space<semaphore_mem>>
      %dma_start3A = arith.constant 0 : i32
      %dma_start3A_92 = tpu.memref_slice %arg11[%add3A_75, %dma_start3A] : memref<10000x16xf32, #tpu.memory_space<vmem_shared>> -> memref<24x16xf32, #tpu.memory_space<vmem_shared>>
      %dma_start3A_93 = arith.constant 0 : i32
      %dma_start3A_94 = tpu.memref_slice %arg11[%add3A_75, %dma_start3A_93] : memref<10000x16xf32, #tpu.memory_space<vmem_shared>> -> memref<24x16xf32, #tpu.memory_space<vmem_shared>>
      tpu.enqueue_dma source(%arg29 : memref<24x16xf32, #tpu.memory_space<vmem>>) target(%dma_start3A_94 : memref<24x16xf32, #tpu.memory_space<vmem_shared>>) target_semaphore(%run_scoped3A_91 : memref<!tpu.dma_semaphore, #tpu.memory_space<semaphore_mem>>)
      %dma_wait3A = arith.constant 0 : i32
      %dma_wait3A_95 = tpu.memref_slice %arg11[%add3A_75, %dma_wait3A] : memref<10000x16xf32, #tpu.memory_space<vmem_shared>> -> memref<24x16xf32, #tpu.memory_space<vmem_shared>>
      %dma_wait3A_96 = arith.constant 0 : i32
      %dma_wait3A_97 = tpu.memref_slice %arg11[%add3A_75, %dma_wait3A_96] : memref<10000x16xf32, #tpu.memory_space<vmem_shared>> -> memref<24x16xf32, #tpu.memory_space<vmem_shared>>
      tpu.wait_dma2 semaphore(%run_scoped3A_91 : memref<!tpu.dma_semaphore, #tpu.memory_space<semaphore_mem>>) src(%arg29 : memref<24x16xf32, #tpu.memory_space<vmem>>) dst(%dma_wait3A_97 : memref<24x16xf32, #tpu.memory_space<vmem_shared>>)
      tpu.yield
    }) : () -> ()
    %add3A_76 = arith.constant 600 : i32
    %add3A_77 = arith.addi %mul3A_25, %add3A_76 : i32
    "tpu.region"() ({
      %run_scoped3A_91 = tpu.sem_alloc : memref<!tpu.dma_semaphore, #tpu.memory_space<semaphore_mem>>
      %dma_start3A = arith.constant 0 : i32
      %dma_start3A_92 = tpu.memref_slice %arg11[%add3A_77, %dma_start3A] : memref<10000x16xf32, #tpu.memory_space<vmem_shared>> -> memref<24x16xf32, #tpu.memory_space<vmem_shared>>
      %dma_start3A_93 = arith.constant 0 : i32
      %dma_start3A_94 = tpu.memref_slice %arg11[%add3A_77, %dma_start3A_93] : memref<10000x16xf32, #tpu.memory_space<vmem_shared>> -> memref<24x16xf32, #tpu.memory_space<vmem_shared>>
      tpu.enqueue_dma source(%arg29 : memref<24x16xf32, #tpu.memory_space<vmem>>) target(%dma_start3A_94 : memref<24x16xf32, #tpu.memory_space<vmem_shared>>) target_semaphore(%run_scoped3A_91 : memref<!tpu.dma_semaphore, #tpu.memory_space<semaphore_mem>>)
      %dma_wait3A = arith.constant 0 : i32
      %dma_wait3A_95 = tpu.memref_slice %arg11[%add3A_77, %dma_wait3A] : memref<10000x16xf32, #tpu.memory_space<vmem_shared>> -> memref<24x16xf32, #tpu.memory_space<vmem_shared>>
      %dma_wait3A_96 = arith.constant 0 : i32
      %dma_wait3A_97 = tpu.memref_slice %arg11[%add3A_77, %dma_wait3A_96] : memref<10000x16xf32, #tpu.memory_space<vmem_shared>> -> memref<24x16xf32, #tpu.memory_space<vmem_shared>>
      tpu.wait_dma2 semaphore(%run_scoped3A_91 : memref<!tpu.dma_semaphore, #tpu.memory_space<semaphore_mem>>) src(%arg29 : memref<24x16xf32, #tpu.memory_space<vmem>>) dst(%dma_wait3A_97 : memref<24x16xf32, #tpu.memory_space<vmem_shared>>)
      tpu.yield
    }) : () -> ()
    %eq3A = arith.constant 0 : i32
    %eq3A_78 = arith.cmpi eq, %arg1, %eq3A : i32
    %convert_element_type3A = arith.extui %eq3A_78 : i1 to i32
    %cond3A = arith.constant 0 : i32
    %cond3A_79 = arith.cmpi ne, %convert_element_type3A, %cond3A : i32
    scf.if %cond3A_79 {
      "tpu.region"() ({
        %run_scoped3A_91 = tpu.sem_alloc : memref<!tpu.dma_semaphore, #tpu.memory_space<semaphore_mem>>
        %dma_start3A = arith.constant 0 : i32
        %dma_start3A_92 = arith.constant 0 : i32
        %dma_start3A_93 = tpu.memref_slice %arg29[%dma_start3A, %dma_start3A_92] : memref<24x16xf32, #tpu.memory_space<vmem>> -> memref<16x16xf32, #tpu.memory_space<vmem>>
        %dma_start3A_94 = arith.constant 9984 : i32
        %dma_start3A_95 = arith.constant 0 : i32
        %dma_start3A_96 = tpu.memref_slice %arg11[%dma_start3A_94, %dma_start3A_95] : memref<10000x16xf32, #tpu.memory_space<vmem_shared>> -> memref<16x16xf32, #tpu.memory_space<vmem_shared>>
        %dma_start3A_97 = arith.constant 9984 : i32
        %dma_start3A_98 = arith.constant 0 : i32
        %dma_start3A_99 = tpu.memref_slice %arg11[%dma_start3A_97, %dma_start3A_98] : memref<10000x16xf32, #tpu.memory_space<vmem_shared>> -> memref<16x16xf32, #tpu.memory_space<vmem_shared>>
        %dma_start3A_100 = arith.constant 0 : i32
        %dma_start3A_101 = arith.constant 0 : i32
        %dma_start3A_102 = tpu.memref_slice %arg29[%dma_start3A_100, %dma_start3A_101] : memref<24x16xf32, #tpu.memory_space<vmem>> -> memref<16x16xf32, #tpu.memory_space<vmem>>
        tpu.enqueue_dma source(%dma_start3A_102 : memref<16x16xf32, #tpu.memory_space<vmem>>) target(%dma_start3A_99 : memref<16x16xf32, #tpu.memory_space<vmem_shared>>) target_semaphore(%run_scoped3A_91 : memref<!tpu.dma_semaphore, #tpu.memory_space<semaphore_mem>>)
        %dma_wait3A = arith.constant 0 : i32
        %dma_wait3A_103 = arith.constant 0 : i32
        %dma_wait3A_104 = tpu.memref_slice %arg29[%dma_wait3A, %dma_wait3A_103] : memref<24x16xf32, #tpu.memory_space<vmem>> -> memref<16x16xf32, #tpu.memory_space<vmem>>
        %dma_wait3A_105 = arith.constant 9984 : i32
        %dma_wait3A_106 = arith.constant 0 : i32
        %dma_wait3A_107 = tpu.memref_slice %arg11[%dma_wait3A_105, %dma_wait3A_106] : memref<10000x16xf32, #tpu.memory_space<vmem_shared>> -> memref<16x16xf32, #tpu.memory_space<vmem_shared>>
        %dma_wait3A_108 = arith.constant 9984 : i32
        %dma_wait3A_109 = arith.constant 0 : i32
        %dma_wait3A_110 = tpu.memref_slice %arg11[%dma_wait3A_108, %dma_wait3A_109] : memref<10000x16xf32, #tpu.memory_space<vmem_shared>> -> memref<16x16xf32, #tpu.memory_space<vmem_shared>>
        %dma_wait3A_111 = arith.constant 0 : i32
        %dma_wait3A_112 = arith.constant 0 : i32
        %dma_wait3A_113 = tpu.memref_slice %arg29[%dma_wait3A_111, %dma_wait3A_112] : memref<24x16xf32, #tpu.memory_space<vmem>> -> memref<16x16xf32, #tpu.memory_space<vmem>>
        tpu.wait_dma2 semaphore(%run_scoped3A_91 : memref<!tpu.dma_semaphore, #tpu.memory_space<semaphore_mem>>) src(%dma_wait3A_113 : memref<16x16xf32, #tpu.memory_space<vmem>>) dst(%dma_wait3A_110 : memref<16x16xf32, #tpu.memory_space<vmem_shared>>)
        tpu.yield
      }) : () -> ()
    } else {
    }
    %barrier3A = arith.constant 0 : index
    tpu.barrier barrier_id(%barrier3A)
    %scan3A_80 = arith.constant 0 : i32
    %scan3A_81 = arith.constant 0 : i32
    %scan3A_82 = arith.constant 3 : i32
    %scan3A_83 = arith.addi %scan3A_81, %scan3A_82 : i32
    %scan3A_84 = arith.constant 1 : i32
    scf.for %scan3A_91 = %scan3A_81 to %scan3A_83 step %scan3A_84  : i32 {
      %add3A_92 = arith.constant 0 : i32
      %add3A_93 = arith.addi %mul3A_25, %add3A_92 : i32
      "tpu.region"() ({
        %run_scoped3A_267 = tpu.sem_alloc : memref<!tpu.dma_semaphore, #tpu.memory_space<semaphore_mem>>
        %dma_start3A_268 = arith.constant 0 : i32
        %dma_start3A_269 = tpu.memref_slice %arg12[%add3A_93, %dma_start3A_268] : memref<10000x128xf32, #tpu.memory_space<vmem_shared>> -> memref<24x128xf32, #tpu.memory_space<vmem_shared>>
        %dma_start3A_270 = arith.constant 0 : i32
        %dma_start3A_271 = tpu.memref_slice %arg12[%add3A_93, %dma_start3A_270] : memref<10000x128xf32, #tpu.memory_space<vmem_shared>> -> memref<24x128xf32, #tpu.memory_space<vmem_shared>>
        tpu.enqueue_dma source(%arg30 : memref<24x128xf32, #tpu.memory_space<vmem>>) target(%dma_start3A_271 : memref<24x128xf32, #tpu.memory_space<vmem_shared>>) target_semaphore(%run_scoped3A_267 : memref<!tpu.dma_semaphore, #tpu.memory_space<semaphore_mem>>)
        %dma_wait3A_272 = arith.constant 0 : i32
        %dma_wait3A_273 = tpu.memref_slice %arg12[%add3A_93, %dma_wait3A_272] : memref<10000x128xf32, #tpu.memory_space<vmem_shared>> -> memref<24x128xf32, #tpu.memory_space<vmem_shared>>
        %dma_wait3A_274 = arith.constant 0 : i32
        %dma_wait3A_275 = tpu.memref_slice %arg12[%add3A_93, %dma_wait3A_274] : memref<10000x128xf32, #tpu.memory_space<vmem_shared>> -> memref<24x128xf32, #tpu.memory_space<vmem_shared>>
        tpu.wait_dma2 semaphore(%run_scoped3A_267 : memref<!tpu.dma_semaphore, #tpu.memory_space<semaphore_mem>>) src(%arg30 : memref<24x128xf32, #tpu.memory_space<vmem>>) dst(%dma_wait3A_275 : memref<24x128xf32, #tpu.memory_space<vmem_shared>>)
        tpu.yield
      }) : () -> ()
      %add3A_94 = arith.constant 24 : i32
      %add3A_95 = arith.addi %mul3A_25, %add3A_94 : i32
      "tpu.region"() ({
        %run_scoped3A_267 = tpu.sem_alloc : memref<!tpu.dma_semaphore, #tpu.memory_space<semaphore_mem>>
        %dma_start3A_268 = arith.constant 0 : i32
        %dma_start3A_269 = tpu.memref_slice %arg12[%add3A_95, %dma_start3A_268] : memref<10000x128xf32, #tpu.memory_space<vmem_shared>> -> memref<24x128xf32, #tpu.memory_space<vmem_shared>>
        %dma_start3A_270 = arith.constant 0 : i32
        %dma_start3A_271 = tpu.memref_slice %arg12[%add3A_95, %dma_start3A_270] : memref<10000x128xf32, #tpu.memory_space<vmem_shared>> -> memref<24x128xf32, #tpu.memory_space<vmem_shared>>
        tpu.enqueue_dma source(%arg30 : memref<24x128xf32, #tpu.memory_space<vmem>>) target(%dma_start3A_271 : memref<24x128xf32, #tpu.memory_space<vmem_shared>>) target_semaphore(%run_scoped3A_267 : memref<!tpu.dma_semaphore, #tpu.memory_space<semaphore_mem>>)
        %dma_wait3A_272 = arith.constant 0 : i32
        %dma_wait3A_273 = tpu.memref_slice %arg12[%add3A_95, %dma_wait3A_272] : memref<10000x128xf32, #tpu.memory_space<vmem_shared>> -> memref<24x128xf32, #tpu.memory_space<vmem_shared>>
        %dma_wait3A_274 = arith.constant 0 : i32
        %dma_wait3A_275 = tpu.memref_slice %arg12[%add3A_95, %dma_wait3A_274] : memref<10000x128xf32, #tpu.memory_space<vmem_shared>> -> memref<24x128xf32, #tpu.memory_space<vmem_shared>>
        tpu.wait_dma2 semaphore(%run_scoped3A_267 : memref<!tpu.dma_semaphore, #tpu.memory_space<semaphore_mem>>) src(%arg30 : memref<24x128xf32, #tpu.memory_space<vmem>>) dst(%dma_wait3A_275 : memref<24x128xf32, #tpu.memory_space<vmem_shared>>)
        tpu.yield
      }) : () -> ()
      %add3A_96 = arith.constant 48 : i32
      %add3A_97 = arith.addi %mul3A_25, %add3A_96 : i32
      "tpu.region"() ({
        %run_scoped3A_267 = tpu.sem_alloc : memref<!tpu.dma_semaphore, #tpu.memory_space<semaphore_mem>>
        %dma_start3A_268 = arith.constant 0 : i32
        %dma_start3A_269 = tpu.memref_slice %arg12[%add3A_97, %dma_start3A_268] : memref<10000x128xf32, #tpu.memory_space<vmem_shared>> -> memref<24x128xf32, #tpu.memory_space<vmem_shared>>
        %dma_start3A_270 = arith.constant 0 : i32
        %dma_start3A_271 = tpu.memref_slice %arg12[%add3A_97, %dma_start3A_270] : memref<10000x128xf32, #tpu.memory_space<vmem_shared>> -> memref<24x128xf32, #tpu.memory_space<vmem_shared>>
        tpu.enqueue_dma source(%arg30 : memref<24x128xf32, #tpu.memory_space<vmem>>) target(%dma_start3A_271 : memref<24x128xf32, #tpu.memory_space<vmem_shared>>) target_semaphore(%run_scoped3A_267 : memref<!tpu.dma_semaphore, #tpu.memory_space<semaphore_mem>>)
        %dma_wait3A_272 = arith.constant 0 : i32
        %dma_wait3A_273 = tpu.memref_slice %arg12[%add3A_97, %dma_wait3A_272] : memref<10000x128xf32, #tpu.memory_space<vmem_shared>> -> memref<24x128xf32, #tpu.memory_space<vmem_shared>>
        %dma_wait3A_274 = arith.constant 0 : i32
        %dma_wait3A_275 = tpu.memref_slice %arg12[%add3A_97, %dma_wait3A_274] : memref<10000x128xf32, #tpu.memory_space<vmem_shared>> -> memref<24x128xf32, #tpu.memory_space<vmem_shared>>
        tpu.wait_dma2 semaphore(%run_scoped3A_267 : memref<!tpu.dma_semaphore, #tpu.memory_space<semaphore_mem>>) src(%arg30 : memref<24x128xf32, #tpu.memory_space<vmem>>) dst(%dma_wait3A_275 : memref<24x128xf32, #tpu.memory_space<vmem_shared>>)
        tpu.yield
      }) : () -> ()
      %add3A_98 = arith.constant 72 : i32
      %add3A_99 = arith.addi %mul3A_25, %add3A_98 : i32
      "tpu.region"() ({
        %run_scoped3A_267 = tpu.sem_alloc : memref<!tpu.dma_semaphore, #tpu.memory_space<semaphore_mem>>
        %dma_start3A_268 = arith.constant 0 : i32
        %dma_start3A_269 = tpu.memref_slice %arg12[%add3A_99, %dma_start3A_268] : memref<10000x128xf32, #tpu.memory_space<vmem_shared>> -> memref<24x128xf32, #tpu.memory_space<vmem_shared>>
        %dma_start3A_270 = arith.constant 0 : i32
        %dma_start3A_271 = tpu.memref_slice %arg12[%add3A_99, %dma_start3A_270] : memref<10000x128xf32, #tpu.memory_space<vmem_shared>> -> memref<24x128xf32, #tpu.memory_space<vmem_shared>>
        tpu.enqueue_dma source(%arg30 : memref<24x128xf32, #tpu.memory_space<vmem>>) target(%dma_start3A_271 : memref<24x128xf32, #tpu.memory_space<vmem_shared>>) target_semaphore(%run_scoped3A_267 : memref<!tpu.dma_semaphore, #tpu.memory_space<semaphore_mem>>)
        %dma_wait3A_272 = arith.constant 0 : i32
        %dma_wait3A_273 = tpu.memref_slice %arg12[%add3A_99, %dma_wait3A_272] : memref<10000x128xf32, #tpu.memory_space<vmem_shared>> -> memref<24x128xf32, #tpu.memory_space<vmem_shared>>
        %dma_wait3A_274 = arith.constant 0 : i32
        %dma_wait3A_275 = tpu.memref_slice %arg12[%add3A_99, %dma_wait3A_274] : memref<10000x128xf32, #tpu.memory_space<vmem_shared>> -> memref<24x128xf32, #tpu.memory_space<vmem_shared>>
        tpu.wait_dma2 semaphore(%run_scoped3A_267 : memref<!tpu.dma_semaphore, #tpu.memory_space<semaphore_mem>>) src(%arg30 : memref<24x128xf32, #tpu.memory_space<vmem>>) dst(%dma_wait3A_275 : memref<24x128xf32, #tpu.memory_space<vmem_shared>>)
        tpu.yield
      }) : () -> ()
      %add3A_100 = arith.constant 96 : i32
      %add3A_101 = arith.addi %mul3A_25, %add3A_100 : i32
      "tpu.region"() ({
        %run_scoped3A_267 = tpu.sem_alloc : memref<!tpu.dma_semaphore, #tpu.memory_space<semaphore_mem>>
        %dma_start3A_268 = arith.constant 0 : i32
        %dma_start3A_269 = tpu.memref_slice %arg12[%add3A_101, %dma_start3A_268] : memref<10000x128xf32, #tpu.memory_space<vmem_shared>> -> memref<24x128xf32, #tpu.memory_space<vmem_shared>>
        %dma_start3A_270 = arith.constant 0 : i32
        %dma_start3A_271 = tpu.memref_slice %arg12[%add3A_101, %dma_start3A_270] : memref<10000x128xf32, #tpu.memory_space<vmem_shared>> -> memref<24x128xf32, #tpu.memory_space<vmem_shared>>
        tpu.enqueue_dma source(%arg30 : memref<24x128xf32, #tpu.memory_space<vmem>>) target(%dma_start3A_271 : memref<24x128xf32, #tpu.memory_space<vmem_shared>>) target_semaphore(%run_scoped3A_267 : memref<!tpu.dma_semaphore, #tpu.memory_space<semaphore_mem>>)
        %dma_wait3A_272 = arith.constant 0 : i32
        %dma_wait3A_273 = tpu.memref_slice %arg12[%add3A_101, %dma_wait3A_272] : memref<10000x128xf32, #tpu.memory_space<vmem_shared>> -> memref<24x128xf32, #tpu.memory_space<vmem_shared>>
        %dma_wait3A_274 = arith.constant 0 : i32
        %dma_wait3A_275 = tpu.memref_slice %arg12[%add3A_101, %dma_wait3A_274] : memref<10000x128xf32, #tpu.memory_space<vmem_shared>> -> memref<24x128xf32, #tpu.memory_space<vmem_shared>>
        tpu.wait_dma2 semaphore(%run_scoped3A_267 : memref<!tpu.dma_semaphore, #tpu.memory_space<semaphore_mem>>) src(%arg30 : memref<24x128xf32, #tpu.memory_space<vmem>>) dst(%dma_wait3A_275 : memref<24x128xf32, #tpu.memory_space<vmem_shared>>)
        tpu.yield
      }) : () -> ()
      %add3A_102 = arith.constant 120 : i32
      %add3A_103 = arith.addi %mul3A_25, %add3A_102 : i32
      "tpu.region"() ({
        %run_scoped3A_267 = tpu.sem_alloc : memref<!tpu.dma_semaphore, #tpu.memory_space<semaphore_mem>>
        %dma_start3A_268 = arith.constant 0 : i32
        %dma_start3A_269 = tpu.memref_slice %arg12[%add3A_103, %dma_start3A_268] : memref<10000x128xf32, #tpu.memory_space<vmem_shared>> -> memref<24x128xf32, #tpu.memory_space<vmem_shared>>
        %dma_start3A_270 = arith.constant 0 : i32
        %dma_start3A_271 = tpu.memref_slice %arg12[%add3A_103, %dma_start3A_270] : memref<10000x128xf32, #tpu.memory_space<vmem_shared>> -> memref<24x128xf32, #tpu.memory_space<vmem_shared>>
        tpu.enqueue_dma source(%arg30 : memref<24x128xf32, #tpu.memory_space<vmem>>) target(%dma_start3A_271 : memref<24x128xf32, #tpu.memory_space<vmem_shared>>) target_semaphore(%run_scoped3A_267 : memref<!tpu.dma_semaphore, #tpu.memory_space<semaphore_mem>>)
        %dma_wait3A_272 = arith.constant 0 : i32
        %dma_wait3A_273 = tpu.memref_slice %arg12[%add3A_103, %dma_wait3A_272] : memref<10000x128xf32, #tpu.memory_space<vmem_shared>> -> memref<24x128xf32, #tpu.memory_space<vmem_shared>>
        %dma_wait3A_274 = arith.constant 0 : i32
        %dma_wait3A_275 = tpu.memref_slice %arg12[%add3A_103, %dma_wait3A_274] : memref<10000x128xf32, #tpu.memory_space<vmem_shared>> -> memref<24x128xf32, #tpu.memory_space<vmem_shared>>
        tpu.wait_dma2 semaphore(%run_scoped3A_267 : memref<!tpu.dma_semaphore, #tpu.memory_space<semaphore_mem>>) src(%arg30 : memref<24x128xf32, #tpu.memory_space<vmem>>) dst(%dma_wait3A_275 : memref<24x128xf32, #tpu.memory_space<vmem_shared>>)
        tpu.yield
      }) : () -> ()
      %add3A_104 = arith.constant 144 : i32
      %add3A_105 = arith.addi %mul3A_25, %add3A_104 : i32
      "tpu.region"() ({
        %run_scoped3A_267 = tpu.sem_alloc : memref<!tpu.dma_semaphore, #tpu.memory_space<semaphore_mem>>
        %dma_start3A_268 = arith.constant 0 : i32
        %dma_start3A_269 = tpu.memref_slice %arg12[%add3A_105, %dma_start3A_268] : memref<10000x128xf32, #tpu.memory_space<vmem_shared>> -> memref<24x128xf32, #tpu.memory_space<vmem_shared>>
        %dma_start3A_270 = arith.constant 0 : i32
        %dma_start3A_271 = tpu.memref_slice %arg12[%add3A_105, %dma_start3A_270] : memref<10000x128xf32, #tpu.memory_space<vmem_shared>> -> memref<24x128xf32, #tpu.memory_space<vmem_shared>>
        tpu.enqueue_dma source(%arg30 : memref<24x128xf32, #tpu.memory_space<vmem>>) target(%dma_start3A_271 : memref<24x128xf32, #tpu.memory_space<vmem_shared>>) target_semaphore(%run_scoped3A_267 : memref<!tpu.dma_semaphore, #tpu.memory_space<semaphore_mem>>)
        %dma_wait3A_272 = arith.constant 0 : i32
        %dma_wait3A_273 = tpu.memref_slice %arg12[%add3A_105, %dma_wait3A_272] : memref<10000x128xf32, #tpu.memory_space<vmem_shared>> -> memref<24x128xf32, #tpu.memory_space<vmem_shared>>
        %dma_wait3A_274 = arith.constant 0 : i32
        %dma_wait3A_275 = tpu.memref_slice %arg12[%add3A_105, %dma_wait3A_274] : memref<10000x128xf32, #tpu.memory_space<vmem_shared>> -> memref<24x128xf32, #tpu.memory_space<vmem_shared>>
        tpu.wait_dma2 semaphore(%run_scoped3A_267 : memref<!tpu.dma_semaphore, #tpu.memory_space<semaphore_mem>>) src(%arg30 : memref<24x128xf32, #tpu.memory_space<vmem>>) dst(%dma_wait3A_275 : memref<24x128xf32, #tpu.memory_space<vmem_shared>>)
        tpu.yield
      }) : () -> ()
      %add3A_106 = arith.constant 168 : i32
      %add3A_107 = arith.addi %mul3A_25, %add3A_106 : i32
      "tpu.region"() ({
        %run_scoped3A_267 = tpu.sem_alloc : memref<!tpu.dma_semaphore, #tpu.memory_space<semaphore_mem>>
        %dma_start3A_268 = arith.constant 0 : i32
        %dma_start3A_269 = tpu.memref_slice %arg12[%add3A_107, %dma_start3A_268] : memref<10000x128xf32, #tpu.memory_space<vmem_shared>> -> memref<24x128xf32, #tpu.memory_space<vmem_shared>>
        %dma_start3A_270 = arith.constant 0 : i32
        %dma_start3A_271 = tpu.memref_slice %arg12[%add3A_107, %dma_start3A_270] : memref<10000x128xf32, #tpu.memory_space<vmem_shared>> -> memref<24x128xf32, #tpu.memory_space<vmem_shared>>
        tpu.enqueue_dma source(%arg30 : memref<24x128xf32, #tpu.memory_space<vmem>>) target(%dma_start3A_271 : memref<24x128xf32, #tpu.memory_space<vmem_shared>>) target_semaphore(%run_scoped3A_267 : memref<!tpu.dma_semaphore, #tpu.memory_space<semaphore_mem>>)
        %dma_wait3A_272 = arith.constant 0 : i32
        %dma_wait3A_273 = tpu.memref_slice %arg12[%add3A_107, %dma_wait3A_272] : memref<10000x128xf32, #tpu.memory_space<vmem_shared>> -> memref<24x128xf32, #tpu.memory_space<vmem_shared>>
        %dma_wait3A_274 = arith.constant 0 : i32
        %dma_wait3A_275 = tpu.memref_slice %arg12[%add3A_107, %dma_wait3A_274] : memref<10000x128xf32, #tpu.memory_space<vmem_shared>> -> memref<24x128xf32, #tpu.memory_space<vmem_shared>>
        tpu.wait_dma2 semaphore(%run_scoped3A_267 : memref<!tpu.dma_semaphore, #tpu.memory_space<semaphore_mem>>) src(%arg30 : memref<24x128xf32, #tpu.memory_space<vmem>>) dst(%dma_wait3A_275 : memref<24x128xf32, #tpu.memory_space<vmem_shared>>)
        tpu.yield
      }) : () -> ()
      %add3A_108 = arith.constant 192 : i32
      %add3A_109 = arith.addi %mul3A_25, %add3A_108 : i32
      "tpu.region"() ({
        %run_scoped3A_267 = tpu.sem_alloc : memref<!tpu.dma_semaphore, #tpu.memory_space<semaphore_mem>>
        %dma_start3A_268 = arith.constant 0 : i32
        %dma_start3A_269 = tpu.memref_slice %arg12[%add3A_109, %dma_start3A_268] : memref<10000x128xf32, #tpu.memory_space<vmem_shared>> -> memref<24x128xf32, #tpu.memory_space<vmem_shared>>
        %dma_start3A_270 = arith.constant 0 : i32
        %dma_start3A_271 = tpu.memref_slice %arg12[%add3A_109, %dma_start3A_270] : memref<10000x128xf32, #tpu.memory_space<vmem_shared>> -> memref<24x128xf32, #tpu.memory_space<vmem_shared>>
        tpu.enqueue_dma source(%arg30 : memref<24x128xf32, #tpu.memory_space<vmem>>) target(%dma_start3A_271 : memref<24x128xf32, #tpu.memory_space<vmem_shared>>) target_semaphore(%run_scoped3A_267 : memref<!tpu.dma_semaphore, #tpu.memory_space<semaphore_mem>>)
        %dma_wait3A_272 = arith.constant 0 : i32
        %dma_wait3A_273 = tpu.memref_slice %arg12[%add3A_109, %dma_wait3A_272] : memref<10000x128xf32, #tpu.memory_space<vmem_shared>> -> memref<24x128xf32, #tpu.memory_space<vmem_shared>>
        %dma_wait3A_274 = arith.constant 0 : i32
        %dma_wait3A_275 = tpu.memref_slice %arg12[%add3A_109, %dma_wait3A_274] : memref<10000x128xf32, #tpu.memory_space<vmem_shared>> -> memref<24x128xf32, #tpu.memory_space<vmem_shared>>
        tpu.wait_dma2 semaphore(%run_scoped3A_267 : memref<!tpu.dma_semaphore, #tpu.memory_space<semaphore_mem>>) src(%arg30 : memref<24x128xf32, #tpu.memory_space<vmem>>) dst(%dma_wait3A_275 : memref<24x128xf32, #tpu.memory_space<vmem_shared>>)
        tpu.yield
      }) : () -> ()
      %add3A_110 = arith.constant 216 : i32
      %add3A_111 = arith.addi %mul3A_25, %add3A_110 : i32
      "tpu.region"() ({
        %run_scoped3A_267 = tpu.sem_alloc : memref<!tpu.dma_semaphore, #tpu.memory_space<semaphore_mem>>
        %dma_start3A_268 = arith.constant 0 : i32
        %dma_start3A_269 = tpu.memref_slice %arg12[%add3A_111, %dma_start3A_268] : memref<10000x128xf32, #tpu.memory_space<vmem_shared>> -> memref<24x128xf32, #tpu.memory_space<vmem_shared>>
        %dma_start3A_270 = arith.constant 0 : i32
        %dma_start3A_271 = tpu.memref_slice %arg12[%add3A_111, %dma_start3A_270] : memref<10000x128xf32, #tpu.memory_space<vmem_shared>> -> memref<24x128xf32, #tpu.memory_space<vmem_shared>>
        tpu.enqueue_dma source(%arg30 : memref<24x128xf32, #tpu.memory_space<vmem>>) target(%dma_start3A_271 : memref<24x128xf32, #tpu.memory_space<vmem_shared>>) target_semaphore(%run_scoped3A_267 : memref<!tpu.dma_semaphore, #tpu.memory_space<semaphore_mem>>)
        %dma_wait3A_272 = arith.constant 0 : i32
        %dma_wait3A_273 = tpu.memref_slice %arg12[%add3A_111, %dma_wait3A_272] : memref<10000x128xf32, #tpu.memory_space<vmem_shared>> -> memref<24x128xf32, #tpu.memory_space<vmem_shared>>
        %dma_wait3A_274 = arith.constant 0 : i32
        %dma_wait3A_275 = tpu.memref_slice %arg12[%add3A_111, %dma_wait3A_274] : memref<10000x128xf32, #tpu.memory_space<vmem_shared>> -> memref<24x128xf32, #tpu.memory_space<vmem_shared>>
        tpu.wait_dma2 semaphore(%run_scoped3A_267 : memref<!tpu.dma_semaphore, #tpu.memory_space<semaphore_mem>>) src(%arg30 : memref<24x128xf32, #tpu.memory_space<vmem>>) dst(%dma_wait3A_275 : memref<24x128xf32, #tpu.memory_space<vmem_shared>>)
        tpu.yield
      }) : () -> ()
      %add3A_112 = arith.constant 240 : i32
      %add3A_113 = arith.addi %mul3A_25, %add3A_112 : i32
      "tpu.region"() ({
        %run_scoped3A_267 = tpu.sem_alloc : memref<!tpu.dma_semaphore, #tpu.memory_space<semaphore_mem>>
        %dma_start3A_268 = arith.constant 0 : i32
        %dma_start3A_269 = tpu.memref_slice %arg12[%add3A_113, %dma_start3A_268] : memref<10000x128xf32, #tpu.memory_space<vmem_shared>> -> memref<24x128xf32, #tpu.memory_space<vmem_shared>>
        %dma_start3A_270 = arith.constant 0 : i32
        %dma_start3A_271 = tpu.memref_slice %arg12[%add3A_113, %dma_start3A_270] : memref<10000x128xf32, #tpu.memory_space<vmem_shared>> -> memref<24x128xf32, #tpu.memory_space<vmem_shared>>
        tpu.enqueue_dma source(%arg30 : memref<24x128xf32, #tpu.memory_space<vmem>>) target(%dma_start3A_271 : memref<24x128xf32, #tpu.memory_space<vmem_shared>>) target_semaphore(%run_scoped3A_267 : memref<!tpu.dma_semaphore, #tpu.memory_space<semaphore_mem>>)
        %dma_wait3A_272 = arith.constant 0 : i32
        %dma_wait3A_273 = tpu.memref_slice %arg12[%add3A_113, %dma_wait3A_272] : memref<10000x128xf32, #tpu.memory_space<vmem_shared>> -> memref<24x128xf32, #tpu.memory_space<vmem_shared>>
        %dma_wait3A_274 = arith.constant 0 : i32
        %dma_wait3A_275 = tpu.memref_slice %arg12[%add3A_113, %dma_wait3A_274] : memref<10000x128xf32, #tpu.memory_space<vmem_shared>> -> memref<24x128xf32, #tpu.memory_space<vmem_shared>>
        tpu.wait_dma2 semaphore(%run_scoped3A_267 : memref<!tpu.dma_semaphore, #tpu.memory_space<semaphore_mem>>) src(%arg30 : memref<24x128xf32, #tpu.memory_space<vmem>>) dst(%dma_wait3A_275 : memref<24x128xf32, #tpu.memory_space<vmem_shared>>)
        tpu.yield
      }) : () -> ()
      %add3A_114 = arith.constant 264 : i32
      %add3A_115 = arith.addi %mul3A_25, %add3A_114 : i32
      "tpu.region"() ({
        %run_scoped3A_267 = tpu.sem_alloc : memref<!tpu.dma_semaphore, #tpu.memory_space<semaphore_mem>>
        %dma_start3A_268 = arith.constant 0 : i32
        %dma_start3A_269 = tpu.memref_slice %arg12[%add3A_115, %dma_start3A_268] : memref<10000x128xf32, #tpu.memory_space<vmem_shared>> -> memref<24x128xf32, #tpu.memory_space<vmem_shared>>
        %dma_start3A_270 = arith.constant 0 : i32
        %dma_start3A_271 = tpu.memref_slice %arg12[%add3A_115, %dma_start3A_270] : memref<10000x128xf32, #tpu.memory_space<vmem_shared>> -> memref<24x128xf32, #tpu.memory_space<vmem_shared>>
        tpu.enqueue_dma source(%arg30 : memref<24x128xf32, #tpu.memory_space<vmem>>) target(%dma_start3A_271 : memref<24x128xf32, #tpu.memory_space<vmem_shared>>) target_semaphore(%run_scoped3A_267 : memref<!tpu.dma_semaphore, #tpu.memory_space<semaphore_mem>>)
        %dma_wait3A_272 = arith.constant 0 : i32
        %dma_wait3A_273 = tpu.memref_slice %arg12[%add3A_115, %dma_wait3A_272] : memref<10000x128xf32, #tpu.memory_space<vmem_shared>> -> memref<24x128xf32, #tpu.memory_space<vmem_shared>>
        %dma_wait3A_274 = arith.constant 0 : i32
        %dma_wait3A_275 = tpu.memref_slice %arg12[%add3A_115, %dma_wait3A_274] : memref<10000x128xf32, #tpu.memory_space<vmem_shared>> -> memref<24x128xf32, #tpu.memory_space<vmem_shared>>
        tpu.wait_dma2 semaphore(%run_scoped3A_267 : memref<!tpu.dma_semaphore, #tpu.memory_space<semaphore_mem>>) src(%arg30 : memref<24x128xf32, #tpu.memory_space<vmem>>) dst(%dma_wait3A_275 : memref<24x128xf32, #tpu.memory_space<vmem_shared>>)
        tpu.yield
      }) : () -> ()
      %add3A_116 = arith.constant 288 : i32
      %add3A_117 = arith.addi %mul3A_25, %add3A_116 : i32
      "tpu.region"() ({
        %run_scoped3A_267 = tpu.sem_alloc : memref<!tpu.dma_semaphore, #tpu.memory_space<semaphore_mem>>
        %dma_start3A_268 = arith.constant 0 : i32
        %dma_start3A_269 = tpu.memref_slice %arg12[%add3A_117, %dma_start3A_268] : memref<10000x128xf32, #tpu.memory_space<vmem_shared>> -> memref<24x128xf32, #tpu.memory_space<vmem_shared>>
        %dma_start3A_270 = arith.constant 0 : i32
        %dma_start3A_271 = tpu.memref_slice %arg12[%add3A_117, %dma_start3A_270] : memref<10000x128xf32, #tpu.memory_space<vmem_shared>> -> memref<24x128xf32, #tpu.memory_space<vmem_shared>>
        tpu.enqueue_dma source(%arg30 : memref<24x128xf32, #tpu.memory_space<vmem>>) target(%dma_start3A_271 : memref<24x128xf32, #tpu.memory_space<vmem_shared>>) target_semaphore(%run_scoped3A_267 : memref<!tpu.dma_semaphore, #tpu.memory_space<semaphore_mem>>)
        %dma_wait3A_272 = arith.constant 0 : i32
        %dma_wait3A_273 = tpu.memref_slice %arg12[%add3A_117, %dma_wait3A_272] : memref<10000x128xf32, #tpu.memory_space<vmem_shared>> -> memref<24x128xf32, #tpu.memory_space<vmem_shared>>
        %dma_wait3A_274 = arith.constant 0 : i32
        %dma_wait3A_275 = tpu.memref_slice %arg12[%add3A_117, %dma_wait3A_274] : memref<10000x128xf32, #tpu.memory_space<vmem_shared>> -> memref<24x128xf32, #tpu.memory_space<vmem_shared>>
        tpu.wait_dma2 semaphore(%run_scoped3A_267 : memref<!tpu.dma_semaphore, #tpu.memory_space<semaphore_mem>>) src(%arg30 : memref<24x128xf32, #tpu.memory_space<vmem>>) dst(%dma_wait3A_275 : memref<24x128xf32, #tpu.memory_space<vmem_shared>>)
        tpu.yield
      }) : () -> ()
      %add3A_118 = arith.constant 312 : i32
      %add3A_119 = arith.addi %mul3A_25, %add3A_118 : i32
      "tpu.region"() ({
        %run_scoped3A_267 = tpu.sem_alloc : memref<!tpu.dma_semaphore, #tpu.memory_space<semaphore_mem>>
        %dma_start3A_268 = arith.constant 0 : i32
        %dma_start3A_269 = tpu.memref_slice %arg12[%add3A_119, %dma_start3A_268] : memref<10000x128xf32, #tpu.memory_space<vmem_shared>> -> memref<24x128xf32, #tpu.memory_space<vmem_shared>>
        %dma_start3A_270 = arith.constant 0 : i32
        %dma_start3A_271 = tpu.memref_slice %arg12[%add3A_119, %dma_start3A_270] : memref<10000x128xf32, #tpu.memory_space<vmem_shared>> -> memref<24x128xf32, #tpu.memory_space<vmem_shared>>
        tpu.enqueue_dma source(%arg30 : memref<24x128xf32, #tpu.memory_space<vmem>>) target(%dma_start3A_271 : memref<24x128xf32, #tpu.memory_space<vmem_shared>>) target_semaphore(%run_scoped3A_267 : memref<!tpu.dma_semaphore, #tpu.memory_space<semaphore_mem>>)
        %dma_wait3A_272 = arith.constant 0 : i32
        %dma_wait3A_273 = tpu.memref_slice %arg12[%add3A_119, %dma_wait3A_272] : memref<10000x128xf32, #tpu.memory_space<vmem_shared>> -> memref<24x128xf32, #tpu.memory_space<vmem_shared>>
        %dma_wait3A_274 = arith.constant 0 : i32
        %dma_wait3A_275 = tpu.memref_slice %arg12[%add3A_119, %dma_wait3A_274] : memref<10000x128xf32, #tpu.memory_space<vmem_shared>> -> memref<24x128xf32, #tpu.memory_space<vmem_shared>>
        tpu.wait_dma2 semaphore(%run_scoped3A_267 : memref<!tpu.dma_semaphore, #tpu.memory_space<semaphore_mem>>) src(%arg30 : memref<24x128xf32, #tpu.memory_space<vmem>>) dst(%dma_wait3A_275 : memref<24x128xf32, #tpu.memory_space<vmem_shared>>)
        tpu.yield
      }) : () -> ()
      %add3A_120 = arith.constant 336 : i32
      %add3A_121 = arith.addi %mul3A_25, %add3A_120 : i32
      "tpu.region"() ({
        %run_scoped3A_267 = tpu.sem_alloc : memref<!tpu.dma_semaphore, #tpu.memory_space<semaphore_mem>>
        %dma_start3A_268 = arith.constant 0 : i32
        %dma_start3A_269 = tpu.memref_slice %arg12[%add3A_121, %dma_start3A_268] : memref<10000x128xf32, #tpu.memory_space<vmem_shared>> -> memref<24x128xf32, #tpu.memory_space<vmem_shared>>
        %dma_start3A_270 = arith.constant 0 : i32
        %dma_start3A_271 = tpu.memref_slice %arg12[%add3A_121, %dma_start3A_270] : memref<10000x128xf32, #tpu.memory_space<vmem_shared>> -> memref<24x128xf32, #tpu.memory_space<vmem_shared>>
        tpu.enqueue_dma source(%arg30 : memref<24x128xf32, #tpu.memory_space<vmem>>) target(%dma_start3A_271 : memref<24x128xf32, #tpu.memory_space<vmem_shared>>) target_semaphore(%run_scoped3A_267 : memref<!tpu.dma_semaphore, #tpu.memory_space<semaphore_mem>>)
        %dma_wait3A_272 = arith.constant 0 : i32
        %dma_wait3A_273 = tpu.memref_slice %arg12[%add3A_121, %dma_wait3A_272] : memref<10000x128xf32, #tpu.memory_space<vmem_shared>> -> memref<24x128xf32, #tpu.memory_space<vmem_shared>>
        %dma_wait3A_274 = arith.constant 0 : i32
        %dma_wait3A_275 = tpu.memref_slice %arg12[%add3A_121, %dma_wait3A_274] : memref<10000x128xf32, #tpu.memory_space<vmem_shared>> -> memref<24x128xf32, #tpu.memory_space<vmem_shared>>
        tpu.wait_dma2 semaphore(%run_scoped3A_267 : memref<!tpu.dma_semaphore, #tpu.memory_space<semaphore_mem>>) src(%arg30 : memref<24x128xf32, #tpu.memory_space<vmem>>) dst(%dma_wait3A_275 : memref<24x128xf32, #tpu.memory_space<vmem_shared>>)
        tpu.yield
      }) : () -> ()
      %add3A_122 = arith.constant 360 : i32
      %add3A_123 = arith.addi %mul3A_25, %add3A_122 : i32
      "tpu.region"() ({
        %run_scoped3A_267 = tpu.sem_alloc : memref<!tpu.dma_semaphore, #tpu.memory_space<semaphore_mem>>
        %dma_start3A_268 = arith.constant 0 : i32
        %dma_start3A_269 = tpu.memref_slice %arg12[%add3A_123, %dma_start3A_268] : memref<10000x128xf32, #tpu.memory_space<vmem_shared>> -> memref<24x128xf32, #tpu.memory_space<vmem_shared>>
        %dma_start3A_270 = arith.constant 0 : i32
        %dma_start3A_271 = tpu.memref_slice %arg12[%add3A_123, %dma_start3A_270] : memref<10000x128xf32, #tpu.memory_space<vmem_shared>> -> memref<24x128xf32, #tpu.memory_space<vmem_shared>>
        tpu.enqueue_dma source(%arg30 : memref<24x128xf32, #tpu.memory_space<vmem>>) target(%dma_start3A_271 : memref<24x128xf32, #tpu.memory_space<vmem_shared>>) target_semaphore(%run_scoped3A_267 : memref<!tpu.dma_semaphore, #tpu.memory_space<semaphore_mem>>)
        %dma_wait3A_272 = arith.constant 0 : i32
        %dma_wait3A_273 = tpu.memref_slice %arg12[%add3A_123, %dma_wait3A_272] : memref<10000x128xf32, #tpu.memory_space<vmem_shared>> -> memref<24x128xf32, #tpu.memory_space<vmem_shared>>
        %dma_wait3A_274 = arith.constant 0 : i32
        %dma_wait3A_275 = tpu.memref_slice %arg12[%add3A_123, %dma_wait3A_274] : memref<10000x128xf32, #tpu.memory_space<vmem_shared>> -> memref<24x128xf32, #tpu.memory_space<vmem_shared>>
        tpu.wait_dma2 semaphore(%run_scoped3A_267 : memref<!tpu.dma_semaphore, #tpu.memory_space<semaphore_mem>>) src(%arg30 : memref<24x128xf32, #tpu.memory_space<vmem>>) dst(%dma_wait3A_275 : memref<24x128xf32, #tpu.memory_space<vmem_shared>>)
        tpu.yield
      }) : () -> ()
      %add3A_124 = arith.constant 384 : i32
      %add3A_125 = arith.addi %mul3A_25, %add3A_124 : i32
      "tpu.region"() ({
        %run_scoped3A_267 = tpu.sem_alloc : memref<!tpu.dma_semaphore, #tpu.memory_space<semaphore_mem>>
        %dma_start3A_268 = arith.constant 0 : i32
        %dma_start3A_269 = tpu.memref_slice %arg12[%add3A_125, %dma_start3A_268] : memref<10000x128xf32, #tpu.memory_space<vmem_shared>> -> memref<24x128xf32, #tpu.memory_space<vmem_shared>>
        %dma_start3A_270 = arith.constant 0 : i32
        %dma_start3A_271 = tpu.memref_slice %arg12[%add3A_125, %dma_start3A_270] : memref<10000x128xf32, #tpu.memory_space<vmem_shared>> -> memref<24x128xf32, #tpu.memory_space<vmem_shared>>
        tpu.enqueue_dma source(%arg30 : memref<24x128xf32, #tpu.memory_space<vmem>>) target(%dma_start3A_271 : memref<24x128xf32, #tpu.memory_space<vmem_shared>>) target_semaphore(%run_scoped3A_267 : memref<!tpu.dma_semaphore, #tpu.memory_space<semaphore_mem>>)
        %dma_wait3A_272 = arith.constant 0 : i32
        %dma_wait3A_273 = tpu.memref_slice %arg12[%add3A_125, %dma_wait3A_272] : memref<10000x128xf32, #tpu.memory_space<vmem_shared>> -> memref<24x128xf32, #tpu.memory_space<vmem_shared>>
        %dma_wait3A_274 = arith.constant 0 : i32
        %dma_wait3A_275 = tpu.memref_slice %arg12[%add3A_125, %dma_wait3A_274] : memref<10000x128xf32, #tpu.memory_space<vmem_shared>> -> memref<24x128xf32, #tpu.memory_space<vmem_shared>>
        tpu.wait_dma2 semaphore(%run_scoped3A_267 : memref<!tpu.dma_semaphore, #tpu.memory_space<semaphore_mem>>) src(%arg30 : memref<24x128xf32, #tpu.memory_space<vmem>>) dst(%dma_wait3A_275 : memref<24x128xf32, #tpu.memory_space<vmem_shared>>)
        tpu.yield
      }) : () -> ()
      %add3A_126 = arith.constant 408 : i32
      %add3A_127 = arith.addi %mul3A_25, %add3A_126 : i32
      "tpu.region"() ({
        %run_scoped3A_267 = tpu.sem_alloc : memref<!tpu.dma_semaphore, #tpu.memory_space<semaphore_mem>>
        %dma_start3A_268 = arith.constant 0 : i32
        %dma_start3A_269 = tpu.memref_slice %arg12[%add3A_127, %dma_start3A_268] : memref<10000x128xf32, #tpu.memory_space<vmem_shared>> -> memref<24x128xf32, #tpu.memory_space<vmem_shared>>
        %dma_start3A_270 = arith.constant 0 : i32
        %dma_start3A_271 = tpu.memref_slice %arg12[%add3A_127, %dma_start3A_270] : memref<10000x128xf32, #tpu.memory_space<vmem_shared>> -> memref<24x128xf32, #tpu.memory_space<vmem_shared>>
        tpu.enqueue_dma source(%arg30 : memref<24x128xf32, #tpu.memory_space<vmem>>) target(%dma_start3A_271 : memref<24x128xf32, #tpu.memory_space<vmem_shared>>) target_semaphore(%run_scoped3A_267 : memref<!tpu.dma_semaphore, #tpu.memory_space<semaphore_mem>>)
        %dma_wait3A_272 = arith.constant 0 : i32
        %dma_wait3A_273 = tpu.memref_slice %arg12[%add3A_127, %dma_wait3A_272] : memref<10000x128xf32, #tpu.memory_space<vmem_shared>> -> memref<24x128xf32, #tpu.memory_space<vmem_shared>>
        %dma_wait3A_274 = arith.constant 0 : i32
        %dma_wait3A_275 = tpu.memref_slice %arg12[%add3A_127, %dma_wait3A_274] : memref<10000x128xf32, #tpu.memory_space<vmem_shared>> -> memref<24x128xf32, #tpu.memory_space<vmem_shared>>
        tpu.wait_dma2 semaphore(%run_scoped3A_267 : memref<!tpu.dma_semaphore, #tpu.memory_space<semaphore_mem>>) src(%arg30 : memref<24x128xf32, #tpu.memory_space<vmem>>) dst(%dma_wait3A_275 : memref<24x128xf32, #tpu.memory_space<vmem_shared>>)
        tpu.yield
      }) : () -> ()
      %add3A_128 = arith.constant 432 : i32
      %add3A_129 = arith.addi %mul3A_25, %add3A_128 : i32
      "tpu.region"() ({
        %run_scoped3A_267 = tpu.sem_alloc : memref<!tpu.dma_semaphore, #tpu.memory_space<semaphore_mem>>
        %dma_start3A_268 = arith.constant 0 : i32
        %dma_start3A_269 = tpu.memref_slice %arg12[%add3A_129, %dma_start3A_268] : memref<10000x128xf32, #tpu.memory_space<vmem_shared>> -> memref<24x128xf32, #tpu.memory_space<vmem_shared>>
        %dma_start3A_270 = arith.constant 0 : i32
        %dma_start3A_271 = tpu.memref_slice %arg12[%add3A_129, %dma_start3A_270] : memref<10000x128xf32, #tpu.memory_space<vmem_shared>> -> memref<24x128xf32, #tpu.memory_space<vmem_shared>>
        tpu.enqueue_dma source(%arg30 : memref<24x128xf32, #tpu.memory_space<vmem>>) target(%dma_start3A_271 : memref<24x128xf32, #tpu.memory_space<vmem_shared>>) target_semaphore(%run_scoped3A_267 : memref<!tpu.dma_semaphore, #tpu.memory_space<semaphore_mem>>)
        %dma_wait3A_272 = arith.constant 0 : i32
        %dma_wait3A_273 = tpu.memref_slice %arg12[%add3A_129, %dma_wait3A_272] : memref<10000x128xf32, #tpu.memory_space<vmem_shared>> -> memref<24x128xf32, #tpu.memory_space<vmem_shared>>
        %dma_wait3A_274 = arith.constant 0 : i32
        %dma_wait3A_275 = tpu.memref_slice %arg12[%add3A_129, %dma_wait3A_274] : memref<10000x128xf32, #tpu.memory_space<vmem_shared>> -> memref<24x128xf32, #tpu.memory_space<vmem_shared>>
        tpu.wait_dma2 semaphore(%run_scoped3A_267 : memref<!tpu.dma_semaphore, #tpu.memory_space<semaphore_mem>>) src(%arg30 : memref<24x128xf32, #tpu.memory_space<vmem>>) dst(%dma_wait3A_275 : memref<24x128xf32, #tpu.memory_space<vmem_shared>>)
        tpu.yield
      }) : () -> ()
      %add3A_130 = arith.constant 456 : i32
      %add3A_131 = arith.addi %mul3A_25, %add3A_130 : i32
      "tpu.region"() ({
        %run_scoped3A_267 = tpu.sem_alloc : memref<!tpu.dma_semaphore, #tpu.memory_space<semaphore_mem>>
        %dma_start3A_268 = arith.constant 0 : i32
        %dma_start3A_269 = tpu.memref_slice %arg12[%add3A_131, %dma_start3A_268] : memref<10000x128xf32, #tpu.memory_space<vmem_shared>> -> memref<24x128xf32, #tpu.memory_space<vmem_shared>>
        %dma_start3A_270 = arith.constant 0 : i32
        %dma_start3A_271 = tpu.memref_slice %arg12[%add3A_131, %dma_start3A_270] : memref<10000x128xf32, #tpu.memory_space<vmem_shared>> -> memref<24x128xf32, #tpu.memory_space<vmem_shared>>
        tpu.enqueue_dma source(%arg30 : memref<24x128xf32, #tpu.memory_space<vmem>>) target(%dma_start3A_271 : memref<24x128xf32, #tpu.memory_space<vmem_shared>>) target_semaphore(%run_scoped3A_267 : memref<!tpu.dma_semaphore, #tpu.memory_space<semaphore_mem>>)
        %dma_wait3A_272 = arith.constant 0 : i32
        %dma_wait3A_273 = tpu.memref_slice %arg12[%add3A_131, %dma_wait3A_272] : memref<10000x128xf32, #tpu.memory_space<vmem_shared>> -> memref<24x128xf32, #tpu.memory_space<vmem_shared>>
        %dma_wait3A_274 = arith.constant 0 : i32
        %dma_wait3A_275 = tpu.memref_slice %arg12[%add3A_131, %dma_wait3A_274] : memref<10000x128xf32, #tpu.memory_space<vmem_shared>> -> memref<24x128xf32, #tpu.memory_space<vmem_shared>>
        tpu.wait_dma2 semaphore(%run_scoped3A_267 : memref<!tpu.dma_semaphore, #tpu.memory_space<semaphore_mem>>) src(%arg30 : memref<24x128xf32, #tpu.memory_space<vmem>>) dst(%dma_wait3A_275 : memref<24x128xf32, #tpu.memory_space<vmem_shared>>)
        tpu.yield
      }) : () -> ()
      %add3A_132 = arith.constant 480 : i32
      %add3A_133 = arith.addi %mul3A_25, %add3A_132 : i32
      "tpu.region"() ({
        %run_scoped3A_267 = tpu.sem_alloc : memref<!tpu.dma_semaphore, #tpu.memory_space<semaphore_mem>>
        %dma_start3A_268 = arith.constant 0 : i32
        %dma_start3A_269 = tpu.memref_slice %arg12[%add3A_133, %dma_start3A_268] : memref<10000x128xf32, #tpu.memory_space<vmem_shared>> -> memref<24x128xf32, #tpu.memory_space<vmem_shared>>
        %dma_start3A_270 = arith.constant 0 : i32
        %dma_start3A_271 = tpu.memref_slice %arg12[%add3A_133, %dma_start3A_270] : memref<10000x128xf32, #tpu.memory_space<vmem_shared>> -> memref<24x128xf32, #tpu.memory_space<vmem_shared>>
        tpu.enqueue_dma source(%arg30 : memref<24x128xf32, #tpu.memory_space<vmem>>) target(%dma_start3A_271 : memref<24x128xf32, #tpu.memory_space<vmem_shared>>) target_semaphore(%run_scoped3A_267 : memref<!tpu.dma_semaphore, #tpu.memory_space<semaphore_mem>>)
        %dma_wait3A_272 = arith.constant 0 : i32
        %dma_wait3A_273 = tpu.memref_slice %arg12[%add3A_133, %dma_wait3A_272] : memref<10000x128xf32, #tpu.memory_space<vmem_shared>> -> memref<24x128xf32, #tpu.memory_space<vmem_shared>>
        %dma_wait3A_274 = arith.constant 0 : i32
        %dma_wait3A_275 = tpu.memref_slice %arg12[%add3A_133, %dma_wait3A_274] : memref<10000x128xf32, #tpu.memory_space<vmem_shared>> -> memref<24x128xf32, #tpu.memory_space<vmem_shared>>
        tpu.wait_dma2 semaphore(%run_scoped3A_267 : memref<!tpu.dma_semaphore, #tpu.memory_space<semaphore_mem>>) src(%arg30 : memref<24x128xf32, #tpu.memory_space<vmem>>) dst(%dma_wait3A_275 : memref<24x128xf32, #tpu.memory_space<vmem_shared>>)
        tpu.yield
      }) : () -> ()
      %add3A_134 = arith.constant 504 : i32
      %add3A_135 = arith.addi %mul3A_25, %add3A_134 : i32
      "tpu.region"() ({
        %run_scoped3A_267 = tpu.sem_alloc : memref<!tpu.dma_semaphore, #tpu.memory_space<semaphore_mem>>
        %dma_start3A_268 = arith.constant 0 : i32
        %dma_start3A_269 = tpu.memref_slice %arg12[%add3A_135, %dma_start3A_268] : memref<10000x128xf32, #tpu.memory_space<vmem_shared>> -> memref<24x128xf32, #tpu.memory_space<vmem_shared>>
        %dma_start3A_270 = arith.constant 0 : i32
        %dma_start3A_271 = tpu.memref_slice %arg12[%add3A_135, %dma_start3A_270] : memref<10000x128xf32, #tpu.memory_space<vmem_shared>> -> memref<24x128xf32, #tpu.memory_space<vmem_shared>>
        tpu.enqueue_dma source(%arg30 : memref<24x128xf32, #tpu.memory_space<vmem>>) target(%dma_start3A_271 : memref<24x128xf32, #tpu.memory_space<vmem_shared>>) target_semaphore(%run_scoped3A_267 : memref<!tpu.dma_semaphore, #tpu.memory_space<semaphore_mem>>)
        %dma_wait3A_272 = arith.constant 0 : i32
        %dma_wait3A_273 = tpu.memref_slice %arg12[%add3A_135, %dma_wait3A_272] : memref<10000x128xf32, #tpu.memory_space<vmem_shared>> -> memref<24x128xf32, #tpu.memory_space<vmem_shared>>
        %dma_wait3A_274 = arith.constant 0 : i32
        %dma_wait3A_275 = tpu.memref_slice %arg12[%add3A_135, %dma_wait3A_274] : memref<10000x128xf32, #tpu.memory_space<vmem_shared>> -> memref<24x128xf32, #tpu.memory_space<vmem_shared>>
        tpu.wait_dma2 semaphore(%run_scoped3A_267 : memref<!tpu.dma_semaphore, #tpu.memory_space<semaphore_mem>>) src(%arg30 : memref<24x128xf32, #tpu.memory_space<vmem>>) dst(%dma_wait3A_275 : memref<24x128xf32, #tpu.memory_space<vmem_shared>>)
        tpu.yield
      }) : () -> ()
      %add3A_136 = arith.constant 528 : i32
      %add3A_137 = arith.addi %mul3A_25, %add3A_136 : i32
      "tpu.region"() ({
        %run_scoped3A_267 = tpu.sem_alloc : memref<!tpu.dma_semaphore, #tpu.memory_space<semaphore_mem>>
        %dma_start3A_268 = arith.constant 0 : i32
        %dma_start3A_269 = tpu.memref_slice %arg12[%add3A_137, %dma_start3A_268] : memref<10000x128xf32, #tpu.memory_space<vmem_shared>> -> memref<24x128xf32, #tpu.memory_space<vmem_shared>>
        %dma_start3A_270 = arith.constant 0 : i32
        %dma_start3A_271 = tpu.memref_slice %arg12[%add3A_137, %dma_start3A_270] : memref<10000x128xf32, #tpu.memory_space<vmem_shared>> -> memref<24x128xf32, #tpu.memory_space<vmem_shared>>
        tpu.enqueue_dma source(%arg30 : memref<24x128xf32, #tpu.memory_space<vmem>>) target(%dma_start3A_271 : memref<24x128xf32, #tpu.memory_space<vmem_shared>>) target_semaphore(%run_scoped3A_267 : memref<!tpu.dma_semaphore, #tpu.memory_space<semaphore_mem>>)
        %dma_wait3A_272 = arith.constant 0 : i32
        %dma_wait3A_273 = tpu.memref_slice %arg12[%add3A_137, %dma_wait3A_272] : memref<10000x128xf32, #tpu.memory_space<vmem_shared>> -> memref<24x128xf32, #tpu.memory_space<vmem_shared>>
        %dma_wait3A_274 = arith.constant 0 : i32
        %dma_wait3A_275 = tpu.memref_slice %arg12[%add3A_137, %dma_wait3A_274] : memref<10000x128xf32, #tpu.memory_space<vmem_shared>> -> memref<24x128xf32, #tpu.memory_space<vmem_shared>>
        tpu.wait_dma2 semaphore(%run_scoped3A_267 : memref<!tpu.dma_semaphore, #tpu.memory_space<semaphore_mem>>) src(%arg30 : memref<24x128xf32, #tpu.memory_space<vmem>>) dst(%dma_wait3A_275 : memref<24x128xf32, #tpu.memory_space<vmem_shared>>)
        tpu.yield
      }) : () -> ()
      %add3A_138 = arith.constant 552 : i32
      %add3A_139 = arith.addi %mul3A_25, %add3A_138 : i32
      "tpu.region"() ({
        %run_scoped3A_267 = tpu.sem_alloc : memref<!tpu.dma_semaphore, #tpu.memory_space<semaphore_mem>>
        %dma_start3A_268 = arith.constant 0 : i32
        %dma_start3A_269 = tpu.memref_slice %arg12[%add3A_139, %dma_start3A_268] : memref<10000x128xf32, #tpu.memory_space<vmem_shared>> -> memref<24x128xf32, #tpu.memory_space<vmem_shared>>
        %dma_start3A_270 = arith.constant 0 : i32
        %dma_start3A_271 = tpu.memref_slice %arg12[%add3A_139, %dma_start3A_270] : memref<10000x128xf32, #tpu.memory_space<vmem_shared>> -> memref<24x128xf32, #tpu.memory_space<vmem_shared>>
        tpu.enqueue_dma source(%arg30 : memref<24x128xf32, #tpu.memory_space<vmem>>) target(%dma_start3A_271 : memref<24x128xf32, #tpu.memory_space<vmem_shared>>) target_semaphore(%run_scoped3A_267 : memref<!tpu.dma_semaphore, #tpu.memory_space<semaphore_mem>>)
        %dma_wait3A_272 = arith.constant 0 : i32
        %dma_wait3A_273 = tpu.memref_slice %arg12[%add3A_139, %dma_wait3A_272] : memref<10000x128xf32, #tpu.memory_space<vmem_shared>> -> memref<24x128xf32, #tpu.memory_space<vmem_shared>>
        %dma_wait3A_274 = arith.constant 0 : i32
        %dma_wait3A_275 = tpu.memref_slice %arg12[%add3A_139, %dma_wait3A_274] : memref<10000x128xf32, #tpu.memory_space<vmem_shared>> -> memref<24x128xf32, #tpu.memory_space<vmem_shared>>
        tpu.wait_dma2 semaphore(%run_scoped3A_267 : memref<!tpu.dma_semaphore, #tpu.memory_space<semaphore_mem>>) src(%arg30 : memref<24x128xf32, #tpu.memory_space<vmem>>) dst(%dma_wait3A_275 : memref<24x128xf32, #tpu.memory_space<vmem_shared>>)
        tpu.yield
      }) : () -> ()
      %add3A_140 = arith.constant 576 : i32
      %add3A_141 = arith.addi %mul3A_25, %add3A_140 : i32
      "tpu.region"() ({
        %run_scoped3A_267 = tpu.sem_alloc : memref<!tpu.dma_semaphore, #tpu.memory_space<semaphore_mem>>
        %dma_start3A_268 = arith.constant 0 : i32
        %dma_start3A_269 = tpu.memref_slice %arg12[%add3A_141, %dma_start3A_268] : memref<10000x128xf32, #tpu.memory_space<vmem_shared>> -> memref<24x128xf32, #tpu.memory_space<vmem_shared>>
        %dma_start3A_270 = arith.constant 0 : i32
        %dma_start3A_271 = tpu.memref_slice %arg12[%add3A_141, %dma_start3A_270] : memref<10000x128xf32, #tpu.memory_space<vmem_shared>> -> memref<24x128xf32, #tpu.memory_space<vmem_shared>>
        tpu.enqueue_dma source(%arg30 : memref<24x128xf32, #tpu.memory_space<vmem>>) target(%dma_start3A_271 : memref<24x128xf32, #tpu.memory_space<vmem_shared>>) target_semaphore(%run_scoped3A_267 : memref<!tpu.dma_semaphore, #tpu.memory_space<semaphore_mem>>)
        %dma_wait3A_272 = arith.constant 0 : i32
        %dma_wait3A_273 = tpu.memref_slice %arg12[%add3A_141, %dma_wait3A_272] : memref<10000x128xf32, #tpu.memory_space<vmem_shared>> -> memref<24x128xf32, #tpu.memory_space<vmem_shared>>
        %dma_wait3A_274 = arith.constant 0 : i32
        %dma_wait3A_275 = tpu.memref_slice %arg12[%add3A_141, %dma_wait3A_274] : memref<10000x128xf32, #tpu.memory_space<vmem_shared>> -> memref<24x128xf32, #tpu.memory_space<vmem_shared>>
        tpu.wait_dma2 semaphore(%run_scoped3A_267 : memref<!tpu.dma_semaphore, #tpu.memory_space<semaphore_mem>>) src(%arg30 : memref<24x128xf32, #tpu.memory_space<vmem>>) dst(%dma_wait3A_275 : memref<24x128xf32, #tpu.memory_space<vmem_shared>>)
        tpu.yield
      }) : () -> ()
      %add3A_142 = arith.constant 600 : i32
      %add3A_143 = arith.addi %mul3A_25, %add3A_142 : i32
      "tpu.region"() ({
        %run_scoped3A_267 = tpu.sem_alloc : memref<!tpu.dma_semaphore, #tpu.memory_space<semaphore_mem>>
        %dma_start3A_268 = arith.constant 0 : i32
        %dma_start3A_269 = tpu.memref_slice %arg12[%add3A_143, %dma_start3A_268] : memref<10000x128xf32, #tpu.memory_space<vmem_shared>> -> memref<24x128xf32, #tpu.memory_space<vmem_shared>>
        %dma_start3A_270 = arith.constant 0 : i32
        %dma_start3A_271 = tpu.memref_slice %arg12[%add3A_143, %dma_start3A_270] : memref<10000x128xf32, #tpu.memory_space<vmem_shared>> -> memref<24x128xf32, #tpu.memory_space<vmem_shared>>
        tpu.enqueue_dma source(%arg30 : memref<24x128xf32, #tpu.memory_space<vmem>>) target(%dma_start3A_271 : memref<24x128xf32, #tpu.memory_space<vmem_shared>>) target_semaphore(%run_scoped3A_267 : memref<!tpu.dma_semaphore, #tpu.memory_space<semaphore_mem>>)
        %dma_wait3A_272 = arith.constant 0 : i32
        %dma_wait3A_273 = tpu.memref_slice %arg12[%add3A_143, %dma_wait3A_272] : memref<10000x128xf32, #tpu.memory_space<vmem_shared>> -> memref<24x128xf32, #tpu.memory_space<vmem_shared>>
        %dma_wait3A_274 = arith.constant 0 : i32
        %dma_wait3A_275 = tpu.memref_slice %arg12[%add3A_143, %dma_wait3A_274] : memref<10000x128xf32, #tpu.memory_space<vmem_shared>> -> memref<24x128xf32, #tpu.memory_space<vmem_shared>>
        tpu.wait_dma2 semaphore(%run_scoped3A_267 : memref<!tpu.dma_semaphore, #tpu.memory_space<semaphore_mem>>) src(%arg30 : memref<24x128xf32, #tpu.memory_space<vmem>>) dst(%dma_wait3A_275 : memref<24x128xf32, #tpu.memory_space<vmem_shared>>)
        tpu.yield
      }) : () -> ()
      %eq3A_144 = arith.constant 0 : i32
      %eq3A_145 = arith.cmpi eq, %arg1, %eq3A_144 : i32
      %convert_element_type3A_146 = arith.extui %eq3A_145 : i1 to i32
      %cond3A_147 = arith.constant 0 : i32
      %cond3A_148 = arith.cmpi ne, %convert_element_type3A_146, %cond3A_147 : i32
      scf.if %cond3A_148 {
        "tpu.region"() ({
          %run_scoped3A_267 = tpu.sem_alloc : memref<!tpu.dma_semaphore, #tpu.memory_space<semaphore_mem>>
          %dma_start3A_268 = arith.constant 0 : i32
          %dma_start3A_269 = arith.constant 0 : i32
          %dma_start3A_270 = tpu.memref_slice %arg30[%dma_start3A_268, %dma_start3A_269] : memref<24x128xf32, #tpu.memory_space<vmem>> -> memref<16x128xf32, #tpu.memory_space<vmem>>
          %dma_start3A_271 = arith.constant 9984 : i32
          %dma_start3A_272 = arith.constant 0 : i32
          %dma_start3A_273 = tpu.memref_slice %arg12[%dma_start3A_271, %dma_start3A_272] : memref<10000x128xf32, #tpu.memory_space<vmem_shared>> -> memref<16x128xf32, #tpu.memory_space<vmem_shared>>
          %dma_start3A_274 = arith.constant 9984 : i32
          %dma_start3A_275 = arith.constant 0 : i32
          %dma_start3A_276 = tpu.memref_slice %arg12[%dma_start3A_274, %dma_start3A_275] : memref<10000x128xf32, #tpu.memory_space<vmem_shared>> -> memref<16x128xf32, #tpu.memory_space<vmem_shared>>
          %dma_start3A_277 = arith.constant 0 : i32
          %dma_start3A_278 = arith.constant 0 : i32
          %dma_start3A_279 = tpu.memref_slice %arg30[%dma_start3A_277, %dma_start3A_278] : memref<24x128xf32, #tpu.memory_space<vmem>> -> memref<16x128xf32, #tpu.memory_space<vmem>>
          tpu.enqueue_dma source(%dma_start3A_279 : memref<16x128xf32, #tpu.memory_space<vmem>>) target(%dma_start3A_276 : memref<16x128xf32, #tpu.memory_space<vmem_shared>>) target_semaphore(%run_scoped3A_267 : memref<!tpu.dma_semaphore, #tpu.memory_space<semaphore_mem>>)
          %dma_wait3A_280 = arith.constant 0 : i32
          %dma_wait3A_281 = arith.constant 0 : i32
          %dma_wait3A_282 = tpu.memref_slice %arg30[%dma_wait3A_280, %dma_wait3A_281] : memref<24x128xf32, #tpu.memory_space<vmem>> -> memref<16x128xf32, #tpu.memory_space<vmem>>
          %dma_wait3A_283 = arith.constant 9984 : i32
          %dma_wait3A_284 = arith.constant 0 : i32
          %dma_wait3A_285 = tpu.memref_slice %arg12[%dma_wait3A_283, %dma_wait3A_284] : memref<10000x128xf32, #tpu.memory_space<vmem_shared>> -> memref<16x128xf32, #tpu.memory_space<vmem_shared>>
          %dma_wait3A_286 = arith.constant 9984 : i32
          %dma_wait3A_287 = arith.constant 0 : i32
          %dma_wait3A_288 = tpu.memref_slice %arg12[%dma_wait3A_286, %dma_wait3A_287] : memref<10000x128xf32, #tpu.memory_space<vmem_shared>> -> memref<16x128xf32, #tpu.memory_space<vmem_shared>>
          %dma_wait3A_289 = arith.constant 0 : i32
          %dma_wait3A_290 = arith.constant 0 : i32
          %dma_wait3A_291 = tpu.memref_slice %arg30[%dma_wait3A_289, %dma_wait3A_290] : memref<24x128xf32, #tpu.memory_space<vmem>> -> memref<16x128xf32, #tpu.memory_space<vmem>>
          tpu.wait_dma2 semaphore(%run_scoped3A_267 : memref<!tpu.dma_semaphore, #tpu.memory_space<semaphore_mem>>) src(%dma_wait3A_291 : memref<16x128xf32, #tpu.memory_space<vmem>>) dst(%dma_wait3A_288 : memref<16x128xf32, #tpu.memory_space<vmem_shared>>)
          tpu.yield
        }) : () -> ()
      } else {
      }
      %scan3A_149 = arith.constant 0 : i32
      %scan3A_150 = arith.constant 0 : i32
      %scan3A_151 = arith.constant 80 : i32
      %scan3A_152 = arith.addi %scan3A_150, %scan3A_151 : i32
      %scan3A_153 = arith.constant 1 : i32
      scf.for %scan3A_267 = %scan3A_150 to %scan3A_152 step %scan3A_153  : i32 {
        %broadcast_in_dim3A = arith.constant 0.000000e+00 : f32
        %broadcast_in_dim3A_268 = vector.broadcast %broadcast_in_dim3A : f32 to vector<16xf32>
        %swap3A_269 = arith.index_cast %scan3A_267 : i32 to index
        %swap3A_270 = arith.constant 0 : index
        %swap3A_271 = tpu.vector_load %arg18[%swap3A_269, %swap3A_270] {strides = array<i32>} : memref<80x16xf32, #tpu.memory_space<vmem>>, vector<16xf32>,
        tpu.vector_store %arg18[%swap3A_269, %swap3A_270], %broadcast_in_dim3A_268 {strides = array<i32>} : memref<80x16xf32, #tpu.memory_space<vmem>>, vector<16xf32>,
        %broadcast_in_dim3A_272 = arith.constant 0.000000e+00 : f32
        %broadcast_in_dim3A_273 = vector.broadcast %broadcast_in_dim3A_272 : f32 to vector<16xf32>
        %swap3A_274 = arith.index_cast %scan3A_267 : i32 to index
        %swap3A_275 = arith.constant 0 : index
        %swap3A_276 = tpu.vector_load %arg25[%swap3A_274, %swap3A_275] {strides = array<i32>} : memref<80x16xf32, #tpu.memory_space<vmem>>, vector<16xf32>,
        tpu.vector_store %arg25[%swap3A_274, %swap3A_275], %broadcast_in_dim3A_273 {strides = array<i32>} : memref<80x16xf32, #tpu.memory_space<vmem>>, vector<16xf32>,
      }
      %scan3A_154 = arith.constant 80 : i32
      %barrier3A_155 = arith.constant 0 : index
      tpu.barrier barrier_id(%barrier3A_155)
      %mul3A_156 = arith.constant 320000 : i32
      %mul3A_157 = arith.muli %scan3A_91, %mul3A_156 : i32
      %mul3A_158 = arith.constant 125 : i32
      %mul3A_159 = arith.muli %add3A, %mul3A_158 : i32
      %add3A_160 = arith.constant 0 : i32
      %add3A_161 = arith.addi %mul3A_159, %add3A_160 : i32
      %mul3A_162 = arith.constant 80 : i32
      %mul3A_163 = arith.muli %add3A_161, %mul3A_162 : i32
      %add3A_164 = arith.addi %mul3A_157, %mul3A_163 : i32
      %dma_start3A = tpu.memref_slice %arg2[%add3A_164] : memref<960000xi32, #tpu.memory_space<hbm>> -> memref<80xi32, #tpu.memory_space<hbm>>
      %dma_start3A_165 = tpu.memref_slice %arg2[%add3A_164] : memref<960000xi32, #tpu.memory_space<hbm>> -> memref<80xi32, #tpu.memory_space<hbm>>
      tpu.enqueue_dma source(%dma_start3A_165 : memref<80xi32, #tpu.memory_space<hbm>>) target(%arg13 : memref<80xi32, #tpu.memory_space<vmem>>) target_semaphore(%arg31 : memref<!tpu.dma_semaphore, #tpu.memory_space<semaphore_mem>>)
      %dma_start3A_166 = tpu.memref_slice %arg3[%add3A_164] : memref<960000xi32, #tpu.memory_space<hbm>> -> memref<80xi32, #tpu.memory_space<hbm>>
      %dma_start3A_167 = tpu.memref_slice %arg3[%add3A_164] : memref<960000xi32, #tpu.memory_space<hbm>> -> memref<80xi32, #tpu.memory_space<hbm>>
      tpu.enqueue_dma source(%dma_start3A_167 : memref<80xi32, #tpu.memory_space<hbm>>) target(%arg14 : memref<80xi32, #tpu.memory_space<vmem>>) target_semaphore(%arg31 : memref<!tpu.dma_semaphore, #tpu.memory_space<semaphore_mem>>)
      %mul3A_168 = arith.constant 320000 : i32
      %mul3A_169 = arith.muli %scan3A_91, %mul3A_168 : i32
      %mul3A_170 = arith.constant 125 : i32
      %mul3A_171 = arith.muli %add3A, %mul3A_170 : i32
      %add3A_172 = arith.constant 0 : i32
      %add3A_173 = arith.addi %mul3A_171, %add3A_172 : i32
      %mul3A_174 = arith.constant 80 : i32
      %mul3A_175 = arith.muli %add3A_173, %mul3A_174 : i32
      %add3A_176 = arith.addi %mul3A_169, %mul3A_175 : i32
      %dma_wait3A = tpu.memref_slice %arg2[%add3A_176] : memref<960000xi32, #tpu.memory_space<hbm>> -> memref<80xi32, #tpu.memory_space<hbm>>
      %dma_wait3A_177 = tpu.memref_slice %arg2[%add3A_176] : memref<960000xi32, #tpu.memory_space<hbm>> -> memref<80xi32, #tpu.memory_space<hbm>>
      tpu.wait_dma2 semaphore(%arg31 : memref<!tpu.dma_semaphore, #tpu.memory_space<semaphore_mem>>) src(%dma_wait3A_177 : memref<80xi32, #tpu.memory_space<hbm>>) dst(%arg13 : memref<80xi32, #tpu.memory_space<vmem>>)
      %dma_wait3A_178 = tpu.memref_slice %arg3[%add3A_176] : memref<960000xi32, #tpu.memory_space<hbm>> -> memref<80xi32, #tpu.memory_space<hbm>>
      %dma_wait3A_179 = tpu.memref_slice %arg3[%add3A_176] : memref<960000xi32, #tpu.memory_space<hbm>> -> memref<80xi32, #tpu.memory_space<hbm>>
      tpu.wait_dma2 semaphore(%arg31 : memref<!tpu.dma_semaphore, #tpu.memory_space<semaphore_mem>>) src(%dma_wait3A_179 : memref<80xi32, #tpu.memory_space<hbm>>) dst(%arg14 : memref<80xi32, #tpu.memory_space<vmem>>)
      %dma_start3A_180 = arith.constant 0 : i32
      %dma_start3A_181 = arith.constant 0 : i32
      %dma_start3A_182 = tpu.memref_slice %arg5[%dma_start3A_180, %dma_start3A_181] : memref<10000x16xf32, #tpu.memory_space<hbm>> -> memref<10000x16xf32, #tpu.memory_space<hbm>>
      tpu.enqueue_indirect_dma source(%dma_start3A_182 : memref<10000x16xf32, #tpu.memory_space<hbm>>) target(%arg15 : memref<80x16xf32, #tpu.memory_space<vmem>>) offsets(%arg13 : memref<80xi32, #tpu.memory_space<vmem>>) semaphore(%arg32 : memref<!tpu.dma_semaphore, #tpu.memory_space<semaphore_mem>>)
      %dma_start3A_183 = arith.constant 0 : i32
      %dma_start3A_184 = arith.constant 0 : i32
      %dma_start3A_185 = tpu.memref_slice %arg6[%dma_start3A_183, %dma_start3A_184] : memref<10000x16xf32, #tpu.memory_space<hbm>> -> memref<10000x16xf32, #tpu.memory_space<hbm>>
      tpu.enqueue_indirect_dma source(%dma_start3A_185 : memref<10000x16xf32, #tpu.memory_space<hbm>>) target(%arg16 : memref<80x16xf32, #tpu.memory_space<vmem>>) offsets(%arg14 : memref<80xi32, #tpu.memory_space<vmem>>) semaphore(%arg32 : memref<!tpu.dma_semaphore, #tpu.memory_space<semaphore_mem>>)
      %dma_start3A_186 = arith.constant 0 : i32
      %dma_start3A_187 = arith.constant 0 : i32
      %dma_start3A_188 = tpu.memref_slice %arg4[%dma_start3A_186, %dma_start3A_187] : memref<10000x128xf32, #tpu.memory_space<hbm>> -> memref<10000x128xf32, #tpu.memory_space<hbm>>
      tpu.enqueue_indirect_dma source(%dma_start3A_188 : memref<10000x128xf32, #tpu.memory_space<hbm>>) target(%arg17 : memref<80x128xf32, #tpu.memory_space<vmem>>) offsets(%arg13 : memref<80xi32, #tpu.memory_space<vmem>>) semaphore(%arg32 : memref<!tpu.dma_semaphore, #tpu.memory_space<semaphore_mem>>)
      %mul3A_189 = arith.constant 320000 : i32
      %mul3A_190 = arith.muli %scan3A_91, %mul3A_189 : i32
      %mul3A_191 = arith.constant 125 : i32
      %mul3A_192 = arith.muli %add3A, %mul3A_191 : i32
      %add3A_193 = arith.constant 1 : i32
      %add3A_194 = arith.addi %mul3A_192, %add3A_193 : i32
      %mul3A_195 = arith.constant 80 : i32
      %mul3A_196 = arith.muli %add3A_194, %mul3A_195 : i32
      %add3A_197 = arith.addi %mul3A_190, %mul3A_196 : i32
      %dma_start3A_198 = tpu.memref_slice %arg2[%add3A_197] : memref<960000xi32, #tpu.memory_space<hbm>> -> memref<80xi32, #tpu.memory_space<hbm>>
      %dma_start3A_199 = tpu.memref_slice %arg2[%add3A_197] : memref<960000xi32, #tpu.memory_space<hbm>> -> memref<80xi32, #tpu.memory_space<hbm>>
      tpu.enqueue_dma source(%dma_start3A_199 : memref<80xi32, #tpu.memory_space<hbm>>) target(%arg20 : memref<80xi32, #tpu.memory_space<vmem>>) target_semaphore(%arg34 : memref<!tpu.dma_semaphore, #tpu.memory_space<semaphore_mem>>)
      %dma_start3A_200 = tpu.memref_slice %arg3[%add3A_197] : memref<960000xi32, #tpu.memory_space<hbm>> -> memref<80xi32, #tpu.memory_space<hbm>>
      %dma_start3A_201 = tpu.memref_slice %arg3[%add3A_197] : memref<960000xi32, #tpu.memory_space<hbm>> -> memref<80xi32, #tpu.memory_space<hbm>>
      tpu.enqueue_dma source(%dma_start3A_201 : memref<80xi32, #tpu.memory_space<hbm>>) target(%arg21 : memref<80xi32, #tpu.memory_space<vmem>>) target_semaphore(%arg34 : memref<!tpu.dma_semaphore, #tpu.memory_space<semaphore_mem>>)
      %scan3A_202 = arith.constant 0 : i32
      %scan3A_203 = arith.constant 0 : i32
      %scan3A_204 = arith.constant 62 : i32
      %scan3A_205 = arith.addi %scan3A_203, %scan3A_204 : i32
      %scan3A_206 = arith.constant 1 : i32
      scf.for %scan3A_267 = %scan3A_203 to %scan3A_205 step %scan3A_206  : i32 {
        %mul3A_268 = arith.constant 2 : i32
        %mul3A_269 = arith.muli %mul3A_268, %scan3A_267 : i32
        %add3A_270 = arith.constant 1 : i32
        %add3A_271 = arith.addi %mul3A_269, %add3A_270 : i32
        %mul3A_272 = arith.constant 320000 : i32
        %mul3A_273 = arith.muli %scan3A_91, %mul3A_272 : i32
        %mul3A_274 = arith.constant 125 : i32
        %mul3A_275 = arith.muli %add3A, %mul3A_274 : i32
        %add3A_276 = arith.addi %mul3A_275, %add3A_271 : i32
        %mul3A_277 = arith.constant 80 : i32
        %mul3A_278 = arith.muli %add3A_276, %mul3A_277 : i32
        %add3A_279 = arith.addi %mul3A_273, %mul3A_278 : i32
        %dma_wait3A_280 = tpu.memref_slice %arg2[%add3A_279] : memref<960000xi32, #tpu.memory_space<hbm>> -> memref<80xi32, #tpu.memory_space<hbm>>
        %dma_wait3A_281 = tpu.memref_slice %arg2[%add3A_279] : memref<960000xi32, #tpu.memory_space<hbm>> -> memref<80xi32, #tpu.memory_space<hbm>>
        tpu.wait_dma2 semaphore(%arg34 : memref<!tpu.dma_semaphore, #tpu.memory_space<semaphore_mem>>) src(%dma_wait3A_281 : memref<80xi32, #tpu.memory_space<hbm>>) dst(%arg20 : memref<80xi32, #tpu.memory_space<vmem>>)
        %dma_wait3A_282 = tpu.memref_slice %arg3[%add3A_279] : memref<960000xi32, #tpu.memory_space<hbm>> -> memref<80xi32, #tpu.memory_space<hbm>>
        %dma_wait3A_283 = tpu.memref_slice %arg3[%add3A_279] : memref<960000xi32, #tpu.memory_space<hbm>> -> memref<80xi32, #tpu.memory_space<hbm>>
        tpu.wait_dma2 semaphore(%arg34 : memref<!tpu.dma_semaphore, #tpu.memory_space<semaphore_mem>>) src(%dma_wait3A_283 : memref<80xi32, #tpu.memory_space<hbm>>) dst(%arg21 : memref<80xi32, #tpu.memory_space<vmem>>)
        %gt3A = arith.constant 0 : i32
        %gt3A_284 = arith.cmpi sgt, %scan3A_267, %gt3A : i32
        %convert_element_type3A_285 = arith.extui %gt3A_284 : i1 to i32
        %cond3A_286 = arith.constant 0 : i32
        %cond3A_287 = arith.cmpi ne, %convert_element_type3A_285, %cond3A_286 : i32
        scf.if %cond3A_287 {
          %dma_wait3A_430 = arith.constant 0 : i32
          %dma_wait3A_431 = arith.constant 0 : i32
          %dma_wait3A_432 = tpu.memref_slice %arg11[%dma_wait3A_430, %dma_wait3A_431] : memref<10000x16xf32, #tpu.memory_space<vmem_shared>> -> memref<10000x16xf32, #tpu.memory_space<vmem_shared>>
          tpu.wait_indirect_dma semaphore(%arg36 : memref<!tpu.dma_semaphore, #tpu.memory_space<semaphore_mem>>) src(%arg25 : memref<80x16xf32, #tpu.memory_space<vmem>>) dst(%dma_wait3A_432 : memref<10000x16xf32, #tpu.memory_space<vmem_shared>>)
          %dma_wait3A_433 = arith.constant 0 : i32
          %dma_wait3A_434 = arith.constant 0 : i32
          %dma_wait3A_435 = tpu.memref_slice %arg12[%dma_wait3A_433, %dma_wait3A_434] : memref<10000x128xf32, #tpu.memory_space<vmem_shared>> -> memref<10000x128xf32, #tpu.memory_space<vmem_shared>>
          tpu.wait_indirect_dma semaphore(%arg36 : memref<!tpu.dma_semaphore, #tpu.memory_space<semaphore_mem>>) src(%arg24 : memref<80x128xf32, #tpu.memory_space<vmem>>) dst(%dma_wait3A_435 : memref<10000x128xf32, #tpu.memory_space<vmem_shared>>)
        } else {
        }
        %dma_start3A_288 = arith.constant 0 : i32
        %dma_start3A_289 = arith.constant 0 : i32
        %dma_start3A_290 = tpu.memref_slice %arg5[%dma_start3A_288, %dma_start3A_289] : memref<10000x16xf32, #tpu.memory_space<hbm>> -> memref<10000x16xf32, #tpu.memory_space<hbm>>
        tpu.enqueue_indirect_dma source(%dma_start3A_290 : memref<10000x16xf32, #tpu.memory_space<hbm>>) target(%arg22 : memref<80x16xf32, #tpu.memory_space<vmem>>) offsets(%arg20 : memref<80xi32, #tpu.memory_space<vmem>>) semaphore(%arg35 : memref<!tpu.dma_semaphore, #tpu.memory_space<semaphore_mem>>)
        %dma_start3A_291 = arith.constant 0 : i32
        %dma_start3A_292 = arith.constant 0 : i32
        %dma_start3A_293 = tpu.memref_slice %arg6[%dma_start3A_291, %dma_start3A_292] : memref<10000x16xf32, #tpu.memory_space<hbm>> -> memref<10000x16xf32, #tpu.memory_space<hbm>>
        tpu.enqueue_indirect_dma source(%dma_start3A_293 : memref<10000x16xf32, #tpu.memory_space<hbm>>) target(%arg23 : memref<80x16xf32, #tpu.memory_space<vmem>>) offsets(%arg21 : memref<80xi32, #tpu.memory_space<vmem>>) semaphore(%arg35 : memref<!tpu.dma_semaphore, #tpu.memory_space<semaphore_mem>>)
        %dma_start3A_294 = arith.constant 0 : i32
        %dma_start3A_295 = arith.constant 0 : i32
        %dma_start3A_296 = tpu.memref_slice %arg4[%dma_start3A_294, %dma_start3A_295] : memref<10000x128xf32, #tpu.memory_space<hbm>> -> memref<10000x128xf32, #tpu.memory_space<hbm>>
        tpu.enqueue_indirect_dma source(%dma_start3A_296 : memref<10000x128xf32, #tpu.memory_space<hbm>>) target(%arg24 : memref<80x128xf32, #tpu.memory_space<vmem>>) offsets(%arg20 : memref<80xi32, #tpu.memory_space<vmem>>) semaphore(%arg35 : memref<!tpu.dma_semaphore, #tpu.memory_space<semaphore_mem>>)
        %dma_wait3A_297 = arith.constant 0 : i32
        %dma_wait3A_298 = arith.constant 0 : i32
        %dma_wait3A_299 = tpu.memref_slice %arg5[%dma_wait3A_297, %dma_wait3A_298] : memref<10000x16xf32, #tpu.memory_space<hbm>> -> memref<10000x16xf32, #tpu.memory_space<hbm>>
        tpu.wait_indirect_dma semaphore(%arg32 : memref<!tpu.dma_semaphore, #tpu.memory_space<semaphore_mem>>) src(%dma_wait3A_299 : memref<10000x16xf32, #tpu.memory_space<hbm>>) dst(%arg15 : memref<80x16xf32, #tpu.memory_space<vmem>>)
        %dma_wait3A_300 = arith.constant 0 : i32
        %dma_wait3A_301 = arith.constant 0 : i32
        %dma_wait3A_302 = tpu.memref_slice %arg6[%dma_wait3A_300, %dma_wait3A_301] : memref<10000x16xf32, #tpu.memory_space<hbm>> -> memref<10000x16xf32, #tpu.memory_space<hbm>>
        tpu.wait_indirect_dma semaphore(%arg32 : memref<!tpu.dma_semaphore, #tpu.memory_space<semaphore_mem>>) src(%dma_wait3A_302 : memref<10000x16xf32, #tpu.memory_space<hbm>>) dst(%arg16 : memref<80x16xf32, #tpu.memory_space<vmem>>)
        %dma_wait3A_303 = arith.constant 0 : i32
        %dma_wait3A_304 = arith.constant 0 : i32
        %dma_wait3A_305 = tpu.memref_slice %arg4[%dma_wait3A_303, %dma_wait3A_304] : memref<10000x128xf32, #tpu.memory_space<hbm>> -> memref<10000x128xf32, #tpu.memory_space<hbm>>
        tpu.wait_indirect_dma semaphore(%arg32 : memref<!tpu.dma_semaphore, #tpu.memory_space<semaphore_mem>>) src(%dma_wait3A_305 : memref<10000x128xf32, #tpu.memory_space<hbm>>) dst(%arg17 : memref<80x128xf32, #tpu.memory_space<vmem>>)
        %parallel_loop3A_306 = arith.constant 0 : i32
        %parallel_loop3A_307 = arith.constant 80 : i32
        %parallel_loop3A_308 = arith.constant 16 : i32
        scf.for %parallel_loop3A_430 = %parallel_loop3A_306 to %parallel_loop3A_307 step %parallel_loop3A_308  : i32 {
          %parallel_loop3A_431 = vector.broadcast %parallel_loop3A_430 : i32 to vector<16xi32>
          %parallel_loop3A_432 = arith.addi %parallel_loop3A_431, %iota3A : vector<16xi32>
          %parallel_loop3A_433 = arith.constant 0 : i32
          %parallel_loop3A_434 = vector.broadcast %parallel_loop3A_433 : i32 to vector<16xi32>
          %parallel_loop3A_435 = arith.constant 4 : i32
          %parallel_loop3A_436 = arith.muli %parallel_loop3A_435, %scan3A_91 : i32
          %parallel_loop3A_437 = vector.broadcast %parallel_loop3A_436 : i32 to vector<16xi32>
          %parallel_loop3A_438 = arith.addi %parallel_loop3A_434, %parallel_loop3A_437 : vector<16xi32>
          %parallel_loop3A_439 = tpu.vector_load_idx %arg15[%parallel_loop3A_432, %parallel_loop3A_438] : memref<80x16xf32, #tpu.memory_space<vmem>>[vector<16xi32>, vector<16xi32>], vector<16xf32>,
          %parallel_loop3A_440 = tpu.vector_load_idx %arg16[%parallel_loop3A_432, %parallel_loop3A_438] : memref<80x16xf32, #tpu.memory_space<vmem>>[vector<16xi32>, vector<16xi32>], vector<16xf32>,
          %parallel_loop3A_441 = arith.addf %parallel_loop3A_439, %parallel_loop3A_440 : vector<16xf32>
          %parallel_loop3A_442 = arith.constant 2.000000e-01 : f32
          %parallel_loop3A_443 = vector.broadcast %parallel_loop3A_442 : f32 to vector<16xf32>
          %parallel_loop3A_444 = arith.mulf %parallel_loop3A_443, %parallel_loop3A_441 : vector<16xf32>
          %parallel_loop3A_445 = arith.maximumf %parallel_loop3A_441, %parallel_loop3A_444 : vector<16xf32>
          %parallel_loop3A_446 = tpu.vector_load_idx %arg28[%parallel_loop3A_438] : memref<16xf32, #tpu.memory_space<vmem>>[vector<16xi32>], vector<16xf32>,
          %parallel_loop3A_447 = arith.subf %parallel_loop3A_445, %parallel_loop3A_446 : vector<16xf32>
          %parallel_loop3A_448 = math.exp %parallel_loop3A_447 : vector<16xf32>
          tpu.vector_store_idx %arg18[%parallel_loop3A_432, %parallel_loop3A_438], %parallel_loop3A_448 : memref<80x16xf32, #tpu.memory_space<vmem>>[vector<16xi32>, vector<16xi32>], vector<16xf32>,
          %parallel_loop3A_449 = arith.constant 1 : i32
          %parallel_loop3A_450 = vector.broadcast %parallel_loop3A_449 : i32 to vector<16xi32>
          %parallel_loop3A_451 = arith.constant 4 : i32
          %parallel_loop3A_452 = arith.muli %parallel_loop3A_451, %scan3A_91 : i32
          %parallel_loop3A_453 = vector.broadcast %parallel_loop3A_452 : i32 to vector<16xi32>
          %parallel_loop3A_454 = arith.addi %parallel_loop3A_450, %parallel_loop3A_453 : vector<16xi32>
          %parallel_loop3A_455 = tpu.vector_load_idx %arg15[%parallel_loop3A_432, %parallel_loop3A_454] : memref<80x16xf32, #tpu.memory_space<vmem>>[vector<16xi32>, vector<16xi32>], vector<16xf32>,
          %parallel_loop3A_456 = tpu.vector_load_idx %arg16[%parallel_loop3A_432, %parallel_loop3A_454] : memref<80x16xf32, #tpu.memory_space<vmem>>[vector<16xi32>, vector<16xi32>], vector<16xf32>,
          %parallel_loop3A_457 = arith.addf %parallel_loop3A_455, %parallel_loop3A_456 : vector<16xf32>
          %parallel_loop3A_458 = arith.constant 2.000000e-01 : f32
          %parallel_loop3A_459 = vector.broadcast %parallel_loop3A_458 : f32 to vector<16xf32>
          %parallel_loop3A_460 = arith.mulf %parallel_loop3A_459, %parallel_loop3A_457 : vector<16xf32>
          %parallel_loop3A_461 = arith.maximumf %parallel_loop3A_457, %parallel_loop3A_460 : vector<16xf32>
          %parallel_loop3A_462 = tpu.vector_load_idx %arg28[%parallel_loop3A_454] : memref<16xf32, #tpu.memory_space<vmem>>[vector<16xi32>], vector<16xf32>,
          %parallel_loop3A_463 = arith.subf %parallel_loop3A_461, %parallel_loop3A_462 : vector<16xf32>
          %parallel_loop3A_464 = math.exp %parallel_loop3A_463 : vector<16xf32>
          tpu.vector_store_idx %arg18[%parallel_loop3A_432, %parallel_loop3A_454], %parallel_loop3A_464 : memref<80x16xf32, #tpu.memory_space<vmem>>[vector<16xi32>, vector<16xi32>], vector<16xf32>,
          %parallel_loop3A_465 = arith.constant 2 : i32
          %parallel_loop3A_466 = vector.broadcast %parallel_loop3A_465 : i32 to vector<16xi32>
          %parallel_loop3A_467 = arith.constant 4 : i32
          %parallel_loop3A_468 = arith.muli %parallel_loop3A_467, %scan3A_91 : i32
          %parallel_loop3A_469 = vector.broadcast %parallel_loop3A_468 : i32 to vector<16xi32>
          %parallel_loop3A_470 = arith.addi %parallel_loop3A_466, %parallel_loop3A_469 : vector<16xi32>
          %parallel_loop3A_471 = tpu.vector_load_idx %arg15[%parallel_loop3A_432, %parallel_loop3A_470] : memref<80x16xf32, #tpu.memory_space<vmem>>[vector<16xi32>, vector<16xi32>], vector<16xf32>,
          %parallel_loop3A_472 = tpu.vector_load_idx %arg16[%parallel_loop3A_432, %parallel_loop3A_470] : memref<80x16xf32, #tpu.memory_space<vmem>>[vector<16xi32>, vector<16xi32>], vector<16xf32>,
          %parallel_loop3A_473 = arith.addf %parallel_loop3A_471, %parallel_loop3A_472 : vector<16xf32>
          %parallel_loop3A_474 = arith.constant 2.000000e-01 : f32
          %parallel_loop3A_475 = vector.broadcast %parallel_loop3A_474 : f32 to vector<16xf32>
          %parallel_loop3A_476 = arith.mulf %parallel_loop3A_475, %parallel_loop3A_473 : vector<16xf32>
          %parallel_loop3A_477 = arith.maximumf %parallel_loop3A_473, %parallel_loop3A_476 : vector<16xf32>
          %parallel_loop3A_478 = tpu.vector_load_idx %arg28[%parallel_loop3A_470] : memref<16xf32, #tpu.memory_space<vmem>>[vector<16xi32>], vector<16xf32>,
          %parallel_loop3A_479 = arith.subf %parallel_loop3A_477, %parallel_loop3A_478 : vector<16xf32>
          %parallel_loop3A_480 = math.exp %parallel_loop3A_479 : vector<16xf32>
          tpu.vector_store_idx %arg18[%parallel_loop3A_432, %parallel_loop3A_470], %parallel_loop3A_480 : memref<80x16xf32, #tpu.memory_space<vmem>>[vector<16xi32>, vector<16xi32>], vector<16xf32>,
          %parallel_loop3A_481 = arith.constant 3 : i32
          %parallel_loop3A_482 = vector.broadcast %parallel_loop3A_481 : i32 to vector<16xi32>
          %parallel_loop3A_483 = arith.constant 4 : i32
          %parallel_loop3A_484 = arith.muli %parallel_loop3A_483, %scan3A_91 : i32
          %parallel_loop3A_485 = vector.broadcast %parallel_loop3A_484 : i32 to vector<16xi32>
          %parallel_loop3A_486 = arith.addi %parallel_loop3A_482, %parallel_loop3A_485 : vector<16xi32>
          %parallel_loop3A_487 = tpu.vector_load_idx %arg15[%parallel_loop3A_432, %parallel_loop3A_486] : memref<80x16xf32, #tpu.memory_space<vmem>>[vector<16xi32>, vector<16xi32>], vector<16xf32>,
          %parallel_loop3A_488 = tpu.vector_load_idx %arg16[%parallel_loop3A_432, %parallel_loop3A_486] : memref<80x16xf32, #tpu.memory_space<vmem>>[vector<16xi32>, vector<16xi32>], vector<16xf32>,
          %parallel_loop3A_489 = arith.addf %parallel_loop3A_487, %parallel_loop3A_488 : vector<16xf32>
          %parallel_loop3A_490 = arith.constant 2.000000e-01 : f32
          %parallel_loop3A_491 = vector.broadcast %parallel_loop3A_490 : f32 to vector<16xf32>
          %parallel_loop3A_492 = arith.mulf %parallel_loop3A_491, %parallel_loop3A_489 : vector<16xf32>
          %parallel_loop3A_493 = arith.maximumf %parallel_loop3A_489, %parallel_loop3A_492 : vector<16xf32>
          %parallel_loop3A_494 = tpu.vector_load_idx %arg28[%parallel_loop3A_486] : memref<16xf32, #tpu.memory_space<vmem>>[vector<16xi32>], vector<16xf32>,
          %parallel_loop3A_495 = arith.subf %parallel_loop3A_493, %parallel_loop3A_494 : vector<16xf32>
          %parallel_loop3A_496 = math.exp %parallel_loop3A_495 : vector<16xf32>
          tpu.vector_store_idx %arg18[%parallel_loop3A_432, %parallel_loop3A_486], %parallel_loop3A_496 : memref<80x16xf32, #tpu.memory_space<vmem>>[vector<16xi32>, vector<16xi32>], vector<16xf32>,
        } {sc.loop_unroll_factor = 2 : i64, sc.parallel_access}
        %parallel_loop3A_309 = arith.constant 0 : i32
        %parallel_loop3A_310 = arith.constant 80 : i32
        %parallel_loop3A_311 = arith.constant 1 : i32
        scf.for %parallel_loop3A_430 = %parallel_loop3A_309 to %parallel_loop3A_310 step %parallel_loop3A_311  : i32 {
          %parallel_loop3A_431 = vector.broadcast %parallel_loop3A_430 : i32 to vector<16xi32>
          %parallel_loop3A_432 = arith.constant 0 : i32
          %parallel_loop3A_433 = vector.broadcast %parallel_loop3A_432 : i32 to vector<16xi32>
          %parallel_loop3A_434 = arith.constant 4 : i32
          %parallel_loop3A_435 = arith.muli %parallel_loop3A_434, %scan3A_91 : i32
          %parallel_loop3A_436 = vector.broadcast %parallel_loop3A_435 : i32 to vector<16xi32>
          %parallel_loop3A_437 = arith.addi %parallel_loop3A_433, %parallel_loop3A_436 : vector<16xi32>
          %parallel_loop3A_438 = tpu.vector_load_idx %arg18[%parallel_loop3A_431, %parallel_loop3A_437] : memref<80x16xf32, #tpu.memory_space<vmem>>[vector<16xi32>, vector<16xi32>], vector<16xf32>,
          %parallel_loop3A_439 = arith.index_cast %parallel_loop3A_430 : i32 to index
          %parallel_loop3A_440 = arith.constant 0 : index
          %parallel_loop3A_441 = tpu.vector_load %arg17[%parallel_loop3A_439, %parallel_loop3A_440] {strides = array<i32>} : memref<80x128xf32, #tpu.memory_space<vmem>>, vector<16xf32>,
          %parallel_loop3A_442 = arith.mulf %parallel_loop3A_441, %parallel_loop3A_438 : vector<16xf32>
          %parallel_loop3A_443 = arith.index_cast %parallel_loop3A_430 : i32 to index
          %parallel_loop3A_444 = arith.constant 0 : index
          %parallel_loop3A_445 = tpu.vector_load %arg17[%parallel_loop3A_443, %parallel_loop3A_444] {strides = array<i32>} : memref<80x128xf32, #tpu.memory_space<vmem>>, vector<16xf32>,
          tpu.vector_store %arg17[%parallel_loop3A_443, %parallel_loop3A_444], %parallel_loop3A_442 {strides = array<i32>} : memref<80x128xf32, #tpu.memory_space<vmem>>, vector<16xf32>,
          %parallel_loop3A_446 = arith.index_cast %parallel_loop3A_430 : i32 to index
          %parallel_loop3A_447 = arith.constant 16 : index
          %parallel_loop3A_448 = tpu.vector_load %arg17[%parallel_loop3A_446, %parallel_loop3A_447] {strides = array<i32>} : memref<80x128xf32, #tpu.memory_space<vmem>>, vector<16xf32>,
          %parallel_loop3A_449 = arith.mulf %parallel_loop3A_448, %parallel_loop3A_438 : vector<16xf32>
          %parallel_loop3A_450 = arith.index_cast %parallel_loop3A_430 : i32 to index
          %parallel_loop3A_451 = arith.constant 16 : index
          %parallel_loop3A_452 = tpu.vector_load %arg17[%parallel_loop3A_450, %parallel_loop3A_451] {strides = array<i32>} : memref<80x128xf32, #tpu.memory_space<vmem>>, vector<16xf32>,
          tpu.vector_store %arg17[%parallel_loop3A_450, %parallel_loop3A_451], %parallel_loop3A_449 {strides = array<i32>} : memref<80x128xf32, #tpu.memory_space<vmem>>, vector<16xf32>,
          %parallel_loop3A_453 = arith.constant 1 : i32
          %parallel_loop3A_454 = vector.broadcast %parallel_loop3A_453 : i32 to vector<16xi32>
          %parallel_loop3A_455 = arith.constant 4 : i32
          %parallel_loop3A_456 = arith.muli %parallel_loop3A_455, %scan3A_91 : i32
          %parallel_loop3A_457 = vector.broadcast %parallel_loop3A_456 : i32 to vector<16xi32>
          %parallel_loop3A_458 = arith.addi %parallel_loop3A_454, %parallel_loop3A_457 : vector<16xi32>
          %parallel_loop3A_459 = tpu.vector_load_idx %arg18[%parallel_loop3A_431, %parallel_loop3A_458] : memref<80x16xf32, #tpu.memory_space<vmem>>[vector<16xi32>, vector<16xi32>], vector<16xf32>,
          %parallel_loop3A_460 = arith.index_cast %parallel_loop3A_430 : i32 to index
          %parallel_loop3A_461 = arith.constant 32 : index
          %parallel_loop3A_462 = tpu.vector_load %arg17[%parallel_loop3A_460, %parallel_loop3A_461] {strides = array<i32>} : memref<80x128xf32, #tpu.memory_space<vmem>>, vector<16xf32>,
          %parallel_loop3A_463 = arith.mulf %parallel_loop3A_462, %parallel_loop3A_459 : vector<16xf32>
          %parallel_loop3A_464 = arith.index_cast %parallel_loop3A_430 : i32 to index
          %parallel_loop3A_465 = arith.constant 32 : index
          %parallel_loop3A_466 = tpu.vector_load %arg17[%parallel_loop3A_464, %parallel_loop3A_465] {strides = array<i32>} : memref<80x128xf32, #tpu.memory_space<vmem>>, vector<16xf32>,
          tpu.vector_store %arg17[%parallel_loop3A_464, %parallel_loop3A_465], %parallel_loop3A_463 {strides = array<i32>} : memref<80x128xf32, #tpu.memory_space<vmem>>, vector<16xf32>,
          %parallel_loop3A_467 = arith.index_cast %parallel_loop3A_430 : i32 to index
          %parallel_loop3A_468 = arith.constant 48 : index
          %parallel_loop3A_469 = tpu.vector_load %arg17[%parallel_loop3A_467, %parallel_loop3A_468] {strides = array<i32>} : memref<80x128xf32, #tpu.memory_space<vmem>>, vector<16xf32>,
          %parallel_loop3A_470 = arith.mulf %parallel_loop3A_469, %parallel_loop3A_459 : vector<16xf32>
          %parallel_loop3A_471 = arith.index_cast %parallel_loop3A_430 : i32 to index
          %parallel_loop3A_472 = arith.constant 48 : index
          %parallel_loop3A_473 = tpu.vector_load %arg17[%parallel_loop3A_471, %parallel_loop3A_472] {strides = array<i32>} : memref<80x128xf32, #tpu.memory_space<vmem>>, vector<16xf32>,
          tpu.vector_store %arg17[%parallel_loop3A_471, %parallel_loop3A_472], %parallel_loop3A_470 {strides = array<i32>} : memref<80x128xf32, #tpu.memory_space<vmem>>, vector<16xf32>,
          %parallel_loop3A_474 = arith.constant 2 : i32
          %parallel_loop3A_475 = vector.broadcast %parallel_loop3A_474 : i32 to vector<16xi32>
          %parallel_loop3A_476 = arith.constant 4 : i32
          %parallel_loop3A_477 = arith.muli %parallel_loop3A_476, %scan3A_91 : i32
          %parallel_loop3A_478 = vector.broadcast %parallel_loop3A_477 : i32 to vector<16xi32>
          %parallel_loop3A_479 = arith.addi %parallel_loop3A_475, %parallel_loop3A_478 : vector<16xi32>
          %parallel_loop3A_480 = tpu.vector_load_idx %arg18[%parallel_loop3A_431, %parallel_loop3A_479] : memref<80x16xf32, #tpu.memory_space<vmem>>[vector<16xi32>, vector<16xi32>], vector<16xf32>,
          %parallel_loop3A_481 = arith.index_cast %parallel_loop3A_430 : i32 to index
          %parallel_loop3A_482 = arith.constant 64 : index
          %parallel_loop3A_483 = tpu.vector_load %arg17[%parallel_loop3A_481, %parallel_loop3A_482] {strides = array<i32>} : memref<80x128xf32, #tpu.memory_space<vmem>>, vector<16xf32>,
          %parallel_loop3A_484 = arith.mulf %parallel_loop3A_483, %parallel_loop3A_480 : vector<16xf32>
          %parallel_loop3A_485 = arith.index_cast %parallel_loop3A_430 : i32 to index
          %parallel_loop3A_486 = arith.constant 64 : index
          %parallel_loop3A_487 = tpu.vector_load %arg17[%parallel_loop3A_485, %parallel_loop3A_486] {strides = array<i32>} : memref<80x128xf32, #tpu.memory_space<vmem>>, vector<16xf32>,
          tpu.vector_store %arg17[%parallel_loop3A_485, %parallel_loop3A_486], %parallel_loop3A_484 {strides = array<i32>} : memref<80x128xf32, #tpu.memory_space<vmem>>, vector<16xf32>,
          %parallel_loop3A_488 = arith.index_cast %parallel_loop3A_430 : i32 to index
          %parallel_loop3A_489 = arith.constant 80 : index
          %parallel_loop3A_490 = tpu.vector_load %arg17[%parallel_loop3A_488, %parallel_loop3A_489] {strides = array<i32>} : memref<80x128xf32, #tpu.memory_space<vmem>>, vector<16xf32>,
          %parallel_loop3A_491 = arith.mulf %parallel_loop3A_490, %parallel_loop3A_480 : vector<16xf32>
          %parallel_loop3A_492 = arith.index_cast %parallel_loop3A_430 : i32 to index
          %parallel_loop3A_493 = arith.constant 80 : index
          %parallel_loop3A_494 = tpu.vector_load %arg17[%parallel_loop3A_492, %parallel_loop3A_493] {strides = array<i32>} : memref<80x128xf32, #tpu.memory_space<vmem>>, vector<16xf32>,
          tpu.vector_store %arg17[%parallel_loop3A_492, %parallel_loop3A_493], %parallel_loop3A_491 {strides = array<i32>} : memref<80x128xf32, #tpu.memory_space<vmem>>, vector<16xf32>,
          %parallel_loop3A_495 = arith.constant 3 : i32
          %parallel_loop3A_496 = vector.broadcast %parallel_loop3A_495 : i32 to vector<16xi32>
          %parallel_loop3A_497 = arith.constant 4 : i32
          %parallel_loop3A_498 = arith.muli %parallel_loop3A_497, %scan3A_91 : i32
          %parallel_loop3A_499 = vector.broadcast %parallel_loop3A_498 : i32 to vector<16xi32>
          %parallel_loop3A_500 = arith.addi %parallel_loop3A_496, %parallel_loop3A_499 : vector<16xi32>
          %parallel_loop3A_501 = tpu.vector_load_idx %arg18[%parallel_loop3A_431, %parallel_loop3A_500] : memref<80x16xf32, #tpu.memory_space<vmem>>[vector<16xi32>, vector<16xi32>], vector<16xf32>,
          %parallel_loop3A_502 = arith.index_cast %parallel_loop3A_430 : i32 to index
          %parallel_loop3A_503 = arith.constant 96 : index
          %parallel_loop3A_504 = tpu.vector_load %arg17[%parallel_loop3A_502, %parallel_loop3A_503] {strides = array<i32>} : memref<80x128xf32, #tpu.memory_space<vmem>>, vector<16xf32>,
          %parallel_loop3A_505 = arith.mulf %parallel_loop3A_504, %parallel_loop3A_501 : vector<16xf32>
          %parallel_loop3A_506 = arith.index_cast %parallel_loop3A_430 : i32 to index
          %parallel_loop3A_507 = arith.constant 96 : index
          %parallel_loop3A_508 = tpu.vector_load %arg17[%parallel_loop3A_506, %parallel_loop3A_507] {strides = array<i32>} : memref<80x128xf32, #tpu.memory_space<vmem>>, vector<16xf32>,
          tpu.vector_store %arg17[%parallel_loop3A_506, %parallel_loop3A_507], %parallel_loop3A_505 {strides = array<i32>} : memref<80x128xf32, #tpu.memory_space<vmem>>, vector<16xf32>,
          %parallel_loop3A_509 = arith.index_cast %parallel_loop3A_430 : i32 to index
          %parallel_loop3A_510 = arith.constant 112 : index
          %parallel_loop3A_511 = tpu.vector_load %arg17[%parallel_loop3A_509, %parallel_loop3A_510] {strides = array<i32>} : memref<80x128xf32, #tpu.memory_space<vmem>>, vector<16xf32>,
          %parallel_loop3A_512 = arith.mulf %parallel_loop3A_511, %parallel_loop3A_501 : vector<16xf32>
          %parallel_loop3A_513 = arith.index_cast %parallel_loop3A_430 : i32 to index
          %parallel_loop3A_514 = arith.constant 112 : index
          %parallel_loop3A_515 = tpu.vector_load %arg17[%parallel_loop3A_513, %parallel_loop3A_514] {strides = array<i32>} : memref<80x128xf32, #tpu.memory_space<vmem>>, vector<16xf32>,
          tpu.vector_store %arg17[%parallel_loop3A_513, %parallel_loop3A_514], %parallel_loop3A_512 {strides = array<i32>} : memref<80x128xf32, #tpu.memory_space<vmem>>, vector<16xf32>,
        } {sc.loop_unroll_factor = 4 : i64, sc.parallel_access}
        %get3A_312 = arith.constant 0 : index
        %get3A_313 = tpu.vector_load %arg14[%get3A_312] {strides = array<i32>} : memref<80xi32, #tpu.memory_space<vmem>>, vector<16xi32>,
        %swap3A_314 = arith.constant 0 : index
        %swap3A_315 = tpu.vector_load %arg19[%swap3A_314] {strides = array<i32>} : memref<80xi32, #tpu.memory_space<vmem>>, vector<16xi32>,
        tpu.vector_store %arg19[%swap3A_314], %get3A_313 {strides = array<i32>} : memref<80xi32, #tpu.memory_space<vmem>>, vector<16xi32>,
        %get3A_316 = arith.constant 16 : index
        %get3A_317 = tpu.vector_load %arg14[%get3A_316] {strides = array<i32>} : memref<80xi32, #tpu.memory_space<vmem>>, vector<16xi32>,
        %swap3A_318 = arith.constant 16 : index
        %swap3A_319 = tpu.vector_load %arg19[%swap3A_318] {strides = array<i32>} : memref<80xi32, #tpu.memory_space<vmem>>, vector<16xi32>,
        tpu.vector_store %arg19[%swap3A_318], %get3A_317 {strides = array<i32>} : memref<80xi32, #tpu.memory_space<vmem>>, vector<16xi32>,
        %get3A_320 = arith.constant 32 : index
        %get3A_321 = tpu.vector_load %arg14[%get3A_320] {strides = array<i32>} : memref<80xi32, #tpu.memory_space<vmem>>, vector<16xi32>,
        %swap3A_322 = arith.constant 32 : index
        %swap3A_323 = tpu.vector_load %arg19[%swap3A_322] {strides = array<i32>} : memref<80xi32, #tpu.memory_space<vmem>>, vector<16xi32>,
        tpu.vector_store %arg19[%swap3A_322], %get3A_321 {strides = array<i32>} : memref<80xi32, #tpu.memory_space<vmem>>, vector<16xi32>,
        %get3A_324 = arith.constant 48 : index
        %get3A_325 = tpu.vector_load %arg14[%get3A_324] {strides = array<i32>} : memref<80xi32, #tpu.memory_space<vmem>>, vector<16xi32>,
        %swap3A_326 = arith.constant 48 : index
        %swap3A_327 = tpu.vector_load %arg19[%swap3A_326] {strides = array<i32>} : memref<80xi32, #tpu.memory_space<vmem>>, vector<16xi32>,
        tpu.vector_store %arg19[%swap3A_326], %get3A_325 {strides = array<i32>} : memref<80xi32, #tpu.memory_space<vmem>>, vector<16xi32>,
        %get3A_328 = arith.constant 64 : index
        %get3A_329 = tpu.vector_load %arg14[%get3A_328] {strides = array<i32>} : memref<80xi32, #tpu.memory_space<vmem>>, vector<16xi32>,
        %swap3A_330 = arith.constant 64 : index
        %swap3A_331 = tpu.vector_load %arg19[%swap3A_330] {strides = array<i32>} : memref<80xi32, #tpu.memory_space<vmem>>, vector<16xi32>,
        tpu.vector_store %arg19[%swap3A_330], %get3A_329 {strides = array<i32>} : memref<80xi32, #tpu.memory_space<vmem>>, vector<16xi32>,
        %dma_start3A_332 = arith.constant 0 : i32
        %dma_start3A_333 = arith.constant 0 : i32
        %dma_start3A_334 = tpu.memref_slice %arg11[%dma_start3A_332, %dma_start3A_333] : memref<10000x16xf32, #tpu.memory_space<vmem_shared>> -> memref<10000x16xf32, #tpu.memory_space<vmem_shared>>
        tpu.enqueue_indirect_dma source(%arg18 : memref<80x16xf32, #tpu.memory_space<vmem>>) target(%dma_start3A_334 : memref<10000x16xf32, #tpu.memory_space<vmem_shared>>) offsets(%arg19 : memref<80xi32, #tpu.memory_space<vmem>>) semaphore(%arg33 : memref<!tpu.dma_semaphore, #tpu.memory_space<semaphore_mem>>) {add = true}
        %dma_start3A_335 = arith.constant 0 : i32
        %dma_start3A_336 = arith.constant 0 : i32
        %dma_start3A_337 = tpu.memref_slice %arg12[%dma_start3A_335, %dma_start3A_336] : memref<10000x128xf32, #tpu.memory_space<vmem_shared>> -> memref<10000x128xf32, #tpu.memory_space<vmem_shared>>
        tpu.enqueue_indirect_dma source(%arg17 : memref<80x128xf32, #tpu.memory_space<vmem>>) target(%dma_start3A_337 : memref<10000x128xf32, #tpu.memory_space<vmem_shared>>) offsets(%arg19 : memref<80xi32, #tpu.memory_space<vmem>>) semaphore(%arg33 : memref<!tpu.dma_semaphore, #tpu.memory_space<semaphore_mem>>) {add = true}
        %mul3A_338 = arith.constant 2 : i32
        %mul3A_339 = arith.muli %mul3A_338, %scan3A_267 : i32
        %add3A_340 = arith.constant 2 : i32
        %add3A_341 = arith.addi %mul3A_339, %add3A_340 : i32
        %mul3A_342 = arith.constant 320000 : i32
        %mul3A_343 = arith.muli %scan3A_91, %mul3A_342 : i32
        %mul3A_344 = arith.constant 125 : i32
        %mul3A_345 = arith.muli %add3A, %mul3A_344 : i32
        %add3A_346 = arith.addi %mul3A_345, %add3A_341 : i32
        %mul3A_347 = arith.constant 80 : i32
        %mul3A_348 = arith.muli %add3A_346, %mul3A_347 : i32
        %add3A_349 = arith.addi %mul3A_343, %mul3A_348 : i32
        %dma_start3A_350 = tpu.memref_slice %arg2[%add3A_349] : memref<960000xi32, #tpu.memory_space<hbm>> -> memref<80xi32, #tpu.memory_space<hbm>>
        %dma_start3A_351 = tpu.memref_slice %arg2[%add3A_349] : memref<960000xi32, #tpu.memory_space<hbm>> -> memref<80xi32, #tpu.memory_space<hbm>>
        tpu.enqueue_dma source(%dma_start3A_351 : memref<80xi32, #tpu.memory_space<hbm>>) target(%arg13 : memref<80xi32, #tpu.memory_space<vmem>>) target_semaphore(%arg31 : memref<!tpu.dma_semaphore, #tpu.memory_space<semaphore_mem>>)
        %dma_start3A_352 = tpu.memref_slice %arg3[%add3A_349] : memref<960000xi32, #tpu.memory_space<hbm>> -> memref<80xi32, #tpu.memory_space<hbm>>
        %dma_start3A_353 = tpu.memref_slice %arg3[%add3A_349] : memref<960000xi32, #tpu.memory_space<hbm>> -> memref<80xi32, #tpu.memory_space<hbm>>
        tpu.enqueue_dma source(%dma_start3A_353 : memref<80xi32, #tpu.memory_space<hbm>>) target(%arg14 : memref<80xi32, #tpu.memory_space<vmem>>) target_semaphore(%arg31 : memref<!tpu.dma_semaphore, #tpu.memory_space<semaphore_mem>>)
        %mul3A_354 = arith.constant 2 : i32
        %mul3A_355 = arith.muli %mul3A_354, %scan3A_267 : i32
        %add3A_356 = arith.constant 2 : i32
        %add3A_357 = arith.addi %mul3A_355, %add3A_356 : i32
        %mul3A_358 = arith.constant 320000 : i32
        %mul3A_359 = arith.muli %scan3A_91, %mul3A_358 : i32
        %mul3A_360 = arith.constant 125 : i32
        %mul3A_361 = arith.muli %add3A, %mul3A_360 : i32
        %add3A_362 = arith.addi %mul3A_361, %add3A_357 : i32
        %mul3A_363 = arith.constant 80 : i32
        %mul3A_364 = arith.muli %add3A_362, %mul3A_363 : i32
        %add3A_365 = arith.addi %mul3A_359, %mul3A_364 : i32
        %dma_wait3A_366 = tpu.memref_slice %arg2[%add3A_365] : memref<960000xi32, #tpu.memory_space<hbm>> -> memref<80xi32, #tpu.memory_space<hbm>>
        %dma_wait3A_367 = tpu.memref_slice %arg2[%add3A_365] : memref<960000xi32, #tpu.memory_space<hbm>> -> memref<80xi32, #tpu.memory_space<hbm>>
        tpu.wait_dma2 semaphore(%arg31 : memref<!tpu.dma_semaphore, #tpu.memory_space<semaphore_mem>>) src(%dma_wait3A_367 : memref<80xi32, #tpu.memory_space<hbm>>) dst(%arg13 : memref<80xi32, #tpu.memory_space<vmem>>)
        %dma_wait3A_368 = tpu.memref_slice %arg3[%add3A_365] : memref<960000xi32, #tpu.memory_space<hbm>> -> memref<80xi32, #tpu.memory_space<hbm>>
        %dma_wait3A_369 = tpu.memref_slice %arg3[%add3A_365] : memref<960000xi32, #tpu.memory_space<hbm>> -> memref<80xi32, #tpu.memory_space<hbm>>
        tpu.wait_dma2 semaphore(%arg31 : memref<!tpu.dma_semaphore, #tpu.memory_space<semaphore_mem>>) src(%dma_wait3A_369 : memref<80xi32, #tpu.memory_space<hbm>>) dst(%arg14 : memref<80xi32, #tpu.memory_space<vmem>>)
        %dma_wait3A_370 = arith.constant 0 : i32
        %dma_wait3A_371 = arith.constant 0 : i32
        %dma_wait3A_372 = tpu.memref_slice %arg11[%dma_wait3A_370, %dma_wait3A_371] : memref<10000x16xf32, #tpu.memory_space<vmem_shared>> -> memref<10000x16xf32, #tpu.memory_space<vmem_shared>>
        tpu.wait_indirect_dma semaphore(%arg33 : memref<!tpu.dma_semaphore, #tpu.memory_space<semaphore_mem>>) src(%arg18 : memref<80x16xf32, #tpu.memory_space<vmem>>) dst(%dma_wait3A_372 : memref<10000x16xf32, #tpu.memory_space<vmem_shared>>)
        %dma_wait3A_373 = arith.constant 0 : i32
        %dma_wait3A_374 = arith.constant 0 : i32
        %dma_wait3A_375 = tpu.memref_slice %arg12[%dma_wait3A_373, %dma_wait3A_374] : memref<10000x128xf32, #tpu.memory_space<vmem_shared>> -> memref<10000x128xf32, #tpu.memory_space<vmem_shared>>
        tpu.wait_indirect_dma semaphore(%arg33 : memref<!tpu.dma_semaphore, #tpu.memory_space<semaphore_mem>>) src(%arg17 : memref<80x128xf32, #tpu.memory_space<vmem>>) dst(%dma_wait3A_375 : memref<10000x128xf32, #tpu.memory_space<vmem_shared>>)
        %dma_start3A_376 = arith.constant 0 : i32
        %dma_start3A_377 = arith.constant 0 : i32
        %dma_start3A_378 = tpu.memref_slice %arg5[%dma_start3A_376, %dma_start3A_377] : memref<10000x16xf32, #tpu.memory_space<hbm>> -> memref<10000x16xf32, #tpu.memory_space<hbm>>
        tpu.enqueue_indirect_dma source(%dma_start3A_378 : memref<10000x16xf32, #tpu.memory_space<hbm>>) target(%arg15 : memref<80x16xf32, #tpu.memory_space<vmem>>) offsets(%arg13 : memref<80xi32, #tpu.memory_space<vmem>>) semaphore(%arg32 : memref<!tpu.dma_semaphore, #tpu.memory_space<semaphore_mem>>)
        %dma_start3A_379 = arith.constant 0 : i32
        %dma_start3A_380 = arith.constant 0 : i32
        %dma_start3A_381 = tpu.memref_slice %arg6[%dma_start3A_379, %dma_start3A_380] : memref<10000x16xf32, #tpu.memory_space<hbm>> -> memref<10000x16xf32, #tpu.memory_space<hbm>>
        tpu.enqueue_indirect_dma source(%dma_start3A_381 : memref<10000x16xf32, #tpu.memory_space<hbm>>) target(%arg16 : memref<80x16xf32, #tpu.memory_space<vmem>>) offsets(%arg14 : memref<80xi32, #tpu.memory_space<vmem>>) semaphore(%arg32 : memref<!tpu.dma_semaphore, #tpu.memory_space<semaphore_mem>>)
        %dma_start3A_382 = arith.constant 0 : i32
        %dma_start3A_383 = arith.constant 0 : i32
        %dma_start3A_384 = tpu.memref_slice %arg4[%dma_start3A_382, %dma_start3A_383] : memref<10000x128xf32, #tpu.memory_space<hbm>> -> memref<10000x128xf32, #tpu.memory_space<hbm>>
        tpu.enqueue_indirect_dma source(%dma_start3A_384 : memref<10000x128xf32, #tpu.memory_space<hbm>>) target(%arg17 : memref<80x128xf32, #tpu.memory_space<vmem>>) offsets(%arg13 : memref<80xi32, #tpu.memory_space<vmem>>) semaphore(%arg32 : memref<!tpu.dma_semaphore, #tpu.memory_space<semaphore_mem>>)
        %dma_wait3A_385 = arith.constant 0 : i32
        %dma_wait3A_386 = arith.constant 0 : i32
        %dma_wait3A_387 = tpu.memref_slice %arg5[%dma_wait3A_385, %dma_wait3A_386] : memref<10000x16xf32, #tpu.memory_space<hbm>> -> memref<10000x16xf32, #tpu.memory_space<hbm>>
        tpu.wait_indirect_dma semaphore(%arg35 : memref<!tpu.dma_semaphore, #tpu.memory_space<semaphore_mem>>) src(%dma_wait3A_387 : memref<10000x16xf32, #tpu.memory_space<hbm>>) dst(%arg22 : memref<80x16xf32, #tpu.memory_space<vmem>>)
        %dma_wait3A_388 = arith.constant 0 : i32
        %dma_wait3A_389 = arith.constant 0 : i32
        %dma_wait3A_390 = tpu.memref_slice %arg6[%dma_wait3A_388, %dma_wait3A_389] : memref<10000x16xf32, #tpu.memory_space<hbm>> -> memref<10000x16xf32, #tpu.memory_space<hbm>>
        tpu.wait_indirect_dma semaphore(%arg35 : memref<!tpu.dma_semaphore, #tpu.memory_space<semaphore_mem>>) src(%dma_wait3A_390 : memref<10000x16xf32, #tpu.memory_space<hbm>>) dst(%arg23 : memref<80x16xf32, #tpu.memory_space<vmem>>)
        %dma_wait3A_391 = arith.constant 0 : i32
        %dma_wait3A_392 = arith.constant 0 : i32
        %dma_wait3A_393 = tpu.memref_slice %arg4[%dma_wait3A_391, %dma_wait3A_392] : memref<10000x128xf32, #tpu.memory_space<hbm>> -> memref<10000x128xf32, #tpu.memory_space<hbm>>
        tpu.wait_indirect_dma semaphore(%arg35 : memref<!tpu.dma_semaphore, #tpu.memory_space<semaphore_mem>>) src(%dma_wait3A_393 : memref<10000x128xf32, #tpu.memory_space<hbm>>) dst(%arg24 : memref<80x128xf32, #tpu.memory_space<vmem>>)
        %parallel_loop3A_394 = arith.constant 0 : i32
        %parallel_loop3A_395 = arith.constant 80 : i32
        %parallel_loop3A_396 = arith.constant 16 : i32
        scf.for %parallel_loop3A_430 = %parallel_loop3A_394 to %parallel_loop3A_395 step %parallel_loop3A_396  : i32 {
          %parallel_loop3A_431 = vector.broadcast %parallel_loop3A_430 : i32 to vector<16xi32>
          %parallel_loop3A_432 = arith.addi %parallel_loop3A_431, %iota3A : vector<16xi32>
          %parallel_loop3A_433 = arith.constant 0 : i32
          %parallel_loop3A_434 = vector.broadcast %parallel_loop3A_433 : i32 to vector<16xi32>
          %parallel_loop3A_435 = arith.constant 4 : i32
          %parallel_loop3A_436 = arith.muli %parallel_loop3A_435, %scan3A_91 : i32
          %parallel_loop3A_437 = vector.broadcast %parallel_loop3A_436 : i32 to vector<16xi32>
          %parallel_loop3A_438 = arith.addi %parallel_loop3A_434, %parallel_loop3A_437 : vector<16xi32>
          %parallel_loop3A_439 = tpu.vector_load_idx %arg22[%parallel_loop3A_432, %parallel_loop3A_438] : memref<80x16xf32, #tpu.memory_space<vmem>>[vector<16xi32>, vector<16xi32>], vector<16xf32>,
          %parallel_loop3A_440 = tpu.vector_load_idx %arg23[%parallel_loop3A_432, %parallel_loop3A_438] : memref<80x16xf32, #tpu.memory_space<vmem>>[vector<16xi32>, vector<16xi32>], vector<16xf32>,
          %parallel_loop3A_441 = arith.addf %parallel_loop3A_439, %parallel_loop3A_440 : vector<16xf32>
          %parallel_loop3A_442 = arith.constant 2.000000e-01 : f32
          %parallel_loop3A_443 = vector.broadcast %parallel_loop3A_442 : f32 to vector<16xf32>
          %parallel_loop3A_444 = arith.mulf %parallel_loop3A_443, %parallel_loop3A_441 : vector<16xf32>
          %parallel_loop3A_445 = arith.maximumf %parallel_loop3A_441, %parallel_loop3A_444 : vector<16xf32>
          %parallel_loop3A_446 = tpu.vector_load_idx %arg28[%parallel_loop3A_438] : memref<16xf32, #tpu.memory_space<vmem>>[vector<16xi32>], vector<16xf32>,
          %parallel_loop3A_447 = arith.subf %parallel_loop3A_445, %parallel_loop3A_446 : vector<16xf32>
          %parallel_loop3A_448 = math.exp %parallel_loop3A_447 : vector<16xf32>
          tpu.vector_store_idx %arg25[%parallel_loop3A_432, %parallel_loop3A_438], %parallel_loop3A_448 : memref<80x16xf32, #tpu.memory_space<vmem>>[vector<16xi32>, vector<16xi32>], vector<16xf32>,
          %parallel_loop3A_449 = arith.constant 1 : i32
          %parallel_loop3A_450 = vector.broadcast %parallel_loop3A_449 : i32 to vector<16xi32>
          %parallel_loop3A_451 = arith.constant 4 : i32
          %parallel_loop3A_452 = arith.muli %parallel_loop3A_451, %scan3A_91 : i32
          %parallel_loop3A_453 = vector.broadcast %parallel_loop3A_452 : i32 to vector<16xi32>
          %parallel_loop3A_454 = arith.addi %parallel_loop3A_450, %parallel_loop3A_453 : vector<16xi32>
          %parallel_loop3A_455 = tpu.vector_load_idx %arg22[%parallel_loop3A_432, %parallel_loop3A_454] : memref<80x16xf32, #tpu.memory_space<vmem>>[vector<16xi32>, vector<16xi32>], vector<16xf32>,
          %parallel_loop3A_456 = tpu.vector_load_idx %arg23[%parallel_loop3A_432, %parallel_loop3A_454] : memref<80x16xf32, #tpu.memory_space<vmem>>[vector<16xi32>, vector<16xi32>], vector<16xf32>,
          %parallel_loop3A_457 = arith.addf %parallel_loop3A_455, %parallel_loop3A_456 : vector<16xf32>
          %parallel_loop3A_458 = arith.constant 2.000000e-01 : f32
          %parallel_loop3A_459 = vector.broadcast %parallel_loop3A_458 : f32 to vector<16xf32>
          %parallel_loop3A_460 = arith.mulf %parallel_loop3A_459, %parallel_loop3A_457 : vector<16xf32>
          %parallel_loop3A_461 = arith.maximumf %parallel_loop3A_457, %parallel_loop3A_460 : vector<16xf32>
          %parallel_loop3A_462 = tpu.vector_load_idx %arg28[%parallel_loop3A_454] : memref<16xf32, #tpu.memory_space<vmem>>[vector<16xi32>], vector<16xf32>,
          %parallel_loop3A_463 = arith.subf %parallel_loop3A_461, %parallel_loop3A_462 : vector<16xf32>
          %parallel_loop3A_464 = math.exp %parallel_loop3A_463 : vector<16xf32>
          tpu.vector_store_idx %arg25[%parallel_loop3A_432, %parallel_loop3A_454], %parallel_loop3A_464 : memref<80x16xf32, #tpu.memory_space<vmem>>[vector<16xi32>, vector<16xi32>], vector<16xf32>,
          %parallel_loop3A_465 = arith.constant 2 : i32
          %parallel_loop3A_466 = vector.broadcast %parallel_loop3A_465 : i32 to vector<16xi32>
          %parallel_loop3A_467 = arith.constant 4 : i32
          %parallel_loop3A_468 = arith.muli %parallel_loop3A_467, %scan3A_91 : i32
          %parallel_loop3A_469 = vector.broadcast %parallel_loop3A_468 : i32 to vector<16xi32>
          %parallel_loop3A_470 = arith.addi %parallel_loop3A_466, %parallel_loop3A_469 : vector<16xi32>
          %parallel_loop3A_471 = tpu.vector_load_idx %arg22[%parallel_loop3A_432, %parallel_loop3A_470] : memref<80x16xf32, #tpu.memory_space<vmem>>[vector<16xi32>, vector<16xi32>], vector<16xf32>,
          %parallel_loop3A_472 = tpu.vector_load_idx %arg23[%parallel_loop3A_432, %parallel_loop3A_470] : memref<80x16xf32, #tpu.memory_space<vmem>>[vector<16xi32>, vector<16xi32>], vector<16xf32>,
          %parallel_loop3A_473 = arith.addf %parallel_loop3A_471, %parallel_loop3A_472 : vector<16xf32>
          %parallel_loop3A_474 = arith.constant 2.000000e-01 : f32
          %parallel_loop3A_475 = vector.broadcast %parallel_loop3A_474 : f32 to vector<16xf32>
          %parallel_loop3A_476 = arith.mulf %parallel_loop3A_475, %parallel_loop3A_473 : vector<16xf32>
          %parallel_loop3A_477 = arith.maximumf %parallel_loop3A_473, %parallel_loop3A_476 : vector<16xf32>
          %parallel_loop3A_478 = tpu.vector_load_idx %arg28[%parallel_loop3A_470] : memref<16xf32, #tpu.memory_space<vmem>>[vector<16xi32>], vector<16xf32>,
          %parallel_loop3A_479 = arith.subf %parallel_loop3A_477, %parallel_loop3A_478 : vector<16xf32>
          %parallel_loop3A_480 = math.exp %parallel_loop3A_479 : vector<16xf32>
          tpu.vector_store_idx %arg25[%parallel_loop3A_432, %parallel_loop3A_470], %parallel_loop3A_480 : memref<80x16xf32, #tpu.memory_space<vmem>>[vector<16xi32>, vector<16xi32>], vector<16xf32>,
          %parallel_loop3A_481 = arith.constant 3 : i32
          %parallel_loop3A_482 = vector.broadcast %parallel_loop3A_481 : i32 to vector<16xi32>
          %parallel_loop3A_483 = arith.constant 4 : i32
          %parallel_loop3A_484 = arith.muli %parallel_loop3A_483, %scan3A_91 : i32
          %parallel_loop3A_485 = vector.broadcast %parallel_loop3A_484 : i32 to vector<16xi32>
          %parallel_loop3A_486 = arith.addi %parallel_loop3A_482, %parallel_loop3A_485 : vector<16xi32>
          %parallel_loop3A_487 = tpu.vector_load_idx %arg22[%parallel_loop3A_432, %parallel_loop3A_486] : memref<80x16xf32, #tpu.memory_space<vmem>>[vector<16xi32>, vector<16xi32>], vector<16xf32>,
          %parallel_loop3A_488 = tpu.vector_load_idx %arg23[%parallel_loop3A_432, %parallel_loop3A_486] : memref<80x16xf32, #tpu.memory_space<vmem>>[vector<16xi32>, vector<16xi32>], vector<16xf32>,
          %parallel_loop3A_489 = arith.addf %parallel_loop3A_487, %parallel_loop3A_488 : vector<16xf32>
          %parallel_loop3A_490 = arith.constant 2.000000e-01 : f32
          %parallel_loop3A_491 = vector.broadcast %parallel_loop3A_490 : f32 to vector<16xf32>
          %parallel_loop3A_492 = arith.mulf %parallel_loop3A_491, %parallel_loop3A_489 : vector<16xf32>
          %parallel_loop3A_493 = arith.maximumf %parallel_loop3A_489, %parallel_loop3A_492 : vector<16xf32>
          %parallel_loop3A_494 = tpu.vector_load_idx %arg28[%parallel_loop3A_486] : memref<16xf32, #tpu.memory_space<vmem>>[vector<16xi32>], vector<16xf32>,
          %parallel_loop3A_495 = arith.subf %parallel_loop3A_493, %parallel_loop3A_494 : vector<16xf32>
          %parallel_loop3A_496 = math.exp %parallel_loop3A_495 : vector<16xf32>
          tpu.vector_store_idx %arg25[%parallel_loop3A_432, %parallel_loop3A_486], %parallel_loop3A_496 : memref<80x16xf32, #tpu.memory_space<vmem>>[vector<16xi32>, vector<16xi32>], vector<16xf32>,
        } {sc.loop_unroll_factor = 2 : i64, sc.parallel_access}
        %parallel_loop3A_397 = arith.constant 0 : i32
        %parallel_loop3A_398 = arith.constant 80 : i32
        %parallel_loop3A_399 = arith.constant 1 : i32
        scf.for %parallel_loop3A_430 = %parallel_loop3A_397 to %parallel_loop3A_398 step %parallel_loop3A_399  : i32 {
          %parallel_loop3A_431 = vector.broadcast %parallel_loop3A_430 : i32 to vector<16xi32>
          %parallel_loop3A_432 = arith.constant 0 : i32
          %parallel_loop3A_433 = vector.broadcast %parallel_loop3A_432 : i32 to vector<16xi32>
          %parallel_loop3A_434 = arith.constant 4 : i32
          %parallel_loop3A_435 = arith.muli %parallel_loop3A_434, %scan3A_91 : i32
          %parallel_loop3A_436 = vector.broadcast %parallel_loop3A_435 : i32 to vector<16xi32>
          %parallel_loop3A_437 = arith.addi %parallel_loop3A_433, %parallel_loop3A_436 : vector<16xi32>
          %parallel_loop3A_438 = tpu.vector_load_idx %arg25[%parallel_loop3A_431, %parallel_loop3A_437] : memref<80x16xf32, #tpu.memory_space<vmem>>[vector<16xi32>, vector<16xi32>], vector<16xf32>,
          %parallel_loop3A_439 = arith.index_cast %parallel_loop3A_430 : i32 to index
          %parallel_loop3A_440 = arith.constant 0 : index
          %parallel_loop3A_441 = tpu.vector_load %arg24[%parallel_loop3A_439, %parallel_loop3A_440] {strides = array<i32>} : memref<80x128xf32, #tpu.memory_space<vmem>>, vector<16xf32>,
          %parallel_loop3A_442 = arith.mulf %parallel_loop3A_441, %parallel_loop3A_438 : vector<16xf32>
          %parallel_loop3A_443 = arith.index_cast %parallel_loop3A_430 : i32 to index
          %parallel_loop3A_444 = arith.constant 0 : index
          %parallel_loop3A_445 = tpu.vector_load %arg24[%parallel_loop3A_443, %parallel_loop3A_444] {strides = array<i32>} : memref<80x128xf32, #tpu.memory_space<vmem>>, vector<16xf32>,
          tpu.vector_store %arg24[%parallel_loop3A_443, %parallel_loop3A_444], %parallel_loop3A_442 {strides = array<i32>} : memref<80x128xf32, #tpu.memory_space<vmem>>, vector<16xf32>,
          %parallel_loop3A_446 = arith.index_cast %parallel_loop3A_430 : i32 to index
          %parallel_loop3A_447 = arith.constant 16 : index
          %parallel_loop3A_448 = tpu.vector_load %arg24[%parallel_loop3A_446, %parallel_loop3A_447] {strides = array<i32>} : memref<80x128xf32, #tpu.memory_space<vmem>>, vector<16xf32>,
          %parallel_loop3A_449 = arith.mulf %parallel_loop3A_448, %parallel_loop3A_438 : vector<16xf32>
          %parallel_loop3A_450 = arith.index_cast %parallel_loop3A_430 : i32 to index
          %parallel_loop3A_451 = arith.constant 16 : index
          %parallel_loop3A_452 = tpu.vector_load %arg24[%parallel_loop3A_450, %parallel_loop3A_451] {strides = array<i32>} : memref<80x128xf32, #tpu.memory_space<vmem>>, vector<16xf32>,
          tpu.vector_store %arg24[%parallel_loop3A_450, %parallel_loop3A_451], %parallel_loop3A_449 {strides = array<i32>} : memref<80x128xf32, #tpu.memory_space<vmem>>, vector<16xf32>,
          %parallel_loop3A_453 = arith.constant 1 : i32
          %parallel_loop3A_454 = vector.broadcast %parallel_loop3A_453 : i32 to vector<16xi32>
          %parallel_loop3A_455 = arith.constant 4 : i32
          %parallel_loop3A_456 = arith.muli %parallel_loop3A_455, %scan3A_91 : i32
          %parallel_loop3A_457 = vector.broadcast %parallel_loop3A_456 : i32 to vector<16xi32>
          %parallel_loop3A_458 = arith.addi %parallel_loop3A_454, %parallel_loop3A_457 : vector<16xi32>
          %parallel_loop3A_459 = tpu.vector_load_idx %arg25[%parallel_loop3A_431, %parallel_loop3A_458] : memref<80x16xf32, #tpu.memory_space<vmem>>[vector<16xi32>, vector<16xi32>], vector<16xf32>,
          %parallel_loop3A_460 = arith.index_cast %parallel_loop3A_430 : i32 to index
          %parallel_loop3A_461 = arith.constant 32 : index
          %parallel_loop3A_462 = tpu.vector_load %arg24[%parallel_loop3A_460, %parallel_loop3A_461] {strides = array<i32>} : memref<80x128xf32, #tpu.memory_space<vmem>>, vector<16xf32>,
          %parallel_loop3A_463 = arith.mulf %parallel_loop3A_462, %parallel_loop3A_459 : vector<16xf32>
          %parallel_loop3A_464 = arith.index_cast %parallel_loop3A_430 : i32 to index
          %parallel_loop3A_465 = arith.constant 32 : index
          %parallel_loop3A_466 = tpu.vector_load %arg24[%parallel_loop3A_464, %parallel_loop3A_465] {strides = array<i32>} : memref<80x128xf32, #tpu.memory_space<vmem>>, vector<16xf32>,
          tpu.vector_store %arg24[%parallel_loop3A_464, %parallel_loop3A_465], %parallel_loop3A_463 {strides = array<i32>} : memref<80x128xf32, #tpu.memory_space<vmem>>, vector<16xf32>,
          %parallel_loop3A_467 = arith.index_cast %parallel_loop3A_430 : i32 to index
          %parallel_loop3A_468 = arith.constant 48 : index
          %parallel_loop3A_469 = tpu.vector_load %arg24[%parallel_loop3A_467, %parallel_loop3A_468] {strides = array<i32>} : memref<80x128xf32, #tpu.memory_space<vmem>>, vector<16xf32>,
          %parallel_loop3A_470 = arith.mulf %parallel_loop3A_469, %parallel_loop3A_459 : vector<16xf32>
          %parallel_loop3A_471 = arith.index_cast %parallel_loop3A_430 : i32 to index
          %parallel_loop3A_472 = arith.constant 48 : index
          %parallel_loop3A_473 = tpu.vector_load %arg24[%parallel_loop3A_471, %parallel_loop3A_472] {strides = array<i32>} : memref<80x128xf32, #tpu.memory_space<vmem>>, vector<16xf32>,
          tpu.vector_store %arg24[%parallel_loop3A_471, %parallel_loop3A_472], %parallel_loop3A_470 {strides = array<i32>} : memref<80x128xf32, #tpu.memory_space<vmem>>, vector<16xf32>,
          %parallel_loop3A_474 = arith.constant 2 : i32
          %parallel_loop3A_475 = vector.broadcast %parallel_loop3A_474 : i32 to vector<16xi32>
          %parallel_loop3A_476 = arith.constant 4 : i32
          %parallel_loop3A_477 = arith.muli %parallel_loop3A_476, %scan3A_91 : i32
          %parallel_loop3A_478 = vector.broadcast %parallel_loop3A_477 : i32 to vector<16xi32>
          %parallel_loop3A_479 = arith.addi %parallel_loop3A_475, %parallel_loop3A_478 : vector<16xi32>
          %parallel_loop3A_480 = tpu.vector_load_idx %arg25[%parallel_loop3A_431, %parallel_loop3A_479] : memref<80x16xf32, #tpu.memory_space<vmem>>[vector<16xi32>, vector<16xi32>], vector<16xf32>,
          %parallel_loop3A_481 = arith.index_cast %parallel_loop3A_430 : i32 to index
          %parallel_loop3A_482 = arith.constant 64 : index
          %parallel_loop3A_483 = tpu.vector_load %arg24[%parallel_loop3A_481, %parallel_loop3A_482] {strides = array<i32>} : memref<80x128xf32, #tpu.memory_space<vmem>>, vector<16xf32>,
          %parallel_loop3A_484 = arith.mulf %parallel_loop3A_483, %parallel_loop3A_480 : vector<16xf32>
          %parallel_loop3A_485 = arith.index_cast %parallel_loop3A_430 : i32 to index
          %parallel_loop3A_486 = arith.constant 64 : index
          %parallel_loop3A_487 = tpu.vector_load %arg24[%parallel_loop3A_485, %parallel_loop3A_486] {strides = array<i32>} : memref<80x128xf32, #tpu.memory_space<vmem>>, vector<16xf32>,
          tpu.vector_store %arg24[%parallel_loop3A_485, %parallel_loop3A_486], %parallel_loop3A_484 {strides = array<i32>} : memref<80x128xf32, #tpu.memory_space<vmem>>, vector<16xf32>,
          %parallel_loop3A_488 = arith.index_cast %parallel_loop3A_430 : i32 to index
          %parallel_loop3A_489 = arith.constant 80 : index
          %parallel_loop3A_490 = tpu.vector_load %arg24[%parallel_loop3A_488, %parallel_loop3A_489] {strides = array<i32>} : memref<80x128xf32, #tpu.memory_space<vmem>>, vector<16xf32>,
          %parallel_loop3A_491 = arith.mulf %parallel_loop3A_490, %parallel_loop3A_480 : vector<16xf32>
          %parallel_loop3A_492 = arith.index_cast %parallel_loop3A_430 : i32 to index
          %parallel_loop3A_493 = arith.constant 80 : index
          %parallel_loop3A_494 = tpu.vector_load %arg24[%parallel_loop3A_492, %parallel_loop3A_493] {strides = array<i32>} : memref<80x128xf32, #tpu.memory_space<vmem>>, vector<16xf32>,
          tpu.vector_store %arg24[%parallel_loop3A_492, %parallel_loop3A_493], %parallel_loop3A_491 {strides = array<i32>} : memref<80x128xf32, #tpu.memory_space<vmem>>, vector<16xf32>,
          %parallel_loop3A_495 = arith.constant 3 : i32
          %parallel_loop3A_496 = vector.broadcast %parallel_loop3A_495 : i32 to vector<16xi32>
          %parallel_loop3A_497 = arith.constant 4 : i32
          %parallel_loop3A_498 = arith.muli %parallel_loop3A_497, %scan3A_91 : i32
          %parallel_loop3A_499 = vector.broadcast %parallel_loop3A_498 : i32 to vector<16xi32>
          %parallel_loop3A_500 = arith.addi %parallel_loop3A_496, %parallel_loop3A_499 : vector<16xi32>
          %parallel_loop3A_501 = tpu.vector_load_idx %arg25[%parallel_loop3A_431, %parallel_loop3A_500] : memref<80x16xf32, #tpu.memory_space<vmem>>[vector<16xi32>, vector<16xi32>], vector<16xf32>,
          %parallel_loop3A_502 = arith.index_cast %parallel_loop3A_430 : i32 to index
          %parallel_loop3A_503 = arith.constant 96 : index
          %parallel_loop3A_504 = tpu.vector_load %arg24[%parallel_loop3A_502, %parallel_loop3A_503] {strides = array<i32>} : memref<80x128xf32, #tpu.memory_space<vmem>>, vector<16xf32>,
          %parallel_loop3A_505 = arith.mulf %parallel_loop3A_504, %parallel_loop3A_501 : vector<16xf32>
          %parallel_loop3A_506 = arith.index_cast %parallel_loop3A_430 : i32 to index
          %parallel_loop3A_507 = arith.constant 96 : index
          %parallel_loop3A_508 = tpu.vector_load %arg24[%parallel_loop3A_506, %parallel_loop3A_507] {strides = array<i32>} : memref<80x128xf32, #tpu.memory_space<vmem>>, vector<16xf32>,
          tpu.vector_store %arg24[%parallel_loop3A_506, %parallel_loop3A_507], %parallel_loop3A_505 {strides = array<i32>} : memref<80x128xf32, #tpu.memory_space<vmem>>, vector<16xf32>,
          %parallel_loop3A_509 = arith.index_cast %parallel_loop3A_430 : i32 to index
          %parallel_loop3A_510 = arith.constant 112 : index
          %parallel_loop3A_511 = tpu.vector_load %arg24[%parallel_loop3A_509, %parallel_loop3A_510] {strides = array<i32>} : memref<80x128xf32, #tpu.memory_space<vmem>>, vector<16xf32>,
          %parallel_loop3A_512 = arith.mulf %parallel_loop3A_511, %parallel_loop3A_501 : vector<16xf32>
          %parallel_loop3A_513 = arith.index_cast %parallel_loop3A_430 : i32 to index
          %parallel_loop3A_514 = arith.constant 112 : index
          %parallel_loop3A_515 = tpu.vector_load %arg24[%parallel_loop3A_513, %parallel_loop3A_514] {strides = array<i32>} : memref<80x128xf32, #tpu.memory_space<vmem>>, vector<16xf32>,
          tpu.vector_store %arg24[%parallel_loop3A_513, %parallel_loop3A_514], %parallel_loop3A_512 {strides = array<i32>} : memref<80x128xf32, #tpu.memory_space<vmem>>, vector<16xf32>,
        } {sc.loop_unroll_factor = 4 : i64, sc.parallel_access}
        %get3A_400 = arith.constant 0 : index
        %get3A_401 = tpu.vector_load %arg21[%get3A_400] {strides = array<i32>} : memref<80xi32, #tpu.memory_space<vmem>>, vector<16xi32>,
        %swap3A_402 = arith.constant 0 : index
        %swap3A_403 = tpu.vector_load %arg26[%swap3A_402] {strides = array<i32>} : memref<80xi32, #tpu.memory_space<vmem>>, vector<16xi32>,
        tpu.vector_store %arg26[%swap3A_402], %get3A_401 {strides = array<i32>} : memref<80xi32, #tpu.memory_space<vmem>>, vector<16xi32>,
        %get3A_404 = arith.constant 16 : index
        %get3A_405 = tpu.vector_load %arg21[%get3A_404] {strides = array<i32>} : memref<80xi32, #tpu.memory_space<vmem>>, vector<16xi32>,
        %swap3A_406 = arith.constant 16 : index
        %swap3A_407 = tpu.vector_load %arg26[%swap3A_406] {strides = array<i32>} : memref<80xi32, #tpu.memory_space<vmem>>, vector<16xi32>,
        tpu.vector_store %arg26[%swap3A_406], %get3A_405 {strides = array<i32>} : memref<80xi32, #tpu.memory_space<vmem>>, vector<16xi32>,
        %get3A_408 = arith.constant 32 : index
        %get3A_409 = tpu.vector_load %arg21[%get3A_408] {strides = array<i32>} : memref<80xi32, #tpu.memory_space<vmem>>, vector<16xi32>,
        %swap3A_410 = arith.constant 32 : index
        %swap3A_411 = tpu.vector_load %arg26[%swap3A_410] {strides = array<i32>} : memref<80xi32, #tpu.memory_space<vmem>>, vector<16xi32>,
        tpu.vector_store %arg26[%swap3A_410], %get3A_409 {strides = array<i32>} : memref<80xi32, #tpu.memory_space<vmem>>, vector<16xi32>,
        %get3A_412 = arith.constant 48 : index
        %get3A_413 = tpu.vector_load %arg21[%get3A_412] {strides = array<i32>} : memref<80xi32, #tpu.memory_space<vmem>>, vector<16xi32>,
        %swap3A_414 = arith.constant 48 : index
        %swap3A_415 = tpu.vector_load %arg26[%swap3A_414] {strides = array<i32>} : memref<80xi32, #tpu.memory_space<vmem>>, vector<16xi32>,
        tpu.vector_store %arg26[%swap3A_414], %get3A_413 {strides = array<i32>} : memref<80xi32, #tpu.memory_space<vmem>>, vector<16xi32>,
        %get3A_416 = arith.constant 64 : index
        %get3A_417 = tpu.vector_load %arg21[%get3A_416] {strides = array<i32>} : memref<80xi32, #tpu.memory_space<vmem>>, vector<16xi32>,
        %swap3A_418 = arith.constant 64 : index
        %swap3A_419 = tpu.vector_load %arg26[%swap3A_418] {strides = array<i32>} : memref<80xi32, #tpu.memory_space<vmem>>, vector<16xi32>,
        tpu.vector_store %arg26[%swap3A_418], %get3A_417 {strides = array<i32>} : memref<80xi32, #tpu.memory_space<vmem>>, vector<16xi32>,
        %dma_start3A_420 = arith.constant 0 : i32
        %dma_start3A_421 = arith.constant 0 : i32
        %dma_start3A_422 = tpu.memref_slice %arg11[%dma_start3A_420, %dma_start3A_421] : memref<10000x16xf32, #tpu.memory_space<vmem_shared>> -> memref<10000x16xf32, #tpu.memory_space<vmem_shared>>
        tpu.enqueue_indirect_dma source(%arg25 : memref<80x16xf32, #tpu.memory_space<vmem>>) target(%dma_start3A_422 : memref<10000x16xf32, #tpu.memory_space<vmem_shared>>) offsets(%arg26 : memref<80xi32, #tpu.memory_space<vmem>>) semaphore(%arg36 : memref<!tpu.dma_semaphore, #tpu.memory_space<semaphore_mem>>) {add = true}
        %dma_start3A_423 = arith.constant 0 : i32
        %dma_start3A_424 = arith.constant 0 : i32
        %dma_start3A_425 = tpu.memref_slice %arg12[%dma_start3A_423, %dma_start3A_424] : memref<10000x128xf32, #tpu.memory_space<vmem_shared>> -> memref<10000x128xf32, #tpu.memory_space<vmem_shared>>
        tpu.enqueue_indirect_dma source(%arg24 : memref<80x128xf32, #tpu.memory_space<vmem>>) target(%dma_start3A_425 : memref<10000x128xf32, #tpu.memory_space<vmem_shared>>) offsets(%arg26 : memref<80xi32, #tpu.memory_space<vmem>>) semaphore(%arg36 : memref<!tpu.dma_semaphore, #tpu.memory_space<semaphore_mem>>) {add = true}
        %lt3A = arith.constant 61 : i32
        %lt3A_426 = arith.cmpi slt, %scan3A_267, %lt3A : i32
        %convert_element_type3A_427 = arith.extui %lt3A_426 : i1 to i32
        %cond3A_428 = arith.constant 0 : i32
        %cond3A_429 = arith.cmpi ne, %convert_element_type3A_427, %cond3A_428 : i32
        scf.if %cond3A_429 {
          %mul3A_430 = arith.constant 2 : i32
          %mul3A_431 = arith.muli %mul3A_430, %scan3A_267 : i32
          %add3A_432 = arith.constant 3 : i32
          %add3A_433 = arith.addi %mul3A_431, %add3A_432 : i32
          %mul3A_434 = arith.constant 320000 : i32
          %mul3A_435 = arith.muli %scan3A_91, %mul3A_434 : i32
          %mul3A_436 = arith.constant 125 : i32
          %mul3A_437 = arith.muli %add3A, %mul3A_436 : i32
          %add3A_438 = arith.addi %mul3A_437, %add3A_433 : i32
          %mul3A_439 = arith.constant 80 : i32
          %mul3A_440 = arith.muli %add3A_438, %mul3A_439 : i32
          %add3A_441 = arith.addi %mul3A_435, %mul3A_440 : i32
          %dma_start3A_442 = tpu.memref_slice %arg2[%add3A_441] : memref<960000xi32, #tpu.memory_space<hbm>> -> memref<80xi32, #tpu.memory_space<hbm>>
          %dma_start3A_443 = tpu.memref_slice %arg2[%add3A_441] : memref<960000xi32, #tpu.memory_space<hbm>> -> memref<80xi32, #tpu.memory_space<hbm>>
          tpu.enqueue_dma source(%dma_start3A_443 : memref<80xi32, #tpu.memory_space<hbm>>) target(%arg20 : memref<80xi32, #tpu.memory_space<vmem>>) target_semaphore(%arg34 : memref<!tpu.dma_semaphore, #tpu.memory_space<semaphore_mem>>)
          %dma_start3A_444 = tpu.memref_slice %arg3[%add3A_441] : memref<960000xi32, #tpu.memory_space<hbm>> -> memref<80xi32, #tpu.memory_space<hbm>>
          %dma_start3A_445 = tpu.memref_slice %arg3[%add3A_441] : memref<960000xi32, #tpu.memory_space<hbm>> -> memref<80xi32, #tpu.memory_space<hbm>>
          tpu.enqueue_dma source(%dma_start3A_445 : memref<80xi32, #tpu.memory_space<hbm>>) target(%arg21 : memref<80xi32, #tpu.memory_space<vmem>>) target_semaphore(%arg34 : memref<!tpu.dma_semaphore, #tpu.memory_space<semaphore_mem>>)
        } else {
        }
      }
      %scan3A_207 = arith.constant 62 : i32
      %dma_wait3A_208 = arith.constant 0 : i32
      %dma_wait3A_209 = arith.constant 0 : i32
      %dma_wait3A_210 = tpu.memref_slice %arg5[%dma_wait3A_208, %dma_wait3A_209] : memref<10000x16xf32, #tpu.memory_space<hbm>> -> memref<10000x16xf32, #tpu.memory_space<hbm>>
      tpu.wait_indirect_dma semaphore(%arg32 : memref<!tpu.dma_semaphore, #tpu.memory_space<semaphore_mem>>) src(%dma_wait3A_210 : memref<10000x16xf32, #tpu.memory_space<hbm>>) dst(%arg15 : memref<80x16xf32, #tpu.memory_space<vmem>>)
      %dma_wait3A_211 = arith.constant 0 : i32
      %dma_wait3A_212 = arith.constant 0 : i32
      %dma_wait3A_213 = tpu.memref_slice %arg6[%dma_wait3A_211, %dma_wait3A_212] : memref<10000x16xf32, #tpu.memory_space<hbm>> -> memref<10000x16xf32, #tpu.memory_space<hbm>>
      tpu.wait_indirect_dma semaphore(%arg32 : memref<!tpu.dma_semaphore, #tpu.memory_space<semaphore_mem>>) src(%dma_wait3A_213 : memref<10000x16xf32, #tpu.memory_space<hbm>>) dst(%arg16 : memref<80x16xf32, #tpu.memory_space<vmem>>)
      %dma_wait3A_214 = arith.constant 0 : i32
      %dma_wait3A_215 = arith.constant 0 : i32
      %dma_wait3A_216 = tpu.memref_slice %arg4[%dma_wait3A_214, %dma_wait3A_215] : memref<10000x128xf32, #tpu.memory_space<hbm>> -> memref<10000x128xf32, #tpu.memory_space<hbm>>
      tpu.wait_indirect_dma semaphore(%arg32 : memref<!tpu.dma_semaphore, #tpu.memory_space<semaphore_mem>>) src(%dma_wait3A_216 : memref<10000x128xf32, #tpu.memory_space<hbm>>) dst(%arg17 : memref<80x128xf32, #tpu.memory_space<vmem>>)
      %parallel_loop3A = arith.constant 0 : i32
      %parallel_loop3A_217 = arith.constant 80 : i32
      %parallel_loop3A_218 = arith.constant 16 : i32
      scf.for %parallel_loop3A_267 = %parallel_loop3A to %parallel_loop3A_217 step %parallel_loop3A_218  : i32 {
        %parallel_loop3A_268 = vector.broadcast %parallel_loop3A_267 : i32 to vector<16xi32>
        %parallel_loop3A_269 = arith.addi %parallel_loop3A_268, %iota3A : vector<16xi32>
        %parallel_loop3A_270 = arith.constant 0 : i32
        %parallel_loop3A_271 = vector.broadcast %parallel_loop3A_270 : i32 to vector<16xi32>
        %parallel_loop3A_272 = arith.constant 4 : i32
        %parallel_loop3A_273 = arith.muli %parallel_loop3A_272, %scan3A_91 : i32
        %parallel_loop3A_274 = vector.broadcast %parallel_loop3A_273 : i32 to vector<16xi32>
        %parallel_loop3A_275 = arith.addi %parallel_loop3A_271, %parallel_loop3A_274 : vector<16xi32>
        %parallel_loop3A_276 = tpu.vector_load_idx %arg15[%parallel_loop3A_269, %parallel_loop3A_275] : memref<80x16xf32, #tpu.memory_space<vmem>>[vector<16xi32>, vector<16xi32>], vector<16xf32>,
        %parallel_loop3A_277 = tpu.vector_load_idx %arg16[%parallel_loop3A_269, %parallel_loop3A_275] : memref<80x16xf32, #tpu.memory_space<vmem>>[vector<16xi32>, vector<16xi32>], vector<16xf32>,
        %parallel_loop3A_278 = arith.addf %parallel_loop3A_276, %parallel_loop3A_277 : vector<16xf32>
        %parallel_loop3A_279 = arith.constant 2.000000e-01 : f32
        %parallel_loop3A_280 = vector.broadcast %parallel_loop3A_279 : f32 to vector<16xf32>
        %parallel_loop3A_281 = arith.mulf %parallel_loop3A_280, %parallel_loop3A_278 : vector<16xf32>
        %parallel_loop3A_282 = arith.maximumf %parallel_loop3A_278, %parallel_loop3A_281 : vector<16xf32>
        %parallel_loop3A_283 = tpu.vector_load_idx %arg28[%parallel_loop3A_275] : memref<16xf32, #tpu.memory_space<vmem>>[vector<16xi32>], vector<16xf32>,
        %parallel_loop3A_284 = arith.subf %parallel_loop3A_282, %parallel_loop3A_283 : vector<16xf32>
        %parallel_loop3A_285 = math.exp %parallel_loop3A_284 : vector<16xf32>
        tpu.vector_store_idx %arg18[%parallel_loop3A_269, %parallel_loop3A_275], %parallel_loop3A_285 : memref<80x16xf32, #tpu.memory_space<vmem>>[vector<16xi32>, vector<16xi32>], vector<16xf32>,
        %parallel_loop3A_286 = arith.constant 1 : i32
        %parallel_loop3A_287 = vector.broadcast %parallel_loop3A_286 : i32 to vector<16xi32>
        %parallel_loop3A_288 = arith.constant 4 : i32
        %parallel_loop3A_289 = arith.muli %parallel_loop3A_288, %scan3A_91 : i32
        %parallel_loop3A_290 = vector.broadcast %parallel_loop3A_289 : i32 to vector<16xi32>
        %parallel_loop3A_291 = arith.addi %parallel_loop3A_287, %parallel_loop3A_290 : vector<16xi32>
        %parallel_loop3A_292 = tpu.vector_load_idx %arg15[%parallel_loop3A_269, %parallel_loop3A_291] : memref<80x16xf32, #tpu.memory_space<vmem>>[vector<16xi32>, vector<16xi32>], vector<16xf32>,
        %parallel_loop3A_293 = tpu.vector_load_idx %arg16[%parallel_loop3A_269, %parallel_loop3A_291] : memref<80x16xf32, #tpu.memory_space<vmem>>[vector<16xi32>, vector<16xi32>], vector<16xf32>,
        %parallel_loop3A_294 = arith.addf %parallel_loop3A_292, %parallel_loop3A_293 : vector<16xf32>
        %parallel_loop3A_295 = arith.constant 2.000000e-01 : f32
        %parallel_loop3A_296 = vector.broadcast %parallel_loop3A_295 : f32 to vector<16xf32>
        %parallel_loop3A_297 = arith.mulf %parallel_loop3A_296, %parallel_loop3A_294 : vector<16xf32>
        %parallel_loop3A_298 = arith.maximumf %parallel_loop3A_294, %parallel_loop3A_297 : vector<16xf32>
        %parallel_loop3A_299 = tpu.vector_load_idx %arg28[%parallel_loop3A_291] : memref<16xf32, #tpu.memory_space<vmem>>[vector<16xi32>], vector<16xf32>,
        %parallel_loop3A_300 = arith.subf %parallel_loop3A_298, %parallel_loop3A_299 : vector<16xf32>
        %parallel_loop3A_301 = math.exp %parallel_loop3A_300 : vector<16xf32>
        tpu.vector_store_idx %arg18[%parallel_loop3A_269, %parallel_loop3A_291], %parallel_loop3A_301 : memref<80x16xf32, #tpu.memory_space<vmem>>[vector<16xi32>, vector<16xi32>], vector<16xf32>,
        %parallel_loop3A_302 = arith.constant 2 : i32
        %parallel_loop3A_303 = vector.broadcast %parallel_loop3A_302 : i32 to vector<16xi32>
        %parallel_loop3A_304 = arith.constant 4 : i32
        %parallel_loop3A_305 = arith.muli %parallel_loop3A_304, %scan3A_91 : i32
        %parallel_loop3A_306 = vector.broadcast %parallel_loop3A_305 : i32 to vector<16xi32>
        %parallel_loop3A_307 = arith.addi %parallel_loop3A_303, %parallel_loop3A_306 : vector<16xi32>
        %parallel_loop3A_308 = tpu.vector_load_idx %arg15[%parallel_loop3A_269, %parallel_loop3A_307] : memref<80x16xf32, #tpu.memory_space<vmem>>[vector<16xi32>, vector<16xi32>], vector<16xf32>,
        %parallel_loop3A_309 = tpu.vector_load_idx %arg16[%parallel_loop3A_269, %parallel_loop3A_307] : memref<80x16xf32, #tpu.memory_space<vmem>>[vector<16xi32>, vector<16xi32>], vector<16xf32>,
        %parallel_loop3A_310 = arith.addf %parallel_loop3A_308, %parallel_loop3A_309 : vector<16xf32>
        %parallel_loop3A_311 = arith.constant 2.000000e-01 : f32
        %parallel_loop3A_312 = vector.broadcast %parallel_loop3A_311 : f32 to vector<16xf32>
        %parallel_loop3A_313 = arith.mulf %parallel_loop3A_312, %parallel_loop3A_310 : vector<16xf32>
        %parallel_loop3A_314 = arith.maximumf %parallel_loop3A_310, %parallel_loop3A_313 : vector<16xf32>
        %parallel_loop3A_315 = tpu.vector_load_idx %arg28[%parallel_loop3A_307] : memref<16xf32, #tpu.memory_space<vmem>>[vector<16xi32>], vector<16xf32>,
        %parallel_loop3A_316 = arith.subf %parallel_loop3A_314, %parallel_loop3A_315 : vector<16xf32>
        %parallel_loop3A_317 = math.exp %parallel_loop3A_316 : vector<16xf32>
        tpu.vector_store_idx %arg18[%parallel_loop3A_269, %parallel_loop3A_307], %parallel_loop3A_317 : memref<80x16xf32, #tpu.memory_space<vmem>>[vector<16xi32>, vector<16xi32>], vector<16xf32>,
        %parallel_loop3A_318 = arith.constant 3 : i32
        %parallel_loop3A_319 = vector.broadcast %parallel_loop3A_318 : i32 to vector<16xi32>
        %parallel_loop3A_320 = arith.constant 4 : i32
        %parallel_loop3A_321 = arith.muli %parallel_loop3A_320, %scan3A_91 : i32
        %parallel_loop3A_322 = vector.broadcast %parallel_loop3A_321 : i32 to vector<16xi32>
        %parallel_loop3A_323 = arith.addi %parallel_loop3A_319, %parallel_loop3A_322 : vector<16xi32>
        %parallel_loop3A_324 = tpu.vector_load_idx %arg15[%parallel_loop3A_269, %parallel_loop3A_323] : memref<80x16xf32, #tpu.memory_space<vmem>>[vector<16xi32>, vector<16xi32>], vector<16xf32>,
        %parallel_loop3A_325 = tpu.vector_load_idx %arg16[%parallel_loop3A_269, %parallel_loop3A_323] : memref<80x16xf32, #tpu.memory_space<vmem>>[vector<16xi32>, vector<16xi32>], vector<16xf32>,
        %parallel_loop3A_326 = arith.addf %parallel_loop3A_324, %parallel_loop3A_325 : vector<16xf32>
        %parallel_loop3A_327 = arith.constant 2.000000e-01 : f32
        %parallel_loop3A_328 = vector.broadcast %parallel_loop3A_327 : f32 to vector<16xf32>
        %parallel_loop3A_329 = arith.mulf %parallel_loop3A_328, %parallel_loop3A_326 : vector<16xf32>
        %parallel_loop3A_330 = arith.maximumf %parallel_loop3A_326, %parallel_loop3A_329 : vector<16xf32>
        %parallel_loop3A_331 = tpu.vector_load_idx %arg28[%parallel_loop3A_323] : memref<16xf32, #tpu.memory_space<vmem>>[vector<16xi32>], vector<16xf32>,
        %parallel_loop3A_332 = arith.subf %parallel_loop3A_330, %parallel_loop3A_331 : vector<16xf32>
        %parallel_loop3A_333 = math.exp %parallel_loop3A_332 : vector<16xf32>
        tpu.vector_store_idx %arg18[%parallel_loop3A_269, %parallel_loop3A_323], %parallel_loop3A_333 : memref<80x16xf32, #tpu.memory_space<vmem>>[vector<16xi32>, vector<16xi32>], vector<16xf32>,
      } {sc.loop_unroll_factor = 2 : i64, sc.parallel_access}
      %parallel_loop3A_219 = arith.constant 0 : i32
      %parallel_loop3A_220 = arith.constant 80 : i32
      %parallel_loop3A_221 = arith.constant 1 : i32
      scf.for %parallel_loop3A_267 = %parallel_loop3A_219 to %parallel_loop3A_220 step %parallel_loop3A_221  : i32 {
        %parallel_loop3A_268 = vector.broadcast %parallel_loop3A_267 : i32 to vector<16xi32>
        %parallel_loop3A_269 = arith.constant 0 : i32
        %parallel_loop3A_270 = vector.broadcast %parallel_loop3A_269 : i32 to vector<16xi32>
        %parallel_loop3A_271 = arith.constant 4 : i32
        %parallel_loop3A_272 = arith.muli %parallel_loop3A_271, %scan3A_91 : i32
        %parallel_loop3A_273 = vector.broadcast %parallel_loop3A_272 : i32 to vector<16xi32>
        %parallel_loop3A_274 = arith.addi %parallel_loop3A_270, %parallel_loop3A_273 : vector<16xi32>
        %parallel_loop3A_275 = tpu.vector_load_idx %arg18[%parallel_loop3A_268, %parallel_loop3A_274] : memref<80x16xf32, #tpu.memory_space<vmem>>[vector<16xi32>, vector<16xi32>], vector<16xf32>,
        %parallel_loop3A_276 = arith.index_cast %parallel_loop3A_267 : i32 to index
        %parallel_loop3A_277 = arith.constant 0 : index
        %parallel_loop3A_278 = tpu.vector_load %arg17[%parallel_loop3A_276, %parallel_loop3A_277] {strides = array<i32>} : memref<80x128xf32, #tpu.memory_space<vmem>>, vector<16xf32>,
        %parallel_loop3A_279 = arith.mulf %parallel_loop3A_278, %parallel_loop3A_275 : vector<16xf32>
        %parallel_loop3A_280 = arith.index_cast %parallel_loop3A_267 : i32 to index
        %parallel_loop3A_281 = arith.constant 0 : index
        %parallel_loop3A_282 = tpu.vector_load %arg17[%parallel_loop3A_280, %parallel_loop3A_281] {strides = array<i32>} : memref<80x128xf32, #tpu.memory_space<vmem>>, vector<16xf32>,
        tpu.vector_store %arg17[%parallel_loop3A_280, %parallel_loop3A_281], %parallel_loop3A_279 {strides = array<i32>} : memref<80x128xf32, #tpu.memory_space<vmem>>, vector<16xf32>,
        %parallel_loop3A_283 = arith.index_cast %parallel_loop3A_267 : i32 to index
        %parallel_loop3A_284 = arith.constant 16 : index
        %parallel_loop3A_285 = tpu.vector_load %arg17[%parallel_loop3A_283, %parallel_loop3A_284] {strides = array<i32>} : memref<80x128xf32, #tpu.memory_space<vmem>>, vector<16xf32>,
        %parallel_loop3A_286 = arith.mulf %parallel_loop3A_285, %parallel_loop3A_275 : vector<16xf32>
        %parallel_loop3A_287 = arith.index_cast %parallel_loop3A_267 : i32 to index
        %parallel_loop3A_288 = arith.constant 16 : index
        %parallel_loop3A_289 = tpu.vector_load %arg17[%parallel_loop3A_287, %parallel_loop3A_288] {strides = array<i32>} : memref<80x128xf32, #tpu.memory_space<vmem>>, vector<16xf32>,
        tpu.vector_store %arg17[%parallel_loop3A_287, %parallel_loop3A_288], %parallel_loop3A_286 {strides = array<i32>} : memref<80x128xf32, #tpu.memory_space<vmem>>, vector<16xf32>,
        %parallel_loop3A_290 = arith.constant 1 : i32
        %parallel_loop3A_291 = vector.broadcast %parallel_loop3A_290 : i32 to vector<16xi32>
        %parallel_loop3A_292 = arith.constant 4 : i32
        %parallel_loop3A_293 = arith.muli %parallel_loop3A_292, %scan3A_91 : i32
        %parallel_loop3A_294 = vector.broadcast %parallel_loop3A_293 : i32 to vector<16xi32>
        %parallel_loop3A_295 = arith.addi %parallel_loop3A_291, %parallel_loop3A_294 : vector<16xi32>
        %parallel_loop3A_296 = tpu.vector_load_idx %arg18[%parallel_loop3A_268, %parallel_loop3A_295] : memref<80x16xf32, #tpu.memory_space<vmem>>[vector<16xi32>, vector<16xi32>], vector<16xf32>,
        %parallel_loop3A_297 = arith.index_cast %parallel_loop3A_267 : i32 to index
        %parallel_loop3A_298 = arith.constant 32 : index
        %parallel_loop3A_299 = tpu.vector_load %arg17[%parallel_loop3A_297, %parallel_loop3A_298] {strides = array<i32>} : memref<80x128xf32, #tpu.memory_space<vmem>>, vector<16xf32>,
        %parallel_loop3A_300 = arith.mulf %parallel_loop3A_299, %parallel_loop3A_296 : vector<16xf32>
        %parallel_loop3A_301 = arith.index_cast %parallel_loop3A_267 : i32 to index
        %parallel_loop3A_302 = arith.constant 32 : index
        %parallel_loop3A_303 = tpu.vector_load %arg17[%parallel_loop3A_301, %parallel_loop3A_302] {strides = array<i32>} : memref<80x128xf32, #tpu.memory_space<vmem>>, vector<16xf32>,
        tpu.vector_store %arg17[%parallel_loop3A_301, %parallel_loop3A_302], %parallel_loop3A_300 {strides = array<i32>} : memref<80x128xf32, #tpu.memory_space<vmem>>, vector<16xf32>,
        %parallel_loop3A_304 = arith.index_cast %parallel_loop3A_267 : i32 to index
        %parallel_loop3A_305 = arith.constant 48 : index
        %parallel_loop3A_306 = tpu.vector_load %arg17[%parallel_loop3A_304, %parallel_loop3A_305] {strides = array<i32>} : memref<80x128xf32, #tpu.memory_space<vmem>>, vector<16xf32>,
        %parallel_loop3A_307 = arith.mulf %parallel_loop3A_306, %parallel_loop3A_296 : vector<16xf32>
        %parallel_loop3A_308 = arith.index_cast %parallel_loop3A_267 : i32 to index
        %parallel_loop3A_309 = arith.constant 48 : index
        %parallel_loop3A_310 = tpu.vector_load %arg17[%parallel_loop3A_308, %parallel_loop3A_309] {strides = array<i32>} : memref<80x128xf32, #tpu.memory_space<vmem>>, vector<16xf32>,
        tpu.vector_store %arg17[%parallel_loop3A_308, %parallel_loop3A_309], %parallel_loop3A_307 {strides = array<i32>} : memref<80x128xf32, #tpu.memory_space<vmem>>, vector<16xf32>,
        %parallel_loop3A_311 = arith.constant 2 : i32
        %parallel_loop3A_312 = vector.broadcast %parallel_loop3A_311 : i32 to vector<16xi32>
        %parallel_loop3A_313 = arith.constant 4 : i32
        %parallel_loop3A_314 = arith.muli %parallel_loop3A_313, %scan3A_91 : i32
        %parallel_loop3A_315 = vector.broadcast %parallel_loop3A_314 : i32 to vector<16xi32>
        %parallel_loop3A_316 = arith.addi %parallel_loop3A_312, %parallel_loop3A_315 : vector<16xi32>
        %parallel_loop3A_317 = tpu.vector_load_idx %arg18[%parallel_loop3A_268, %parallel_loop3A_316] : memref<80x16xf32, #tpu.memory_space<vmem>>[vector<16xi32>, vector<16xi32>], vector<16xf32>,
        %parallel_loop3A_318 = arith.index_cast %parallel_loop3A_267 : i32 to index
        %parallel_loop3A_319 = arith.constant 64 : index
        %parallel_loop3A_320 = tpu.vector_load %arg17[%parallel_loop3A_318, %parallel_loop3A_319] {strides = array<i32>} : memref<80x128xf32, #tpu.memory_space<vmem>>, vector<16xf32>,
        %parallel_loop3A_321 = arith.mulf %parallel_loop3A_320, %parallel_loop3A_317 : vector<16xf32>
        %parallel_loop3A_322 = arith.index_cast %parallel_loop3A_267 : i32 to index
        %parallel_loop3A_323 = arith.constant 64 : index
        %parallel_loop3A_324 = tpu.vector_load %arg17[%parallel_loop3A_322, %parallel_loop3A_323] {strides = array<i32>} : memref<80x128xf32, #tpu.memory_space<vmem>>, vector<16xf32>,
        tpu.vector_store %arg17[%parallel_loop3A_322, %parallel_loop3A_323], %parallel_loop3A_321 {strides = array<i32>} : memref<80x128xf32, #tpu.memory_space<vmem>>, vector<16xf32>,
        %parallel_loop3A_325 = arith.index_cast %parallel_loop3A_267 : i32 to index
        %parallel_loop3A_326 = arith.constant 80 : index
        %parallel_loop3A_327 = tpu.vector_load %arg17[%parallel_loop3A_325, %parallel_loop3A_326] {strides = array<i32>} : memref<80x128xf32, #tpu.memory_space<vmem>>, vector<16xf32>,
        %parallel_loop3A_328 = arith.mulf %parallel_loop3A_327, %parallel_loop3A_317 : vector<16xf32>
        %parallel_loop3A_329 = arith.index_cast %parallel_loop3A_267 : i32 to index
        %parallel_loop3A_330 = arith.constant 80 : index
        %parallel_loop3A_331 = tpu.vector_load %arg17[%parallel_loop3A_329, %parallel_loop3A_330] {strides = array<i32>} : memref<80x128xf32, #tpu.memory_space<vmem>>, vector<16xf32>,
        tpu.vector_store %arg17[%parallel_loop3A_329, %parallel_loop3A_330], %parallel_loop3A_328 {strides = array<i32>} : memref<80x128xf32, #tpu.memory_space<vmem>>, vector<16xf32>,
        %parallel_loop3A_332 = arith.constant 3 : i32
        %parallel_loop3A_333 = vector.broadcast %parallel_loop3A_332 : i32 to vector<16xi32>
        %parallel_loop3A_334 = arith.constant 4 : i32
        %parallel_loop3A_335 = arith.muli %parallel_loop3A_334, %scan3A_91 : i32
        %parallel_loop3A_336 = vector.broadcast %parallel_loop3A_335 : i32 to vector<16xi32>
        %parallel_loop3A_337 = arith.addi %parallel_loop3A_333, %parallel_loop3A_336 : vector<16xi32>
        %parallel_loop3A_338 = tpu.vector_load_idx %arg18[%parallel_loop3A_268, %parallel_loop3A_337] : memref<80x16xf32, #tpu.memory_space<vmem>>[vector<16xi32>, vector<16xi32>], vector<16xf32>,
        %parallel_loop3A_339 = arith.index_cast %parallel_loop3A_267 : i32 to index
        %parallel_loop3A_340 = arith.constant 96 : index
        %parallel_loop3A_341 = tpu.vector_load %arg17[%parallel_loop3A_339, %parallel_loop3A_340] {strides = array<i32>} : memref<80x128xf32, #tpu.memory_space<vmem>>, vector<16xf32>,
        %parallel_loop3A_342 = arith.mulf %parallel_loop3A_341, %parallel_loop3A_338 : vector<16xf32>
        %parallel_loop3A_343 = arith.index_cast %parallel_loop3A_267 : i32 to index
        %parallel_loop3A_344 = arith.constant 96 : index
        %parallel_loop3A_345 = tpu.vector_load %arg17[%parallel_loop3A_343, %parallel_loop3A_344] {strides = array<i32>} : memref<80x128xf32, #tpu.memory_space<vmem>>, vector<16xf32>,
        tpu.vector_store %arg17[%parallel_loop3A_343, %parallel_loop3A_344], %parallel_loop3A_342 {strides = array<i32>} : memref<80x128xf32, #tpu.memory_space<vmem>>, vector<16xf32>,
        %parallel_loop3A_346 = arith.index_cast %parallel_loop3A_267 : i32 to index
        %parallel_loop3A_347 = arith.constant 112 : index
        %parallel_loop3A_348 = tpu.vector_load %arg17[%parallel_loop3A_346, %parallel_loop3A_347] {strides = array<i32>} : memref<80x128xf32, #tpu.memory_space<vmem>>, vector<16xf32>,
        %parallel_loop3A_349 = arith.mulf %parallel_loop3A_348, %parallel_loop3A_338 : vector<16xf32>
        %parallel_loop3A_350 = arith.index_cast %parallel_loop3A_267 : i32 to index
        %parallel_loop3A_351 = arith.constant 112 : index
        %parallel_loop3A_352 = tpu.vector_load %arg17[%parallel_loop3A_350, %parallel_loop3A_351] {strides = array<i32>} : memref<80x128xf32, #tpu.memory_space<vmem>>, vector<16xf32>,
        tpu.vector_store %arg17[%parallel_loop3A_350, %parallel_loop3A_351], %parallel_loop3A_349 {strides = array<i32>} : memref<80x128xf32, #tpu.memory_space<vmem>>, vector<16xf32>,
      } {sc.loop_unroll_factor = 4 : i64, sc.parallel_access}
      %get3A_222 = arith.constant 0 : index
      %get3A_223 = tpu.vector_load %arg14[%get3A_222] {strides = array<i32>} : memref<80xi32, #tpu.memory_space<vmem>>, vector<16xi32>,
      %swap3A_224 = arith.constant 0 : index
      %swap3A_225 = tpu.vector_load %arg19[%swap3A_224] {strides = array<i32>} : memref<80xi32, #tpu.memory_space<vmem>>, vector<16xi32>,
      tpu.vector_store %arg19[%swap3A_224], %get3A_223 {strides = array<i32>} : memref<80xi32, #tpu.memory_space<vmem>>, vector<16xi32>,
      %get3A_226 = arith.constant 16 : index
      %get3A_227 = tpu.vector_load %arg14[%get3A_226] {strides = array<i32>} : memref<80xi32, #tpu.memory_space<vmem>>, vector<16xi32>,
      %swap3A_228 = arith.constant 16 : index
      %swap3A_229 = tpu.vector_load %arg19[%swap3A_228] {strides = array<i32>} : memref<80xi32, #tpu.memory_space<vmem>>, vector<16xi32>,
      tpu.vector_store %arg19[%swap3A_228], %get3A_227 {strides = array<i32>} : memref<80xi32, #tpu.memory_space<vmem>>, vector<16xi32>,
      %get3A_230 = arith.constant 32 : index
      %get3A_231 = tpu.vector_load %arg14[%get3A_230] {strides = array<i32>} : memref<80xi32, #tpu.memory_space<vmem>>, vector<16xi32>,
      %swap3A_232 = arith.constant 32 : index
      %swap3A_233 = tpu.vector_load %arg19[%swap3A_232] {strides = array<i32>} : memref<80xi32, #tpu.memory_space<vmem>>, vector<16xi32>,
      tpu.vector_store %arg19[%swap3A_232], %get3A_231 {strides = array<i32>} : memref<80xi32, #tpu.memory_space<vmem>>, vector<16xi32>,
      %get3A_234 = arith.constant 48 : index
      %get3A_235 = tpu.vector_load %arg14[%get3A_234] {strides = array<i32>} : memref<80xi32, #tpu.memory_space<vmem>>, vector<16xi32>,
      %swap3A_236 = arith.constant 48 : index
      %swap3A_237 = tpu.vector_load %arg19[%swap3A_236] {strides = array<i32>} : memref<80xi32, #tpu.memory_space<vmem>>, vector<16xi32>,
      tpu.vector_store %arg19[%swap3A_236], %get3A_235 {strides = array<i32>} : memref<80xi32, #tpu.memory_space<vmem>>, vector<16xi32>,
      %get3A_238 = arith.constant 64 : index
      %get3A_239 = tpu.vector_load %arg14[%get3A_238] {strides = array<i32>} : memref<80xi32, #tpu.memory_space<vmem>>, vector<16xi32>,
      %swap3A_240 = arith.constant 64 : index
      %swap3A_241 = tpu.vector_load %arg19[%swap3A_240] {strides = array<i32>} : memref<80xi32, #tpu.memory_space<vmem>>, vector<16xi32>,
      tpu.vector_store %arg19[%swap3A_240], %get3A_239 {strides = array<i32>} : memref<80xi32, #tpu.memory_space<vmem>>, vector<16xi32>,
      %dma_start3A_242 = arith.constant 0 : i32
      %dma_start3A_243 = arith.constant 0 : i32
      %dma_start3A_244 = tpu.memref_slice %arg11[%dma_start3A_242, %dma_start3A_243] : memref<10000x16xf32, #tpu.memory_space<vmem_shared>> -> memref<10000x16xf32, #tpu.memory_space<vmem_shared>>
      tpu.enqueue_indirect_dma source(%arg18 : memref<80x16xf32, #tpu.memory_space<vmem>>) target(%dma_start3A_244 : memref<10000x16xf32, #tpu.memory_space<vmem_shared>>) offsets(%arg19 : memref<80xi32, #tpu.memory_space<vmem>>) semaphore(%arg33 : memref<!tpu.dma_semaphore, #tpu.memory_space<semaphore_mem>>) {add = true}
      %dma_start3A_245 = arith.constant 0 : i32
      %dma_start3A_246 = arith.constant 0 : i32
      %dma_start3A_247 = tpu.memref_slice %arg12[%dma_start3A_245, %dma_start3A_246] : memref<10000x128xf32, #tpu.memory_space<vmem_shared>> -> memref<10000x128xf32, #tpu.memory_space<vmem_shared>>
      tpu.enqueue_indirect_dma source(%arg17 : memref<80x128xf32, #tpu.memory_space<vmem>>) target(%dma_start3A_247 : memref<10000x128xf32, #tpu.memory_space<vmem_shared>>) offsets(%arg19 : memref<80xi32, #tpu.memory_space<vmem>>) semaphore(%arg33 : memref<!tpu.dma_semaphore, #tpu.memory_space<semaphore_mem>>) {add = true}
      %dma_wait3A_248 = arith.constant 0 : i32
      %dma_wait3A_249 = arith.constant 0 : i32
      %dma_wait3A_250 = tpu.memref_slice %arg11[%dma_wait3A_248, %dma_wait3A_249] : memref<10000x16xf32, #tpu.memory_space<vmem_shared>> -> memref<10000x16xf32, #tpu.memory_space<vmem_shared>>
      tpu.wait_indirect_dma semaphore(%arg33 : memref<!tpu.dma_semaphore, #tpu.memory_space<semaphore_mem>>) src(%arg18 : memref<80x16xf32, #tpu.memory_space<vmem>>) dst(%dma_wait3A_250 : memref<10000x16xf32, #tpu.memory_space<vmem_shared>>)
      %dma_wait3A_251 = arith.constant 0 : i32
      %dma_wait3A_252 = arith.constant 0 : i32
      %dma_wait3A_253 = tpu.memref_slice %arg12[%dma_wait3A_251, %dma_wait3A_252] : memref<10000x128xf32, #tpu.memory_space<vmem_shared>> -> memref<10000x128xf32, #tpu.memory_space<vmem_shared>>
      tpu.wait_indirect_dma semaphore(%arg33 : memref<!tpu.dma_semaphore, #tpu.memory_space<semaphore_mem>>) src(%arg17 : memref<80x128xf32, #tpu.memory_space<vmem>>) dst(%dma_wait3A_253 : memref<10000x128xf32, #tpu.memory_space<vmem_shared>>)
      %dma_wait3A_254 = arith.constant 0 : i32
      %dma_wait3A_255 = arith.constant 0 : i32
      %dma_wait3A_256 = tpu.memref_slice %arg11[%dma_wait3A_254, %dma_wait3A_255] : memref<10000x16xf32, #tpu.memory_space<vmem_shared>> -> memref<10000x16xf32, #tpu.memory_space<vmem_shared>>
      tpu.wait_indirect_dma semaphore(%arg36 : memref<!tpu.dma_semaphore, #tpu.memory_space<semaphore_mem>>) src(%arg25 : memref<80x16xf32, #tpu.memory_space<vmem>>) dst(%dma_wait3A_256 : memref<10000x16xf32, #tpu.memory_space<vmem_shared>>)
      %dma_wait3A_257 = arith.constant 0 : i32
      %dma_wait3A_258 = arith.constant 0 : i32
      %dma_wait3A_259 = tpu.memref_slice %arg12[%dma_wait3A_257, %dma_wait3A_258] : memref<10000x128xf32, #tpu.memory_space<vmem_shared>> -> memref<10000x128xf32, #tpu.memory_space<vmem_shared>>
      tpu.wait_indirect_dma semaphore(%arg36 : memref<!tpu.dma_semaphore, #tpu.memory_space<semaphore_mem>>) src(%arg24 : memref<80x128xf32, #tpu.memory_space<vmem>>) dst(%dma_wait3A_259 : memref<10000x128xf32, #tpu.memory_space<vmem_shared>>)
      %barrier3A_260 = arith.constant 0 : index
      tpu.barrier barrier_id(%barrier3A_260)
      "tpu.region"() ({
        %run_scoped3A_267 = tpu.sem_alloc : memref<!tpu.dma_semaphore, #tpu.memory_space<semaphore_mem>>
        %dma_start3A_268 = arith.constant 0 : i32
        %dma_start3A_269 = tpu.memref_slice %arg9[%arg0, %scan3A_91, %mul3A_25, %dma_start3A_268] : memref<2x3x10000x128xf32, #tpu.memory_space<hbm>> -> memref<1x1x624x128xf32, #tpu.memory_space<hbm>>
        %dma_start3A_270 = tpu.memref_squeeze %dma_start3A_269 : memref<1x1x624x128xf32, #tpu.memory_space<hbm>> -> memref<624x128xf32, #tpu.memory_space<hbm>>
        %dma_start3A_271 = arith.constant 0 : i32
        %dma_start3A_272 = tpu.memref_slice %arg12[%mul3A_25, %dma_start3A_271] : memref<10000x128xf32, #tpu.memory_space<vmem_shared>> -> memref<624x128xf32, #tpu.memory_space<vmem_shared>>
        tpu.enqueue_dma source(%dma_start3A_272 : memref<624x128xf32, #tpu.memory_space<vmem_shared>>) target(%dma_start3A_270 : memref<624x128xf32, #tpu.memory_space<hbm>>) target_semaphore(%run_scoped3A_267 : memref<!tpu.dma_semaphore, #tpu.memory_space<semaphore_mem>>)
        %dma_wait3A_273 = arith.constant 0 : i32
        %dma_wait3A_274 = tpu.memref_slice %arg9[%arg0, %scan3A_91, %mul3A_25, %dma_wait3A_273] : memref<2x3x10000x128xf32, #tpu.memory_space<hbm>> -> memref<1x1x624x128xf32, #tpu.memory_space<hbm>>
        %dma_wait3A_275 = tpu.memref_squeeze %dma_wait3A_274 : memref<1x1x624x128xf32, #tpu.memory_space<hbm>> -> memref<624x128xf32, #tpu.memory_space<hbm>>
        %dma_wait3A_276 = arith.constant 0 : i32
        %dma_wait3A_277 = tpu.memref_slice %arg12[%mul3A_25, %dma_wait3A_276] : memref<10000x128xf32, #tpu.memory_space<vmem_shared>> -> memref<624x128xf32, #tpu.memory_space<vmem_shared>>
        tpu.wait_dma2 semaphore(%run_scoped3A_267 : memref<!tpu.dma_semaphore, #tpu.memory_space<semaphore_mem>>) src(%dma_wait3A_277 : memref<624x128xf32, #tpu.memory_space<vmem_shared>>) dst(%dma_wait3A_275 : memref<624x128xf32, #tpu.memory_space<hbm>>)
        tpu.yield
      }) : () -> ()
      %eq3A_261 = arith.constant 0 : i32
      %eq3A_262 = arith.cmpi eq, %arg1, %eq3A_261 : i32
      %convert_element_type3A_263 = arith.extui %eq3A_262 : i1 to i32
      %cond3A_264 = arith.constant 0 : i32
      %cond3A_265 = arith.cmpi ne, %convert_element_type3A_263, %cond3A_264 : i32
      scf.if %cond3A_265 {
        "tpu.region"() ({
          %run_scoped3A_267 = tpu.sem_alloc : memref<!tpu.dma_semaphore, #tpu.memory_space<semaphore_mem>>
          %dma_start3A_268 = arith.constant 9984 : i32
          %dma_start3A_269 = arith.constant 0 : i32
          %dma_start3A_270 = tpu.memref_slice %arg9[%arg0, %scan3A_91, %dma_start3A_268, %dma_start3A_269] : memref<2x3x10000x128xf32, #tpu.memory_space<hbm>> -> memref<1x1x16x128xf32, #tpu.memory_space<hbm>>
          %dma_start3A_271 = tpu.memref_squeeze %dma_start3A_270 : memref<1x1x16x128xf32, #tpu.memory_space<hbm>> -> memref<16x128xf32, #tpu.memory_space<hbm>>
          %dma_start3A_272 = arith.constant 9984 : i32
          %dma_start3A_273 = arith.constant 0 : i32
          %dma_start3A_274 = tpu.memref_slice %arg12[%dma_start3A_272, %dma_start3A_273] : memref<10000x128xf32, #tpu.memory_space<vmem_shared>> -> memref<16x128xf32, #tpu.memory_space<vmem_shared>>
          tpu.enqueue_dma source(%dma_start3A_274 : memref<16x128xf32, #tpu.memory_space<vmem_shared>>) target(%dma_start3A_271 : memref<16x128xf32, #tpu.memory_space<hbm>>) target_semaphore(%run_scoped3A_267 : memref<!tpu.dma_semaphore, #tpu.memory_space<semaphore_mem>>)
          %dma_wait3A_275 = arith.constant 9984 : i32
          %dma_wait3A_276 = arith.constant 0 : i32
          %dma_wait3A_277 = tpu.memref_slice %arg9[%arg0, %scan3A_91, %dma_wait3A_275, %dma_wait3A_276] : memref<2x3x10000x128xf32, #tpu.memory_space<hbm>> -> memref<1x1x16x128xf32, #tpu.memory_space<hbm>>
          %dma_wait3A_278 = tpu.memref_squeeze %dma_wait3A_277 : memref<1x1x16x128xf32, #tpu.memory_space<hbm>> -> memref<16x128xf32, #tpu.memory_space<hbm>>
          %dma_wait3A_279 = arith.constant 9984 : i32
          %dma_wait3A_280 = arith.constant 0 : i32
          %dma_wait3A_281 = tpu.memref_slice %arg12[%dma_wait3A_279, %dma_wait3A_280] : memref<10000x128xf32, #tpu.memory_space<vmem_shared>> -> memref<16x128xf32, #tpu.memory_space<vmem_shared>>
          tpu.wait_dma2 semaphore(%run_scoped3A_267 : memref<!tpu.dma_semaphore, #tpu.memory_space<semaphore_mem>>) src(%dma_wait3A_281 : memref<16x128xf32, #tpu.memory_space<vmem_shared>>) dst(%dma_wait3A_278 : memref<16x128xf32, #tpu.memory_space<hbm>>)
          tpu.yield
        }) : () -> ()
      } else {
      }
      %barrier3A_266 = arith.constant 0 : index
      tpu.barrier barrier_id(%barrier3A_266)
    }
    %scan3A_85 = arith.constant 3 : i32
    "tpu.region"() ({
      %run_scoped3A_91 = tpu.sem_alloc : memref<!tpu.dma_semaphore, #tpu.memory_space<semaphore_mem>>
      %dma_start3A = arith.constant 0 : i32
      %dma_start3A_92 = tpu.memref_slice %arg10[%arg0, %mul3A_25, %dma_start3A] : memref<2x10000x16xf32, #tpu.memory_space<hbm>> -> memref<1x624x16xf32, #tpu.memory_space<hbm>>
      %dma_start3A_93 = tpu.memref_squeeze %dma_start3A_92 : memref<1x624x16xf32, #tpu.memory_space<hbm>> -> memref<624x16xf32, #tpu.memory_space<hbm>>
      %dma_start3A_94 = arith.constant 0 : i32
      %dma_start3A_95 = tpu.memref_slice %arg11[%mul3A_25, %dma_start3A_94] : memref<10000x16xf32, #tpu.memory_space<vmem_shared>> -> memref<624x16xf32, #tpu.memory_space<vmem_shared>>
      tpu.enqueue_dma source(%dma_start3A_95 : memref<624x16xf32, #tpu.memory_space<vmem_shared>>) target(%dma_start3A_93 : memref<624x16xf32, #tpu.memory_space<hbm>>) target_semaphore(%run_scoped3A_91 : memref<!tpu.dma_semaphore, #tpu.memory_space<semaphore_mem>>)
      %dma_wait3A = arith.constant 0 : i32
      %dma_wait3A_96 = tpu.memref_slice %arg10[%arg0, %mul3A_25, %dma_wait3A] : memref<2x10000x16xf32, #tpu.memory_space<hbm>> -> memref<1x624x16xf32, #tpu.memory_space<hbm>>
      %dma_wait3A_97 = tpu.memref_squeeze %dma_wait3A_96 : memref<1x624x16xf32, #tpu.memory_space<hbm>> -> memref<624x16xf32, #tpu.memory_space<hbm>>
      %dma_wait3A_98 = arith.constant 0 : i32
      %dma_wait3A_99 = tpu.memref_slice %arg11[%mul3A_25, %dma_wait3A_98] : memref<10000x16xf32, #tpu.memory_space<vmem_shared>> -> memref<624x16xf32, #tpu.memory_space<vmem_shared>>
      tpu.wait_dma2 semaphore(%run_scoped3A_91 : memref<!tpu.dma_semaphore, #tpu.memory_space<semaphore_mem>>) src(%dma_wait3A_99 : memref<624x16xf32, #tpu.memory_space<vmem_shared>>) dst(%dma_wait3A_97 : memref<624x16xf32, #tpu.memory_space<hbm>>)
      tpu.yield
    }) : () -> ()
    %eq3A_86 = arith.constant 0 : i32
    %eq3A_87 = arith.cmpi eq, %arg1, %eq3A_86 : i32
    %convert_element_type3A_88 = arith.extui %eq3A_87 : i1 to i32
    %cond3A_89 = arith.constant 0 : i32
    %cond3A_90 = arith.cmpi ne, %convert_element_type3A_88, %cond3A_89 : i32
    scf.if %cond3A_90 {
      "tpu.region"() ({
        %run_scoped3A_91 = tpu.sem_alloc : memref<!tpu.dma_semaphore, #tpu.memory_space<semaphore_mem>>
        %dma_start3A = arith.constant 9984 : i32
        %dma_start3A_92 = arith.constant 0 : i32
        %dma_start3A_93 = tpu.memref_slice %arg10[%arg0, %dma_start3A, %dma_start3A_92] : memref<2x10000x16xf32, #tpu.memory_space<hbm>> -> memref<1x16x16xf32, #tpu.memory_space<hbm>>
        %dma_start3A_94 = tpu.memref_squeeze %dma_start3A_93 : memref<1x16x16xf32, #tpu.memory_space<hbm>> -> memref<16x16xf32, #tpu.memory_space<hbm>>
        %dma_start3A_95 = arith.constant 9984 : i32
        %dma_start3A_96 = arith.constant 0 : i32
        %dma_start3A_97 = tpu.memref_slice %arg11[%dma_start3A_95, %dma_start3A_96] : memref<10000x16xf32, #tpu.memory_space<vmem_shared>> -> memref<16x16xf32, #tpu.memory_space<vmem_shared>>
        tpu.enqueue_dma source(%dma_start3A_97 : memref<16x16xf32, #tpu.memory_space<vmem_shared>>) target(%dma_start3A_94 : memref<16x16xf32, #tpu.memory_space<hbm>>) target_semaphore(%run_scoped3A_91 : memref<!tpu.dma_semaphore, #tpu.memory_space<semaphore_mem>>)
        %dma_wait3A = arith.constant 9984 : i32
        %dma_wait3A_98 = arith.constant 0 : i32
        %dma_wait3A_99 = tpu.memref_slice %arg10[%arg0, %dma_wait3A, %dma_wait3A_98] : memref<2x10000x16xf32, #tpu.memory_space<hbm>> -> memref<1x16x16xf32, #tpu.memory_space<hbm>>
        %dma_wait3A_100 = tpu.memref_squeeze %dma_wait3A_99 : memref<1x16x16xf32, #tpu.memory_space<hbm>> -> memref<16x16xf32, #tpu.memory_space<hbm>>
        %dma_wait3A_101 = arith.constant 9984 : i32
        %dma_wait3A_102 = arith.constant 0 : i32
        %dma_wait3A_103 = tpu.memref_slice %arg11[%dma_wait3A_101, %dma_wait3A_102] : memref<10000x16xf32, #tpu.memory_space<vmem_shared>> -> memref<16x16xf32, #tpu.memory_space<vmem_shared>>
        tpu.wait_dma2 semaphore(%run_scoped3A_91 : memref<!tpu.dma_semaphore, #tpu.memory_space<semaphore_mem>>) src(%dma_wait3A_103 : memref<16x16xf32, #tpu.memory_space<vmem_shared>>) dst(%dma_wait3A_100 : memref<16x16xf32, #tpu.memory_space<hbm>>)
        tpu.yield
      }) : () -> ()
    } else {
    }
    return
  }
}

module attributes {stable_mosaic.version = 14 : i64} {
  func.func @_prep_body(%arg0: i32, %arg1: memref<400x128xf32, #tpu.memory_space<vmem>>, %arg2: memref<128x128xf32, #tpu.memory_space<vmem>>, %arg3: memref<8x128xf32, #tpu.memory_space<vmem>>, %arg4: memref<128x128xf32, #tpu.memory_space<vmem>>, %arg5: memref<8x128xf32, #tpu.memory_space<vmem>>, %arg6: memref<128x16xf32, #tpu.memory_space<vmem>>, %arg7: memref<128x16xf32, #tpu.memory_space<vmem>>, %arg8: memref<400x128xf32, #tpu.memory_space<vmem>>, %arg9: memref<400x128xf32, #tpu.memory_space<vmem>>, %arg10: memref<400x16xf32, #tpu.memory_space<vmem>>, %arg11: memref<400x16xf32, #tpu.memory_space<vmem>>, %arg12: memref<8x16xf32, #tpu.memory_space<vmem>>, %arg13: memref<8x16xf32, #tpu.memory_space<vmem>>) attributes {dimension_semantics = [#tpu.dimension_semantics<arbitrary>], iteration_bounds = array<i64: 25>, scalar_prefetch = 0 : i64, scratch_operands = 0 : i64, tpu.core_type = #tpu.core_type<tc>, window_params = [{transform_indices = @transform_0, window_bounds = array<i64: 400, 128>}, {pipeline_mode = #tpu.pipeline_mode<synchronous>, transform_indices = @transform_1, window_bounds = array<i64: 128, 128>}, {pipeline_mode = #tpu.pipeline_mode<synchronous>, transform_indices = @transform_2, window_bounds = array<i64: 8, 128>}, {pipeline_mode = #tpu.pipeline_mode<synchronous>, transform_indices = @transform_3, window_bounds = array<i64: 128, 128>}, {pipeline_mode = #tpu.pipeline_mode<synchronous>, transform_indices = @transform_4, window_bounds = array<i64: 8, 128>}, {pipeline_mode = #tpu.pipeline_mode<synchronous>, transform_indices = @transform_5, window_bounds = array<i64: 128, 16>}, {pipeline_mode = #tpu.pipeline_mode<synchronous>, transform_indices = @transform_6, window_bounds = array<i64: 128, 16>}, {transform_indices = @transform_7, window_bounds = array<i64: 400, 128>}, {transform_indices = @transform_8, window_bounds = array<i64: 400, 128>}, {transform_indices = @transform_9, window_bounds = array<i64: 400, 16>}, {transform_indices = @transform_10, window_bounds = array<i64: 400, 16>}, {pipeline_mode = #tpu.pipeline_mode<synchronous>, transform_indices = @transform_11, window_bounds = array<i64: 8, 16>}, {pipeline_mode = #tpu.pipeline_mode<synchronous>, transform_indices = @transform_12, window_bounds = array<i64: 8, 16>}]} {
    %get3A = arith.constant 0 : index
    %get3A_0 = arith.constant 0 : index
    %get3A_1 = vector.load %arg1[%get3A, %get3A_0] : memref<400x128xf32, #tpu.memory_space<vmem>>, vector<400x128xf32>
    %get3A_2 = arith.constant 0 : index
    %get3A_3 = arith.constant 0 : index
    %get3A_4 = vector.load %arg2[%get3A_2, %get3A_3] : memref<128x128xf32, #tpu.memory_space<vmem>>, vector<128x128xf32>
    %dot_general3A = arith.constant dense<0.000000e+00> : vector<400x128xf32>
    %dot_general3A_5 = tpu.matmul %get3A_1, %get3A_4, %dot_general3A {dimension_numbers = #tpu.dot_dimension_numbers<[1], [0], [0], [1], [0, 0, 1, 1], [], []>, transpose_lhs_hint = false} : vector<400x128xf32>, vector<128x128xf32>, vector<400x128xf32> -> vector<400x128xf32>
    %get3A_6 = arith.constant 0 : index
    %get3A_7 = arith.constant 0 : index
    %get3A_8 = vector.load %arg3[%get3A_6, %get3A_7] : memref<8x128xf32, #tpu.memory_space<vmem>>, vector<1x128xf32>
    %add3A = vector.broadcast %get3A_8 : vector<1x128xf32> to vector<400x128xf32>
    %add3A_9 = arith.addf %dot_general3A_5, %add3A : vector<400x128xf32>
    %get3A_10 = arith.constant 0 : index
    %get3A_11 = arith.constant 0 : index
    %get3A_12 = vector.load %arg4[%get3A_10, %get3A_11] : memref<128x128xf32, #tpu.memory_space<vmem>>, vector<128x128xf32>
    %dot_general3A_13 = arith.constant dense<0.000000e+00> : vector<400x128xf32>
    %dot_general3A_14 = tpu.matmul %get3A_1, %get3A_12, %dot_general3A_13 {dimension_numbers = #tpu.dot_dimension_numbers<[1], [0], [0], [1], [0, 0, 1, 1], [], []>, transpose_lhs_hint = false} : vector<400x128xf32>, vector<128x128xf32>, vector<400x128xf32> -> vector<400x128xf32>
    %get3A_15 = arith.constant 0 : index
    %get3A_16 = arith.constant 0 : index
    %get3A_17 = vector.load %arg5[%get3A_15, %get3A_16] : memref<8x128xf32, #tpu.memory_space<vmem>>, vector<1x128xf32>
    %add3A_18 = vector.broadcast %get3A_17 : vector<1x128xf32> to vector<400x128xf32>
    %add3A_19 = arith.addf %dot_general3A_14, %add3A_18 : vector<400x128xf32>
    %swap3A = arith.constant 0 : index
    %swap3A_20 = arith.constant 0 : index
    %swap3A_21 = vector.load %arg8[%swap3A, %swap3A_20] : memref<400x128xf32, #tpu.memory_space<vmem>>, vector<400x128xf32>
    tpu.vector_store %arg8[%swap3A, %swap3A_20], %add3A_9 {strides = array<i32>} : memref<400x128xf32, #tpu.memory_space<vmem>>, vector<400x128xf32>,
    %swap3A_22 = arith.constant 0 : index
    %swap3A_23 = arith.constant 0 : index
    %swap3A_24 = vector.load %arg9[%swap3A_22, %swap3A_23] : memref<400x128xf32, #tpu.memory_space<vmem>>, vector<400x128xf32>
    tpu.vector_store %arg9[%swap3A_22, %swap3A_23], %add3A_19 {strides = array<i32>} : memref<400x128xf32, #tpu.memory_space<vmem>>, vector<400x128xf32>,
    %get3A_25 = arith.constant 0 : index
    %get3A_26 = arith.constant 0 : index
    %get3A_27 = vector.load %arg6[%get3A_25, %get3A_26] : memref<128x16xf32, #tpu.memory_space<vmem>>, vector<128x16xf32>
    %dot_general3A_28 = arith.constant dense<0.000000e+00> : vector<400x16xf32>
    %dot_general3A_29 = tpu.matmul %add3A_9, %get3A_27, %dot_general3A_28 {dimension_numbers = #tpu.dot_dimension_numbers<[1], [0], [0], [1], [0, 0, 1, 1], [], []>, transpose_lhs_hint = false} : vector<400x128xf32>, vector<128x16xf32>, vector<400x16xf32> -> vector<400x16xf32>
    %get3A_30 = arith.constant 0 : index
    %get3A_31 = arith.constant 0 : index
    %get3A_32 = vector.load %arg7[%get3A_30, %get3A_31] : memref<128x16xf32, #tpu.memory_space<vmem>>, vector<128x16xf32>
    %dot_general3A_33 = arith.constant dense<0.000000e+00> : vector<400x16xf32>
    %dot_general3A_34 = tpu.matmul %add3A_19, %get3A_32, %dot_general3A_33 {dimension_numbers = #tpu.dot_dimension_numbers<[1], [0], [0], [1], [0, 0, 1, 1], [], []>, transpose_lhs_hint = false} : vector<400x128xf32>, vector<128x16xf32>, vector<400x16xf32> -> vector<400x16xf32>
    %swap3A_35 = arith.constant 0 : index
    %swap3A_36 = arith.constant 0 : index
    %swap3A_37 = vector.load %arg10[%swap3A_35, %swap3A_36] : memref<400x16xf32, #tpu.memory_space<vmem>>, vector<400x16xf32>
    tpu.vector_store %arg10[%swap3A_35, %swap3A_36], %dot_general3A_29 {strides = array<i32>} : memref<400x16xf32, #tpu.memory_space<vmem>>, vector<400x16xf32>,
    %swap3A_38 = arith.constant 0 : index
    %swap3A_39 = arith.constant 0 : index
    %swap3A_40 = vector.load %arg11[%swap3A_38, %swap3A_39] : memref<400x16xf32, #tpu.memory_space<vmem>>, vector<400x16xf32>
    tpu.vector_store %arg11[%swap3A_38, %swap3A_39], %dot_general3A_34 {strides = array<i32>} : memref<400x16xf32, #tpu.memory_space<vmem>>, vector<400x16xf32>,
    %reduce_max3A = arith.constant dense<0xFF800000> : vector<16xf32>
    %reduce_max3A_41 = vector.multi_reduction <maximumf>, %dot_general3A_29, %reduce_max3A [0] : vector<400x16xf32> to vector<16xf32>
    %broadcast_in_dim3A = vector.shape_cast %reduce_max3A_41 : vector<16xf32> to vector<1x16xf32>
    %broadcast_in_dim3A_42 = vector.shape_cast %broadcast_in_dim3A : vector<1x16xf32> to vector<1x16xf32>
    %broadcast_in_dim3A_43 = vector.broadcast %broadcast_in_dim3A_42 : vector<1x16xf32> to vector<8x16xf32>
    %reduce_max3A_44 = arith.constant dense<0xFF800000> : vector<16xf32>
    %reduce_max3A_45 = vector.multi_reduction <maximumf>, %dot_general3A_34, %reduce_max3A_44 [0] : vector<400x16xf32> to vector<16xf32>
    %broadcast_in_dim3A_46 = vector.shape_cast %reduce_max3A_45 : vector<16xf32> to vector<1x16xf32>
    %broadcast_in_dim3A_47 = vector.shape_cast %broadcast_in_dim3A_46 : vector<1x16xf32> to vector<1x16xf32>
    %broadcast_in_dim3A_48 = vector.broadcast %broadcast_in_dim3A_47 : vector<1x16xf32> to vector<8x16xf32>
    %eq3A = arith.constant 0 : i32
    %eq3A_49 = arith.cmpi eq, %arg0, %eq3A : i32
    %convert_element_type3A = arith.extui %eq3A_49 : i1 to i32
    %cond3A = arith.constant 0 : i32
    %cond3A_50 = arith.cmpi ne, %convert_element_type3A, %cond3A : i32
    scf.if %cond3A_50 {
      %swap3A_55 = arith.constant 0 : index
      %swap3A_56 = arith.constant 0 : index
      %swap3A_57 = vector.load %arg12[%swap3A_55, %swap3A_56] : memref<8x16xf32, #tpu.memory_space<vmem>>, vector<8x16xf32>
      tpu.vector_store %arg12[%swap3A_55, %swap3A_56], %broadcast_in_dim3A_43 {strides = array<i32>} : memref<8x16xf32, #tpu.memory_space<vmem>>, vector<8x16xf32>,
      %swap3A_58 = arith.constant 0 : index
      %swap3A_59 = arith.constant 0 : index
      %swap3A_60 = vector.load %arg13[%swap3A_58, %swap3A_59] : memref<8x16xf32, #tpu.memory_space<vmem>>, vector<8x16xf32>
      tpu.vector_store %arg13[%swap3A_58, %swap3A_59], %broadcast_in_dim3A_48 {strides = array<i32>} : memref<8x16xf32, #tpu.memory_space<vmem>>, vector<8x16xf32>,
    } else {
    }
    %gt3A = arith.constant 0 : i32
    %gt3A_51 = arith.cmpi sgt, %arg0, %gt3A : i32
    %convert_element_type3A_52 = arith.extui %gt3A_51 : i1 to i32
    %cond3A_53 = arith.constant 0 : i32
    %cond3A_54 = arith.cmpi ne, %convert_element_type3A_52, %cond3A_53 : i32
    scf.if %cond3A_54 {
      %get3A_55 = arith.constant 0 : index
      %get3A_56 = arith.constant 0 : index
      %get3A_57 = vector.load %arg12[%get3A_55, %get3A_56] : memref<8x16xf32, #tpu.memory_space<vmem>>, vector<8x16xf32>
      %max3A = arith.maximumf %get3A_57, %broadcast_in_dim3A_43 : vector<8x16xf32>
      %swap3A_58 = arith.constant 0 : index
      %swap3A_59 = arith.constant 0 : index
      %swap3A_60 = vector.load %arg12[%swap3A_58, %swap3A_59] : memref<8x16xf32, #tpu.memory_space<vmem>>, vector<8x16xf32>
      tpu.vector_store %arg12[%swap3A_58, %swap3A_59], %max3A {strides = array<i32>} : memref<8x16xf32, #tpu.memory_space<vmem>>, vector<8x16xf32>,
      %get3A_61 = arith.constant 0 : index
      %get3A_62 = arith.constant 0 : index
      %get3A_63 = vector.load %arg13[%get3A_61, %get3A_62] : memref<8x16xf32, #tpu.memory_space<vmem>>, vector<8x16xf32>
      %max3A_64 = arith.maximumf %get3A_63, %broadcast_in_dim3A_48 : vector<8x16xf32>
      %swap3A_65 = arith.constant 0 : index
      %swap3A_66 = arith.constant 0 : index
      %swap3A_67 = vector.load %arg13[%swap3A_65, %swap3A_66] : memref<8x16xf32, #tpu.memory_space<vmem>>, vector<8x16xf32>
      tpu.vector_store %arg13[%swap3A_65, %swap3A_66], %max3A_64 {strides = array<i32>} : memref<8x16xf32, #tpu.memory_space<vmem>>, vector<8x16xf32>,
    } else {
    }
    return
  }
  func.func @transform_0(%arg0: i32) -> (i32, i32) {
    %c0_i32 = arith.constant 0 : i32
    %c0_i32_0 = arith.constant 0 : i32
    return %arg0, %c0_i32 : i32, i32
  }
  func.func @transform_1(%arg0: i32) -> (i32, i32) {
    %c0_i32 = arith.constant 0 : i32
    %c0_i32_0 = arith.constant 0 : i32
    %c0_i32_1 = arith.constant 0 : i32
    return %c0_i32, %c0_i32_0 : i32, i32
  }
  func.func @transform_2(%arg0: i32) -> (i32, i32) {
    %c0_i32 = arith.constant 0 : i32
    %c0_i32_0 = arith.constant 0 : i32
    %c0_i32_1 = arith.constant 0 : i32
    return %c0_i32, %c0_i32_0 : i32, i32
  }
  func.func @transform_3(%arg0: i32) -> (i32, i32) {
    %c0_i32 = arith.constant 0 : i32
    %c0_i32_0 = arith.constant 0 : i32
    %c0_i32_1 = arith.constant 0 : i32
    return %c0_i32, %c0_i32_0 : i32, i32
  }
  func.func @transform_4(%arg0: i32) -> (i32, i32) {
    %c0_i32 = arith.constant 0 : i32
    %c0_i32_0 = arith.constant 0 : i32
    %c0_i32_1 = arith.constant 0 : i32
    return %c0_i32, %c0_i32_0 : i32, i32
  }
  func.func @transform_5(%arg0: i32) -> (i32, i32) {
    %c0_i32 = arith.constant 0 : i32
    %c0_i32_0 = arith.constant 0 : i32
    %c0_i32_1 = arith.constant 0 : i32
    return %c0_i32, %c0_i32_0 : i32, i32
  }
  func.func @transform_6(%arg0: i32) -> (i32, i32) {
    %c0_i32 = arith.constant 0 : i32
    %c0_i32_0 = arith.constant 0 : i32
    %c0_i32_1 = arith.constant 0 : i32
    return %c0_i32, %c0_i32_0 : i32, i32
  }
  func.func @transform_7(%arg0: i32) -> (i32, i32) {
    %c0_i32 = arith.constant 0 : i32
    %c0_i32_0 = arith.constant 0 : i32
    return %arg0, %c0_i32 : i32, i32
  }
  func.func @transform_8(%arg0: i32) -> (i32, i32) {
    %c0_i32 = arith.constant 0 : i32
    %c0_i32_0 = arith.constant 0 : i32
    return %arg0, %c0_i32 : i32, i32
  }
  func.func @transform_9(%arg0: i32) -> (i32, i32) {
    %c0_i32 = arith.constant 0 : i32
    %c0_i32_0 = arith.constant 0 : i32
    return %arg0, %c0_i32 : i32, i32
  }
  func.func @transform_10(%arg0: i32) -> (i32, i32) {
    %c0_i32 = arith.constant 0 : i32
    %c0_i32_0 = arith.constant 0 : i32
    return %arg0, %c0_i32 : i32, i32
  }
  func.func @transform_11(%arg0: i32) -> (i32, i32) {
    %c0_i32 = arith.constant 0 : i32
    %c0_i32_0 = arith.constant 0 : i32
    %c0_i32_1 = arith.constant 0 : i32
    return %c0_i32, %c0_i32_0 : i32, i32
  }
  func.func @transform_12(%arg0: i32) -> (i32, i32) {
    %c0_i32 = arith.constant 0 : i32
    %c0_i32_0 = arith.constant 0 : i32
    %c0_i32_1 = arith.constant 0 : i32
    return %c0_i32, %c0_i32_0 : i32, i32
  }
}

module attributes {stable_mosaic.version = 14 : i64} {
  func.func @_combine_body(%arg0: i32, %arg1: memref<2x3x400x128xf32, #tpu.memory_space<vmem>>, %arg2: memref<2x400x16xf32, #tpu.memory_space<vmem>>, %arg3: memref<400x128xf32, #tpu.memory_space<vmem>>, %arg4: memref<400x128xf32, #tpu.memory_space<vmem>>, %arg5: memref<8x128xf32, #tpu.memory_space<vmem>>, %arg6: memref<8x128xf32, #tpu.memory_space<vmem>>, %arg7: memref<8x128xf32, #tpu.memory_space<vmem>>, %arg8: memref<128x8xf32, #tpu.memory_space<vmem>>, %arg9: memref<8x128xf32, #tpu.memory_space<vmem>>, %arg10: memref<48x128xf32, #tpu.memory_space<vmem>>, %arg11: memref<400x128xf32, #tpu.memory_space<vmem>>) attributes {dimension_semantics = [#tpu.dimension_semantics<arbitrary>], iteration_bounds = array<i64: 25>, scalar_prefetch = 0 : i64, scratch_operands = 0 : i64, tpu.core_type = #tpu.core_type<tc>, window_params = [{transform_indices = @transform_0, window_bounds = array<i64: 2, 3, 400, 128>}, {transform_indices = @transform_1, window_bounds = array<i64: 2, 400, 16>}, {transform_indices = @transform_2, window_bounds = array<i64: 400, 128>}, {transform_indices = @transform_3, window_bounds = array<i64: 400, 128>}, {pipeline_mode = #tpu.pipeline_mode<synchronous>, transform_indices = @transform_4, window_bounds = array<i64: 8, 128>}, {pipeline_mode = #tpu.pipeline_mode<synchronous>, transform_indices = @transform_5, window_bounds = array<i64: 8, 128>}, {pipeline_mode = #tpu.pipeline_mode<synchronous>, transform_indices = @transform_6, window_bounds = array<i64: 8, 128>}, {pipeline_mode = #tpu.pipeline_mode<synchronous>, transform_indices = @transform_7, window_bounds = array<i64: 128, 8>}, {pipeline_mode = #tpu.pipeline_mode<synchronous>, transform_indices = @transform_8, window_bounds = array<i64: 8, 128>}, {pipeline_mode = #tpu.pipeline_mode<synchronous>, transform_indices = @transform_9, window_bounds = array<i64: 48, 128>}, {transform_indices = @transform_10, window_bounds = array<i64: 400, 128>}]} {
    %get3A = arith.constant 0 : index
    %get3A_0 = arith.constant 0 : index
    %get3A_1 = vector.load %arg4[%get3A, %get3A_0] : memref<400x128xf32, #tpu.memory_space<vmem>>, vector<400x128xf32>
    %get3A_2 = arith.constant 0 : index
    %get3A_3 = arith.constant 0 : index
    %get3A_4 = vector.load %arg5[%get3A_2, %get3A_3] : memref<8x128xf32, #tpu.memory_space<vmem>>, vector<1x128xf32>
    %mul3A = vector.broadcast %get3A_4 : vector<1x128xf32> to vector<400x128xf32>
    %mul3A_5 = arith.mulf %get3A_1, %mul3A : vector<400x128xf32>
    %max3A = arith.constant 0.000000e+00 : f32
    %max3A_6 = vector.broadcast %max3A : f32 to vector<400x128xf32>
    %max3A_7 = arith.maximumf %mul3A_5, %max3A_6 : vector<400x128xf32>
    %get3A_8 = arith.constant 0 : index
    %get3A_9 = arith.constant 0 : index
    %get3A_10 = vector.load %arg8[%get3A_8, %get3A_9] : memref<128x8xf32, #tpu.memory_space<vmem>>, vector<128x8xf32>
    %get3A_11 = arith.constant 0 : index
    %get3A_12 = arith.constant 0 : index
    %get3A_13 = vector.load %arg9[%get3A_11, %get3A_12] : memref<8x128xf32, #tpu.memory_space<vmem>>, vector<8x128xf32>
    %get3A_14 = arith.constant 0 : index
    %get3A_15 = arith.constant 0 : index
    %get3A_16 = arith.constant 0 : index
    %get3A_17 = vector.load %arg2[%get3A_14, %get3A_15, %get3A_16] : memref<2x400x16xf32, #tpu.memory_space<vmem>>, vector<1x400x16xf32>
    %get3A_18 = vector.shape_cast %get3A_17 : vector<1x400x16xf32> to vector<400x16xf32>
    %get3A_19 = arith.constant 1 : index
    %get3A_20 = arith.constant 0 : index
    %get3A_21 = arith.constant 0 : index
    %get3A_22 = vector.load %arg2[%get3A_19, %get3A_20, %get3A_21] : memref<2x400x16xf32, #tpu.memory_space<vmem>>, vector<1x400x16xf32>
    %get3A_23 = vector.shape_cast %get3A_22 : vector<1x400x16xf32> to vector<400x16xf32>
    %add3A = arith.addf %get3A_18, %get3A_23 : vector<400x16xf32>
    %add3A_24 = arith.constant 1.000000e-16 : f32
    %add3A_25 = vector.broadcast %add3A_24 : f32 to vector<400x16xf32>
    %add3A_26 = arith.addf %add3A, %add3A_25 : vector<400x16xf32>
    %div3A = arith.constant 1.000000e+00 : f32
    %div3A_27 = vector.broadcast %div3A : f32 to vector<400x16xf32>
    %div3A_28 = arith.divf %div3A_27, %add3A_26 : vector<400x16xf32>
    %get3A_29 = arith.constant 0 : index
    %get3A_30 = arith.constant 0 : index
    %get3A_31 = arith.constant 0 : index
    %get3A_32 = arith.constant 0 : index
    %get3A_33 = vector.load %arg1[%get3A_29, %get3A_30, %get3A_31, %get3A_32] : memref<2x3x400x128xf32, #tpu.memory_space<vmem>>, vector<1x1x400x128xf32>
    %get3A_34 = vector.shape_cast %get3A_33 : vector<1x1x400x128xf32> to vector<400x128xf32>
    %get3A_35 = arith.constant 1 : index
    %get3A_36 = arith.constant 0 : index
    %get3A_37 = arith.constant 0 : index
    %get3A_38 = arith.constant 0 : index
    %get3A_39 = vector.load %arg1[%get3A_35, %get3A_36, %get3A_37, %get3A_38] : memref<2x3x400x128xf32, #tpu.memory_space<vmem>>, vector<1x1x400x128xf32>
    %get3A_40 = vector.shape_cast %get3A_39 : vector<1x1x400x128xf32> to vector<400x128xf32>
    %add3A_41 = arith.addf %get3A_34, %get3A_40 : vector<400x128xf32>
    %get3A_42 = arith.constant 0 : index
    %get3A_43 = arith.constant 0 : index
    %get3A_44 = vector.load %arg10[%get3A_42, %get3A_43] : memref<48x128xf32, #tpu.memory_space<vmem>>, vector<16x128xf32>
    %dot_general3A = arith.constant dense<0.000000e+00> : vector<400x128xf32>
    %dot_general3A_45 = tpu.matmul %div3A_28, %get3A_44, %dot_general3A {dimension_numbers = #tpu.dot_dimension_numbers<[1], [0], [0], [1], [0, 0, 1, 1], [], []>, transpose_lhs_hint = false} : vector<400x16xf32>, vector<16x128xf32>, vector<400x128xf32> -> vector<400x128xf32>
    %mul3A_46 = arith.mulf %add3A_41, %dot_general3A_45 : vector<400x128xf32>
    %get3A_47 = arith.constant 0 : index
    %get3A_48 = arith.constant 1 : index
    %get3A_49 = arith.constant 0 : index
    %get3A_50 = arith.constant 0 : index
    %get3A_51 = vector.load %arg1[%get3A_47, %get3A_48, %get3A_49, %get3A_50] : memref<2x3x400x128xf32, #tpu.memory_space<vmem>>, vector<1x1x400x128xf32>
    %get3A_52 = vector.shape_cast %get3A_51 : vector<1x1x400x128xf32> to vector<400x128xf32>
    %get3A_53 = arith.constant 1 : index
    %get3A_54 = arith.constant 1 : index
    %get3A_55 = arith.constant 0 : index
    %get3A_56 = arith.constant 0 : index
    %get3A_57 = vector.load %arg1[%get3A_53, %get3A_54, %get3A_55, %get3A_56] : memref<2x3x400x128xf32, #tpu.memory_space<vmem>>, vector<1x1x400x128xf32>
    %get3A_58 = vector.shape_cast %get3A_57 : vector<1x1x400x128xf32> to vector<400x128xf32>
    %add3A_59 = arith.addf %get3A_52, %get3A_58 : vector<400x128xf32>
    %get3A_60 = arith.constant 16 : index
    %get3A_61 = arith.constant 0 : index
    %get3A_62 = vector.load %arg10[%get3A_60, %get3A_61] : memref<48x128xf32, #tpu.memory_space<vmem>>, vector<16x128xf32>
    %dot_general3A_63 = arith.constant dense<0.000000e+00> : vector<400x128xf32>
    %dot_general3A_64 = tpu.matmul %div3A_28, %get3A_62, %dot_general3A_63 {dimension_numbers = #tpu.dot_dimension_numbers<[1], [0], [0], [1], [0, 0, 1, 1], [], []>, transpose_lhs_hint = false} : vector<400x16xf32>, vector<16x128xf32>, vector<400x128xf32> -> vector<400x128xf32>
    %mul3A_65 = arith.mulf %add3A_59, %dot_general3A_64 : vector<400x128xf32>
    %get3A_66 = arith.constant 0 : index
    %get3A_67 = arith.constant 2 : index
    %get3A_68 = arith.constant 0 : index
    %get3A_69 = arith.constant 0 : index
    %get3A_70 = vector.load %arg1[%get3A_66, %get3A_67, %get3A_68, %get3A_69] : memref<2x3x400x128xf32, #tpu.memory_space<vmem>>, vector<1x1x400x128xf32>
    %get3A_71 = vector.shape_cast %get3A_70 : vector<1x1x400x128xf32> to vector<400x128xf32>
    %get3A_72 = arith.constant 1 : index
    %get3A_73 = arith.constant 2 : index
    %get3A_74 = arith.constant 0 : index
    %get3A_75 = arith.constant 0 : index
    %get3A_76 = vector.load %arg1[%get3A_72, %get3A_73, %get3A_74, %get3A_75] : memref<2x3x400x128xf32, #tpu.memory_space<vmem>>, vector<1x1x400x128xf32>
    %get3A_77 = vector.shape_cast %get3A_76 : vector<1x1x400x128xf32> to vector<400x128xf32>
    %add3A_78 = arith.addf %get3A_71, %get3A_77 : vector<400x128xf32>
    %get3A_79 = arith.constant 32 : index
    %get3A_80 = arith.constant 0 : index
    %get3A_81 = vector.load %arg10[%get3A_79, %get3A_80] : memref<48x128xf32, #tpu.memory_space<vmem>>, vector<16x128xf32>
    %dot_general3A_82 = arith.constant dense<0.000000e+00> : vector<400x128xf32>
    %dot_general3A_83 = tpu.matmul %div3A_28, %get3A_81, %dot_general3A_82 {dimension_numbers = #tpu.dot_dimension_numbers<[1], [0], [0], [1], [0, 0, 1, 1], [], []>, transpose_lhs_hint = false} : vector<400x16xf32>, vector<16x128xf32>, vector<400x128xf32> -> vector<400x128xf32>
    %mul3A_84 = arith.mulf %add3A_78, %dot_general3A_83 : vector<400x128xf32>
    %get3A_85 = arith.constant 0 : index
    %get3A_86 = arith.constant 0 : index
    %get3A_87 = vector.load %arg3[%get3A_85, %get3A_86] : memref<400x128xf32, #tpu.memory_space<vmem>>, vector<400x128xf32>
    %get3A_88 = arith.constant 0 : index
    %get3A_89 = arith.constant 0 : index
    %get3A_90 = vector.load %arg6[%get3A_88, %get3A_89] : memref<8x128xf32, #tpu.memory_space<vmem>>, vector<1x128xf32>
    %mul3A_91 = vector.broadcast %get3A_90 : vector<1x128xf32> to vector<400x128xf32>
    %mul3A_92 = arith.mulf %mul3A_46, %mul3A_91 : vector<400x128xf32>
    %max3A_93 = arith.constant 0.000000e+00 : f32
    %max3A_94 = vector.broadcast %max3A_93 : f32 to vector<400x128xf32>
    %max3A_95 = arith.maximumf %mul3A_92, %max3A_94 : vector<400x128xf32>
    %mul3A_96 = arith.mulf %max3A_7, %max3A_95 : vector<400x128xf32>
    %dot_general3A_97 = arith.constant dense<0.000000e+00> : vector<400x8xf32>
    %dot_general3A_98 = tpu.matmul %mul3A_96, %get3A_10, %dot_general3A_97 {dimension_numbers = #tpu.dot_dimension_numbers<[1], [0], [0], [1], [0, 0, 1, 1], [], []>, transpose_lhs_hint = false} : vector<400x128xf32>, vector<128x8xf32>, vector<400x8xf32> -> vector<400x8xf32>
    %get3A_99 = arith.constant 0 : index
    %get3A_100 = arith.constant 0 : index
    %get3A_101 = vector.load %arg7[%get3A_99, %get3A_100] : memref<8x128xf32, #tpu.memory_space<vmem>>, vector<1x8xf32>
    %add3A_102 = vector.broadcast %get3A_101 : vector<1x8xf32> to vector<400x8xf32>
    %add3A_103 = arith.addf %dot_general3A_98, %add3A_102 : vector<400x8xf32>
    %get3A_104 = arith.constant 1 : index
    %get3A_105 = arith.constant 0 : index
    %get3A_106 = vector.load %arg6[%get3A_104, %get3A_105] : memref<8x128xf32, #tpu.memory_space<vmem>>, vector<1x128xf32>
    %mul3A_107 = vector.broadcast %get3A_106 : vector<1x128xf32> to vector<400x128xf32>
    %mul3A_108 = arith.mulf %mul3A_65, %mul3A_107 : vector<400x128xf32>
    %max3A_109 = arith.constant 0.000000e+00 : f32
    %max3A_110 = vector.broadcast %max3A_109 : f32 to vector<400x128xf32>
    %max3A_111 = arith.maximumf %mul3A_108, %max3A_110 : vector<400x128xf32>
    %mul3A_112 = arith.mulf %max3A_7, %max3A_111 : vector<400x128xf32>
    %dot_general3A_113 = arith.constant dense<0.000000e+00> : vector<400x8xf32>
    %dot_general3A_114 = tpu.matmul %mul3A_112, %get3A_10, %dot_general3A_113 {dimension_numbers = #tpu.dot_dimension_numbers<[1], [0], [0], [1], [0, 0, 1, 1], [], []>, transpose_lhs_hint = false} : vector<400x128xf32>, vector<128x8xf32>, vector<400x8xf32> -> vector<400x8xf32>
    %get3A_115 = arith.constant 1 : index
    %get3A_116 = arith.constant 0 : index
    %get3A_117 = vector.load %arg7[%get3A_115, %get3A_116] : memref<8x128xf32, #tpu.memory_space<vmem>>, vector<1x8xf32>
    %add3A_118 = vector.broadcast %get3A_117 : vector<1x8xf32> to vector<400x8xf32>
    %add3A_119 = arith.addf %dot_general3A_114, %add3A_118 : vector<400x8xf32>
    %get3A_120 = arith.constant 2 : index
    %get3A_121 = arith.constant 0 : index
    %get3A_122 = vector.load %arg6[%get3A_120, %get3A_121] : memref<8x128xf32, #tpu.memory_space<vmem>>, vector<1x128xf32>
    %mul3A_123 = vector.broadcast %get3A_122 : vector<1x128xf32> to vector<400x128xf32>
    %mul3A_124 = arith.mulf %mul3A_84, %mul3A_123 : vector<400x128xf32>
    %max3A_125 = arith.constant 0.000000e+00 : f32
    %max3A_126 = vector.broadcast %max3A_125 : f32 to vector<400x128xf32>
    %max3A_127 = arith.maximumf %mul3A_124, %max3A_126 : vector<400x128xf32>
    %mul3A_128 = arith.mulf %max3A_7, %max3A_127 : vector<400x128xf32>
    %dot_general3A_129 = arith.constant dense<0.000000e+00> : vector<400x8xf32>
    %dot_general3A_130 = tpu.matmul %mul3A_128, %get3A_10, %dot_general3A_129 {dimension_numbers = #tpu.dot_dimension_numbers<[1], [0], [0], [1], [0, 0, 1, 1], [], []>, transpose_lhs_hint = false} : vector<400x128xf32>, vector<128x8xf32>, vector<400x8xf32> -> vector<400x8xf32>
    %get3A_131 = arith.constant 2 : index
    %get3A_132 = arith.constant 0 : index
    %get3A_133 = vector.load %arg7[%get3A_131, %get3A_132] : memref<8x128xf32, #tpu.memory_space<vmem>>, vector<1x8xf32>
    %add3A_134 = vector.broadcast %get3A_133 : vector<1x8xf32> to vector<400x8xf32>
    %add3A_135 = arith.addf %dot_general3A_130, %add3A_134 : vector<400x8xf32>
    %get3A_136 = arith.constant 3 : index
    %get3A_137 = arith.constant 0 : index
    %get3A_138 = vector.load %arg6[%get3A_136, %get3A_137] : memref<8x128xf32, #tpu.memory_space<vmem>>, vector<1x128xf32>
    %mul3A_139 = vector.broadcast %get3A_138 : vector<1x128xf32> to vector<400x128xf32>
    %mul3A_140 = arith.mulf %get3A_87, %mul3A_139 : vector<400x128xf32>
    %max3A_141 = arith.constant 0.000000e+00 : f32
    %max3A_142 = vector.broadcast %max3A_141 : f32 to vector<400x128xf32>
    %max3A_143 = arith.maximumf %mul3A_140, %max3A_142 : vector<400x128xf32>
    %mul3A_144 = arith.mulf %max3A_7, %max3A_143 : vector<400x128xf32>
    %dot_general3A_145 = arith.constant dense<0.000000e+00> : vector<400x8xf32>
    %dot_general3A_146 = tpu.matmul %mul3A_144, %get3A_10, %dot_general3A_145 {dimension_numbers = #tpu.dot_dimension_numbers<[1], [0], [0], [1], [0, 0, 1, 1], [], []>, transpose_lhs_hint = false} : vector<400x128xf32>, vector<128x8xf32>, vector<400x8xf32> -> vector<400x8xf32>
    %get3A_147 = arith.constant 3 : index
    %get3A_148 = arith.constant 0 : index
    %get3A_149 = vector.load %arg7[%get3A_147, %get3A_148] : memref<8x128xf32, #tpu.memory_space<vmem>>, vector<1x8xf32>
    %add3A_150 = vector.broadcast %get3A_149 : vector<1x8xf32> to vector<400x8xf32>
    %add3A_151 = arith.addf %dot_general3A_146, %add3A_150 : vector<400x8xf32>
    %max3A_152 = arith.maximumf %add3A_103, %add3A_119 : vector<400x8xf32>
    %max3A_153 = arith.maximumf %max3A_152, %add3A_135 : vector<400x8xf32>
    %max3A_154 = arith.maximumf %max3A_153, %add3A_151 : vector<400x8xf32>
    %sub3A = arith.subf %add3A_103, %max3A_154 : vector<400x8xf32>
    %exp3A = math.exp %sub3A : vector<400x8xf32>
    %sub3A_155 = arith.subf %add3A_119, %max3A_154 : vector<400x8xf32>
    %exp3A_156 = math.exp %sub3A_155 : vector<400x8xf32>
    %sub3A_157 = arith.subf %add3A_135, %max3A_154 : vector<400x8xf32>
    %exp3A_158 = math.exp %sub3A_157 : vector<400x8xf32>
    %sub3A_159 = arith.subf %add3A_151, %max3A_154 : vector<400x8xf32>
    %exp3A_160 = math.exp %sub3A_159 : vector<400x8xf32>
    %add3A_161 = arith.addf %exp3A, %exp3A_156 : vector<400x8xf32>
    %add3A_162 = arith.addf %add3A_161, %exp3A_158 : vector<400x8xf32>
    %add3A_163 = arith.addf %add3A_162, %exp3A_160 : vector<400x8xf32>
    %broadcast_in_dim3A = arith.constant 0.000000e+00 : f32
    %broadcast_in_dim3A_164 = vector.broadcast %broadcast_in_dim3A : f32 to vector<400x128xf32>
    %div3A_165 = arith.divf %exp3A, %add3A_163 : vector<400x8xf32>
    %dot_general3A_166 = arith.constant dense<0.000000e+00> : vector<400x128xf32>
    %dot_general3A_167 = tpu.matmul %div3A_165, %get3A_13, %dot_general3A_166 {dimension_numbers = #tpu.dot_dimension_numbers<[1], [0], [0], [1], [0, 0, 1, 1], [], []>, transpose_lhs_hint = false} : vector<400x8xf32>, vector<8x128xf32>, vector<400x128xf32> -> vector<400x128xf32>
    %mul3A_168 = arith.mulf %mul3A_46, %dot_general3A_167 : vector<400x128xf32>
    %add3A_169 = arith.addf %broadcast_in_dim3A_164, %mul3A_168 : vector<400x128xf32>
    %div3A_170 = arith.divf %exp3A_156, %add3A_163 : vector<400x8xf32>
    %dot_general3A_171 = arith.constant dense<0.000000e+00> : vector<400x128xf32>
    %dot_general3A_172 = tpu.matmul %div3A_170, %get3A_13, %dot_general3A_171 {dimension_numbers = #tpu.dot_dimension_numbers<[1], [0], [0], [1], [0, 0, 1, 1], [], []>, transpose_lhs_hint = false} : vector<400x8xf32>, vector<8x128xf32>, vector<400x128xf32> -> vector<400x128xf32>
    %mul3A_173 = arith.mulf %mul3A_65, %dot_general3A_172 : vector<400x128xf32>
    %add3A_174 = arith.addf %add3A_169, %mul3A_173 : vector<400x128xf32>
    %div3A_175 = arith.divf %exp3A_158, %add3A_163 : vector<400x8xf32>
    %dot_general3A_176 = arith.constant dense<0.000000e+00> : vector<400x128xf32>
    %dot_general3A_177 = tpu.matmul %div3A_175, %get3A_13, %dot_general3A_176 {dimension_numbers = #tpu.dot_dimension_numbers<[1], [0], [0], [1], [0, 0, 1, 1], [], []>, transpose_lhs_hint = false} : vector<400x8xf32>, vector<8x128xf32>, vector<400x128xf32> -> vector<400x128xf32>
    %mul3A_178 = arith.mulf %mul3A_84, %dot_general3A_177 : vector<400x128xf32>
    %add3A_179 = arith.addf %add3A_174, %mul3A_178 : vector<400x128xf32>
    %div3A_180 = arith.divf %exp3A_160, %add3A_163 : vector<400x8xf32>
    %dot_general3A_181 = arith.constant dense<0.000000e+00> : vector<400x128xf32>
    %dot_general3A_182 = tpu.matmul %div3A_180, %get3A_13, %dot_general3A_181 {dimension_numbers = #tpu.dot_dimension_numbers<[1], [0], [0], [1], [0, 0, 1, 1], [], []>, transpose_lhs_hint = false} : vector<400x8xf32>, vector<8x128xf32>, vector<400x128xf32> -> vector<400x128xf32>
    %mul3A_183 = arith.mulf %get3A_87, %dot_general3A_182 : vector<400x128xf32>
    %add3A_184 = arith.addf %add3A_179, %mul3A_183 : vector<400x128xf32>
    %max3A_185 = arith.constant 0.000000e+00 : f32
    %max3A_186 = vector.broadcast %max3A_185 : f32 to vector<400x128xf32>
    %max3A_187 = arith.maximumf %add3A_184, %max3A_186 : vector<400x128xf32>
    %swap3A = arith.constant 0 : index
    %swap3A_188 = arith.constant 0 : index
    %swap3A_189 = vector.load %arg11[%swap3A, %swap3A_188] : memref<400x128xf32, #tpu.memory_space<vmem>>, vector<400x128xf32>
    tpu.vector_store %arg11[%swap3A, %swap3A_188], %max3A_187 {strides = array<i32>} : memref<400x128xf32, #tpu.memory_space<vmem>>, vector<400x128xf32>,
    return
  }
  func.func @transform_0(%arg0: i32) -> (i32, i32, i32, i32) {
    %c0_i32 = arith.constant 0 : i32
    %c0_i32_0 = arith.constant 0 : i32
    %c0_i32_1 = arith.constant 0 : i32
    %c0_i32_2 = arith.constant 0 : i32
    return %c0_i32, %c0_i32_0, %arg0, %c0_i32_1 : i32, i32, i32, i32
  }
  func.func @transform_1(%arg0: i32) -> (i32, i32, i32) {
    %c0_i32 = arith.constant 0 : i32
    %c0_i32_0 = arith.constant 0 : i32
    %c0_i32_1 = arith.constant 0 : i32
    return %c0_i32, %arg0, %c0_i32_0 : i32, i32, i32
  }
  func.func @transform_2(%arg0: i32) -> (i32, i32) {
    %c0_i32 = arith.constant 0 : i32
    %c0_i32_0 = arith.constant 0 : i32
    return %arg0, %c0_i32 : i32, i32
  }
  func.func @transform_3(%arg0: i32) -> (i32, i32) {
    %c0_i32 = arith.constant 0 : i32
    %c0_i32_0 = arith.constant 0 : i32
    return %arg0, %c0_i32 : i32, i32
  }
  func.func @transform_4(%arg0: i32) -> (i32, i32) {
    %c0_i32 = arith.constant 0 : i32
    %c0_i32_0 = arith.constant 0 : i32
    %c0_i32_1 = arith.constant 0 : i32
    return %c0_i32, %c0_i32_0 : i32, i32
  }
  func.func @transform_5(%arg0: i32) -> (i32, i32) {
    %c0_i32 = arith.constant 0 : i32
    %c0_i32_0 = arith.constant 0 : i32
    %c0_i32_1 = arith.constant 0 : i32
    return %c0_i32, %c0_i32_0 : i32, i32
  }
  func.func @transform_6(%arg0: i32) -> (i32, i32) {
    %c0_i32 = arith.constant 0 : i32
    %c0_i32_0 = arith.constant 0 : i32
    %c0_i32_1 = arith.constant 0 : i32
    return %c0_i32, %c0_i32_0 : i32, i32
  }
  func.func @transform_7(%arg0: i32) -> (i32, i32) {
    %c0_i32 = arith.constant 0 : i32
    %c0_i32_0 = arith.constant 0 : i32
    %c0_i32_1 = arith.constant 0 : i32
    return %c0_i32, %c0_i32_0 : i32, i32
  }
  func.func @transform_8(%arg0: i32) -> (i32, i32) {
    %c0_i32 = arith.constant 0 : i32
    %c0_i32_0 = arith.constant 0 : i32
    %c0_i32_1 = arith.constant 0 : i32
    return %c0_i32, %c0_i32_0 : i32, i32
  }
  func.func @transform_9(%arg0: i32) -> (i32, i32) {
    %c0_i32 = arith.constant 0 : i32
    %c0_i32_0 = arith.constant 0 : i32
    %c0_i32_1 = arith.constant 0 : i32
    return %c0_i32, %c0_i32_0 : i32, i32
  }
  func.func @transform_10(%arg0: i32) -> (i32, i32) {
    %c0_i32 = arith.constant 0 : i32
    %c0_i32_0 = arith.constant 0 : i32
    return %arg0, %c0_i32 : i32, i32
  }
}

</mosaic_0001>

<sc_bundles>
// kernel: kernel.5.cloned.1.call-start
scs
__scs_entry_jumppad:
0x0: {  	(pc) =	sbr.rel $0x88, $3  }
0x1: {  	(tag) =	ssettag $0x0;
	lr =	simm.s32 $0x1  }
0x2: {  	[smem:$0x3F97] =	sst lr;
	_ =	strace $0xD0000000  }
0x3: {  	_ = 	snop  }
0x4: {  	_ = 	snop  }
0x5: {  	_ = 	snop  }
0x6: {  	_ = 	snop  }
0x7: {  	_ = 	snop  }
__scs_overlays_trampoline_lowered:
0x8: {  	[smem:$0x3FA6] =	sst s0  }
0x9: {  	[smem:$0x3FA7] =	sst s1  }
0xa: {  	[smem:$0x3FA8] =	sst s2  }
0xb: {  	[smem:$0x3FA9] =	sst s3  }
0xc: {  	[smem:$0x3FAA] =	sst s4  }
0xd: {  	[smem:$0x3FAB] =	sst s5  }
0xe: {  	[smem:$0x3FAC] =	sst s6  }
0xf: {  	[smem:$0x3FAD] =	sst s7  }
0x10: {  	[smem:$0x3FAE] =	sst s8  }
0x11: {  	[smem:$0x3FAF] =	sst s9;
	s0 =	simm.s32 @!p0 $0x0  }
0x12: {  	s1 =	sld [smem:$0x3F95];
	s0 =	simm.s32 @p0 $0x1  }
0x13: {  	[smem:$0x3FB0] =	sst s0;
	s0 =	simm.s32 @!p1 $0x0  }
0x14: {  	s2 =	sld [smem:$0x3F94];
	s0 =	simm.s32 @p1 $0x1  }
0x15: {  	[smem:$0x3FB1] =	sst s0;
	s0 =	simm.s32 @!p2 $0x0  }
0x16: {  	s3 =	sld [smem:$0x3FDB];
	s0 =	simm.s32 @p2 $0x1  }
0x17: {  	s4 =	simm.s32 $0x1BF5;
	[smem:$0x3FB3] =	sst s0  }
0x18: {  	s0 =	sld [smem:$0x3F96];
	_ =	swait.ge [sflag:s4], $0x0  }
0x19: {  	s7 =	sld [smem:$0x3F97]  }
0x1a: {  	s8 =	sadd.s32 $0xFFFFE003, lr  }
0x1b: {  	s9 =	sadd.s32 $0xFFFFFEF7, lr;
	s5 =	simm.s32 $0xFFFFFFFF;
	p2 =	slt.u32 s8, $0xFFFFF086  }
0x1c: {  	p1 =	slt.u32 s9, $0xF7A;
	s5 =	simm.s32 @!p2 $0x0  }
0x1d: {  	s5 =	simm.s32 @p1 $0x1;
	p0 =	seq.s32 s7, s2  }
0x1e: {  	s7 =	smul.u32 @!p0 $0xF7A, s2;
	p2 =	seq.s32 @!p0 s5, $0x0  }
0x1f: {  	s9 =	smul.u32 $0xF7A, s1;
	s8 =	simm.s32 @!p0 $0x1BF5;
	p2 =	por !p2, p0  }
0x20: {  	[sflag:s8] =	ssyncset.s32 @!p0 $0xFFFFF086;
	s6 =	sadd.s32 @!p0 s3, s7;
	s7 =	simm.s32 @!p0 $0x108  }
0x21: {  	s3 =	sadd.s32 s3, s9;
	s6 =	sadd.s32 @!p0 $0x88, s6;
	s7 =	simm.s32 @p2 $0x1082  }
0x22: {  	[simem:s7], [sflag:s8] =	dma.local @!p0 [hbm:s6], $0xF7A  }
0x23: {  	s9 =	sor.u32 $0xD0000000, s2;
	s6 =	simm.s32 $0x108;
	_ =	swait.ge @!p0 [sflag:s8], $0x0  }
0x24: {  	s3 =	sadd.s32 $0x88, s3;
	s6 =	simm.s32 @!p1 $0x1082;
	[sflag:s4] =	ssyncset.s32 $0xFFFFF086  }
0x25: {  	[simem:s6], [sflag:s4] =	dma.local [hbm:s3], $0xF7A  }
0x26: {  	[smem:$0x3F97] =	sst s1;
	(tag) =	ssettag s2;
	_ =	strace s9  }
0x27: {  	s1 =	sld [smem:$0x3FA7]  }
0x28: {  	s2 =	sld [smem:$0x3FA8]  }
0x29: {  	s4 =	sld [smem:$0x3FAA]  }
0x2a: {  	p0 =	seq.s32 s5, $0x0;
	s5 =	sld [smem:$0x3FAB]  }
0x2b: {  	s6 =	sld [smem:$0x3FAC]  }
0x2c: {  	s7 =	sld [smem:$0x3FAD]  }
0x2d: {  	s3 =	simm.s32 $0x108;
	s8 =	sld [smem:$0x3FAE]  }
0x2e: {  	s3 =	simm.s32 @!p0 $0x1082;
	s9 =	sld [smem:$0x3FAF]  }
0x2f: {  	lr =	sadd.s32 s0, s3;
	s0 =	sld [smem:$0x3FA6]  }
0x30: {  	s3 =	sld [smem:$0x3FA9]  }
0x31: {  	[smem:$0x3FB2] =	sst s10  }
0x32: {  	s10 =	sld [smem:$0x3FB0];
	_ =	sdelay $0x3  }
0x33: {  	p0 =	seq.s32 s10, $0x1;
	s10 =	sld [smem:$0x3FB2];
	_ =	sdelay $0x3  }
0x34: {  	[smem:$0x3FB2] =	sst s10  }
0x35: {  	s10 =	sld [smem:$0x3FB1];
	_ =	sdelay $0x3  }
0x36: {  	p1 =	seq.s32 s10, $0x1;
	s10 =	sld [smem:$0x3FB2];
	_ =	sdelay $0x3  }
0x37: {  	[smem:$0x3FB2] =	sst s10  }
0x38: {  	s10 =	sld [smem:$0x3FB3]  }
0x39: {  	_ = 	snop;
	(pc) =	sbr.ind lr, $3  }
0x3a: {  	_ = 	snop  }
0x3b: {  	_ = 	snop  }
0x3c: {  	p2 =	seq.s32 s10, $0x1;
	s10 =	sld [smem:$0x3FB2]  }
0x3d: {  	_ =	shalt  }
0x3e: {  	_ =	shalt  }
0x3f: {  	_ =	shalt  }
0x40: {  	_ =	shalt  }
0x41: {  	_ =	shalt  }
0x42: {  	_ =	shalt  }
0x43: {  	_ =	shalt  }
0x44: {  	_ =	shalt  }
0x45: {  	_ =	shalt  }
0x46: {  	_ =	shalt  }
0x47: {  	_ =	shalt  }
0x48: {  	_ =	shalt  }
0x49: {  	_ =	shalt  }
0x4a: {  	_ =	shalt  }
0x4b: {  	_ =	shalt  }
0x4c: {  	_ =	shalt  }
0x4d: {  	_ =	shalt  }
0x4e: {  	_ =	shalt  }
0x4f: {  	_ =	shalt  }
0x50: {  	_ =	shalt  }
0x51: {  	_ =	shalt  }
0x52: {  	_ =	shalt  }
0x53: {  	_ =	shalt  }
0x54: {  	_ =	shalt  }
0x55: {  	_ =	shalt  }
0x56: {  	_ =	shalt  }
0x57: {  	_ =	shalt  }
0x58: {  	_ =	shalt  }
0x59: {  	_ =	shalt  }
0x5a: {  	_ =	shalt  }
0x5b: {  	_ =	shalt  }
0x5c: {  	_ =	shalt  }
0x5d: {  	_ =	shalt  }
0x5e: {  	_ =	shalt  }
0x5f: {  	_ =	shalt  }
0x60: {  	_ =	shalt  }
0x61: {  	_ =	shalt  }
0x62: {  	_ =	shalt  }
0x63: {  	_ =	shalt  }
0x64: {  	_ =	shalt  }
0x65: {  	_ =	shalt  }
0x66: {  	_ =	shalt  }
0x67: {  	_ =	shalt  }
0x68: {  	_ =	shalt  }
0x69: {  	_ =	shalt  }
0x6a: {  	_ =	shalt  }
0x6b: {  	_ =	shalt  }
0x6c: {  	_ =	shalt  }
0x6d: {  	_ =	shalt  }
0x6e: {  	_ =	shalt  }
0x6f: {  	_ =	shalt  }
0x70: {  	_ =	shalt  }
0x71: {  	_ =	shalt  }
0x72: {  	_ =	shalt  }
0x73: {  	_ =	shalt  }
0x74: {  	_ =	shalt  }
0x75: {  	_ =	shalt  }
0x76: {  	_ =	shalt  }
0x77: {  	_ =	shalt  }
0x78: {  	_ =	shalt  }
0x79: {  	_ =	shalt  }
0x7a: {  	_ =	shalt  }
0x7b: {  	_ =	shalt  }
0x7c: {  	_ =	shalt  }
0x7d: {  	_ =	shalt  }
0x7e: {  	_ =	shalt  }
0x7f: {  	_ =	shalt  }
0x80: {  	_ =	shalt  }
0x81: {  	_ =	shalt  }
0x82: {  	_ =	shalt  }
0x83: {  	_ =	shalt  }
0x84: {  	_ =	shalt  }
0x85: {  	_ =	shalt  }
0x86: {  	_ =	shalt  }
0x87: {  	_ =	shalt  }
.Lfunc_end0:
.L_simem_size_0:
called_computation_lowered:
.L_overlay_start_0:
0x88: {  	s2 =	sld [smem:$0x3FD9]  }
0x89: {  	s3 =	sld [smem:$0x3FFE];
	_ =	sdelay $0x1  }
0x8a: {  	s1 =	srdreg.scid  }
0x8b: {  	s0 =	sand.u32 $0x1, s1  }
0x8c: {  	s17 =	sshll.u32 s0, $0xA;
	s2 =	sadd.s32 s3, s2  }
0x8d: {  	s2 =	sadd.s32 s2, s17  }
0x8e: {  	[smem:$0x3FBE] =	sst s2  }
0x8f: {  	_ = 	snop  }
0x90: {  	s2 =	sld [smem:$0x3FD0];
	(tm) =	ssettm $0x1  }
0x91: {  	s18 =	sld [smem:$0x3FFB];
	_ =	sdelay $0x3  }
0x92: {  	_ =	strace s18  }
0x93: {  	s3 =	sld [smem:$0x3FFC];
	_ =	sdelay $0x3  }
0x94: {  	_ =	strace s3  }
0x95: {  	s3 =	sld [smem:$0x3FFD];
	_ =	sdelay $0x3  }
0x96: {  	_ =	strace s3  }
0x97: {  	_ =	strace $0x8FFFFFFF  }
0x98: {  	s19 =	sld [smem:$0x3FDB];
	_ =	sdelay $0x1  }
0x99: {  	s4 =	simm.s32 $_scs_section_size  }
0x9a: {  	s5 =	simm.s32 $_size__tile_overlayer_lowered;
	s6 =	simm.s32 $_tile_overlayer_lowered  }
0x9b: {  	s22 =	simm.s32 $0x1BFF;
	s21 =	sshll.u32 s6, $0x1;
	s3 =	sadd.s32 s4, s19  }
0x9c: {  	s7 =	simm.s32 $0x0;
	s20 =	sshll.u32 s5, $0x1;
	s5 =	sadd.s32 s21, s3  }
0x9d: {  	[timem:s7], [sflag:s22] =	dma.local [hbm:s5], s20  }
0x9e: {  	_ =	swait.ge [sflag:s22], s20  }
0x9f: {  	s4 =	ssub.s32 $0x0, s20;
	[sflag:s22] =	ssyncset.done $0x0  }
0xa0: {  	[sflag:s22] =	ssyncadd.s32 s4;
	_ =	sdelay $0x1  }
0xa1: {  	s23 =	simm.s32 $0x1B8B  }
0xa2: {  	_ =	swait.ge [sflag:s23], $0x1  }
0xa3: {  	[sflag:s23] =	ssyncset.done $0x0  }
0xa4: {  	s25 =	simm.s32 $0x1B8E;
	s24 =	sld [smem:$0x3FFE];
	[sflag:s23] =	ssyncadd.s32 $0xFFFFFFFF  }
0xa5: {  	s26 =	simm.s32 $execute0_lowered;
	[smem:$0x3FD2] =	sst s25  }
0xa6: {  	s5 =	sshll.u32 s26, $0x1;
	_ =	strace $0x80000046;
	[dreg:$0x1] =	wrdreg $0xFFFFFFFF  }
0xa7: {  	s28 =	simm.s32 $_size_execute0_lowered;
	s3 =	sadd.s32 s3, s5;
	[dreg:$0x0] =	wrdreg $0x0  }
0xa8: {  	s5 =	sshll.u32 s28, $0x1;
	[dreg:$0x2] =	wrdreg s3  }
0xa9: {  	[dreg:$0x3] =	wrdreg s5  }
0xaa: {  	[dreg:$0x4] =	wrdreg $0xC0  }
0xab: {  	_ =	task [dreg:s7], $0x5FFFF  }
0xac: {  	[dreg:$0x1] =	wrdreg $0xFFFFFFFF  }
0xad: {  	[dreg:$0x0] =	wrdreg $0x60  }
0xae: {  	[dreg:$0x2] =	wrdreg s24  }
0xaf: {  	[dreg:$0x3] =	wrdreg s2  }
0xb0: {  	[dreg:$0x4] =	wrdreg $0x0  }
0xb1: {  	[dreg:$0x5] =	wrdreg $0x27100  }
0xb2: {  	[dreg:$0x6] =	wrdreg $0x9  }
0xb3: {  	_ =	task.clear_ibuf [dreg:s7], $0x7FFFF;
	_ =	strace $0x90000046  }
0xb4: {  	s29 =	simm.s32 $0x9;
	_ =	strace $0x80000048  }
0xb5: {  	_ =	swait.ge [sflag:s29], $0x1  }
0xb6: {  	[sflag:s29] =	ssyncadd.s32 $0xFFFFFFFF  }
0xb7: {  	_ =	strace $0x90000048  }
0xb8: {  	_ =	sfence  }
0xb9: {  	s30 =	sld [smem:$0x0];
	_ =	sdelay $0x2  }
0xba: {  	s31 =	sshll.u32 s1, $0xD;
	s1 =	sshrl.u32 s1, $0x2  }
0xbb: {  	s3 =	sand.u32 $0x4000, s31;
	s1 =	sadd.s32 s1, s30  }
0xbc: {  	s0 =	sor.u32 s3, s0;
	s1 =	sshll.u32 s1, $0x11  }
0xbd: {  	s0 =	sor.u32 s1, s0  }
0xbe: {  	s0 =	sadd.s32 $0x8F2B, s0  }
0xbf: {  	[sflag:s0] =	ssyncadd.remote.s32 $0x1  }
0xc0: {  	_ =	sfence.sel $0xFFFF  }
0xc1: {  	[dreg:$0x0] =	wrdreg $0xFFFFFFFF;
	(pc) =	sbr.abs _section_cstart, $3  }
0xc2: {  	[dreg:$0x1] =	wrdreg $0xFFFFFFFF  }
0xc3: {  	_ =	task.clear_ibuf [dreg:s7], $0x2FFFF;
	_ =	strace $0x9FFFFFFF  }
0xc4: {  	(tm) =	ssettm $0x7FFFFFFF  }
0xc5: {  	_ =	shalt  }
tec
execute0_lowered:
.L_overlay_start_1:
0x0: {  	(tag) =	ssettag $0x1  }
0x1: {  	s1 =	rddreg [dreg:$0x0]  }
0x2: {  	s0 =	rddreg [dreg:$0x2]  }
0x3: {  	s2 =	rddreg [dreg:$0x3]  }
0x4: {  	s3 =	simm.s32 $0x0;
	s14 =	srdreg.scid;
	s10 =	stileid.u32  }
0x5: {  	[smem:$0x7FF] =	sst s3;
	s5 =	sadd.s32 $0x1EC00, s1;
	s6 =	sadd.s32 $0x1600, s1  }
0x6: {  	s7 =	sadd.s32 $0x3C200, s1;
	s8 =	sadd.s32 $0x41600, s1;
	s12 =	sadd.s32 $0x41200, s1  }
0x7: {  	s13 =	sadd.s32 $0x41400, s1;
	_ =	strace $0x80000047;
	[dreg:$0x5] =	wrdreg s12  }
0x8: {  	s4 =	sadd.s32 $0x50400, s1;
	s15 =	sadd.s32 $0x46600, s1;
	[dreg:$0x6] =	wrdreg s13  }
0x9: {  	s11 =	smul.u32 $0x2700, s10;
	[dreg:$0x7] =	wrdreg s4;
	s13 =	sand.u32 $0x1, s14  }
0xa: {  	s9 =	sshll.u32 s10, $0x1;
	s4 =	smul.u32 $0x270, s10;
	[smem:$0x7F0] =	sst s13  }
0xb: {  	s16 =	ssub.s32 $0x2, s13;
	s17 =	sor.u32 s13, s9;
	s18 =	smul.u32 $0x27100, s13  }
0xc: {  	s19 =	sadd.s32 s11, s0;
	s12 =	sshrl.u32 s16, $0x1;
	[smem:$0x7ED] =	sst s17  }
0xd: {  	[dreg:$0x8] =	wrdreg s19;
	s9 =	sadd.s32 $0x18, s4;
	s20 =	sadd.s32 $0x30, s4  }
0xe: {  	s13 =	sadd.s32 $0x78, s4;
	s1 =	ssub.s32 s16, s12;
	s12 =	sshrl.u32 s18, $0x3  }
0xf: {  	s11 =	sadd.s32 s11, s18;
	s26 =	sadd.s32 s15, s12;
	s12 =	sadd.s32 $0x60, s4  }
0x10: {  	s28 =	sadd.s32 $0x1B0, s4;
	s24 =	sshrl.u32 s11, $0x3;
	s10 =	sshll.u32 s12, $0x4  }
0x11: {  	s29 =	sadd.s32 $0x1C8, s4;
	s25 =	sadd.s32 s15, s24;
	s15 =	sadd.s32 s10, s0  }
0x12: {  	s14 =	sshll.u32 s20, $0x4;
	[dreg:$0xd] =	wrdreg s15;
	s15 =	sshll.u32 s13, $0x4  }
0x13: {  	s23 =	sadd.s32 s14, s0;
	s14 =	sadd.s32 $0x90, s4;
	s16 =	sadd.s32 s15, s0  }
0x14: {  	s30 =	sadd.s32 $0x1E0, s4;
	[dreg:$0xe] =	wrdreg s16;
	s16 =	sshll.u32 s14, $0x4  }
0x15: {  	[smem:$0x7D6] =	sst s20;
	s15 =	sadd.s32 $0xA8, s4;
	s17 =	sadd.s32 s16, s0  }
0x16: {  	s21 =	sshll.u32 s9, $0x4;
	[dreg:$0xf] =	wrdreg s17;
	s17 =	sshll.u32 s15, $0x4  }
0x17: {  	[smem:$0x7F6] =	sst s1;
	s16 =	sadd.s32 $0xC0, s4;
	s18 =	sadd.s32 s17, s0  }
0x18: {  	s22 =	sadd.s32 s21, s0;
	[dreg:$0x10] =	wrdreg s18;
	s18 =	sshll.u32 s16, $0x4  }
0x19: {  	[dreg:$0x9] =	wrdreg s22;
	s17 =	sadd.s32 $0xD8, s4;
	s19 =	sadd.s32 s18, s0  }
0x1a: {  	s31 =	sadd.s32 $0x1F8, s4;
	[dreg:$0x11] =	wrdreg s19;
	s19 =	sshll.u32 s17, $0x4  }
0x1b: {  	[dreg:$0xa] =	wrdreg s23;
	s18 =	sadd.s32 $0xF0, s4;
	s20 =	sadd.s32 s19, s0  }
0x1c: {  	s11 =	sadd.s32 $0x48, s4;
	[dreg:$0x12] =	wrdreg s20;
	s20 =	sshll.u32 s18, $0x4  }
0x1d: {  	[smem:$0x7F4] =	sst s26;
	s19 =	sadd.s32 $0x108, s4;
	s21 =	sadd.s32 s20, s0  }
0x1e: {  	s1 =	sshll.u32 s11, $0x4;
	[dreg:$0x13] =	wrdreg s21;
	s21 =	sshll.u32 s19, $0x4  }
0x1f: {  	[dreg:$0xb] =	wrdreg s25;
	s20 =	sadd.s32 $0x120, s4;
	s22 =	sadd.s32 s21, s0  }
0x20: {  	s3 =	sadd.s32 s1, s0;
	[dreg:$0x14] =	wrdreg s22;
	s22 =	sshll.u32 s20, $0x4  }
0x21: {  	s21 =	sadd.s32 $0x138, s4;
	s23 =	sadd.s32 s22, s0;
	s22 =	sadd.s32 $0x150, s4  }
0x22: {  	[dreg:$0x15] =	wrdreg s23;
	s23 =	sshll.u32 s21, $0x4;
	s25 =	sshll.u32 s22, $0x4  }
0x23: {  	[dreg:$0xc] =	wrdreg s3;
	s24 =	sadd.s32 s23, s0;
	s26 =	sadd.s32 s25, s0  }
0x24: {  	s25 =	sadd.s32 $0x180, s4;
	[dreg:$0x16] =	wrdreg s24;
	s24 =	sadd.s32 $0x168, s4  }
0x25: {  	[dreg:$0x17] =	wrdreg s26;
	s10 =	sshll.u32 s25, $0x4;
	s26 =	sadd.s32 $0x198, s4  }
0x26: {  	s1 =	sshll.u32 s24, $0x4;
	s23 =	sadd.s32 s10, s0;
	s10 =	sshll.u32 s28, $0x4  }
0x27: {  	s3 =	sadd.s32 s1, s0;
	[dreg:$0x19] =	wrdreg s23;
	s1 =	sshll.u32 s26, $0x4  }
0x28: {  	s23 =	sadd.s32 s10, s0;
	s10 =	sshll.u32 s30, $0x4;
	[dreg:$0x18] =	wrdreg s3  }
0x29: {  	s3 =	sadd.s32 s1, s0;
	[dreg:$0x1b] =	wrdreg s23;
	s1 =	sshll.u32 s29, $0x4  }
0x2a: {  	s23 =	sadd.s32 s10, s0;
	[dreg:$0x1a] =	wrdreg s3;
	s3 =	sadd.s32 s1, s0  }
0x2b: {  	s10 =	sadd.s32 $0x210, s4;
	[dreg:$0x1c] =	wrdreg s3;
	s3 =	sshll.u32 s31, $0x4  }
0x2c: {  	[dreg:$0x1d] =	wrdreg s23;
	s23 =	sadd.s32 s3, s0;
	s3 =	sshll.u32 s10, $0x4  }
0x2d: {  	s1 =	sadd.s32 $0x228, s4;
	[dreg:$0x1e] =	wrdreg s23;
	s23 =	sadd.s32 s3, s0  }
0x2e: {  	[dreg:$0x1f] =	wrdreg s23;
	s23 =	sshll.u32 s1, $0x4  }
0x2f: {  	s3 =	sadd.s32 $0x240, s4;
	s23 =	sadd.s32 s23, s0  }
0x30: {  	[smem:$0x7D2] =	sst s23;
	s23 =	sshll.u32 s3, $0x4  }
0x31: {  	s9 =	sshll.u32 s9, $0x7;
	s4 =	sadd.s32 $0x258, s4;
	s23 =	sadd.s32 s23, s0  }
0x32: {  	s9 =	sadd.s32 s9, s2;
	[smem:$0x7D3] =	sst s23;
	s23 =	sshll.u32 s4, $0x4  }
0x33: {  	[smem:$0x7D5] =	sst s9;
	s23 =	sadd.s32 s23, s0  }
0x34: {  	[smem:$0x7D4] =	sst s23  }
0x35: {  	s1 =	sshll.u32 s1, $0x7;
	s23 =	sld [smem:$0x7D6]  }
0x36: {  	s11 =	sshll.u32 s11, $0x7;
	s13 =	sshll.u32 s13, $0x7;
	s1 =	sadd.s32 s1, s2  }
0x37: {  	s14 =	sshll.u32 s14, $0x7;
	[smem:$0x7EC] =	sst s1;
	s3 =	sshll.u32 s3, $0x7  }
0x38: {  	s3 =	sadd.s32 s3, s2;
	s9 =	sshll.u32 s23, $0x7;
	s23 =	sshll.u32 s12, $0x7  }
0x39: {  	[smem:$0x7EE] =	sst s3;
	s9 =	sadd.s32 s9, s2;
	s12 =	sadd.s32 s23, s2  }
0x3a: {  	s23 =	sshll.u32 s15, $0x7;
	[smem:$0x7D7] =	sst s9;
	s9 =	sadd.s32 s11, s2  }
0x3b: {  	[smem:$0x7D9] =	sst s12;
	s11 =	sadd.s32 s23, s2;
	s12 =	sshll.u32 s16, $0x7  }
0x3c: {  	s16 =	sshll.u32 s19, $0x7;
	[smem:$0x7D8] =	sst s9;
	s9 =	sadd.s32 s13, s2  }
0x3d: {  	[smem:$0x7DC] =	sst s11;
	s13 =	sshll.u32 s17, $0x7;
	s17 =	sshll.u32 s20, $0x7  }
0x3e: {  	s20 =	sshll.u32 s22, $0x7;
	s22 =	sshll.u32 s25, $0x7;
	[smem:$0x7DA] =	sst s9  }
0x3f: {  	s9 =	sadd.s32 s14, s2;
	s23 =	sadd.s32 s22, s2;
	s22 =	sld [smem:$0x7F4]  }
0x40: {  	s14 =	sshll.u32 s18, $0x7;
	s18 =	sshll.u32 s21, $0x7;
	[smem:$0x7DB] =	sst s9  }
0x41: {  	s21 =	sshll.u32 s24, $0x7;
	s9 =	sadd.s32 s12, s2;
	[smem:$0x7E5] =	sst s23  }
0x42: {  	s24 =	sshll.u32 s26, $0x7;
	s15 =	sadd.s32 s14, s2;
	[smem:$0x7DD] =	sst s9  }
0x43: {  	s26 =	sshll.u32 s29, $0x7;
	s19 =	sadd.s32 s18, s2;
	[smem:$0x7DF] =	sst s15  }
0x44: {  	s12 =	sadd.s32 s26, s2;
	[smem:$0x7E2] =	sst s19  }
0x45: {  	s10 =	sshll.u32 s10, $0x7;
	s9 =	sadd.s32 s13, s2;
	[smem:$0x7E8] =	sst s12  }
0x46: {  	s15 =	sadd.s32 s10, s2;
	[smem:$0x7DE] =	sst s9  }
0x47: {  	s18 =	sshll.u32 s4, $0x7;
	[smem:$0x7EB] =	sst s15  }
0x48: {  	s3 =	sadd.s32 s18, s2;
	s9 =	sadd.s32 s16, s2;
	s16 =	sld [smem:$0x7ED]  }
0x49: {  	s25 =	sshll.u32 s28, $0x7;
	s11 =	simm.s32 $0x16A30;
	[smem:$0x7EF] =	sst s3  }
0x4a: {  	s28 =	simm.s32 $0x2;
	[smem:$0x7E0] =	sst s9;
	s9 =	sadd.s32 s17, s2  }
0x4b: {  	s29 =	simm.s32 $0x3;
	s14 =	sshll.u32 s31, $0x7;
	[smem:$0x7E1] =	sst s9  }
0x4c: {  	s23 =	stileid.u32;
	s9 =	sadd.s32 s20, s2;
	s20 =	sld [smem:$0x7F0]  }
0x4d: {  	s31 =	simm.s32 $0x19230;
	[smem:$0x7E3] =	sst s9;
	s9 =	sadd.s32 s21, s2  }
0x4e: {  	s13 =	sshll.u32 s30, $0x7;
	[smem:$0x7E4] =	sst s9;
	s9 =	sadd.s32 s24, s2  }
0x4f: {  	p0 =	sne.s32 s23, $0x0;
	s19 =	smul.u32 $0x2710, s16;
	[smem:$0x7E6] =	sst s9  }
0x50: {  	s17 =	smul.u32 $0x7D, s16;
	s9 =	sadd.s32 s25, s2;
	s25 =	sld [smem:$0x7F6]  }
0x51: {  	s18 =	simm.s32 $0x16030;
	s12 =	simm.s32 $0x19780;
	[smem:$0x7F9] =	sst s19  }
0x52: {  	s30 =	simm.s32 $0x5;
	s21 =	sadd.s32 $0x2, s17;
	[smem:$0x7E7] =	sst s9  }
0x53: {  	s24 =	smul.u32 $0x13800, s23;
	s1 =	sadd.s32 $0x3, s17;
	[smem:$0x7F2] =	sst s21  }
0x54: {  	s10 =	simm.s32 $0x1CA20;
	s16 =	simm.s32 $0x1;
	[smem:$0x7F3] =	sst s1  }
0x55: {  	s23 =	simm.s32 $0x19820;
	s26 =	sadd.s32 $0x50, s19;
	[smem:$0x7F8] =	sst s24  }
0x56: {  	s3 =	smul.u32 $0x3A9800, s20;
	s20 =	sadd.s32 $0x138000, s2;
	[smem:$0x7FA] =	sst s26  }
0x57: {  	s17 =	simm.s32 $0x50;
	s9 =	sadd.s32 s13, s2;
	[smem:$0x7FD] =	sst s20  }
0x58: {  	s19 =	simm.s32 $0x16530;
	s1 =	sadd.s32 $0x4E00, s22;
	[smem:$0x7E9] =	sst s9  }
0x59: {  	s13 =	sadd.s32 $0x27000, s0;
	s15 =	sadd.s32 s24, s2;
	[smem:$0x7F1] =	sst s3  }
0x5a: {  	s0 =	simm.s32 $0x1CFF0;
	s22 =	simm.s32 $0x197D0;
	[smem:$0x7F5] =	sst s1  }
0x5b: {  	v0 =	vlaneseq.u32;
	s21 =	simm.s32 $0x4;
	s24 =	simm.s32 $0x19D20;
	[smem:$0x7FB] =	sst s13  }
0x5c: {  	v0 =	vmul.u32 $0x10, v0;
	s9 =	sadd.s32 s14, s2;
	s14 =	simm.s32 $0x15F90;
	[smem:$0x7FC] =	sst s15  }
0x5d: {  	[smem:$0x7EA] =	sst s9;
	s3 =	smax.u32 s25, $0x1;
	s9 =	simm.s32 $0x7  }
0x5e: {  	v1 =	vimm.f32 $0.0e+00;
	v2 =	vor.u32 $0x400, v0;
	s25 =	simm.s32 $0x1A220;
	[smem:$0x7F7] =	sst s3;
	s3 =	simm.s32 $0x0  }
.LBB2_1:
0x5f: {  	[smem:$0x7D1] =	sst s3  }
0x60: {  	s1 =	simm.s32 $0x0;
	s2 =	rddreg [dreg:$0x5]  }
0x61: {  	[tilespmem:s0], [sflag:$0x7] =	stream.linear.gather [hbm4b:s2+s1], $0x10, $0x38;
	[tilespmem:$0x1DD80] =	vst v63  }
0x62: {  	_ =	swait.ge [sflag:s9], $0x10  }
0x63: {  	[sflag:s9] =	ssyncset.done $0x0  }
0x64: {  	s26 =	simm.s32 $0x1CF70;
	s4 =	rddreg [dreg:$0x6];
	[sflag:s9] =	ssyncadd.s32 $0xFFFFFFF0  }
0x65: {  	[tilespmem:s26], [sflag:$0x7] =	stream.linear.gather [hbm4b:s4+s1], $0x10, $0x38;
	[tilespmem:$0x1DD80] =	vst v63  }
0x66: {  	_ =	swait.ge [sflag:s9], $0x10  }
0x67: {  	[sflag:s9] =	ssyncset.done $0x0  }
0x68: {  	[sflag:s9] =	ssyncadd.s32 $0xFFFFFFF0  }
0x69: {  	[tilespmem:$0x1D000] =	vst v1  }
0x6a: {  	[tilespmem:$0x1D010] =	vst v1  }
0x6b: {  	[tilespmem:$0x1D020] =	vst v1  }
0x6c: {  	[tilespmem:$0x1D030] =	vst v1  }
0x6d: {  	[tilespmem:$0x1D040] =	vst v1  }
0x6e: {  	[tilespmem:$0x1D050] =	vst v1  }
0x6f: {  	[tilespmem:$0x1D060] =	vst v1  }
0x70: {  	[tilespmem:$0x1D070] =	vst v1  }
0x71: {  	[tilespmem:$0x1D080] =	vst v1  }
0x72: {  	[tilespmem:$0x1D090] =	vst v1  }
0x73: {  	[tilespmem:$0x1D0A0] =	vst v1  }
0x74: {  	[tilespmem:$0x1D0B0] =	vst v1  }
0x75: {  	[tilespmem:$0x1D0C0] =	vst v1  }
0x76: {  	v3 =	vld [tilespmem:$0x1CFF0];
	[tilespmem:$0x1D0D0] =	vst v1  }
0x77: {  	v4 =	vld [tilespmem:$0x1CF70];
	[tilespmem:$0x1D0E0] =	vst v1  }
0x78: {  	[tilespmem:$0x1D0F0] =	vst v1  }
0x79: {  	[tilespmem:$0x1D100] =	vst v1  }
0x7a: {  	[tilespmem:$0x1D110] =	vst v1  }
0x7b: {  	[tilespmem:$0x1D120] =	vst v1  }
0x7c: {  	[tilespmem:$0x1D130] =	vst v1;
	v3 =	vadd.f32 v4, v3  }
0x7d: {  	[tilespmem:$0x1D140] =	vst v1  }
0x7e: {  	[tilespmem:$0x1D150] =	vst v1;
	v4 =	vmul.f32 $2.000000030e-01, v3  }
0x7f: {  	[tilespmem:$0x1D160] =	vst v1  }
0x80: {  	[tilespmem:$0x1D170] =	vst v1;
	v3 =	vmax.f32 v3, v4  }
0x81: {  	s2 =	simm.s32 $0x200;
	s1 =	simm.s32 $0x0;
	[tilespmem:$0x1CFF0] =	vst v3  }
.LBB2_2:
0x82: {  	p1 =	sne.s32 s2, $0x2E00;
	[tilespmem:s1+$0x1D1F0] =	vst v1  }
0x83: {  	[tilespmem:s1+$0x1D180] =	vst v1  }
0x84: {  	[tilespmem:s1+$0x1D190] =	vst v1  }
.Ltmp0:
0x85: {  	[tilespmem:s1+$0x1D1A0] =	vst v1;
	(pc) =	sbr.rel @p1 .LBB2_2-.Ltmp0, $4  }
0x86: {  	[tilespmem:s1+$0x1D1B0] =	vst v1  }
0x87: {  	[tilespmem:s1+$0x1D1C0] =	vst v1  }
0x88: {  	[tilespmem:s1+$0x1D1D0] =	vst v1  }
0x89: {  	[tilespmem:s1+$0x1D1E0] =	vst v1;
	s1 =	sshra.s32 s2, $0x2;
	s2 =	sadd.s32 $0x200, s2  }
0x8a: {  	[tilespmem:s1+$0x1D1F0] =	vst v1  }
0x8b: {  	[tilespmem:s1+$0x1D180] =	vst v1  }
0x8c: {  	[tilespmem:s1+$0x1D190] =	vst v1  }
0x8d: {  	[tilespmem:s1+$0x1D1A0] =	vst v1  }
0x8e: {  	[tilespmem:s1+$0x1D1B0] =	vst v1  }
0x8f: {  	[tilespmem:s1+$0x1D1C0] =	vst v1  }
0x90: {  	[tilespmem:s1+$0x1D1D0] =	vst v1  }
0x91: {  	[tilespmem:s1+$0x1D1E0] =	vst v1;
	s3 =	rddreg [dreg:$0x8];
	s2 =	simm.s32 $0x1D000  }
0x92: {  	[spmem:s3] =	stream.linear.scatter [tilespmem:s2], [sflag:$0x7], $0x180, $0x38;
	[tilespmem:$0x1DD80] =	vst v63  }
0x93: {  	_ =	swait.ge [sflag:s9], $0x180  }
0x94: {  	[sflag:s9] =	ssyncset.done $0x0  }
0x95: {  	s4 =	rddreg [dreg:$0x9];
	[sflag:s9] =	ssyncadd.s32 $0xFFFFFE80  }
0x96: {  	[spmem:s4] =	stream.linear.scatter [tilespmem:s2], [sflag:$0x7], $0x180, $0x38;
	[tilespmem:$0x1DD80] =	vst v63  }
0x97: {  	_ =	swait.ge [sflag:s9], $0x180  }
0x98: {  	[sflag:s9] =	ssyncset.done $0x0  }
0x99: {  	s26 =	rddreg [dreg:$0xa];
	[sflag:s9] =	ssyncadd.s32 $0xFFFFFE80  }
0x9a: {  	[spmem:s26] =	stream.linear.scatter [tilespmem:s2], [sflag:$0x7], $0x180, $0x38;
	[tilespmem:$0x1DD80] =	vst v63  }
0x9b: {  	_ =	swait.ge [sflag:s9], $0x180  }
0x9c: {  	[sflag:s9] =	ssyncset.done $0x0  }
0x9d: {  	s3 =	rddreg [dreg:$0xc];
	[sflag:s9] =	ssyncadd.s32 $0xFFFFFE80  }
0x9e: {  	[spmem:s3] =	stream.linear.scatter [tilespmem:s2], [sflag:$0x7], $0x180, $0x38;
	[tilespmem:$0x1DD80] =	vst v63  }
0x9f: {  	_ =	swait.ge [sflag:s9], $0x180  }
0xa0: {  	[sflag:s9] =	ssyncset.done $0x0  }
0xa1: {  	s4 =	rddreg [dreg:$0xd];
	[sflag:s9] =	ssyncadd.s32 $0xFFFFFE80  }
0xa2: {  	[spmem:s4] =	stream.linear.scatter [tilespmem:s2], [sflag:$0x7], $0x180, $0x38;
	[tilespmem:$0x1DD80] =	vst v63  }
0xa3: {  	_ =	swait.ge [sflag:s9], $0x180  }
0xa4: {  	[sflag:s9] =	ssyncset.done $0x0  }
0xa5: {  	s26 =	rddreg [dreg:$0xe];
	[sflag:s9] =	ssyncadd.s32 $0xFFFFFE80  }
0xa6: {  	[spmem:s26] =	stream.linear.scatter [tilespmem:s2], [sflag:$0x7], $0x180, $0x38;
	[tilespmem:$0x1DD80] =	vst v63  }
0xa7: {  	_ =	swait.ge [sflag:s9], $0x180  }
0xa8: {  	[sflag:s9] =	ssyncset.done $0x0  }
0xa9: {  	s3 =	rddreg [dreg:$0xf];
	[sflag:s9] =	ssyncadd.s32 $0xFFFFFE80  }
0xaa: {  	[spmem:s3] =	stream.linear.scatter [tilespmem:s2], [sflag:$0x7], $0x180, $0x38;
	[tilespmem:$0x1DD80] =	vst v63  }
0xab: {  	_ =	swait.ge [sflag:s9], $0x180  }
0xac: {  	[sflag:s9] =	ssyncset.done $0x0  }
0xad: {  	s4 =	rddreg [dreg:$0x10];
	[sflag:s9] =	ssyncadd.s32 $0xFFFFFE80  }
0xae: {  	[spmem:s4] =	stream.linear.scatter [tilespmem:s2], [sflag:$0x7], $0x180, $0x38;
	[tilespmem:$0x1DD80] =	vst v63  }
0xaf: {  	_ =	swait.ge [sflag:s9], $0x180  }
0xb0: {  	[sflag:s9] =	ssyncset.done $0x0  }
0xb1: {  	s26 =	rddreg [dreg:$0x11];
	[sflag:s9] =	ssyncadd.s32 $0xFFFFFE80  }
0xb2: {  	[spmem:s26] =	stream.linear.scatter [tilespmem:s2], [sflag:$0x7], $0x180, $0x38;
	[tilespmem:$0x1DD80] =	vst v63  }
0xb3: {  	_ =	swait.ge [sflag:s9], $0x180  }
0xb4: {  	[sflag:s9] =	ssyncset.done $0x0  }
0xb5: {  	s3 =	rddreg [dreg:$0x12];
	[sflag:s9] =	ssyncadd.s32 $0xFFFFFE80  }
0xb6: {  	[spmem:s3] =	stream.linear.scatter [tilespmem:s2], [sflag:$0x7], $0x180, $0x38;
	[tilespmem:$0x1DD80] =	vst v63  }
0xb7: {  	_ =	swait.ge [sflag:s9], $0x180  }
0xb8: {  	[sflag:s9] =	ssyncset.done $0x0  }
0xb9: {  	s4 =	rddreg [dreg:$0x13];
	[sflag:s9] =	ssyncadd.s32 $0xFFFFFE80  }
0xba: {  	[spmem:s4] =	stream.linear.scatter [tilespmem:s2], [sflag:$0x7], $0x180, $0x38;
	[tilespmem:$0x1DD80] =	vst v63  }
0xbb: {  	_ =	swait.ge [sflag:s9], $0x180  }
0xbc: {  	[sflag:s9] =	ssyncset.done $0x0  }
0xbd: {  	s26 =	rddreg [dreg:$0x14];
	[sflag:s9] =	ssyncadd.s32 $0xFFFFFE80  }
0xbe: {  	[spmem:s26] =	stream.linear.scatter [tilespmem:s2], [sflag:$0x7], $0x180, $0x38;
	[tilespmem:$0x1DD80] =	vst v63  }
0xbf: {  	_ =	swait.ge [sflag:s9], $0x180  }
0xc0: {  	[sflag:s9] =	ssyncset.done $0x0  }
0xc1: {  	s3 =	rddreg [dreg:$0x15];
	[sflag:s9] =	ssyncadd.s32 $0xFFFFFE80  }
0xc2: {  	[spmem:s3] =	stream.linear.scatter [tilespmem:s2], [sflag:$0x7], $0x180, $0x38;
	[tilespmem:$0x1DD80] =	vst v63  }
0xc3: {  	_ =	swait.ge [sflag:s9], $0x180  }
0xc4: {  	[sflag:s9] =	ssyncset.done $0x0  }
0xc5: {  	s4 =	rddreg [dreg:$0x16];
	[sflag:s9] =	ssyncadd.s32 $0xFFFFFE80  }
0xc6: {  	[spmem:s4] =	stream.linear.scatter [tilespmem:s2], [sflag:$0x7], $0x180, $0x38;
	[tilespmem:$0x1DD80] =	vst v63  }
0xc7: {  	_ =	swait.ge [sflag:s9], $0x180  }
0xc8: {  	[sflag:s9] =	ssyncset.done $0x0  }
0xc9: {  	s26 =	rddreg [dreg:$0x17];
	[sflag:s9] =	ssyncadd.s32 $0xFFFFFE80  }
0xca: {  	[spmem:s26] =	stream.linear.scatter [tilespmem:s2], [sflag:$0x7], $0x180, $0x38;
	[tilespmem:$0x1DD80] =	vst v63  }
0xcb: {  	_ =	swait.ge [sflag:s9], $0x180  }
0xcc: {  	[sflag:s9] =	ssyncset.done $0x0  }
0xcd: {  	s3 =	rddreg [dreg:$0x18];
	[sflag:s9] =	ssyncadd.s32 $0xFFFFFE80  }
0xce: {  	[spmem:s3] =	stream.linear.scatter [tilespmem:s2], [sflag:$0x7], $0x180, $0x38;
	[tilespmem:$0x1DD80] =	vst v63  }
0xcf: {  	_ =	swait.ge [sflag:s9], $0x180  }
0xd0: {  	[sflag:s9] =	ssyncset.done $0x0  }
0xd1: {  	s4 =	rddreg [dreg:$0x19];
	[sflag:s9] =	ssyncadd.s32 $0xFFFFFE80  }
0xd2: {  	[spmem:s4] =	stream.linear.scatter [tilespmem:s2], [sflag:$0x7], $0x180, $0x38;
	[tilespmem:$0x1DD80] =	vst v63  }
0xd3: {  	_ =	swait.ge [sflag:s9], $0x180  }
0xd4: {  	[sflag:s9] =	ssyncset.done $0x0  }
0xd5: {  	s26 =	rddreg [dreg:$0x1a];
	[sflag:s9] =	ssyncadd.s32 $0xFFFFFE80  }
0xd6: {  	[spmem:s26] =	stream.linear.scatter [tilespmem:s2], [sflag:$0x7], $0x180, $0x38;
	[tilespmem:$0x1DD80] =	vst v63  }
0xd7: {  	_ =	swait.ge [sflag:s9], $0x180  }
0xd8: {  	[sflag:s9] =	ssyncset.done $0x0  }
0xd9: {  	s3 =	rddreg [dreg:$0x1b];
	[sflag:s9] =	ssyncadd.s32 $0xFFFFFE80  }
0xda: {  	[spmem:s3] =	stream.linear.scatter [tilespmem:s2], [sflag:$0x7], $0x180, $0x38;
	[tilespmem:$0x1DD80] =	vst v63  }
0xdb: {  	_ =	swait.ge [sflag:s9], $0x180  }
0xdc: {  	[sflag:s9] =	ssyncset.done $0x0  }
0xdd: {  	s4 =	rddreg [dreg:$0x1c];
	[sflag:s9] =	ssyncadd.s32 $0xFFFFFE80  }
0xde: {  	[spmem:s4] =	stream.linear.scatter [tilespmem:s2], [sflag:$0x7], $0x180, $0x38;
	[tilespmem:$0x1DD80] =	vst v63  }
0xdf: {  	_ =	swait.ge [sflag:s9], $0x180  }
0xe0: {  	[sflag:s9] =	ssyncset.done $0x0  }
0xe1: {  	s26 =	rddreg [dreg:$0x1d];
	[sflag:s9] =	ssyncadd.s32 $0xFFFFFE80  }
0xe2: {  	[spmem:s26] =	stream.linear.scatter [tilespmem:s2], [sflag:$0x7], $0x180, $0x38;
	[tilespmem:$0x1DD80] =	vst v63  }
0xe3: {  	_ =	swait.ge [sflag:s9], $0x180  }
0xe4: {  	[sflag:s9] =	ssyncset.done $0x0  }
0xe5: {  	s3 =	rddreg [dreg:$0x1e];
	[sflag:s9] =	ssyncadd.s32 $0xFFFFFE80  }
0xe6: {  	[spmem:s3] =	stream.linear.scatter [tilespmem:s2], [sflag:$0x7], $0x180, $0x38;
	[tilespmem:$0x1DD80] =	vst v63  }
0xe7: {  	_ =	swait.ge [sflag:s9], $0x180  }
0xe8: {  	[sflag:s9] =	ssyncset.done $0x0  }
0xe9: {  	s4 =	rddreg [dreg:$0x1f];
	[sflag:s9] =	ssyncadd.s32 $0xFFFFFE80  }
0xea: {  	[spmem:s4] =	stream.linear.scatter [tilespmem:s2], [sflag:$0x7], $0x180, $0x38;
	[tilespmem:$0x1DD80] =	vst v63  }
0xeb: {  	_ =	swait.ge [sflag:s9], $0x180  }
0xec: {  	s26 =	sld [smem:$0x7D2]  }
0xed: {  	[sflag:s9] =	ssyncset.done $0x0  }
0xee: {  	[sflag:s9] =	ssyncadd.s32 $0xFFFFFE80  }
0xef: {  	[spmem:s26] =	stream.linear.scatter [tilespmem:s2], [sflag:$0x7], $0x180, $0x38;
	[tilespmem:$0x1DD80] =	vst v63  }
0xf0: {  	_ =	swait.ge [sflag:s9], $0x180  }
0xf1: {  	s3 =	sld [smem:$0x7D3]  }
0xf2: {  	[sflag:s9] =	ssyncset.done $0x0  }
0xf3: {  	[sflag:s9] =	ssyncadd.s32 $0xFFFFFE80  }
0xf4: {  	[spmem:s3] =	stream.linear.scatter [tilespmem:s2], [sflag:$0x7], $0x180, $0x38;
	[tilespmem:$0x1DD80] =	vst v63  }
0xf5: {  	_ =	swait.ge [sflag:s9], $0x180  }
0xf6: {  	s4 =	sld [smem:$0x7D4]  }
0xf7: {  	[sflag:s9] =	ssyncset.done $0x0  }
0xf8: {  	[sflag:s9] =	ssyncadd.s32 $0xFFFFFE80  }
0xf9: {  	[spmem:s4] =	stream.linear.scatter [tilespmem:s2], [sflag:$0x7], $0x180, $0x38;
	[tilespmem:$0x1DD80] =	vst v63  }
0xfa: {  	_ =	swait.ge [sflag:s9], $0x180  }
0xfb: {  	[sflag:s9] =	ssyncset.done $0x0  }
0xfc: {  	s1 =	simm.s32 @!p0 $0x1D000;
	[sflag:s9] =	ssyncadd.s32 $0xFFFFFE80  }
0xfd: {  	[spmem:s13] =	stream.linear.scatter @!p0 [tilespmem:s1], [sflag:$0x7], $0x100, $0x38;
	[tilespmem:$0x1DD80] =	vst v63  }
0xfe: {  	s1 =	simm.s32 @!p0 $0x7  }
0xff: {  	_ =	swait.ge @!p0 [sflag:s1], $0x100  }
0x100: {  	[sflag:s1] =	ssyncset.done @!p0 $0x0  }
0x101: {  	[sflag:s1] =	ssyncadd.s32 @!p0 $0xFFFFFF00  }
0x102: {  	s26 =	simm.s32 $0x0;
	[bflag:$0x0] =	sbarrier.arrive $0xFFFF  }
0x103: {  	[smem:$0x7D0] =	sst s26  }
.LBB2_4:
0x104: {  	s2 =	simm.s32 $0x1D180  }
0x105: {  	[spmem:s15] =	stream.linear.scatter [tilespmem:s2], [sflag:$0x7], $0xC00, $0x38;
	[tilespmem:$0x1DD80] =	vst v63  }
0x106: {  	_ =	swait.ge [sflag:s9], $0xC00  }
0x107: {  	s1 =	sld [smem:$0x7D5]  }
0x108: {  	[sflag:s9] =	ssyncset.done $0x0  }
0x109: {  	[sflag:s9] =	ssyncadd.s32 $0xFFFFF400  }
0x10a: {  	[spmem:s1] =	stream.linear.scatter [tilespmem:s2], [sflag:$0x7], $0xC00, $0x38;
	[tilespmem:$0x1DD80] =	vst v63  }
0x10b: {  	_ =	swait.ge [sflag:s9], $0xC00  }
0x10c: {  	s4 =	sld [smem:$0x7D7]  }
0x10d: {  	[sflag:s9] =	ssyncset.done $0x0  }
0x10e: {  	[sflag:s9] =	ssyncadd.s32 $0xFFFFF400  }
0x10f: {  	[spmem:s4] =	stream.linear.scatter [tilespmem:s2], [sflag:$0x7], $0xC00, $0x38;
	[tilespmem:$0x1DD80] =	vst v63  }
0x110: {  	_ =	swait.ge [sflag:s9], $0xC00  }
0x111: {  	s13 =	sld [smem:$0x7D8]  }
0x112: {  	[sflag:s9] =	ssyncset.done $0x0  }
0x113: {  	[sflag:s9] =	ssyncadd.s32 $0xFFFFF400  }
0x114: {  	[spmem:s13] =	stream.linear.scatter [tilespmem:s2], [sflag:$0x7], $0xC00, $0x38;
	[tilespmem:$0x1DD80] =	vst v63  }
0x115: {  	_ =	swait.ge [sflag:s9], $0xC00  }
0x116: {  	s15 =	sld [smem:$0x7D9]  }
0x117: {  	[sflag:s9] =	ssyncset.done $0x0  }
0x118: {  	[sflag:s9] =	ssyncadd.s32 $0xFFFFF400  }
0x119: {  	[spmem:s15] =	stream.linear.scatter [tilespmem:s2], [sflag:$0x7], $0xC00, $0x38;
	[tilespmem:$0x1DD80] =	vst v63  }
0x11a: {  	_ =	swait.ge [sflag:s9], $0xC00  }
0x11b: {  	s26 =	sld [smem:$0x7DA]  }
0x11c: {  	[sflag:s9] =	ssyncset.done $0x0  }
0x11d: {  	[sflag:s9] =	ssyncadd.s32 $0xFFFFF400  }
0x11e: {  	[spmem:s26] =	stream.linear.scatter [tilespmem:s2], [sflag:$0x7], $0xC00, $0x38;
	[tilespmem:$0x1DD80] =	vst v63  }
0x11f: {  	_ =	swait.ge [sflag:s9], $0xC00  }
0x120: {  	s3 =	sld [smem:$0x7DB]  }
0x121: {  	[sflag:s9] =	ssyncset.done $0x0  }
0x122: {  	[sflag:s9] =	ssyncadd.s32 $0xFFFFF400  }
0x123: {  	[spmem:s3] =	stream.linear.scatter [tilespmem:s2], [sflag:$0x7], $0xC00, $0x38;
	[tilespmem:$0x1DD80] =	vst v63  }
0x124: {  	_ =	swait.ge [sflag:s9], $0xC00  }
0x125: {  	s4 =	sld [smem:$0x7DC]  }
0x126: {  	[sflag:s9] =	ssyncset.done $0x0  }
0x127: {  	[sflag:s9] =	ssyncadd.s32 $0xFFFFF400  }
0x128: {  	[spmem:s4] =	stream.linear.scatter [tilespmem:s2], [sflag:$0x7], $0xC00, $0x38;
	[tilespmem:$0x1DD80] =	vst v63  }
0x129: {  	_ =	swait.ge [sflag:s9], $0xC00  }
0x12a: {  	s13 =	sld [smem:$0x7DD]  }
0x12b: {  	[sflag:s9] =	ssyncset.done $0x0  }
0x12c: {  	[sflag:s9] =	ssyncadd.s32 $0xFFFFF400  }
0x12d: {  	[spmem:s13] =	stream.linear.scatter [tilespmem:s2], [sflag:$0x7], $0xC00, $0x38;
	[tilespmem:$0x1DD80] =	vst v63  }
0x12e: {  	_ =	swait.ge [sflag:s9], $0xC00  }
0x12f: {  	s15 =	sld [smem:$0x7DE]  }
0x130: {  	[sflag:s9] =	ssyncset.done $0x0  }
0x131: {  	[sflag:s9] =	ssyncadd.s32 $0xFFFFF400  }
0x132: {  	[spmem:s15] =	stream.linear.scatter [tilespmem:s2], [sflag:$0x7], $0xC00, $0x38;
	[tilespmem:$0x1DD80] =	vst v63  }
0x133: {  	_ =	swait.ge [sflag:s9], $0xC00  }
0x134: {  	s26 =	sld [smem:$0x7DF]  }
0x135: {  	[sflag:s9] =	ssyncset.done $0x0  }
0x136: {  	[sflag:s9] =	ssyncadd.s32 $0xFFFFF400  }
0x137: {  	[spmem:s26] =	stream.linear.scatter [tilespmem:s2], [sflag:$0x7], $0xC00, $0x38;
	[tilespmem:$0x1DD80] =	vst v63  }
0x138: {  	_ =	swait.ge [sflag:s9], $0xC00  }
0x139: {  	s3 =	sld [smem:$0x7E0]  }
0x13a: {  	[sflag:s9] =	ssyncset.done $0x0  }
0x13b: {  	[sflag:s9] =	ssyncadd.s32 $0xFFFFF400  }
0x13c: {  	[spmem:s3] =	stream.linear.scatter [tilespmem:s2], [sflag:$0x7], $0xC00, $0x38;
	[tilespmem:$0x1DD80] =	vst v63  }
0x13d: {  	_ =	swait.ge [sflag:s9], $0xC00  }
0x13e: {  	s4 =	sld [smem:$0x7E1]  }
0x13f: {  	[sflag:s9] =	ssyncset.done $0x0  }
0x140: {  	[sflag:s9] =	ssyncadd.s32 $0xFFFFF400  }
0x141: {  	[spmem:s4] =	stream.linear.scatter [tilespmem:s2], [sflag:$0x7], $0xC00, $0x38;
	[tilespmem:$0x1DD80] =	vst v63  }
0x142: {  	_ =	swait.ge [sflag:s9], $0xC00  }
0x143: {  	s13 =	sld [smem:$0x7E2]  }
0x144: {  	[sflag:s9] =	ssyncset.done $0x0  }
0x145: {  	[sflag:s9] =	ssyncadd.s32 $0xFFFFF400  }
0x146: {  	[spmem:s13] =	stream.linear.scatter [tilespmem:s2], [sflag:$0x7], $0xC00, $0x38;
	[tilespmem:$0x1DD80] =	vst v63  }
0x147: {  	_ =	swait.ge [sflag:s9], $0xC00  }
0x148: {  	s15 =	sld [smem:$0x7E3]  }
0x149: {  	[sflag:s9] =	ssyncset.done $0x0  }
0x14a: {  	[sflag:s9] =	ssyncadd.s32 $0xFFFFF400  }
0x14b: {  	[spmem:s15] =	stream.linear.scatter [tilespmem:s2], [sflag:$0x7], $0xC00, $0x38;
	[tilespmem:$0x1DD80] =	vst v63  }
0x14c: {  	_ =	swait.ge [sflag:s9], $0xC00  }
0x14d: {  	s26 =	sld [smem:$0x7E4]  }
0x14e: {  	[sflag:s9] =	ssyncset.done $0x0  }
0x14f: {  	[sflag:s9] =	ssyncadd.s32 $0xFFFFF400  }
0x150: {  	[spmem:s26] =	stream.linear.scatter [tilespmem:s2], [sflag:$0x7], $0xC00, $0x38;
	[tilespmem:$0x1DD80] =	vst v63  }
0x151: {  	_ =	swait.ge [sflag:s9], $0xC00  }
0x152: {  	s3 =	sld [smem:$0x7E5]  }
0x153: {  	[sflag:s9] =	ssyncset.done $0x0  }
0x154: {  	[sflag:s9] =	ssyncadd.s32 $0xFFFFF400  }
0x155: {  	[spmem:s3] =	stream.linear.scatter [tilespmem:s2], [sflag:$0x7], $0xC00, $0x38;
	[tilespmem:$0x1DD80] =	vst v63  }
0x156: {  	_ =	swait.ge [sflag:s9], $0xC00  }
0x157: {  	s4 =	sld [smem:$0x7E6]  }
0x158: {  	[sflag:s9] =	ssyncset.done $0x0  }
0x159: {  	[sflag:s9] =	ssyncadd.s32 $0xFFFFF400  }
0x15a: {  	[spmem:s4] =	stream.linear.scatter [tilespmem:s2], [sflag:$0x7], $0xC00, $0x38;
	[tilespmem:$0x1DD80] =	vst v63  }
0x15b: {  	_ =	swait.ge [sflag:s9], $0xC00  }
0x15c: {  	s13 =	sld [smem:$0x7E7]  }
0x15d: {  	[sflag:s9] =	ssyncset.done $0x0  }
0x15e: {  	[sflag:s9] =	ssyncadd.s32 $0xFFFFF400  }
0x15f: {  	[spmem:s13] =	stream.linear.scatter [tilespmem:s2], [sflag:$0x7], $0xC00, $0x38;
	[tilespmem:$0x1DD80] =	vst v63  }
0x160: {  	_ =	swait.ge [sflag:s9], $0xC00  }
0x161: {  	s15 =	sld [smem:$0x7E8]  }
0x162: {  	[sflag:s9] =	ssyncset.done $0x0  }
0x163: {  	[sflag:s9] =	ssyncadd.s32 $0xFFFFF400  }
0x164: {  	[spmem:s15] =	stream.linear.scatter [tilespmem:s2], [sflag:$0x7], $0xC00, $0x38;
	[tilespmem:$0x1DD80] =	vst v63  }
0x165: {  	_ =	swait.ge [sflag:s9], $0xC00  }
0x166: {  	s26 =	sld [smem:$0x7E9]  }
0x167: {  	[sflag:s9] =	ssyncset.done $0x0  }
0x168: {  	[sflag:s9] =	ssyncadd.s32 $0xFFFFF400  }
0x169: {  	[spmem:s26] =	stream.linear.scatter [tilespmem:s2], [sflag:$0x7], $0xC00, $0x38;
	[tilespmem:$0x1DD80] =	vst v63  }
0x16a: {  	_ =	swait.ge [sflag:s9], $0xC00  }
0x16b: {  	s3 =	sld [smem:$0x7EA]  }
0x16c: {  	[sflag:s9] =	ssyncset.done $0x0  }
0x16d: {  	[sflag:s9] =	ssyncadd.s32 $0xFFFFF400  }
0x16e: {  	[spmem:s3] =	stream.linear.scatter [tilespmem:s2], [sflag:$0x7], $0xC00, $0x38;
	[tilespmem:$0x1DD80] =	vst v63  }
0x16f: {  	_ =	swait.ge [sflag:s9], $0xC00  }
0x170: {  	s4 =	sld [smem:$0x7EB]  }
0x171: {  	[sflag:s9] =	ssyncset.done $0x0  }
0x172: {  	[sflag:s9] =	ssyncadd.s32 $0xFFFFF400  }
0x173: {  	[spmem:s4] =	stream.linear.scatter [tilespmem:s2], [sflag:$0x7], $0xC00, $0x38;
	[tilespmem:$0x1DD80] =	vst v63  }
0x174: {  	_ =	swait.ge [sflag:s9], $0xC00  }
0x175: {  	s13 =	sld [smem:$0x7EC]  }
0x176: {  	[sflag:s9] =	ssyncset.done $0x0  }
0x177: {  	[sflag:s9] =	ssyncadd.s32 $0xFFFFF400  }
0x178: {  	[spmem:s13] =	stream.linear.scatter [tilespmem:s2], [sflag:$0x7], $0xC00, $0x38;
	[tilespmem:$0x1DD80] =	vst v63  }
0x179: {  	_ =	swait.ge [sflag:s9], $0xC00  }
0x17a: {  	s15 =	sld [smem:$0x7EE]  }
0x17b: {  	[sflag:s9] =	ssyncset.done $0x0  }
0x17c: {  	[sflag:s9] =	ssyncadd.s32 $0xFFFFF400  }
0x17d: {  	[spmem:s15] =	stream.linear.scatter [tilespmem:s2], [sflag:$0x7], $0xC00, $0x38;
	[tilespmem:$0x1DD80] =	vst v63  }
0x17e: {  	_ =	swait.ge [sflag:s9], $0xC00  }
0x17f: {  	s26 =	sld [smem:$0x7EF]  }
0x180: {  	[sflag:s9] =	ssyncset.done $0x0  }
0x181: {  	[sflag:s9] =	ssyncadd.s32 $0xFFFFF400  }
0x182: {  	[spmem:s26] =	stream.linear.scatter [tilespmem:s2], [sflag:$0x7], $0xC00, $0x38;
	[tilespmem:$0x1DD80] =	vst v63  }
0x183: {  	_ =	swait.ge [sflag:s9], $0xC00  }
0x184: {  	[sflag:s9] =	ssyncset.done $0x0  }
0x185: {  	s1 =	simm.s32 @!p0 $0x1D180;
	[sflag:s9] =	ssyncadd.s32 $0xFFFFF400  }
0x186: {  	[spmem:s20] =	stream.linear.scatter @!p0 [tilespmem:s1], [sflag:$0x7], $0x800, $0x38;
	[tilespmem:$0x1DD80] =	vst v63  }
0x187: {  	s1 =	simm.s32 @!p0 $0x7  }
0x188: {  	_ =	swait.ge @!p0 [sflag:s1], $0x800  }
0x189: {  	[sflag:s1] =	ssyncset.done @!p0 $0x0  }
0x18a: {  	s2 =	simm.s32 $0x0;
	[sflag:s1] =	ssyncadd.s32 @!p0 $0xFFFFF800;
	s1 =	simm.s32 $0x40  }
.LBB2_5:
0x18b: {  	p1 =	sne.s32 s1, $0x13C0;
	[tilespmem:s2+$0x19230] =	vst v1;
	s3 =	smov.u32 s1;
	s1 =	sadd.s32 $0x40, s1  }
.Ltmp1:
0x18c: {  	[tilespmem:s2+$0x1CA20] =	vst v1;
	(pc) =	sbr.rel @p1 .LBB2_5-.Ltmp1, $2  }
0x18d: {  	_ =	sdelay $0x2  }
0x18e: {  	s2 =	sshra.s32 s3, $0x2  }
0x18f: {  	s13 =	sld [smem:$0x7D0];
	_ =	sdelay $0x1  }
0x190: {  	s3 =	sld [smem:$0x7F9]  }
0x191: {  	s1 =	smul.u32 $0x4E200, s13;
	_ =	sdelay $0x1  }
0x192: {  	[tilespmem:s2+$0x19230] =	vst v1;
	s3 =	sadd.s32 s3, s1  }
0x193: {  	[tilespmem:s2+$0x1CA20] =	vst v1;
	s3 =	sshrl.u32 s3, $0x3  }
0x194: {  	s2 =	simm.s32 $0x0;
	[bflag:$0x0] =	sbarrier.arrive $0xFFFF;
	s20 =	sadd.s32 s5, s3  }
0x195: {  	[tilespmem:s14], [sflag:$0x1] =	stream.linear.gather [hbm4b:s20+s2], $0x50, $0x38;
	[tilespmem:$0x1DD80] =	vst v63  }
0x196: {  	s4 =	simm.s32 $0x15FE0;
	s3 =	sadd.s32 s6, s3  }
0x197: {  	[tilespmem:s4], [sflag:$0x1] =	stream.linear.gather [hbm4b:s3+s2], $0x50, $0x38;
	[tilespmem:$0x1DD80] =	vst v63  }
0x198: {  	_ =	swait.ge [sflag:s16], $0x50  }
0x199: {  	[sflag:s16] =	ssyncset.done $0x0  }
0x19a: {  	[sflag:s16] =	ssyncadd.s32 $0xFFFFFFB0  }
0x19b: {  	_ =	swait.ge [sflag:s16], $0x50  }
0x19c: {  	[sflag:s16] =	ssyncset.done $0x0  }
0x19d: {  	[sflag:s16] =	ssyncadd.s32 $0xFFFFFFB0  }
0x19e: {  	[tilespmem:s18], [sflag:$0x2] =	stream.indirect.gather [hbm4b:s7+s17], $0x10, s14, s17, $0xb8;
	[tilespmem:$0x1DD80] =	vst v63  }
0x19f: {  	_ = 	snop  }
0x1a0: {  	[tilespmem:s19], [sflag:$0x2] =	stream.indirect.gather [hbm4b:s8+s17], $0x10, s4, s17, $0xb8;
	[tilespmem:$0x1DD80] =	vst v63  }
0x1a1: {  	s4 =	rddreg [dreg:$0x1]  }
0x1a2: {  	[tilespmem:s11], [sflag:$0x2] =	stream.indirect.gather [hbm4b:s4+s17], $0x80, s14, s17, $0xb8;
	[tilespmem:$0x1DD80] =	vst v63  }
0x1a3: {  	s11 =	sld [smem:$0x7FA];
	_ =	sdelay $0x1  }
0x1a4: {  	s15 =	sshll.u32 s13, $0x2  }
0x1a5: {  	v14 =	vmov s15;
	s3 =	sadd.s32 s11, s1  }
0x1a6: {  	v6 =	vand.u32 $0x4, v14;
	s3 =	sshrl.u32 s3, $0x3  }
0x1a7: {  	v7 =	vand.u32 $0x8, v14;
	v5 =	vor.u32 $0x1, v6;
	v4 =	vor.u32 $0x2, v6;
	s26 =	sadd.s32 s5, s3  }
0x1a8: {  	v3 =	vor.u32 $0x3, v6;
	v8 =	vor.u32 v2, v7;
	v12 =	vor.u32 v7, v5;
	[tilespmem:s12], [sflag:$0x4] =	stream.linear.gather [hbm4b:s26+s2], $0x50, $0x38;
	[tilespmem:$0x1DD80] =	vst v63  }
0x1a9: {  	v11 =	vor.u32 v7, v4;
	v9 =	vor.u32 v7, v3;
	v15 =	vor.u32 v6, v8;
	s3 =	sadd.s32 s6, s3  }
0x1aa: {  	v13 =	vor.u32 v5, v8;
	v10 =	vor.u32 v4, v8;
	v8 =	vor.u32 v3, v8;
	[tilespmem:s22], [sflag:$0x4] =	stream.linear.gather [hbm4b:s3+s2], $0x50, $0x38;
	[tilespmem:$0x1DD80] =	vst v63  }
.LBB2_7:
0x1ab: {  	_ =	swait.ge [sflag:s21], $0x50  }
0x1ac: {  	[sflag:s21] =	ssyncset.done $0x0  }
0x1ad: {  	[sflag:s21] =	ssyncadd.s32 $0xFFFFFFB0  }
0x1ae: {  	_ =	swait.ge [sflag:s21], $0x50  }
0x1af: {  	p1 =	seq.s32 s2, $0x0;
	[sflag:s21] =	ssyncset.done $0x0  }
0x1b0: {  	s3 =	simm.s32 @!p1 $0x6;
	[sflag:s21] =	ssyncadd.s32 $0xFFFFFFB0  }
0x1b1: {  	_ =	swait.ge @!p1 [sflag:s3], $0x500  }
0x1b2: {  	[sflag:s3] =	ssyncset.done @!p1 $0x0  }
0x1b3: {  	[sflag:s3] =	ssyncadd.s32 @!p1 $0xFFFFFB00  }
0x1b4: {  	_ =	swait.ge @!p1 [sflag:s3], $0x2800  }
0x1b5: {  	[sflag:s3] =	ssyncset.done @!p1 $0x0  }
0x1b6: {  	[sflag:s3] =	ssyncadd.s32 @!p1 $0xFFFFD800  }
0x1b7: {  	[tilespmem:s23], [sflag:$0x5] =	stream.indirect.gather [hbm4b:s7+s17], $0x10, s12, s17, $0xb8;
	[tilespmem:$0x1DD80] =	vst v63  }
0x1b8: {  	_ = 	snop  }
0x1b9: {  	[tilespmem:s24], [sflag:$0x5] =	stream.indirect.gather [hbm4b:s8+s17], $0x10, s22, s17, $0xb8;
	[tilespmem:$0x1DD80] =	vst v63  }
0x1ba: {  	s3 =	rddreg [dreg:$0x1]  }
0x1bb: {  	[tilespmem:s25], [sflag:$0x5] =	stream.indirect.gather [hbm4b:s3+s17], $0x80, s12, s17, $0xb8;
	[tilespmem:$0x1DD80] =	vst v63  }
0x1bc: {  	_ =	swait.ge [sflag:s28], $0x500  }
0x1bd: {  	[sflag:s28] =	ssyncset.done $0x0  }
0x1be: {  	[sflag:s28] =	ssyncadd.s32 $0xFFFFFB00  }
0x1bf: {  	_ =	swait.ge [sflag:s28], $0x500  }
0x1c0: {  	[sflag:s28] =	ssyncset.done $0x0  }
0x1c1: {  	[sflag:s28] =	ssyncadd.s32 $0xFFFFFB00  }
0x1c2: {  	_ =	swait.ge [sflag:s28], $0x2800  }
0x1c3: {  	s20 =	simm.s32 $0x0;
	[sflag:s28] =	ssyncset.done $0x0  }
0x1c4: {  	p1 =	por $0x1, $0x1;
	s3 =	sshll.u32 s2, $0x1;
	[sflag:s28] =	ssyncadd.s32 $0xFFFFD800  }
.LBB2_8:
0x1c5: {  	v16 =	vmov s20  }
0x1c6: {  	v16 =	vshll.u32 v16, $0x4  }
0x1c7: {  	v16 =	vor.u32 v0, v16  }
0x1c8: {  	v16 =	vor.u32 v7, v16  }
0x1c9: {  	v17 =	vor.u32 v6, v16;
	_ =	sdelay $0x4  }
0x1ca: {  	v18 =	vld.idx.msk [tilespmem:v17+s18+$0x0], $0xffff  }
0x1cb: {  	v19 =	vld.idx.msk [tilespmem:v17+s19+$0x0], $0xffff;
	_ =	sdelay $0x4  }
0x1cc: {  	v40 =	vld.idx.msk [tilespmem:v14+s0+$0x0], $0xffff;
	v18 =	vadd.f32 v19, v18;
	_ =	sdelay $0x1  }
0x1cd: {  	v20 =	vmul.f32 $2.000000030e-01, v18;
	_ =	sdelay $0x1  }
0x1ce: {  	v18 =	vmax.f32 v18, v20  }
0x1cf: {  	v18 =	vsub.f32 v18, v40;
	_ =	sdelay $0x1  }
0x1d0: {  	v18 =	vmul.f32 $1.442695020e+00, v18;
	_ =	sdelay $0x1  }
0x1d1: {  	(erf) = vpow2.f32 v18;
	_ =	sdelay $0x5  }
0x1d2: {  	v41 =	vor.u32 v5, v16;
	_ =	sdelay $0x2  }
0x1d3: {  	v42 =	vpop (erf)  }
0x1d4: {  	[tilespmem:v17+s31+$0x0] =	vst.idx.msk $0xffff, v42  }
0x1d5: {  	v17 =	vld.idx.msk [tilespmem:v41+s18+$0x0], $0xffff  }
0x1d6: {  	v20 =	vld.idx.msk [tilespmem:v41+s19+$0x0], $0xffff;
	_ =	sdelay $0x4  }
0x1d7: {  	v43 =	vld.idx.msk [tilespmem:v12+s0+$0x0], $0xffff;
	v17 =	vadd.f32 v20, v17;
	_ =	sdelay $0x1  }
0x1d8: {  	v21 =	vmul.f32 $2.000000030e-01, v17;
	_ =	sdelay $0x1  }
0x1d9: {  	v17 =	vmax.f32 v17, v21  }
0x1da: {  	v17 =	vsub.f32 v17, v43;
	_ =	sdelay $0x1  }
0x1db: {  	v17 =	vmul.f32 $1.442695020e+00, v17;
	_ =	sdelay $0x1  }
0x1dc: {  	(erf) = vpow2.f32 v17;
	_ =	sdelay $0x5  }
0x1dd: {  	v17 =	vor.u32 v4, v16;
	_ =	sdelay $0x2  }
0x1de: {  	v44 =	vpop (erf)  }
0x1df: {  	[tilespmem:v41+s31+$0x0] =	vst.idx.msk $0xffff, v44  }
0x1e0: {  	v18 =	vld.idx.msk [tilespmem:v17+s18+$0x0], $0xffff  }
0x1e1: {  	v20 =	vld.idx.msk [tilespmem:v17+s19+$0x0], $0xffff;
	_ =	sdelay $0x4  }
0x1e2: {  	v45 =	vld.idx.msk [tilespmem:v11+s0+$0x0], $0xffff;
	v18 =	vadd.f32 v20, v18;
	_ =	sdelay $0x1  }
0x1e3: {  	v46 =	vmul.f32 $2.000000030e-01, v18;
	_ =	sdelay $0x1  }
0x1e4: {  	v18 =	vmax.f32 v18, v46  }
0x1e5: {  	v18 =	vsub.f32 v18, v45;
	_ =	sdelay $0x1  }
0x1e6: {  	v18 =	vmul.f32 $1.442695020e+00, v18;
	_ =	sdelay $0x1  }
0x1e7: {  	s26 =	sor.u32 $0x10, s20;
	(erf) = vpow2.f32 v18  }
0x1e8: {  	v47 =	vmov s26  }
0x1e9: {  	v18 =	vshll.u32 v47, $0x4  }
0x1ea: {  	v18 =	vor.u32 v0, v18  }
0x1eb: {  	v18 =	vor.u32 v7, v18  }
0x1ec: {  	v48 =	vor.u32 v6, v18  }
0x1ed: {  	v16 =	vor.u32 v3, v16;
	_ =	sdelay $0x2  }
0x1ee: {  	v49 =	vpop (erf)  }
0x1ef: {  	v22 =	vld.idx.msk [tilespmem:v48+s18+$0x0], $0xffff;
	[tilespmem:v17+s31+$0x0] =	vst.idx.msk $0xffff, v49  }
0x1f0: {  	v17 =	vld.idx.msk [tilespmem:v16+s18+$0x0], $0xffff  }
0x1f1: {  	v21 =	vld.idx.msk [tilespmem:v16+s19+$0x0], $0xffff  }
0x1f2: {  	v23 =	vld.idx.msk [tilespmem:v48+s19+$0x0], $0xffff;
	_ =	sdelay $0x3  }
0x1f3: {  	v50 =	vld.idx.msk [tilespmem:v9+s0+$0x0], $0xffff;
	v17 =	vadd.f32 v21, v17  }
0x1f4: {  	v22 =	vadd.f32 v23, v22  }
0x1f5: {  	v51 =	vmul.f32 $2.000000030e-01, v17  }
0x1f6: {  	v24 =	vmul.f32 $2.000000030e-01, v22  }
0x1f7: {  	v17 =	vmax.f32 v17, v51  }
0x1f8: {  	v52 =	vmax.f32 v22, v24;
	v17 =	vsub.f32 v17, v50  }
0x1f9: {  	v19 =	vsub.f32 v52, v40  }
0x1fa: {  	v17 =	vmul.f32 $1.442695020e+00, v17  }
0x1fb: {  	v19 =	vmul.f32 $1.442695020e+00, v19  }
0x1fc: {  	(erf) = vpow2.f32 v17  }
0x1fd: {  	(erf) = vpow2.f32 v19;
	_ =	sdelay $0x5  }
0x1fe: {  	v17 =	vor.u32 v5, v18;
	_ =	sdelay $0x1  }
0x1ff: {  	v53 =	vpop (erf)  }
0x200: {  	v54 =	vpop (erf)  }
0x201: {  	[tilespmem:v48+s31+$0x0] =	vst.idx.msk $0xffff, v54  }
0x202: {  	v20 =	vld.idx.msk [tilespmem:v17+s18+$0x0], $0xffff  }
0x203: {  	v21 =	vld.idx.msk [tilespmem:v17+s19+$0x0], $0xffff;
	_ =	sdelay $0x4  }
0x204: {  	v55 =	vld.idx.msk [tilespmem:v12+s0+$0x0], $0xffff;
	v20 =	vadd.f32 v21, v20;
	_ =	sdelay $0x1  }
0x205: {  	v56 =	vmul.f32 $2.000000030e-01, v20;
	_ =	sdelay $0x1  }
0x206: {  	v20 =	vmax.f32 v20, v56  }
0x207: {  	v20 =	vsub.f32 v20, v55;
	_ =	sdelay $0x1  }
0x208: {  	v20 =	vmul.f32 $1.442695020e+00, v20;
	_ =	sdelay $0x1  }
0x209: {  	(erf) = vpow2.f32 v20;
	_ =	sdelay $0x5  }
0x20a: {  	v57 =	vor.u32 v4, v18;
	_ =	sdelay $0x2  }
0x20b: {  	v58 =	vpop (erf)  }
0x20c: {  	[tilespmem:v17+s31+$0x0] =	vst.idx.msk $0xffff, v58  }
0x20d: {  	v17 =	vld.idx.msk [tilespmem:v57+s18+$0x0], $0xffff  }
0x20e: {  	v21 =	vld.idx.msk [tilespmem:v57+s19+$0x0], $0xffff;
	_ =	sdelay $0x4  }
0x20f: {  	v59 =	vld.idx.msk [tilespmem:v11+s0+$0x0], $0xffff;
	v17 =	vadd.f32 v21, v17;
	_ =	sdelay $0x1  }
0x210: {  	v60 =	vmul.f32 $2.000000030e-01, v17;
	_ =	sdelay $0x1  }
0x211: {  	v17 =	vmax.f32 v17, v60  }
0x212: {  	v17 =	vsub.f32 v17, v59;
	_ =	sdelay $0x1  }
0x213: {  	v17 =	vmul.f32 $1.442695020e+00, v17;
	_ =	sdelay $0x1  }
0x214: {  	(erf) = vpow2.f32 v17;
	_ =	sdelay $0x5  }
0x215: {  	v17 =	vor.u32 v3, v18;
	_ =	sdelay $0x2  }
0x216: {  	v61 =	vpop (erf)  }
0x217: {  	[tilespmem:v57+s31+$0x0] =	vst.idx.msk $0xffff, v61  }
0x218: {  	v18 =	vld.idx.msk [tilespmem:v17+s18+$0x0], $0xffff  }
0x219: {  	v20 =	vld.idx.msk [tilespmem:v17+s19+$0x0], $0xffff;
	_ =	sdelay $0x4  }
0x21a: {  	v62 =	vld.idx.msk [tilespmem:v9+s0+$0x0], $0xffff;
	v18 =	vadd.f32 v20, v18;
	_ =	sdelay $0x1  }
0x21b: {  	v63 =	vmul.f32 $2.000000030e-01, v18;
	_ =	sdelay $0x1  }
0x21c: {  	v18 =	vmax.f32 v18, v63  }
0x21d: {  	v18 =	vsub.f32 v18, v62;
	_ =	sdelay $0x1  }
0x21e: {  	v18 =	vmul.f32 $1.442695020e+00, v18;
	_ =	sdelay $0x1  }
0x21f: {  	(erf) = vpow2.f32 v18;
	_ =	sdelay $0x4  }
0x220: {  	p2 =	por p1, p1  }
.Ltmp2:
0x221: {  	_ = 	snop;
	(pc) =	sbr.rel @p2 .LBB2_8-.Ltmp2, $3  }
0x222: {  	_ =	sdelay $0x1  }
0x223: {  	[tilespmem:v16+s31+$0x0] =	vst.idx.msk $0xffff, v53;
	v16 =	vpop (erf)  }
0x224: {  	s20 =	simm.s32 $0x20;
	p1 =	por $0x0, $0x0;
	[tilespmem:v17+s31+$0x0] =	vst.idx.msk $0xffff, v16  }
0x225: {  	_ =	sdelay $0x3  }
0x226: {  	v16 =	vld.idx.msk [tilespmem:v15+s18+$0x0], $0xffff  }
0x227: {  	v17 =	vld.idx.msk [tilespmem:v15+s19+$0x0], $0xffff;
	_ =	sdelay $0x4  }
0x228: {  	v16 =	vadd.f32 v17, v16;
	v17 =	vld.idx.msk [tilespmem:v14+s0+$0x0], $0xffff;
	_ =	sdelay $0x1  }
0x229: {  	v18 =	vmul.f32 $2.000000030e-01, v16;
	_ =	sdelay $0x1  }
0x22a: {  	v16 =	vmax.f32 v16, v18  }
0x22b: {  	v16 =	vsub.f32 v16, v17;
	_ =	sdelay $0x1  }
0x22c: {  	v16 =	vmul.f32 $1.442695020e+00, v16;
	_ =	sdelay $0x1  }
0x22d: {  	(erf) = vpow2.f32 v16;
	_ =	sdelay $0x8  }
0x22e: {  	v16 =	vpop (erf)  }
0x22f: {  	[tilespmem:v15+s31+$0x0] =	vst.idx.msk $0xffff, v16  }
0x230: {  	v16 =	vld.idx.msk [tilespmem:v13+s18+$0x0], $0xffff  }
0x231: {  	v17 =	vld.idx.msk [tilespmem:v13+s19+$0x0], $0xffff;
	_ =	sdelay $0x4  }
0x232: {  	v16 =	vadd.f32 v17, v16;
	v17 =	vld.idx.msk [tilespmem:v12+s0+$0x0], $0xffff;
	_ =	sdelay $0x1  }
0x233: {  	v18 =	vmul.f32 $2.000000030e-01, v16;
	_ =	sdelay $0x1  }
0x234: {  	v16 =	vmax.f32 v16, v18  }
0x235: {  	v16 =	vsub.f32 v16, v17;
	_ =	sdelay $0x1  }
0x236: {  	v16 =	vmul.f32 $1.442695020e+00, v16;
	_ =	sdelay $0x1  }
0x237: {  	(erf) = vpow2.f32 v16;
	_ =	sdelay $0x8  }
0x238: {  	v16 =	vpop (erf)  }
0x239: {  	[tilespmem:v13+s31+$0x0] =	vst.idx.msk $0xffff, v16  }
0x23a: {  	v16 =	vld.idx.msk [tilespmem:v10+s18+$0x0], $0xffff  }
0x23b: {  	v17 =	vld.idx.msk [tilespmem:v10+s19+$0x0], $0xffff;
	_ =	sdelay $0x4  }
0x23c: {  	v16 =	vadd.f32 v17, v16;
	v17 =	vld.idx.msk [tilespmem:v11+s0+$0x0], $0xffff;
	_ =	sdelay $0x1  }
0x23d: {  	v18 =	vmul.f32 $2.000000030e-01, v16;
	_ =	sdelay $0x1  }
0x23e: {  	v16 =	vmax.f32 v16, v18  }
0x23f: {  	v16 =	vsub.f32 v16, v17;
	_ =	sdelay $0x1  }
0x240: {  	v16 =	vmul.f32 $1.442695020e+00, v16;
	_ =	sdelay $0x1  }
0x241: {  	(erf) = vpow2.f32 v16;
	_ =	sdelay $0x8  }
0x242: {  	v16 =	vpop (erf)  }
0x243: {  	[tilespmem:v10+s31+$0x0] =	vst.idx.msk $0xffff, v16  }
0x244: {  	v16 =	vld.idx.msk [tilespmem:v8+s18+$0x0], $0xffff  }
0x245: {  	v17 =	vld.idx.msk [tilespmem:v8+s19+$0x0], $0xffff;
	_ =	sdelay $0x4  }
0x246: {  	v16 =	vadd.f32 v17, v16;
	v17 =	vld.idx.msk [tilespmem:v9+s0+$0x0], $0xffff;
	_ =	sdelay $0x1  }
0x247: {  	v18 =	vmul.f32 $2.000000030e-01, v16;
	_ =	sdelay $0x1  }
0x248: {  	v16 =	vmax.f32 v16, v18  }
0x249: {  	v16 =	vsub.f32 v16, v17;
	_ =	sdelay $0x1  }
0x24a: {  	v16 =	vmul.f32 $1.442695020e+00, v16;
	_ =	sdelay $0x1  }
0x24b: {  	(erf) = vpow2.f32 v16;
	_ =	sdelay $0x3  }
0x24c: {  	s20 =	simm.s32 $0x30  }
0x24d: {  	v16 =	vor.u32 s20, v7  }
0x24e: {  	v17 =	vor.u32 v6, v16  }
0x24f: {  	s13 =	simm.s32 $0x10  }
0x250: {  	s15 =	simm.s32 $0x0;
	v19 =	vor.u32 s13, v7  }
0x251: {  	v22 =	vor.u32 s15, v7;
	v21 =	vor.u32 v6, v19;
	v20 =	vpop (erf)  }
0x252: {  	v23 =	vor.u32 v6, v22;
	[tilespmem:v8+s31+$0x0] =	vst.idx.msk $0xffff, v20  }
0x253: {  	s26 =	simm.s32 $0x16B30;
	v17 =	vld.idx.msk [tilespmem:v17+s31+$0x0], $0xffff  }
0x254: {  	v24 =	vld [tilespmem:s26+$0x80]  }
0x255: {  	v25 =	vld [tilespmem:s26+$0x90]  }
0x256: {  	v21 =	vld.idx.msk [tilespmem:v21+s31+$0x0], $0xffff  }
0x257: {  	s4 =	simm.s32 $0x60;
	v23 =	vld.idx.msk [tilespmem:v23+s31+$0x0], $0xffff  }
0x258: {  	v34 =	vor.u32 s4, v7;
	v27 =	vld [tilespmem:s26+$0xFFFFFF00]  }
0x259: {  	v33 =	vor.u32 v6, v34;
	v28 =	vld [tilespmem:s26+$0xFFFFFF10]  }
0x25a: {  	s22 =	simm.s32 $0x20;
	v29 =	vld [tilespmem:s26+$0xA0]  }
0x25b: {  	v18 =	vor.u32 s22, v7;
	s20 =	simm.s32 $0x16D30;
	v35 =	vld [tilespmem:s26+$0xE0]  }
0x25c: {  	v20 =	vor.u32 v6, v18;
	v37 =	vld [tilespmem:s20+$0x80]  }
0x25d: {  	v38 =	vld [tilespmem:s20+$0x90]  }
0x25e: {  	v33 =	vld.idx.msk [tilespmem:v33+s31+$0x0], $0xffff  }
0x25f: {  	v40 =	vld [tilespmem:s20+$0xFFFFFF00]  }
0x260: {  	v26 =	vor.u32 v5, v16;
	v41 =	vld [tilespmem:s20+$0xFFFFFF10];
	v24 =	vmul.f32 v24, v17  }
0x261: {  	v20 =	vld.idx.msk [tilespmem:v20+s31+$0x0], $0xffff;
	v17 =	vmul.f32 v25, v17  }
0x262: {  	v25 =	vld [tilespmem:s26+$0xFFFFFF80];
	[tilespmem:s26+$0x80] =	vst v24  }
0x263: {  	v24 =	vld [tilespmem:s26+$0xFFFFFF90];
	[tilespmem:s26+$0x90] =	vst v17;
	v17 =	vor.u32 v5, v22  }
0x264: {  	v27 =	vmul.f32 v27, v23;
	v23 =	vmul.f32 v28, v23;
	v28 =	vld [tilespmem:s26+$0xB0]  }
0x265: {  	v26 =	vld.idx.msk [tilespmem:v26+s31+$0x0], $0xffff  }
0x266: {  	v30 =	vor.u32 v5, v19;
	[tilespmem:s26+$0xFFFFFF00] =	vst v27;
	v27 =	vld [tilespmem:s26+$0x0]  }
0x267: {  	[tilespmem:s26+$0xFFFFFF10] =	vst v23;
	v23 =	vld [tilespmem:s26+$0x10];
	v25 =	vmul.f32 v25, v21  }
0x268: {  	v21 =	vmul.f32 v24, v21;
	v17 =	vld.idx.msk [tilespmem:v17+s31+$0x0], $0xffff  }
0x269: {  	[tilespmem:s26+$0xFFFFFF80] =	vst v25;
	v24 =	vor.u32 v4, v16;
	v25 =	vld [tilespmem:s26+$0xFFFFFF20]  }
0x26a: {  	[tilespmem:s26+$0xFFFFFF90] =	vst v21;
	v21 =	vmul.f32 v29, v26;
	v26 =	vmul.f32 v28, v26;
	v28 =	vld [tilespmem:s26+$0xFFFFFF30]  }
0x26b: {  	v29 =	vld.idx.msk [tilespmem:v30+s31+$0x0], $0xffff  }
0x26c: {  	v30 =	vld [tilespmem:s26+$0xFFFFFFA0];
	[tilespmem:s26+$0xA0] =	vst v21  }
0x26d: {  	v21 =	vor.u32 v5, v18;
	[tilespmem:s26+$0xB0] =	vst v26;
	v26 =	vmul.f32 v27, v20;
	v20 =	vmul.f32 v23, v20;
	v23 =	vld [tilespmem:s26+$0xC0]  }
0x26e: {  	v24 =	vld.idx.msk [tilespmem:v24+s31+$0x0], $0xffff  }
0x26f: {  	v27 =	vor.u32 v4, v22;
	[tilespmem:s26+$0x0] =	vst v26;
	v26 =	vld [tilespmem:s26+$0xD0]  }
0x270: {  	v25 =	vmul.f32 v25, v17;
	[tilespmem:s26+$0x10] =	vst v20;
	v20 =	vld [tilespmem:s26+$0xFFFFFFB0]  }
0x271: {  	v17 =	vmul.f32 v28, v17;
	v28 =	vld [tilespmem:s26+$0x20]  }
0x272: {  	[tilespmem:s26+$0xFFFFFF20] =	vst v25;
	v25 =	vmul.f32 v30, v29;
	v21 =	vld.idx.msk [tilespmem:v21+s31+$0x0], $0xffff  }
0x273: {  	v16 =	vor.u32 v3, v16;
	[tilespmem:s26+$0xFFFFFF30] =	vst v17;
	v17 =	vld [tilespmem:s26+$0x30]  }
0x274: {  	v30 =	vor.u32 v4, v19;
	v23 =	vmul.f32 v23, v24;
	[tilespmem:s26+$0xFFFFFFA0] =	vst v25;
	v25 =	vld.idx.msk [tilespmem:v27+s31+$0x0], $0xffff  }
0x275: {  	v27 =	vld [tilespmem:s26+$0xFFFFFF50];
	v24 =	vmul.f32 v26, v24  }
0x276: {  	v26 =	vld [tilespmem:s26+$0xFFFFFF40];
	[tilespmem:s26+$0xC0] =	vst v23;
	v23 =	vmul.f32 v20, v29  }
0x277: {  	v61 =	vld [tilespmem:s20+$0xFFFFFF80];
	[tilespmem:s26+$0xD0] =	vst v24;
	v24 =	vor.u32 v4, v18  }
0x278: {  	v20 =	vld.idx.msk [tilespmem:v16+s31+$0x0], $0xffff;
	[tilespmem:s26+$0xFFFFFFB0] =	vst v23;
	v16 =	vmul.f32 v28, v21  }
0x279: {  	v17 =	vmul.f32 v17, v21;
	v23 =	vld.idx.msk [tilespmem:v30+s31+$0x0], $0xffff  }
0x27a: {  	[tilespmem:s26+$0x20] =	vst v16;
	v16 =	vld [tilespmem:s26+$0xFFFFFFD0]  }
0x27b: {  	v26 =	vmul.f32 v26, v25;
	[tilespmem:s26+$0x30] =	vst v17;
	v17 =	vmul.f32 v27, v25;
	v25 =	vld [tilespmem:s26+$0x40]  }
0x27c: {  	v24 =	vld.idx.msk [tilespmem:v24+s31+$0x0], $0xffff  }
0x27d: {  	v62 =	vld [tilespmem:s20+$0xFFFFFF90]  }
0x27e: {  	v28 =	vld [tilespmem:s26+$0xF0]  }
0x27f: {  	v42 =	vld [tilespmem:s20+$0xA0];
	v16 =	vmul.f32 v16, v23  }
0x280: {  	s22 =	simm.s32 $0x70;
	v21 =	vld [tilespmem:s26+$0xFFFFFFC0]  }
0x281: {  	v63 =	vld [tilespmem:s20+$0xB0];
	[tilespmem:s26+$0xFFFFFFD0] =	vst v16;
	v16 =	vmul.f32 v25, v24;
	v25 =	vor.u32 s22, v7  }
0x282: {  	v45 =	vld [tilespmem:s20+$0x0];
	v29 =	vor.u32 v6, v25  }
0x283: {  	v46 =	vld [tilespmem:s20+$0x10];
	v19 =	vor.u32 v3, v19;
	v28 =	vmul.f32 v28, v20  }
0x284: {  	s11 =	simm.s32 $0x40;
	v51 =	vld [tilespmem:s20+$0xFFFFFF30];
	[tilespmem:s26+$0xFFFFFF50] =	vst v17  }
0x285: {  	v52 =	vld [tilespmem:s20+$0xFFFFFFA0];
	v17 =	vmul.f32 v21, v23;
	[tilespmem:s26+$0xF0] =	vst v28;
	v28 =	vor.u32 s11, v7  }
0x286: {  	s25 =	simm.s32 $0x50;
	v54 =	vld [tilespmem:s20+$0xC0];
	v36 =	vor.u32 v6, v28  }
0x287: {  	v32 =	vor.u32 s25, v7;
	[tilespmem:s26+$0xFFFFFFC0] =	vst v17;
	v29 =	vld.idx.msk [tilespmem:v29+s31+$0x0], $0xffff  }
0x288: {  	v31 =	vld.idx.msk [tilespmem:v19+s31+$0x0], $0xffff;
	v19 =	vor.u32 v6, v32  }
0x289: {  	v55 =	vld [tilespmem:s20+$0xD0]  }
0x28a: {  	v56 =	vld [tilespmem:s20+$0x20]  }
0x28b: {  	v39 =	vor.u32 v5, v25;
	v36 =	vld.idx.msk [tilespmem:v36+s31+$0x0], $0xffff  }
0x28c: {  	v59 =	vld [tilespmem:s20+$0xFFFFFF40];
	v37 =	vmul.f32 v37, v29  }
0x28d: {  	v22 =	vor.u32 v3, v22;
	[tilespmem:s26+$0xFFFFFF40] =	vst v26;
	v19 =	vld.idx.msk [tilespmem:v19+s31+$0x0], $0xffff;
	v29 =	vmul.f32 v38, v29  }
0x28e: {  	v26 =	vld [tilespmem:s26+$0x50];
	[tilespmem:s20+$0x80] =	vst v37  }
0x28f: {  	v30 =	vld [tilespmem:s26+$0xFFFFFFF0];
	[tilespmem:s20+$0x90] =	vst v29  }
0x290: {  	v40 =	vmul.f32 v40, v36;
	v29 =	vor.u32 v5, v28;
	v39 =	vld.idx.msk [tilespmem:v39+s31+$0x0], $0xffff  }
0x291: {  	v27 =	vld [tilespmem:s26+$0xFFFFFFE0];
	[tilespmem:s26+$0x40] =	vst v16;
	v36 =	vmul.f32 v41, v36  }
0x292: {  	v21 =	vld.idx.msk [tilespmem:v22+s31+$0x0], $0xffff;
	[tilespmem:s20+$0xFFFFFF00] =	vst v40;
	v38 =	vmul.f32 v61, v19;
	v19 =	vmul.f32 v62, v19  }
0x293: {  	v43 =	vor.u32 v5, v32;
	v22 =	vld [tilespmem:s26+$0xFFFFFF60];
	v24 =	vmul.f32 v26, v24;
	[tilespmem:s20+$0xFFFFFF10] =	vst v36  }
0x294: {  	v47 =	vor.u32 v4, v25;
	[tilespmem:s20+$0xFFFFFF90] =	vst v19;
	v19 =	vld [tilespmem:s20+$0xFFFFFF20]  }
0x295: {  	[tilespmem:s26+$0x50] =	vst v24;
	v29 =	vld.idx.msk [tilespmem:v29+s31+$0x0], $0xffff;
	v48 =	vmul.f32 v42, v39  }
0x296: {  	v50 =	vor.u32 v5, v34;
	v23 =	vld [tilespmem:s26+$0xFFFFFF70];
	[tilespmem:s20+$0xFFFFFF80] =	vst v38;
	v39 =	vmul.f32 v63, v39  }
0x297: {  	v17 =	vld [tilespmem:s26+$0x60];
	v40 =	vmul.f32 v45, v33;
	[tilespmem:s20+$0xA0] =	vst v48  }
0x298: {  	v33 =	vmul.f32 v46, v33;
	v49 =	vld.idx.msk [tilespmem:v43+s31+$0x0], $0xffff;
	[tilespmem:s20+$0xB0] =	vst v39  }
0x299: {  	v26 =	vor.u32 v4, v28;
	v22 =	vmul.f32 v22, v21;
	[tilespmem:s20+$0x0] =	vst v40;
	v53 =	vld.idx.msk [tilespmem:v47+s31+$0x0], $0xffff  }
0x29a: {  	v16 =	vld [tilespmem:s26+$0x70];
	[tilespmem:s20+$0x10] =	vst v33;
	v19 =	vmul.f32 v19, v29  }
0x29b: {  	[tilespmem:s26+$0xFFFFFF60] =	vst v22;
	v40 =	vld.idx.msk [tilespmem:v50+s31+$0x0], $0xffff;
	v24 =	vmul.f32 v51, v29  }
0x29c: {  	v27 =	vmul.f32 v27, v31;
	v29 =	vld [tilespmem:s20+$0xFFFFFFB0];
	[tilespmem:s20+$0xFFFFFF20] =	vst v19  }
0x29d: {  	v58 =	vmul.f32 v52, v49;
	v19 =	vor.u32 v3, v25;
	[tilespmem:s20+$0xFFFFFF30] =	vst v24;
	v24 =	vld [tilespmem:s20+$0x30]  }
0x29e: {  	[tilespmem:s26+$0xFFFFFFE0] =	vst v27;
	v22 =	vld.idx.msk [tilespmem:v26+s31+$0x0], $0xffff;
	v26 =	vmul.f32 v55, v53  }
0x29f: {  	v57 =	vor.u32 v4, v32;
	v30 =	vmul.f32 v30, v31;
	v31 =	vld [tilespmem:s20+$0xFFFFFFC0];
	[tilespmem:s20+$0xFFFFFFA0] =	vst v58;
	v25 =	vmul.f32 v54, v53  }
0x2a0: {  	v62 =	vld [tilespmem:s20+$0xFFFFFFD0];
	v60 =	vmul.f32 v56, v40;
	[tilespmem:s20+$0xD0] =	vst v26;
	v26 =	vor.u32 v4, v34  }
0x2a1: {  	v29 =	vmul.f32 v29, v49;
	[tilespmem:s20+$0xC0] =	vst v25;
	v25 =	vld [tilespmem:s20+$0xFFFFFF50]  }
0x2a2: {  	[tilespmem:s20+$0x20] =	vst v60;
	v19 =	vld.idx.msk [tilespmem:v19+s31+$0x0], $0xffff;
	v24 =	vmul.f32 v24, v40  }
0x2a3: {  	v18 =	vor.u32 v3, v18;
	v20 =	vmul.f32 v35, v20;
	[tilespmem:s20+$0xFFFFFFB0] =	vst v29;
	v29 =	vld [tilespmem:s20+$0xF0]  }
0x2a4: {  	v21 =	vmul.f32 v23, v21;
	v27 =	vld.idx.msk [tilespmem:v57+s31+$0x0], $0xffff;
	[tilespmem:s20+$0x30] =	vst v24  }
0x2a5: {  	[tilespmem:s26+$0xE0] =	vst v20;
	v61 =	vor.u32 v3, v28;
	v28 =	vld.idx.msk [tilespmem:v26+s31+$0x0], $0xffff  }
0x2a6: {  	[tilespmem:s26+$0xFFFFFF70] =	vst v21;
	v24 =	vmul.f32 v59, v22;
	v20 =	vmul.f32 v25, v22;
	v25 =	vld [tilespmem:s20+$0x40]  }
0x2a7: {  	[tilespmem:s26+$0xFFFFFFF0] =	vst v30;
	v33 =	vld [tilespmem:s20+$0x50]  }
0x2a8: {  	[tilespmem:s20+$0xFFFFFF40] =	vst v24;
	v24 =	vld.idx.msk [tilespmem:v18+s31+$0x0], $0xffff;
	v29 =	vmul.f32 v29, v19  }
0x2a9: {  	s15 =	simm.s32 $0x90;
	v26 =	vld [tilespmem:s20+$0xFFFFFF60];
	[tilespmem:s20+$0xFFFFFF50] =	vst v20;
	v23 =	vmul.f32 v31, v27;
	v20 =	vor.u32 v3, v32  }
0x2aa: {  	v30 =	vor.u32 s15, v7;
	v21 =	vmul.f32 v62, v27;
	v31 =	vld [tilespmem:s20+$0xFFFFFFF0];
	[tilespmem:s20+$0xF0] =	vst v29  }
0x2ab: {  	s25 =	simm.s32 $0xA0;
	s4 =	simm.s32 $0xB0;
	v36 =	vor.u32 v6, v30;
	v22 =	vld.idx.msk [tilespmem:v61+s31+$0x0], $0xffff;
	[tilespmem:s20+$0xFFFFFFC0] =	vst v23;
	v63 =	vmul.f32 v25, v28  }
0x2ac: {  	s13 =	simm.s32 $0x80;
	v18 =	vor.u32 v3, v34;
	v29 =	vld [tilespmem:s20+$0xFFFFFFE0];
	[tilespmem:s20+$0xFFFFFFD0] =	vst v21;
	v21 =	vor.u32 s4, v7;
	v25 =	vor.u32 s25, v7  }
0x2ad: {  	s22 =	simm.s32 $0xC;
	v27 =	vor.u32 s13, v7;
	v23 =	vld [tilespmem:s20+$0xFFFFFF70];
	v37 =	vor.u32 v6, v21;
	s25 =	simm.s32 $0x16D30;
	v35 =	vor.u32 v6, v25;
	[tilespmem:s20+$0x40] =	vst v63  }
.LBB2_10:
0x2ae: {  	p1 =	slt.u32 s22, $0x4C;
	v38 =	vor.u32 v6, v27;
	v39 =	vor.u32 v5, v30;
	v40 =	vor.u32 v5, v25;
	v41 =	vld.idx.msk [tilespmem:v20+s31+$0x0], $0xffff  }
0x2af: {  	v42 =	vor.u32 v5, v27;
	v34 =	vor.u32 v4, v30;
	v32 =	vor.u32 v4, v25;
	v43 =	vld [tilespmem:s20+$0x60]  }
0x2b0: {  	v44 =	vor.u32 v4, v27;
	v20 =	vor.u32 v3, v30;
	v28 =	vmul.f32 v33, v28;
	v30 =	vld [tilespmem:s20+$0x70]  }
0x2b1: {  	v27 =	vor.u32 v3, v27;
	v25 =	vor.u32 v3, v25;
	v45 =	vmul.f32 v17, v24;
	v33 =	vld [tilespmem:s20+$0xE0]  }
0x2b2: {  	v46 =	vmul.f32 v16, v24;
	v26 =	vmul.f32 v26, v22;
	s20 =	sadd.s32 $0x200, s20;
	v37 =	vld.idx.msk [tilespmem:v37+s31+$0x0], $0xffff;
	[tilespmem:s25+$0x50] =	vst v28  }
0x2b3: {  	v22 =	vmul.f32 v23, v22;
	v24 =	vld [tilespmem:s20+$0x80];
	[tilespmem:s26+$0x60] =	vst v45  }
0x2b4: {  	v28 =	vmul.f32 v29, v41;
	v29 =	vmul.f32 v31, v41;
	v23 =	vld [tilespmem:s20+$0x90];
	[tilespmem:s26+$0x70] =	vst v46;
	v17 =	vmov v43;
	s26 =	smov.u32 s25;
	s25 =	smov.u32 s20  }
0x2b5: {  	v31 =	vld.idx.msk [tilespmem:v36+s31+$0x0], $0xffff;
	[tilespmem:s26+$0xFFFFFF60] =	vst v26;
	v16 =	vmov v30  }
0x2b6: {  	v26 =	vld.idx.msk [tilespmem:v35+s31+$0x0], $0xffff;
	[tilespmem:s26+$0xFFFFFFE0] =	vst v28;
	v19 =	vmul.f32 v33, v19  }
0x2b7: {  	v30 =	vor.u32 v5, v21;
	v28 =	vld.idx.msk [tilespmem:v38+s31+$0x0], $0xffff;
	[tilespmem:s26+$0xFFFFFFF0] =	vst v29  }
0x2b8: {  	v29 =	vld [tilespmem:s20+$0xFFFFFF00];
	v24 =	vmul.f32 v24, v37;
	[tilespmem:s26+$0xE0] =	vst v19  }
0x2b9: {  	v19 =	vld [tilespmem:s20+$0xFFFFFF10];
	v23 =	vmul.f32 v23, v37;
	[tilespmem:s26+$0xFFFFFF70] =	vst v22  }
0x2ba: {  	v22 =	vld [tilespmem:s20+$0xFFFFFF80];
	[tilespmem:s20+$0x80] =	vst v24  }
0x2bb: {  	v24 =	vld [tilespmem:s20+$0xFFFFFF90];
	[tilespmem:s20+$0x90] =	vst v23  }
0x2bc: {  	v23 =	vld.idx.msk [tilespmem:v30+s31+$0x0], $0xffff  }
0x2bd: {  	v29 =	vmul.f32 v29, v28;
	v30 =	vld [tilespmem:s20+$0xA0]  }
0x2be: {  	v19 =	vmul.f32 v19, v28;
	v28 =	vld [tilespmem:s20+$0xB0]  }
0x2bf: {  	[tilespmem:s20+$0xFFFFFF00] =	vst v29;
	v22 =	vmul.f32 v22, v31;
	v29 =	vld [tilespmem:s20+$0x0]  }
0x2c0: {  	[tilespmem:s20+$0xFFFFFF10] =	vst v19;
	v19 =	vmul.f32 v24, v31;
	v24 =	vld [tilespmem:s20+$0x10]  }
0x2c1: {  	v31 =	vld.idx.msk [tilespmem:v42+s31+$0x0], $0xffff;
	[tilespmem:s20+$0xFFFFFF80] =	vst v22;
	v22 =	vor.u32 v4, v21  }
0x2c2: {  	v33 =	vld [tilespmem:s20+$0xFFFFFF20];
	[tilespmem:s20+$0xFFFFFF90] =	vst v19;
	v19 =	vmul.f32 v30, v23  }
0x2c3: {  	v30 =	vld.idx.msk [tilespmem:v39+s31+$0x0], $0xffff;
	v23 =	vmul.f32 v28, v23  }
0x2c4: {  	v28 =	vld [tilespmem:s20+$0xFFFFFF30];
	v29 =	vmul.f32 v29, v26;
	[tilespmem:s20+$0xA0] =	vst v19  }
0x2c5: {  	v19 =	vld [tilespmem:s20+$0xFFFFFFA0];
	v24 =	vmul.f32 v24, v26;
	[tilespmem:s20+$0xB0] =	vst v23  }
0x2c6: {  	[tilespmem:s20+$0x0] =	vst v29;
	v22 =	vld.idx.msk [tilespmem:v22+s31+$0x0], $0xffff  }
0x2c7: {  	v23 =	vmul.f32 v33, v31;
	[tilespmem:s20+$0x10] =	vst v24;
	v24 =	vld [tilespmem:s20+$0xC0]  }
0x2c8: {  	v26 =	vld [tilespmem:s20+$0xD0]  }
0x2c9: {  	[tilespmem:s20+$0xFFFFFF20] =	vst v23;
	v23 =	vmul.f32 v28, v31;
	v28 =	vld.idx.msk [tilespmem:v40+s31+$0x0], $0xffff  }
0x2ca: {  	v19 =	vmul.f32 v19, v30;
	v29 =	vld [tilespmem:s20+$0xFFFFFFB0]  }
0x2cb: {  	v21 =	vor.u32 v3, v21;
	[tilespmem:s20+$0xFFFFFF30] =	vst v23;
	v23 =	vld [tilespmem:s20+$0x20]  }
0x2cc: {  	[tilespmem:s20+$0xFFFFFFA0] =	vst v19;
	v31 =	vld [tilespmem:s20+$0x30];
	v19 =	vmul.f32 v24, v22  }
0x2cd: {  	v24 =	vld.idx.msk [tilespmem:v44+s31+$0x0], $0xffff;
	v22 =	vmul.f32 v26, v22  }
0x2ce: {  	v26 =	vld [tilespmem:s20+$0xFFFFFF40];
	[tilespmem:s20+$0xC0] =	vst v19  }
0x2cf: {  	v33 =	vld [tilespmem:s20+$0xFFFFFF50];
	v29 =	vmul.f32 v29, v30;
	[tilespmem:s20+$0xD0] =	vst v22  }
0x2d0: {  	v22 =	vmul.f32 v23, v28;
	v19 =	vld.idx.msk [tilespmem:v21+s31+$0x0], $0xffff  }
0x2d1: {  	[tilespmem:s20+$0xFFFFFFB0] =	vst v29;
	v21 =	vmul.f32 v31, v28;
	v23 =	vld [tilespmem:s20+$0xF0]  }
0x2d2: {  	v29 =	vld.idx.msk [tilespmem:v34+s31+$0x0], $0xffff;
	[tilespmem:s20+$0x20] =	vst v22  }
0x2d3: {  	v22 =	vmul.f32 v26, v24;
	v26 =	vld [tilespmem:s20+$0xFFFFFFC0];
	[tilespmem:s20+$0x30] =	vst v21  }
0x2d4: {  	v21 =	vmul.f32 v33, v24;
	v28 =	vld.idx.msk [tilespmem:v32+s31+$0x0], $0xffff  }
0x2d5: {  	[tilespmem:s20+$0xFFFFFF40] =	vst v22;
	v30 =	vld [tilespmem:s20+$0xFFFFFFD0]  }
0x2d6: {  	[tilespmem:s20+$0xFFFFFF50] =	vst v21;
	v21 =	vld [tilespmem:s20+$0x40];
	v22 =	vmul.f32 v23, v19  }
0x2d7: {  	v33 =	vld [tilespmem:s20+$0x50]  }
0x2d8: {  	v23 =	vmul.f32 v26, v29;
	[tilespmem:s20+$0xF0] =	vst v22;
	v24 =	vld.idx.msk [tilespmem:v18+s31+$0x0], $0xffff;
	v18 =	vmov v25  }
.Ltmp3:
0x2d9: {  	v22 =	vld.idx.msk [tilespmem:v27+s31+$0x0], $0xffff;
	(pc) =	sbr.rel @p1 .LBB2_10-.Ltmp3, $4  }
0x2da: {  	s4 =	sshll.u32 s22, $0x4;
	v26 =	vld [tilespmem:s20+$0xFFFFFF60];
	[tilespmem:s20+$0xFFFFFFC0] =	vst v23;
	v29 =	vmul.f32 v30, v29  }
0x2db: {  	s15 =	sadd.s32 $0x10, s4;
	s13 =	sadd.s32 $0x20, s4;
	v27 =	vor.u32 s4, v7;
	s4 =	sadd.s32 $0x30, s4;
	v23 =	vld [tilespmem:s20+$0xFFFFFF70];
	v32 =	vmul.f32 v21, v28  }
0x2dc: {  	v25 =	vor.u32 s13, v7;
	v30 =	vor.u32 s15, v7;
	v21 =	vor.u32 s4, v7;
	[tilespmem:s20+$0xFFFFFFD0] =	vst v29;
	v29 =	vld [tilespmem:s20+$0xFFFFFFE0]  }
0x2dd: {  	s22 =	sadd.s32 $0x4, s22;
	v35 =	vor.u32 v6, v25;
	v36 =	vor.u32 v6, v30;
	v37 =	vor.u32 v6, v21;
	v31 =	vld [tilespmem:s20+$0xFFFFFFF0];
	[tilespmem:s20+$0x40] =	vst v32  }
0x2de: {  	_ =	sdelay $0x3  }
0x2df: {  	v32 =	vld.idx.msk [tilespmem:v20+s31+$0x0], $0xffff  }
0x2e0: {  	v34 =	vld [tilespmem:s20+$0x60]  }
0x2e1: {  	v20 =	vld [tilespmem:s20+$0x70]  }
0x2e2: {  	v38 =	vld [tilespmem:s20+$0xE0]  }
0x2e3: {  	v37 =	vld.idx.msk [tilespmem:v37+s31+$0x0], $0xffff  }
0x2e4: {  	v36 =	vld.idx.msk [tilespmem:v36+s31+$0x0], $0xffff  }
0x2e5: {  	s15 =	sadd.s32 $0x200, s20;
	v35 =	vld.idx.msk [tilespmem:v35+s31+$0x0], $0xffff  }
0x2e6: {  	v40 =	vld [tilespmem:s15+$0x80]  }
0x2e7: {  	v41 =	vld [tilespmem:s15+$0x90]  }
0x2e8: {  	v43 =	vld [tilespmem:s15+$0xFFFFFF00]  }
0x2e9: {  	v44 =	vld [tilespmem:s15+$0xFFFFFF10]  }
0x2ea: {  	v51 =	vld [tilespmem:s15+$0xFFFFFF80]  }
0x2eb: {  	v52 =	vld [tilespmem:s15+$0xFFFFFF90]  }
0x2ec: {  	v39 =	vor.u32 v6, v27;
	v45 =	vld [tilespmem:s15+$0xA0]  }
0x2ed: {  	v54 =	vld [tilespmem:s15+$0xB0]  }
0x2ee: {  	v55 =	vld [tilespmem:s15+$0x0]  }
0x2ef: {  	v28 =	vmul.f32 v33, v28;
	v56 =	vld [tilespmem:s15+$0x10]  }
0x2f0: {  	v17 =	vmul.f32 v17, v24;
	v58 =	vld [tilespmem:s15+$0xFFFFFF20]  }
0x2f1: {  	v16 =	vmul.f32 v16, v24;
	[tilespmem:s25+$0x50] =	vst v28;
	v39 =	vld.idx.msk [tilespmem:v39+s31+$0x0], $0xffff  }
0x2f2: {  	v42 =	vor.u32 v5, v21;
	v61 =	vld [tilespmem:s15+$0xFFFFFF30];
	v26 =	vmul.f32 v26, v22;
	[tilespmem:s26+$0x60] =	vst v17  }
0x2f3: {  	v62 =	vld [tilespmem:s15+$0xFFFFFFA0];
	[tilespmem:s26+$0x70] =	vst v16;
	v40 =	vmul.f32 v40, v37  }
0x2f4: {  	v48 =	vld [tilespmem:s15+$0xD0];
	[tilespmem:s25+$0xFFFFFF60] =	vst v26;
	v37 =	vmul.f32 v41, v37  }
0x2f5: {  	v53 =	vor.u32 v5, v27;
	v50 =	vld [tilespmem:s15+$0xFFFFFFB0];
	v41 =	vmul.f32 v51, v36;
	[tilespmem:s15+$0x80] =	vst v40  }
0x2f6: {  	v51 =	vld [tilespmem:s15+$0x20];
	[tilespmem:s15+$0x90] =	vst v37;
	v43 =	vmul.f32 v43, v39  }
0x2f7: {  	v46 =	vor.u32 v5, v30;
	[tilespmem:s15+$0xFFFFFF80] =	vst v41;
	v42 =	vld.idx.msk [tilespmem:v42+s31+$0x0], $0xffff;
	v39 =	vmul.f32 v44, v39  }
0x2f8: {  	v31 =	vmul.f32 v31, v32;
	v41 =	vld [tilespmem:s15+$0xFFFFFFD0];
	[tilespmem:s15+$0xFFFFFF00] =	vst v43  }
0x2f9: {  	v60 =	vor.u32 v5, v25;
	v36 =	vmul.f32 v52, v36;
	v44 =	vld [tilespmem:s15+$0x50];
	[tilespmem:s15+$0xFFFFFF10] =	vst v39  }
0x2fa: {  	[tilespmem:s25+$0xFFFFFFF0] =	vst v31;
	v43 =	vmul.f32 v55, v35;
	v37 =	vld.idx.msk [tilespmem:v53+s31+$0x0], $0xffff  }
0x2fb: {  	v57 =	vor.u32 v4, v21;
	[tilespmem:s15+$0xFFFFFF90] =	vst v36;
	v35 =	vmul.f32 v56, v35;
	v53 =	vld [tilespmem:s15+$0x30]  }
0x2fc: {  	v59 =	vmul.f32 v45, v42;
	v45 =	vld.idx.msk [tilespmem:v46+s31+$0x0], $0xffff;
	[tilespmem:s15+$0x0] =	vst v43  }
0x2fd: {  	v42 =	vmul.f32 v54, v42;
	v46 =	vld [tilespmem:s15+$0xC0];
	[tilespmem:s15+$0x10] =	vst v35  }
0x2fe: {  	v19 =	vmul.f32 v38, v19;
	v43 =	vld.idx.msk [tilespmem:v60+s31+$0x0], $0xffff;
	[tilespmem:s15+$0xA0] =	vst v59  }
0x2ff: {  	v47 =	vor.u32 v4, v27;
	[tilespmem:s15+$0xB0] =	vst v42;
	v59 =	vld [tilespmem:s15+$0xFFFFFF50];
	v36 =	vmul.f32 v58, v37  }
0x300: {  	[tilespmem:s25+$0xE0] =	vst v19;
	v54 =	vor.u32 v4, v30;
	v63 =	vld.idx.msk [tilespmem:v57+s31+$0x0], $0xffff;
	v49 =	vmul.f32 v61, v37  }
0x301: {  	v57 =	vld [tilespmem:s15+$0xFFFFFF40];
	v56 =	vmul.f32 v62, v45;
	[tilespmem:s15+$0xFFFFFF20] =	vst v36  }
0x302: {  	v61 =	vld [tilespmem:s15+$0xF0];
	v37 =	vmul.f32 v50, v45;
	[tilespmem:s15+$0xFFFFFF30] =	vst v49  }
0x303: {  	v58 =	vor.u32 v4, v25;
	v60 =	vmul.f32 v51, v43;
	v28 =	vmul.f32 v53, v43;
	v43 =	vld [tilespmem:s15+$0x40];
	[tilespmem:s15+$0xFFFFFFA0] =	vst v56  }
0x304: {  	v17 =	vld.idx.msk [tilespmem:v47+s31+$0x0], $0xffff;
	[tilespmem:s15+$0xFFFFFFB0] =	vst v37  }
0x305: {  	v52 =	vor.u32 v3, v21;
	v37 =	vmul.f32 v29, v32;
	v62 =	vld.idx.msk [tilespmem:v54+s31+$0x0], $0xffff;
	[tilespmem:s15+$0x20] =	vst v60  }
0x306: {  	v40 =	vmul.f32 v46, v63;
	v55 =	vmul.f32 v48, v63;
	v63 =	vld [tilespmem:s15+$0xFFFFFFC0];
	[tilespmem:s15+$0x30] =	vst v28  }
0x307: {  	v49 =	vld [tilespmem:s15+$0xFFFFFF70];
	[tilespmem:s25+$0xFFFFFFE0] =	vst v37  }
0x308: {  	v36 =	vor.u32 v3, v27;
	v48 =	vmul.f32 v23, v22;
	v16 =	vld.idx.msk [tilespmem:v58+s31+$0x0], $0xffff;
	[tilespmem:s15+$0xC0] =	vst v40  }
0x309: {  	v47 =	vld [tilespmem:s15+$0xFFFFFF60];
	[tilespmem:s15+$0xD0] =	vst v55;
	v40 =	vmul.f32 v57, v17;
	v17 =	vmul.f32 v59, v17  }
0x30a: {  	v45 =	vor.u32 v3, v30;
	[tilespmem:s25+$0xFFFFFF70] =	vst v48;
	v21 =	vld.idx.msk [tilespmem:v52+s31+$0x0], $0xffff  }
0x30b: {  	v46 =	vmul.f32 v63, v62;
	[tilespmem:s15+$0xFFFFFF50] =	vst v17;
	v17 =	vld.idx.msk [tilespmem:v18+s31+$0x0], $0xffff  }
0x30c: {  	v56 =	vld [tilespmem:s15+$0xE0];
	v24 =	vmul.f32 v41, v62;
	[tilespmem:s15+$0xFFFFFF40] =	vst v40  }
0x30d: {  	v50 =	vor.u32 v3, v25;
	v53 =	vmul.f32 v43, v16;
	v27 =	vld.idx.msk [tilespmem:v36+s31+$0x0], $0xffff;
	[tilespmem:s15+$0xFFFFFFC0] =	vst v46  }
0x30e: {  	v52 =	vld [tilespmem:s15+$0xFFFFFFE0];
	v16 =	vmul.f32 v44, v16;
	[tilespmem:s15+$0xFFFFFFD0] =	vst v24  }
0x30f: {  	v51 =	vmul.f32 v61, v21;
	v54 =	vld.idx.msk [tilespmem:v45+s31+$0x0], $0xffff;
	[tilespmem:s15+$0x40] =	vst v53  }
0x310: {  	v55 =	vld [tilespmem:s15+$0xFFFFFFF0];
	[tilespmem:s15+$0x50] =	vst v16;
	v57 =	vmul.f32 v34, v17  }
0x311: {  	v58 =	vld [tilespmem:s15+$0x60];
	[tilespmem:s15+$0xF0] =	vst v51;
	v16 =	vmul.f32 v20, v17  }
0x312: {  	v59 =	vld.idx.msk [tilespmem:v50+s31+$0x0], $0xffff;
	v17 =	vmul.f32 v47, v27;
	[tilespmem:s25+$0x60] =	vst v57  }
0x313: {  	v60 =	vld [tilespmem:s15+$0x70];
	v18 =	vmul.f32 v49, v27;
	[tilespmem:s25+$0x70] =	vst v16  }
0x314: {  	v61 =	vmul.f32 v52, v54;
	[tilespmem:s15+$0xFFFFFF60] =	vst v17  }
0x315: {  	v16 =	vmul.f32 v55, v54;
	[tilespmem:s15+$0xFFFFFF70] =	vst v18  }
0x316: {  	v17 =	vmul.f32 v56, v21;
	[tilespmem:s15+$0xFFFFFFE0] =	vst v61  }
0x317: {  	[tilespmem:s15+$0xFFFFFFF0] =	vst v16;
	v16 =	vmul.f32 v58, v59  }
0x318: {  	[tilespmem:s15+$0xE0] =	vst v17;
	v17 =	vmul.f32 v60, v59  }
0x319: {  	[tilespmem:s15+$0x60] =	vst v16  }
0x31a: {  	[tilespmem:s15+$0x70] =	vst v17  }
0x31b: {  	v16 =	vld [tilespmem:$0x15FE0]  }
0x31c: {  	v17 =	vld [tilespmem:$0x15FF0]  }
0x31d: {  	v18 =	vld [tilespmem:$0x16000]  }
0x31e: {  	v62 =	vld [tilespmem:$0x16010]  }
0x31f: {  	v63 =	vld [tilespmem:$0x16020]  }
0x320: {  	[tilespmem:$0x19730] =	vst v16  }
0x321: {  	[tilespmem:$0x19740] =	vst v17  }
0x322: {  	[tilespmem:$0x19750] =	vst v18  }
0x323: {  	s20 =	sld [smem:$0x7F2];
	[tilespmem:$0x19760] =	vst v62  }
0x324: {  	s4 =	rddreg [dreg:$0x2];
	s11 =	simm.s32 $0x19730;
	[tilespmem:$0x19770] =	vst v63  }
0x325: {  	[spmem:s4] =	stream.indirect.scatter.add.f32 [tilespmem:s31], [sflag:$0x3], $0x10, s11, s17, $0xb8;
	[tilespmem:$0x1DD80] =	vst v63  }
0x326: {  	s4 =	sadd.s32 s3, s20  }
0x327: {  	s13 =	rddreg [dreg:$0x3];
	s15 =	simm.s32 $0x16A30;
	s4 =	smul.u32 $0x50, s4  }
0x328: {  	[spmem:s13] =	stream.indirect.scatter.add.f32 [tilespmem:s15], [sflag:$0x3], $0x80, s11, s17, $0xb8;
	[tilespmem:$0x1DD80] =	vst v63  }
0x329: {  	s4 =	sadd.s32 s1, s4  }
0x32a: {  	s4 =	sshrl.u32 s4, $0x3  }
0x32b: {  	s20 =	simm.s32 $0x0;
	s22 =	sadd.s32 s5, s4  }
0x32c: {  	[tilespmem:s14], [sflag:$0x1] =	stream.linear.gather [hbm4b:s22+s20], $0x50, $0x38;
	[tilespmem:$0x1DD80] =	vst v63  }
0x32d: {  	s25 =	simm.s32 $0x15FE0;
	s4 =	sadd.s32 s6, s4  }
0x32e: {  	[tilespmem:s25], [sflag:$0x1] =	stream.linear.gather [hbm4b:s4+s20], $0x50, $0x38;
	[tilespmem:$0x1DD80] =	vst v63  }
0x32f: {  	_ =	swait.ge [sflag:s16], $0x50  }
0x330: {  	[sflag:s16] =	ssyncset.done $0x0  }
0x331: {  	[sflag:s16] =	ssyncadd.s32 $0xFFFFFFB0  }
0x332: {  	_ =	swait.ge [sflag:s16], $0x50  }
0x333: {  	[sflag:s16] =	ssyncset.done $0x0  }
0x334: {  	[sflag:s16] =	ssyncadd.s32 $0xFFFFFFB0  }
0x335: {  	_ =	swait.ge [sflag:s29], $0x500  }
0x336: {  	[sflag:s29] =	ssyncset.done $0x0  }
0x337: {  	[sflag:s29] =	ssyncadd.s32 $0xFFFFFB00  }
0x338: {  	_ =	swait.ge [sflag:s29], $0x2800  }
0x339: {  	[sflag:s29] =	ssyncset.done $0x0  }
0x33a: {  	[sflag:s29] =	ssyncadd.s32 $0xFFFFD800  }
0x33b: {  	[tilespmem:s18], [sflag:$0x2] =	stream.indirect.gather [hbm4b:s7+s17], $0x10, s14, s17, $0xb8;
	[tilespmem:$0x1DD80] =	vst v63  }
0x33c: {  	_ = 	snop  }
0x33d: {  	[tilespmem:s19], [sflag:$0x2] =	stream.indirect.gather [hbm4b:s8+s17], $0x10, s25, s17, $0xb8;
	[tilespmem:$0x1DD80] =	vst v63  }
0x33e: {  	s26 =	rddreg [dreg:$0x1]  }
0x33f: {  	[tilespmem:s15], [sflag:$0x2] =	stream.indirect.gather [hbm4b:s26+s17], $0x80, s14, s17, $0xb8;
	[tilespmem:$0x1DD80] =	vst v63  }
0x340: {  	_ =	swait.ge [sflag:s30], $0x500  }
0x341: {  	[sflag:s30] =	ssyncset.done $0x0  }
0x342: {  	[sflag:s30] =	ssyncadd.s32 $0xFFFFFB00  }
0x343: {  	_ =	swait.ge [sflag:s30], $0x500  }
0x344: {  	[sflag:s30] =	ssyncset.done $0x0  }
0x345: {  	[sflag:s30] =	ssyncadd.s32 $0xFFFFFB00  }
0x346: {  	_ =	swait.ge [sflag:s30], $0x2800  }
0x347: {  	[sflag:s30] =	ssyncset.done $0x0  }
0x348: {  	p1 =	por $0x1, $0x1;
	s11 =	simm.s32 $0x16A30;
	[sflag:s30] =	ssyncadd.s32 $0xFFFFD800  }
.LBB2_12:
0x349: {  	v16 =	vmov s20  }
0x34a: {  	v16 =	vshll.u32 v16, $0x4  }
0x34b: {  	v16 =	vor.u32 v0, v16  }
0x34c: {  	v16 =	vor.u32 v7, v16  }
0x34d: {  	v17 =	vor.u32 v6, v16;
	_ =	sdelay $0x4  }
0x34e: {  	v18 =	vld.idx.msk [tilespmem:v17+s23+$0x0], $0xffff  }
0x34f: {  	v19 =	vld.idx.msk [tilespmem:v17+s24+$0x0], $0xffff;
	_ =	sdelay $0x4  }
0x350: {  	v40 =	vld.idx.msk [tilespmem:v14+s0+$0x0], $0xffff;
	v18 =	vadd.f32 v19, v18;
	_ =	sdelay $0x1  }
0x351: {  	v20 =	vmul.f32 $2.000000030e-01, v18;
	_ =	sdelay $0x1  }
0x352: {  	v18 =	vmax.f32 v18, v20  }
0x353: {  	v18 =	vsub.f32 v18, v40;
	_ =	sdelay $0x1  }
0x354: {  	v18 =	vmul.f32 $1.442695020e+00, v18;
	_ =	sdelay $0x1  }
0x355: {  	(erf) = vpow2.f32 v18;
	_ =	sdelay $0x5  }
0x356: {  	v41 =	vor.u32 v5, v16;
	_ =	sdelay $0x2  }
0x357: {  	v42 =	vpop (erf)  }
0x358: {  	[tilespmem:v17+s10+$0x0] =	vst.idx.msk $0xffff, v42  }
0x359: {  	v17 =	vld.idx.msk [tilespmem:v41+s23+$0x0], $0xffff  }
0x35a: {  	v20 =	vld.idx.msk [tilespmem:v41+s24+$0x0], $0xffff;
	_ =	sdelay $0x4  }
0x35b: {  	v43 =	vld.idx.msk [tilespmem:v12+s0+$0x0], $0xffff;
	v17 =	vadd.f32 v20, v17;
	_ =	sdelay $0x1  }
0x35c: {  	v21 =	vmul.f32 $2.000000030e-01, v17;
	_ =	sdelay $0x1  }
0x35d: {  	v17 =	vmax.f32 v17, v21  }
0x35e: {  	v17 =	vsub.f32 v17, v43;
	_ =	sdelay $0x1  }
0x35f: {  	v17 =	vmul.f32 $1.442695020e+00, v17;
	_ =	sdelay $0x1  }
0x360: {  	(erf) = vpow2.f32 v17;
	_ =	sdelay $0x5  }
0x361: {  	v17 =	vor.u32 v4, v16;
	_ =	sdelay $0x2  }
0x362: {  	v44 =	vpop (erf)  }
0x363: {  	[tilespmem:v41+s10+$0x0] =	vst.idx.msk $0xffff, v44  }
0x364: {  	v18 =	vld.idx.msk [tilespmem:v17+s23+$0x0], $0xffff  }
0x365: {  	v20 =	vld.idx.msk [tilespmem:v17+s24+$0x0], $0xffff;
	_ =	sdelay $0x4  }
0x366: {  	v45 =	vld.idx.msk [tilespmem:v11+s0+$0x0], $0xffff;
	v18 =	vadd.f32 v20, v18;
	_ =	sdelay $0x1  }
0x367: {  	v46 =	vmul.f32 $2.000000030e-01, v18;
	_ =	sdelay $0x1  }
0x368: {  	v18 =	vmax.f32 v18, v46  }
0x369: {  	v18 =	vsub.f32 v18, v45;
	_ =	sdelay $0x1  }
0x36a: {  	v18 =	vmul.f32 $1.442695020e+00, v18;
	_ =	sdelay $0x1  }
0x36b: {  	s4 =	sor.u32 $0x10, s20;
	(erf) = vpow2.f32 v18  }
0x36c: {  	v47 =	vmov s4  }
0x36d: {  	v18 =	vshll.u32 v47, $0x4  }
0x36e: {  	v18 =	vor.u32 v0, v18  }
0x36f: {  	v18 =	vor.u32 v7, v18  }
0x370: {  	v48 =	vor.u32 v6, v18  }
0x371: {  	v16 =	vor.u32 v3, v16;
	_ =	sdelay $0x2  }
0x372: {  	v49 =	vpop (erf)  }
0x373: {  	v22 =	vld.idx.msk [tilespmem:v48+s23+$0x0], $0xffff;
	[tilespmem:v17+s10+$0x0] =	vst.idx.msk $0xffff, v49  }
0x374: {  	v17 =	vld.idx.msk [tilespmem:v16+s23+$0x0], $0xffff  }
0x375: {  	v21 =	vld.idx.msk [tilespmem:v16+s24+$0x0], $0xffff  }
0x376: {  	v23 =	vld.idx.msk [tilespmem:v48+s24+$0x0], $0xffff;
	_ =	sdelay $0x3  }
0x377: {  	v50 =	vld.idx.msk [tilespmem:v9+s0+$0x0], $0xffff;
	v17 =	vadd.f32 v21, v17  }
0x378: {  	v22 =	vadd.f32 v23, v22  }
0x379: {  	v51 =	vmul.f32 $2.000000030e-01, v17  }
0x37a: {  	v24 =	vmul.f32 $2.000000030e-01, v22  }
0x37b: {  	v17 =	vmax.f32 v17, v51  }
0x37c: {  	v52 =	vmax.f32 v22, v24;
	v17 =	vsub.f32 v17, v50  }
0x37d: {  	v19 =	vsub.f32 v52, v40  }
0x37e: {  	v17 =	vmul.f32 $1.442695020e+00, v17  }
0x37f: {  	v19 =	vmul.f32 $1.442695020e+00, v19  }
0x380: {  	(erf) = vpow2.f32 v17  }
0x381: {  	(erf) = vpow2.f32 v19;
	_ =	sdelay $0x5  }
0x382: {  	v17 =	vor.u32 v5, v18;
	_ =	sdelay $0x1  }
0x383: {  	v53 =	vpop (erf)  }
0x384: {  	v54 =	vpop (erf)  }
0x385: {  	[tilespmem:v48+s10+$0x0] =	vst.idx.msk $0xffff, v54  }
0x386: {  	v20 =	vld.idx.msk [tilespmem:v17+s23+$0x0], $0xffff  }
0x387: {  	v21 =	vld.idx.msk [tilespmem:v17+s24+$0x0], $0xffff;
	_ =	sdelay $0x4  }
0x388: {  	v55 =	vld.idx.msk [tilespmem:v12+s0+$0x0], $0xffff;
	v20 =	vadd.f32 v21, v20;
	_ =	sdelay $0x1  }
0x389: {  	v56 =	vmul.f32 $2.000000030e-01, v20;
	_ =	sdelay $0x1  }
0x38a: {  	v20 =	vmax.f32 v20, v56  }
0x38b: {  	v20 =	vsub.f32 v20, v55;
	_ =	sdelay $0x1  }
0x38c: {  	v20 =	vmul.f32 $1.442695020e+00, v20;
	_ =	sdelay $0x1  }
0x38d: {  	(erf) = vpow2.f32 v20;
	_ =	sdelay $0x5  }
0x38e: {  	v57 =	vor.u32 v4, v18;
	_ =	sdelay $0x2  }
0x38f: {  	v58 =	vpop (erf)  }
0x390: {  	[tilespmem:v17+s10+$0x0] =	vst.idx.msk $0xffff, v58  }
0x391: {  	v17 =	vld.idx.msk [tilespmem:v57+s23+$0x0], $0xffff  }
0x392: {  	v21 =	vld.idx.msk [tilespmem:v57+s24+$0x0], $0xffff;
	_ =	sdelay $0x4  }
0x393: {  	v59 =	vld.idx.msk [tilespmem:v11+s0+$0x0], $0xffff;
	v17 =	vadd.f32 v21, v17;
	_ =	sdelay $0x1  }
0x394: {  	v60 =	vmul.f32 $2.000000030e-01, v17;
	_ =	sdelay $0x1  }
0x395: {  	v17 =	vmax.f32 v17, v60  }
0x396: {  	v17 =	vsub.f32 v17, v59;
	_ =	sdelay $0x1  }
0x397: {  	v17 =	vmul.f32 $1.442695020e+00, v17;
	_ =	sdelay $0x1  }
0x398: {  	(erf) = vpow2.f32 v17;
	_ =	sdelay $0x5  }
0x399: {  	v17 =	vor.u32 v3, v18;
	_ =	sdelay $0x2  }
0x39a: {  	v61 =	vpop (erf)  }
0x39b: {  	[tilespmem:v57+s10+$0x0] =	vst.idx.msk $0xffff, v61  }
0x39c: {  	v18 =	vld.idx.msk [tilespmem:v17+s23+$0x0], $0xffff  }
0x39d: {  	v20 =	vld.idx.msk [tilespmem:v17+s24+$0x0], $0xffff;
	_ =	sdelay $0x4  }
0x39e: {  	v62 =	vld.idx.msk [tilespmem:v9+s0+$0x0], $0xffff;
	v18 =	vadd.f32 v20, v18;
	_ =	sdelay $0x1  }
0x39f: {  	v63 =	vmul.f32 $2.000000030e-01, v18;
	_ =	sdelay $0x1  }
0x3a0: {  	v18 =	vmax.f32 v18, v63  }
0x3a1: {  	v18 =	vsub.f32 v18, v62;
	_ =	sdelay $0x1  }
0x3a2: {  	v18 =	vmul.f32 $1.442695020e+00, v18;
	_ =	sdelay $0x1  }
0x3a3: {  	(erf) = vpow2.f32 v18;
	_ =	sdelay $0x4  }
0x3a4: {  	p2 =	por p1, p1  }
.Ltmp4:
0x3a5: {  	_ = 	snop;
	(pc) =	sbr.rel @p2 .LBB2_12-.Ltmp4, $3  }
0x3a6: {  	_ =	sdelay $0x1  }
0x3a7: {  	[tilespmem:v16+s10+$0x0] =	vst.idx.msk $0xffff, v53;
	v16 =	vpop (erf)  }
0x3a8: {  	s20 =	simm.s32 $0x20;
	p1 =	por $0x0, $0x0;
	[tilespmem:v17+s10+$0x0] =	vst.idx.msk $0xffff, v16  }
0x3a9: {  	_ =	sdelay $0x3  }
0x3aa: {  	v16 =	vld.idx.msk [tilespmem:v15+s23+$0x0], $0xffff  }
0x3ab: {  	v17 =	vld.idx.msk [tilespmem:v15+s24+$0x0], $0xffff;
	_ =	sdelay $0x4  }
0x3ac: {  	v16 =	vadd.f32 v17, v16;
	v17 =	vld.idx.msk [tilespmem:v14+s0+$0x0], $0xffff;
	_ =	sdelay $0x1  }
0x3ad: {  	v18 =	vmul.f32 $2.000000030e-01, v16;
	_ =	sdelay $0x1  }
0x3ae: {  	v16 =	vmax.f32 v16, v18  }
0x3af: {  	v16 =	vsub.f32 v16, v17;
	_ =	sdelay $0x1  }
0x3b0: {  	v16 =	vmul.f32 $1.442695020e+00, v16;
	_ =	sdelay $0x1  }
0x3b1: {  	(erf) = vpow2.f32 v16;
	_ =	sdelay $0x8  }
0x3b2: {  	v16 =	vpop (erf)  }
0x3b3: {  	[tilespmem:v15+s10+$0x0] =	vst.idx.msk $0xffff, v16  }
0x3b4: {  	v16 =	vld.idx.msk [tilespmem:v13+s23+$0x0], $0xffff  }
0x3b5: {  	v17 =	vld.idx.msk [tilespmem:v13+s24+$0x0], $0xffff;
	_ =	sdelay $0x4  }
0x3b6: {  	v16 =	vadd.f32 v17, v16;
	v17 =	vld.idx.msk [tilespmem:v12+s0+$0x0], $0xffff;
	_ =	sdelay $0x1  }
0x3b7: {  	v18 =	vmul.f32 $2.000000030e-01, v16;
	_ =	sdelay $0x1  }
0x3b8: {  	v16 =	vmax.f32 v16, v18  }
0x3b9: {  	v16 =	vsub.f32 v16, v17;
	_ =	sdelay $0x1  }
0x3ba: {  	v16 =	vmul.f32 $1.442695020e+00, v16;
	_ =	sdelay $0x1  }
0x3bb: {  	(erf) = vpow2.f32 v16;
	_ =	sdelay $0x8  }
0x3bc: {  	v16 =	vpop (erf)  }
0x3bd: {  	[tilespmem:v13+s10+$0x0] =	vst.idx.msk $0xffff, v16  }
0x3be: {  	v16 =	vld.idx.msk [tilespmem:v10+s23+$0x0], $0xffff  }
0x3bf: {  	v17 =	vld.idx.msk [tilespmem:v10+s24+$0x0], $0xffff;
	_ =	sdelay $0x4  }
0x3c0: {  	v16 =	vadd.f32 v17, v16;
	v17 =	vld.idx.msk [tilespmem:v11+s0+$0x0], $0xffff;
	_ =	sdelay $0x1  }
0x3c1: {  	v18 =	vmul.f32 $2.000000030e-01, v16;
	_ =	sdelay $0x1  }
0x3c2: {  	v16 =	vmax.f32 v16, v18  }
0x3c3: {  	v16 =	vsub.f32 v16, v17;
	_ =	sdelay $0x1  }
0x3c4: {  	v16 =	vmul.f32 $1.442695020e+00, v16;
	_ =	sdelay $0x1  }
0x3c5: {  	(erf) = vpow2.f32 v16;
	_ =	sdelay $0x8  }
0x3c6: {  	v16 =	vpop (erf)  }
0x3c7: {  	[tilespmem:v10+s10+$0x0] =	vst.idx.msk $0xffff, v16  }
0x3c8: {  	v16 =	vld.idx.msk [tilespmem:v8+s23+$0x0], $0xffff  }
0x3c9: {  	v17 =	vld.idx.msk [tilespmem:v8+s24+$0x0], $0xffff;
	_ =	sdelay $0x4  }
0x3ca: {  	v16 =	vadd.f32 v17, v16;
	v17 =	vld.idx.msk [tilespmem:v9+s0+$0x0], $0xffff;
	_ =	sdelay $0x1  }
0x3cb: {  	v18 =	vmul.f32 $2.000000030e-01, v16;
	_ =	sdelay $0x1  }
0x3cc: {  	v16 =	vmax.f32 v16, v18  }
0x3cd: {  	v16 =	vsub.f32 v16, v17;
	_ =	sdelay $0x1  }
0x3ce: {  	v16 =	vmul.f32 $1.442695020e+00, v16;
	_ =	sdelay $0x1  }
0x3cf: {  	(erf) = vpow2.f32 v16;
	_ =	sdelay $0x3  }
0x3d0: {  	s4 =	simm.s32 $0x30  }
0x3d1: {  	v16 =	vor.u32 s4, v7  }
0x3d2: {  	v17 =	vor.u32 v6, v16  }
0x3d3: {  	s25 =	simm.s32 $0x10  }
0x3d4: {  	s26 =	simm.s32 $0x0;
	v19 =	vor.u32 s25, v7  }
0x3d5: {  	v22 =	vor.u32 s26, v7;
	v21 =	vor.u32 v6, v19;
	v20 =	vpop (erf)  }
0x3d6: {  	v23 =	vor.u32 v6, v22;
	[tilespmem:v8+s10+$0x0] =	vst.idx.msk $0xffff, v20  }
0x3d7: {  	s26 =	simm.s32 $0x1A320;
	v17 =	vld.idx.msk [tilespmem:v17+s10+$0x0], $0xffff  }
0x3d8: {  	v24 =	vld [tilespmem:s26+$0x80]  }
0x3d9: {  	v25 =	vld [tilespmem:s26+$0x90]  }
0x3da: {  	v21 =	vld.idx.msk [tilespmem:v21+s10+$0x0], $0xffff  }
0x3db: {  	s22 =	simm.s32 $0x60;
	v23 =	vld.idx.msk [tilespmem:v23+s10+$0x0], $0xffff  }
0x3dc: {  	v34 =	vor.u32 s22, v7;
	v27 =	vld [tilespmem:s26+$0xFFFFFF00]  }
0x3dd: {  	v33 =	vor.u32 v6, v34;
	v28 =	vld [tilespmem:s26+$0xFFFFFF10]  }
0x3de: {  	s13 =	simm.s32 $0x20;
	s20 =	simm.s32 $0x50;
	v29 =	vld [tilespmem:s26+$0xA0]  }
0x3df: {  	v32 =	vor.u32 s20, v7;
	s20 =	simm.s32 $0x1A520;
	v18 =	vor.u32 s13, v7;
	v35 =	vld [tilespmem:s26+$0xE0]  }
0x3e0: {  	v20 =	vor.u32 v6, v18;
	v37 =	vld [tilespmem:s20+$0x80]  }
0x3e1: {  	v38 =	vld [tilespmem:s20+$0x90]  }
0x3e2: {  	v33 =	vld.idx.msk [tilespmem:v33+s10+$0x0], $0xffff  }
0x3e3: {  	v40 =	vld [tilespmem:s20+$0xFFFFFF00]  }
0x3e4: {  	v26 =	vor.u32 v5, v16;
	v41 =	vld [tilespmem:s20+$0xFFFFFF10];
	v24 =	vmul.f32 v24, v17  }
0x3e5: {  	v20 =	vld.idx.msk [tilespmem:v20+s10+$0x0], $0xffff;
	v17 =	vmul.f32 v25, v17  }
0x3e6: {  	v25 =	vld [tilespmem:s26+$0xFFFFFF80];
	[tilespmem:s26+$0x80] =	vst v24  }
0x3e7: {  	v24 =	vld [tilespmem:s26+$0xFFFFFF90];
	[tilespmem:s26+$0x90] =	vst v17;
	v17 =	vor.u32 v5, v22  }
0x3e8: {  	v27 =	vmul.f32 v27, v23;
	v23 =	vmul.f32 v28, v23;
	v28 =	vld [tilespmem:s26+$0xB0]  }
0x3e9: {  	v26 =	vld.idx.msk [tilespmem:v26+s10+$0x0], $0xffff  }
0x3ea: {  	v30 =	vor.u32 v5, v19;
	[tilespmem:s26+$0xFFFFFF00] =	vst v27;
	v27 =	vld [tilespmem:s26+$0x0]  }
0x3eb: {  	[tilespmem:s26+$0xFFFFFF10] =	vst v23;
	v23 =	vld [tilespmem:s26+$0x10];
	v25 =	vmul.f32 v25, v21  }
0x3ec: {  	v21 =	vmul.f32 v24, v21;
	v17 =	vld.idx.msk [tilespmem:v17+s10+$0x0], $0xffff  }
0x3ed: {  	[tilespmem:s26+$0xFFFFFF80] =	vst v25;
	v24 =	vor.u32 v4, v16;
	v25 =	vld [tilespmem:s26+$0xFFFFFF20]  }
0x3ee: {  	[tilespmem:s26+$0xFFFFFF90] =	vst v21;
	v21 =	vmul.f32 v29, v26;
	v26 =	vmul.f32 v28, v26;
	v28 =	vld [tilespmem:s26+$0xFFFFFF30]  }
0x3ef: {  	v29 =	vld.idx.msk [tilespmem:v30+s10+$0x0], $0xffff  }
0x3f0: {  	v30 =	vld [tilespmem:s26+$0xFFFFFFA0];
	[tilespmem:s26+$0xA0] =	vst v21  }
0x3f1: {  	v21 =	vor.u32 v5, v18;
	[tilespmem:s26+$0xB0] =	vst v26;
	v26 =	vmul.f32 v27, v20;
	v20 =	vmul.f32 v23, v20;
	v23 =	vld [tilespmem:s26+$0xC0]  }
0x3f2: {  	v24 =	vld.idx.msk [tilespmem:v24+s10+$0x0], $0xffff  }
0x3f3: {  	v27 =	vor.u32 v4, v22;
	[tilespmem:s26+$0x0] =	vst v26;
	v26 =	vld [tilespmem:s26+$0xD0]  }
0x3f4: {  	v25 =	vmul.f32 v25, v17;
	[tilespmem:s26+$0x10] =	vst v20;
	v20 =	vld [tilespmem:s26+$0xFFFFFFB0]  }
0x3f5: {  	v17 =	vmul.f32 v28, v17;
	v28 =	vld [tilespmem:s26+$0x20]  }
0x3f6: {  	[tilespmem:s26+$0xFFFFFF20] =	vst v25;
	v25 =	vmul.f32 v30, v29;
	v21 =	vld.idx.msk [tilespmem:v21+s10+$0x0], $0xffff  }
0x3f7: {  	v16 =	vor.u32 v3, v16;
	[tilespmem:s26+$0xFFFFFF30] =	vst v17;
	v17 =	vld [tilespmem:s26+$0x30]  }
0x3f8: {  	v30 =	vor.u32 v4, v19;
	v23 =	vmul.f32 v23, v24;
	[tilespmem:s26+$0xFFFFFFA0] =	vst v25;
	v25 =	vld.idx.msk [tilespmem:v27+s10+$0x0], $0xffff  }
0x3f9: {  	v27 =	vld [tilespmem:s26+$0xFFFFFF50];
	v24 =	vmul.f32 v26, v24  }
0x3fa: {  	v26 =	vld [tilespmem:s26+$0xFFFFFF40];
	[tilespmem:s26+$0xC0] =	vst v23;
	v23 =	vmul.f32 v20, v29  }
0x3fb: {  	v61 =	vld [tilespmem:s20+$0xFFFFFF80];
	[tilespmem:s26+$0xD0] =	vst v24;
	v24 =	vor.u32 v4, v18  }
0x3fc: {  	v20 =	vld.idx.msk [tilespmem:v16+s10+$0x0], $0xffff;
	[tilespmem:s26+$0xFFFFFFB0] =	vst v23;
	v16 =	vmul.f32 v28, v21  }
0x3fd: {  	v17 =	vmul.f32 v17, v21;
	v23 =	vld.idx.msk [tilespmem:v30+s10+$0x0], $0xffff  }
0x3fe: {  	[tilespmem:s26+$0x20] =	vst v16;
	v16 =	vld [tilespmem:s26+$0xFFFFFFD0]  }
0x3ff: {  	v26 =	vmul.f32 v26, v25;
	[tilespmem:s26+$0x30] =	vst v17;
	v17 =	vmul.f32 v27, v25;
	v25 =	vld [tilespmem:s26+$0x40]  }
0x400: {  	v24 =	vld.idx.msk [tilespmem:v24+s10+$0x0], $0xffff  }
0x401: {  	v62 =	vld [tilespmem:s20+$0xFFFFFF90]  }
0x402: {  	v28 =	vld [tilespmem:s26+$0xF0]  }
0x403: {  	v42 =	vld [tilespmem:s20+$0xA0];
	v16 =	vmul.f32 v16, v23  }
0x404: {  	s15 =	simm.s32 $0x70;
	v21 =	vld [tilespmem:s26+$0xFFFFFFC0]  }
0x405: {  	v63 =	vld [tilespmem:s20+$0xB0];
	[tilespmem:s26+$0xFFFFFFD0] =	vst v16;
	v16 =	vmul.f32 v25, v24;
	v25 =	vor.u32 s15, v7  }
0x406: {  	v45 =	vld [tilespmem:s20+$0x0];
	v29 =	vor.u32 v6, v25  }
0x407: {  	v46 =	vld [tilespmem:s20+$0x10];
	v19 =	vor.u32 v3, v19;
	v28 =	vmul.f32 v28, v20  }
0x408: {  	s25 =	simm.s32 $0x40;
	v51 =	vld [tilespmem:s20+$0xFFFFFF30];
	[tilespmem:s26+$0xFFFFFF50] =	vst v17  }
0x409: {  	v52 =	vld [tilespmem:s20+$0xFFFFFFA0];
	v17 =	vmul.f32 v21, v23;
	[tilespmem:s26+$0xF0] =	vst v28;
	v28 =	vor.u32 s25, v7  }
0x40a: {  	v54 =	vld [tilespmem:s20+$0xC0];
	v36 =	vor.u32 v6, v28  }
0x40b: {  	[tilespmem:s26+$0xFFFFFFC0] =	vst v17;
	v29 =	vld.idx.msk [tilespmem:v29+s10+$0x0], $0xffff  }
0x40c: {  	v31 =	vld.idx.msk [tilespmem:v19+s10+$0x0], $0xffff;
	v19 =	vor.u32 v6, v32  }
0x40d: {  	v55 =	vld [tilespmem:s20+$0xD0]  }
0x40e: {  	v56 =	vld [tilespmem:s20+$0x20]  }
0x40f: {  	v39 =	vor.u32 v5, v25;
	v36 =	vld.idx.msk [tilespmem:v36+s10+$0x0], $0xffff  }
0x410: {  	v59 =	vld [tilespmem:s20+$0xFFFFFF40];
	v37 =	vmul.f32 v37, v29  }
0x411: {  	v22 =	vor.u32 v3, v22;
	[tilespmem:s26+$0xFFFFFF40] =	vst v26;
	v19 =	vld.idx.msk [tilespmem:v19+s10+$0x0], $0xffff;
	v29 =	vmul.f32 v38, v29  }
0x412: {  	v26 =	vld [tilespmem:s26+$0x50];
	[tilespmem:s20+$0x80] =	vst v37  }
0x413: {  	v30 =	vld [tilespmem:s26+$0xFFFFFFF0];
	[tilespmem:s20+$0x90] =	vst v29  }
0x414: {  	v40 =	vmul.f32 v40, v36;
	v29 =	vor.u32 v5, v28;
	v39 =	vld.idx.msk [tilespmem:v39+s10+$0x0], $0xffff  }
0x415: {  	v27 =	vld [tilespmem:s26+$0xFFFFFFE0];
	[tilespmem:s26+$0x40] =	vst v16;
	v36 =	vmul.f32 v41, v36  }
0x416: {  	v21 =	vld.idx.msk [tilespmem:v22+s10+$0x0], $0xffff;
	[tilespmem:s20+$0xFFFFFF00] =	vst v40;
	v38 =	vmul.f32 v61, v19;
	v19 =	vmul.f32 v62, v19  }
0x417: {  	v43 =	vor.u32 v5, v32;
	v22 =	vld [tilespmem:s26+$0xFFFFFF60];
	v24 =	vmul.f32 v26, v24;
	[tilespmem:s20+$0xFFFFFF10] =	vst v36  }
0x418: {  	v47 =	vor.u32 v4, v25;
	[tilespmem:s20+$0xFFFFFF90] =	vst v19;
	v19 =	vld [tilespmem:s20+$0xFFFFFF20]  }
0x419: {  	[tilespmem:s26+$0x50] =	vst v24;
	v29 =	vld.idx.msk [tilespmem:v29+s10+$0x0], $0xffff;
	v48 =	vmul.f32 v42, v39  }
0x41a: {  	v50 =	vor.u32 v5, v34;
	v23 =	vld [tilespmem:s26+$0xFFFFFF70];
	[tilespmem:s20+$0xFFFFFF80] =	vst v38;
	v39 =	vmul.f32 v63, v39  }
0x41b: {  	v17 =	vld [tilespmem:s26+$0x60];
	v40 =	vmul.f32 v45, v33;
	[tilespmem:s20+$0xA0] =	vst v48  }
0x41c: {  	v33 =	vmul.f32 v46, v33;
	v49 =	vld.idx.msk [tilespmem:v43+s10+$0x0], $0xffff;
	[tilespmem:s20+$0xB0] =	vst v39  }
0x41d: {  	v26 =	vor.u32 v4, v28;
	v22 =	vmul.f32 v22, v21;
	[tilespmem:s20+$0x0] =	vst v40;
	v53 =	vld.idx.msk [tilespmem:v47+s10+$0x0], $0xffff  }
0x41e: {  	v16 =	vld [tilespmem:s26+$0x70];
	[tilespmem:s20+$0x10] =	vst v33;
	v19 =	vmul.f32 v19, v29  }
0x41f: {  	[tilespmem:s26+$0xFFFFFF60] =	vst v22;
	v40 =	vld.idx.msk [tilespmem:v50+s10+$0x0], $0xffff;
	v24 =	vmul.f32 v51, v29  }
0x420: {  	v27 =	vmul.f32 v27, v31;
	v29 =	vld [tilespmem:s20+$0xFFFFFFB0];
	[tilespmem:s20+$0xFFFFFF20] =	vst v19  }
0x421: {  	v58 =	vmul.f32 v52, v49;
	v19 =	vor.u32 v3, v25;
	[tilespmem:s20+$0xFFFFFF30] =	vst v24;
	v24 =	vld [tilespmem:s20+$0x30]  }
0x422: {  	[tilespmem:s26+$0xFFFFFFE0] =	vst v27;
	v22 =	vld.idx.msk [tilespmem:v26+s10+$0x0], $0xffff;
	v26 =	vmul.f32 v55, v53  }
0x423: {  	v57 =	vor.u32 v4, v32;
	v30 =	vmul.f32 v30, v31;
	v31 =	vld [tilespmem:s20+$0xFFFFFFC0];
	[tilespmem:s20+$0xFFFFFFA0] =	vst v58;
	v25 =	vmul.f32 v54, v53  }
0x424: {  	v62 =	vld [tilespmem:s20+$0xFFFFFFD0];
	v60 =	vmul.f32 v56, v40;
	[tilespmem:s20+$0xD0] =	vst v26;
	v26 =	vor.u32 v4, v34  }
0x425: {  	v29 =	vmul.f32 v29, v49;
	[tilespmem:s20+$0xC0] =	vst v25;
	v25 =	vld [tilespmem:s20+$0xFFFFFF50]  }
0x426: {  	[tilespmem:s20+$0x20] =	vst v60;
	v19 =	vld.idx.msk [tilespmem:v19+s10+$0x0], $0xffff;
	v24 =	vmul.f32 v24, v40  }
0x427: {  	v18 =	vor.u32 v3, v18;
	v20 =	vmul.f32 v35, v20;
	[tilespmem:s20+$0xFFFFFFB0] =	vst v29;
	v29 =	vld [tilespmem:s20+$0xF0]  }
0x428: {  	v21 =	vmul.f32 v23, v21;
	v27 =	vld.idx.msk [tilespmem:v57+s10+$0x0], $0xffff;
	[tilespmem:s20+$0x30] =	vst v24  }
0x429: {  	[tilespmem:s26+$0xE0] =	vst v20;
	v61 =	vor.u32 v3, v28;
	v28 =	vld.idx.msk [tilespmem:v26+s10+$0x0], $0xffff  }
0x42a: {  	[tilespmem:s26+$0xFFFFFF70] =	vst v21;
	v24 =	vmul.f32 v59, v22;
	v20 =	vmul.f32 v25, v22;
	v25 =	vld [tilespmem:s20+$0x40]  }
0x42b: {  	[tilespmem:s26+$0xFFFFFFF0] =	vst v30;
	v33 =	vld [tilespmem:s20+$0x50]  }
0x42c: {  	[tilespmem:s20+$0xFFFFFF40] =	vst v24;
	v24 =	vld.idx.msk [tilespmem:v18+s10+$0x0], $0xffff;
	v29 =	vmul.f32 v29, v19  }
0x42d: {  	v26 =	vld [tilespmem:s20+$0xFFFFFF60];
	[tilespmem:s20+$0xFFFFFF50] =	vst v20;
	v23 =	vmul.f32 v31, v27;
	v20 =	vor.u32 v3, v32  }
0x42e: {  	s22 =	simm.s32 $0x90;
	s15 =	simm.s32 $0x80;
	v21 =	vmul.f32 v62, v27;
	v31 =	vld [tilespmem:s20+$0xFFFFFFF0];
	[tilespmem:s20+$0xF0] =	vst v29  }
0x42f: {  	s25 =	simm.s32 $0xA0;
	v30 =	vor.u32 s22, v7;
	v27 =	vor.u32 s15, v7;
	s15 =	simm.s32 $0xB0;
	v22 =	vld.idx.msk [tilespmem:v61+s10+$0x0], $0xffff;
	[tilespmem:s20+$0xFFFFFFC0] =	vst v23;
	v63 =	vmul.f32 v25, v28  }
0x430: {  	v36 =	vor.u32 v6, v30;
	v29 =	vld [tilespmem:s20+$0xFFFFFFE0];
	[tilespmem:s20+$0xFFFFFFD0] =	vst v21;
	v21 =	vor.u32 s15, v7;
	v25 =	vor.u32 s25, v7  }
0x431: {  	s22 =	simm.s32 $0xC;
	v18 =	vor.u32 v3, v34;
	v23 =	vld [tilespmem:s20+$0xFFFFFF70];
	v37 =	vor.u32 v6, v21;
	s25 =	simm.s32 $0x1A520;
	v35 =	vor.u32 v6, v25;
	[tilespmem:s20+$0x40] =	vst v63  }
.LBB2_14:
0x432: {  	p1 =	slt.u32 s22, $0x4C;
	v38 =	vor.u32 v6, v27;
	v39 =	vor.u32 v5, v30;
	v40 =	vor.u32 v5, v25;
	v41 =	vld.idx.msk [tilespmem:v20+s10+$0x0], $0xffff  }
0x433: {  	v42 =	vor.u32 v5, v27;
	v34 =	vor.u32 v4, v30;
	v32 =	vor.u32 v4, v25;
	v43 =	vld [tilespmem:s20+$0x60]  }
0x434: {  	v44 =	vor.u32 v4, v27;
	v20 =	vor.u32 v3, v30;
	v28 =	vmul.f32 v33, v28;
	v30 =	vld [tilespmem:s20+$0x70]  }
0x435: {  	v27 =	vor.u32 v3, v27;
	v25 =	vor.u32 v3, v25;
	v45 =	vmul.f32 v17, v24;
	v33 =	vld [tilespmem:s20+$0xE0]  }
0x436: {  	v46 =	vmul.f32 v16, v24;
	v26 =	vmul.f32 v26, v22;
	s20 =	sadd.s32 $0x200, s20;
	v37 =	vld.idx.msk [tilespmem:v37+s10+$0x0], $0xffff;
	[tilespmem:s25+$0x50] =	vst v28  }
0x437: {  	v22 =	vmul.f32 v23, v22;
	v24 =	vld [tilespmem:s20+$0x80];
	[tilespmem:s26+$0x60] =	vst v45  }
0x438: {  	v28 =	vmul.f32 v29, v41;
	v29 =	vmul.f32 v31, v41;
	v23 =	vld [tilespmem:s20+$0x90];
	[tilespmem:s26+$0x70] =	vst v46;
	v17 =	vmov v43;
	s26 =	smov.u32 s25;
	s25 =	smov.u32 s20  }
0x439: {  	v31 =	vld.idx.msk [tilespmem:v36+s10+$0x0], $0xffff;
	[tilespmem:s26+$0xFFFFFF60] =	vst v26;
	v16 =	vmov v30  }
0x43a: {  	v26 =	vld.idx.msk [tilespmem:v35+s10+$0x0], $0xffff;
	[tilespmem:s26+$0xFFFFFFE0] =	vst v28;
	v19 =	vmul.f32 v33, v19  }
0x43b: {  	v30 =	vor.u32 v5, v21;
	v28 =	vld.idx.msk [tilespmem:v38+s10+$0x0], $0xffff;
	[tilespmem:s26+$0xFFFFFFF0] =	vst v29  }
0x43c: {  	v29 =	vld [tilespmem:s20+$0xFFFFFF00];
	v24 =	vmul.f32 v24, v37;
	[tilespmem:s26+$0xE0] =	vst v19  }
0x43d: {  	v19 =	vld [tilespmem:s20+$0xFFFFFF10];
	v23 =	vmul.f32 v23, v37;
	[tilespmem:s26+$0xFFFFFF70] =	vst v22  }
0x43e: {  	v22 =	vld [tilespmem:s20+$0xFFFFFF80];
	[tilespmem:s20+$0x80] =	vst v24  }
0x43f: {  	v24 =	vld [tilespmem:s20+$0xFFFFFF90];
	[tilespmem:s20+$0x90] =	vst v23  }
0x440: {  	v23 =	vld.idx.msk [tilespmem:v30+s10+$0x0], $0xffff  }
0x441: {  	v29 =	vmul.f32 v29, v28;
	v30 =	vld [tilespmem:s20+$0xA0]  }
0x442: {  	v19 =	vmul.f32 v19, v28;
	v28 =	vld [tilespmem:s20+$0xB0]  }
0x443: {  	[tilespmem:s20+$0xFFFFFF00] =	vst v29;
	v22 =	vmul.f32 v22, v31;
	v29 =	vld [tilespmem:s20+$0x0]  }
0x444: {  	[tilespmem:s20+$0xFFFFFF10] =	vst v19;
	v19 =	vmul.f32 v24, v31;
	v24 =	vld [tilespmem:s20+$0x10]  }
0x445: {  	v31 =	vld.idx.msk [tilespmem:v42+s10+$0x0], $0xffff;
	[tilespmem:s20+$0xFFFFFF80] =	vst v22;
	v22 =	vor.u32 v4, v21  }
0x446: {  	v33 =	vld [tilespmem:s20+$0xFFFFFF20];
	[tilespmem:s20+$0xFFFFFF90] =	vst v19;
	v19 =	vmul.f32 v30, v23  }
0x447: {  	v30 =	vld.idx.msk [tilespmem:v39+s10+$0x0], $0xffff;
	v23 =	vmul.f32 v28, v23  }
0x448: {  	v28 =	vld [tilespmem:s20+$0xFFFFFF30];
	v29 =	vmul.f32 v29, v26;
	[tilespmem:s20+$0xA0] =	vst v19  }
0x449: {  	v19 =	vld [tilespmem:s20+$0xFFFFFFA0];
	v24 =	vmul.f32 v24, v26;
	[tilespmem:s20+$0xB0] =	vst v23  }
0x44a: {  	[tilespmem:s20+$0x0] =	vst v29;
	v22 =	vld.idx.msk [tilespmem:v22+s10+$0x0], $0xffff  }
0x44b: {  	v23 =	vmul.f32 v33, v31;
	[tilespmem:s20+$0x10] =	vst v24;
	v24 =	vld [tilespmem:s20+$0xC0]  }
0x44c: {  	v26 =	vld [tilespmem:s20+$0xD0]  }
0x44d: {  	[tilespmem:s20+$0xFFFFFF20] =	vst v23;
	v23 =	vmul.f32 v28, v31;
	v28 =	vld.idx.msk [tilespmem:v40+s10+$0x0], $0xffff  }
0x44e: {  	v19 =	vmul.f32 v19, v30;
	v29 =	vld [tilespmem:s20+$0xFFFFFFB0]  }
0x44f: {  	v21 =	vor.u32 v3, v21;
	[tilespmem:s20+$0xFFFFFF30] =	vst v23;
	v23 =	vld [tilespmem:s20+$0x20]  }
0x450: {  	[tilespmem:s20+$0xFFFFFFA0] =	vst v19;
	v31 =	vld [tilespmem:s20+$0x30];
	v19 =	vmul.f32 v24, v22  }
0x451: {  	v24 =	vld.idx.msk [tilespmem:v44+s10+$0x0], $0xffff;
	v22 =	vmul.f32 v26, v22  }
0x452: {  	v26 =	vld [tilespmem:s20+$0xFFFFFF40];
	[tilespmem:s20+$0xC0] =	vst v19  }
0x453: {  	v33 =	vld [tilespmem:s20+$0xFFFFFF50];
	v29 =	vmul.f32 v29, v30;
	[tilespmem:s20+$0xD0] =	vst v22  }
0x454: {  	v22 =	vmul.f32 v23, v28;
	v19 =	vld.idx.msk [tilespmem:v21+s10+$0x0], $0xffff  }
0x455: {  	[tilespmem:s20+$0xFFFFFFB0] =	vst v29;
	v21 =	vmul.f32 v31, v28;
	v23 =	vld [tilespmem:s20+$0xF0]  }
0x456: {  	v29 =	vld.idx.msk [tilespmem:v34+s10+$0x0], $0xffff;
	[tilespmem:s20+$0x20] =	vst v22  }
0x457: {  	v22 =	vmul.f32 v26, v24;
	v26 =	vld [tilespmem:s20+$0xFFFFFFC0];
	[tilespmem:s20+$0x30] =	vst v21  }
0x458: {  	v21 =	vmul.f32 v33, v24;
	v28 =	vld.idx.msk [tilespmem:v32+s10+$0x0], $0xffff  }
0x459: {  	[tilespmem:s20+$0xFFFFFF40] =	vst v22;
	v30 =	vld [tilespmem:s20+$0xFFFFFFD0]  }
0x45a: {  	[tilespmem:s20+$0xFFFFFF50] =	vst v21;
	v21 =	vld [tilespmem:s20+$0x40];
	v22 =	vmul.f32 v23, v19  }
0x45b: {  	v33 =	vld [tilespmem:s20+$0x50]  }
0x45c: {  	v23 =	vmul.f32 v26, v29;
	[tilespmem:s20+$0xF0] =	vst v22;
	v24 =	vld.idx.msk [tilespmem:v18+s10+$0x0], $0xffff;
	v18 =	vmov v25  }
.Ltmp5:
0x45d: {  	v22 =	vld.idx.msk [tilespmem:v27+s10+$0x0], $0xffff;
	(pc) =	sbr.rel @p1 .LBB2_14-.Ltmp5, $4  }
0x45e: {  	s4 =	sshll.u32 s22, $0x4;
	v26 =	vld [tilespmem:s20+$0xFFFFFF60];
	[tilespmem:s20+$0xFFFFFFC0] =	vst v23;
	v29 =	vmul.f32 v30, v29  }
0x45f: {  	s13 =	sadd.s32 $0x10, s4;
	s15 =	sadd.s32 $0x20, s4;
	v27 =	vor.u32 s4, v7;
	s4 =	sadd.s32 $0x30, s4;
	v23 =	vld [tilespmem:s20+$0xFFFFFF70];
	v32 =	vmul.f32 v21, v28  }
0x460: {  	v25 =	vor.u32 s15, v7;
	v30 =	vor.u32 s13, v7;
	v21 =	vor.u32 s4, v7;
	[tilespmem:s20+$0xFFFFFFD0] =	vst v29;
	v29 =	vld [tilespmem:s20+$0xFFFFFFE0]  }
0x461: {  	s22 =	sadd.s32 $0x4, s22;
	v35 =	vor.u32 v6, v25;
	v36 =	vor.u32 v6, v30;
	v37 =	vor.u32 v6, v21;
	v31 =	vld [tilespmem:s20+$0xFFFFFFF0];
	[tilespmem:s20+$0x40] =	vst v32  }
0x462: {  	_ =	sdelay $0x3  }
0x463: {  	v32 =	vld.idx.msk [tilespmem:v20+s10+$0x0], $0xffff  }
0x464: {  	v34 =	vld [tilespmem:s20+$0x60]  }
0x465: {  	v20 =	vld [tilespmem:s20+$0x70]  }
0x466: {  	v38 =	vld [tilespmem:s20+$0xE0]  }
0x467: {  	v37 =	vld.idx.msk [tilespmem:v37+s10+$0x0], $0xffff  }
0x468: {  	v36 =	vld.idx.msk [tilespmem:v36+s10+$0x0], $0xffff  }
0x469: {  	s22 =	sadd.s32 $0x200, s20;
	v35 =	vld.idx.msk [tilespmem:v35+s10+$0x0], $0xffff  }
0x46a: {  	v40 =	vld [tilespmem:s22+$0x80]  }
0x46b: {  	v41 =	vld [tilespmem:s22+$0x90]  }
0x46c: {  	v43 =	vld [tilespmem:s22+$0xFFFFFF00]  }
0x46d: {  	v44 =	vld [tilespmem:s22+$0xFFFFFF10]  }
0x46e: {  	v51 =	vld [tilespmem:s22+$0xFFFFFF80]  }
0x46f: {  	v52 =	vld [tilespmem:s22+$0xFFFFFF90]  }
0x470: {  	v39 =	vor.u32 v6, v27;
	v45 =	vld [tilespmem:s22+$0xA0]  }
0x471: {  	v54 =	vld [tilespmem:s22+$0xB0]  }
0x472: {  	v55 =	vld [tilespmem:s22+$0x0]  }
0x473: {  	v28 =	vmul.f32 v33, v28;
	v56 =	vld [tilespmem:s22+$0x10]  }
0x474: {  	v17 =	vmul.f32 v17, v24;
	v58 =	vld [tilespmem:s22+$0xFFFFFF20]  }
0x475: {  	v16 =	vmul.f32 v16, v24;
	[tilespmem:s25+$0x50] =	vst v28;
	v39 =	vld.idx.msk [tilespmem:v39+s10+$0x0], $0xffff  }
0x476: {  	v42 =	vor.u32 v5, v21;
	v61 =	vld [tilespmem:s22+$0xFFFFFF30];
	v26 =	vmul.f32 v26, v22;
	[tilespmem:s26+$0x60] =	vst v17  }
0x477: {  	v62 =	vld [tilespmem:s22+$0xFFFFFFA0];
	[tilespmem:s26+$0x70] =	vst v16;
	v40 =	vmul.f32 v40, v37  }
0x478: {  	v48 =	vld [tilespmem:s22+$0xD0];
	[tilespmem:s25+$0xFFFFFF60] =	vst v26;
	v37 =	vmul.f32 v41, v37  }
0x479: {  	v53 =	vor.u32 v5, v27;
	v50 =	vld [tilespmem:s22+$0xFFFFFFB0];
	v41 =	vmul.f32 v51, v36;
	[tilespmem:s22+$0x80] =	vst v40  }
0x47a: {  	v51 =	vld [tilespmem:s22+$0x20];
	[tilespmem:s22+$0x90] =	vst v37;
	v43 =	vmul.f32 v43, v39  }
0x47b: {  	v46 =	vor.u32 v5, v30;
	[tilespmem:s22+$0xFFFFFF80] =	vst v41;
	v42 =	vld.idx.msk [tilespmem:v42+s10+$0x0], $0xffff;
	v39 =	vmul.f32 v44, v39  }
0x47c: {  	v31 =	vmul.f32 v31, v32;
	v41 =	vld [tilespmem:s22+$0xFFFFFFD0];
	[tilespmem:s22+$0xFFFFFF00] =	vst v43  }
0x47d: {  	v60 =	vor.u32 v5, v25;
	v36 =	vmul.f32 v52, v36;
	v44 =	vld [tilespmem:s22+$0x50];
	[tilespmem:s22+$0xFFFFFF10] =	vst v39  }
0x47e: {  	[tilespmem:s25+$0xFFFFFFF0] =	vst v31;
	v43 =	vmul.f32 v55, v35;
	v37 =	vld.idx.msk [tilespmem:v53+s10+$0x0], $0xffff  }
0x47f: {  	v57 =	vor.u32 v4, v21;
	[tilespmem:s22+$0xFFFFFF90] =	vst v36;
	v35 =	vmul.f32 v56, v35;
	v53 =	vld [tilespmem:s22+$0x30]  }
0x480: {  	v59 =	vmul.f32 v45, v42;
	v45 =	vld.idx.msk [tilespmem:v46+s10+$0x0], $0xffff;
	[tilespmem:s22+$0x0] =	vst v43  }
0x481: {  	v42 =	vmul.f32 v54, v42;
	v46 =	vld [tilespmem:s22+$0xC0];
	[tilespmem:s22+$0x10] =	vst v35  }
0x482: {  	v19 =	vmul.f32 v38, v19;
	v43 =	vld.idx.msk [tilespmem:v60+s10+$0x0], $0xffff;
	[tilespmem:s22+$0xA0] =	vst v59  }
0x483: {  	v47 =	vor.u32 v4, v27;
	[tilespmem:s22+$0xB0] =	vst v42;
	v59 =	vld [tilespmem:s22+$0xFFFFFF50];
	v36 =	vmul.f32 v58, v37  }
0x484: {  	[tilespmem:s25+$0xE0] =	vst v19;
	v54 =	vor.u32 v4, v30;
	v63 =	vld.idx.msk [tilespmem:v57+s10+$0x0], $0xffff;
	v49 =	vmul.f32 v61, v37  }
0x485: {  	v57 =	vld [tilespmem:s22+$0xFFFFFF40];
	v56 =	vmul.f32 v62, v45;
	[tilespmem:s22+$0xFFFFFF20] =	vst v36  }
0x486: {  	v61 =	vld [tilespmem:s22+$0xF0];
	v37 =	vmul.f32 v50, v45;
	[tilespmem:s22+$0xFFFFFF30] =	vst v49  }
0x487: {  	v58 =	vor.u32 v4, v25;
	v60 =	vmul.f32 v51, v43;
	v28 =	vmul.f32 v53, v43;
	v43 =	vld [tilespmem:s22+$0x40];
	[tilespmem:s22+$0xFFFFFFA0] =	vst v56  }
0x488: {  	v17 =	vld.idx.msk [tilespmem:v47+s10+$0x0], $0xffff;
	[tilespmem:s22+$0xFFFFFFB0] =	vst v37  }
0x489: {  	v52 =	vor.u32 v3, v21;
	v37 =	vmul.f32 v29, v32;
	v62 =	vld.idx.msk [tilespmem:v54+s10+$0x0], $0xffff;
	[tilespmem:s22+$0x20] =	vst v60  }
0x48a: {  	v40 =	vmul.f32 v46, v63;
	v55 =	vmul.f32 v48, v63;
	v63 =	vld [tilespmem:s22+$0xFFFFFFC0];
	[tilespmem:s22+$0x30] =	vst v28  }
0x48b: {  	v49 =	vld [tilespmem:s22+$0xFFFFFF70];
	[tilespmem:s25+$0xFFFFFFE0] =	vst v37  }
0x48c: {  	v36 =	vor.u32 v3, v27;
	v48 =	vmul.f32 v23, v22;
	v16 =	vld.idx.msk [tilespmem:v58+s10+$0x0], $0xffff;
	[tilespmem:s22+$0xC0] =	vst v40  }
0x48d: {  	v47 =	vld [tilespmem:s22+$0xFFFFFF60];
	[tilespmem:s22+$0xD0] =	vst v55;
	v40 =	vmul.f32 v57, v17;
	v17 =	vmul.f32 v59, v17  }
0x48e: {  	v45 =	vor.u32 v3, v30;
	[tilespmem:s25+$0xFFFFFF70] =	vst v48;
	v21 =	vld.idx.msk [tilespmem:v52+s10+$0x0], $0xffff  }
0x48f: {  	v46 =	vmul.f32 v63, v62;
	[tilespmem:s22+$0xFFFFFF50] =	vst v17;
	v17 =	vld.idx.msk [tilespmem:v18+s10+$0x0], $0xffff  }
0x490: {  	v56 =	vld [tilespmem:s22+$0xE0];
	v24 =	vmul.f32 v41, v62;
	[tilespmem:s22+$0xFFFFFF40] =	vst v40  }
0x491: {  	v50 =	vor.u32 v3, v25;
	v53 =	vmul.f32 v43, v16;
	v27 =	vld.idx.msk [tilespmem:v36+s10+$0x0], $0xffff;
	[tilespmem:s22+$0xFFFFFFC0] =	vst v46  }
0x492: {  	v52 =	vld [tilespmem:s22+$0xFFFFFFE0];
	v16 =	vmul.f32 v44, v16;
	[tilespmem:s22+$0xFFFFFFD0] =	vst v24  }
0x493: {  	v51 =	vmul.f32 v61, v21;
	v54 =	vld.idx.msk [tilespmem:v45+s10+$0x0], $0xffff;
	[tilespmem:s22+$0x40] =	vst v53  }
0x494: {  	v55 =	vld [tilespmem:s22+$0xFFFFFFF0];
	[tilespmem:s22+$0x50] =	vst v16;
	v57 =	vmul.f32 v34, v17  }
0x495: {  	v58 =	vld [tilespmem:s22+$0x60];
	[tilespmem:s22+$0xF0] =	vst v51;
	v16 =	vmul.f32 v20, v17  }
0x496: {  	v59 =	vld.idx.msk [tilespmem:v50+s10+$0x0], $0xffff;
	v17 =	vmul.f32 v47, v27;
	[tilespmem:s25+$0x60] =	vst v57  }
0x497: {  	v60 =	vld [tilespmem:s22+$0x70];
	v18 =	vmul.f32 v49, v27;
	[tilespmem:s25+$0x70] =	vst v16  }
0x498: {  	v61 =	vmul.f32 v52, v54;
	[tilespmem:s22+$0xFFFFFF60] =	vst v17  }
0x499: {  	v16 =	vmul.f32 v55, v54;
	[tilespmem:s22+$0xFFFFFF70] =	vst v18  }
0x49a: {  	v17 =	vmul.f32 v56, v21;
	[tilespmem:s22+$0xFFFFFFE0] =	vst v61  }
0x49b: {  	[tilespmem:s22+$0xFFFFFFF0] =	vst v16;
	v16 =	vmul.f32 v58, v59  }
0x49c: {  	[tilespmem:s22+$0xE0] =	vst v17;
	v17 =	vmul.f32 v60, v59  }
0x49d: {  	[tilespmem:s22+$0x60] =	vst v16  }
0x49e: {  	[tilespmem:s22+$0x70] =	vst v17  }
0x49f: {  	v16 =	vld [tilespmem:$0x197D0]  }
0x4a0: {  	v17 =	vld [tilespmem:$0x197E0]  }
0x4a1: {  	v18 =	vld [tilespmem:$0x197F0]  }
0x4a2: {  	v62 =	vld [tilespmem:$0x19800]  }
0x4a3: {  	v63 =	vld [tilespmem:$0x19810]  }
0x4a4: {  	[tilespmem:$0x1CF20] =	vst v16  }
0x4a5: {  	[tilespmem:$0x1CF30] =	vst v17  }
0x4a6: {  	p1 =	seq.s32 s2, $0x3D;
	[tilespmem:$0x1CF40] =	vst v18  }
.Ltmp6:
0x4a7: {  	[tilespmem:$0x1CF50] =	vst v62;
	(pc) =	sbr.rel @p1 .LBB2_17-.Ltmp6, $4  }
0x4a8: {  	s4 =	rddreg [dreg:$0x2];
	s13 =	simm.s32 $0x1CF20;
	[tilespmem:$0x1CF60] =	vst v63  }
0x4a9: {  	[spmem:s4] =	stream.indirect.scatter.add.f32 [tilespmem:s10], [sflag:$0x6], $0x10, s13, s17, $0xb8;
	[tilespmem:$0x1DD80] =	vst v63  }
0x4aa: {  	s26 =	rddreg [dreg:$0x3];
	s25 =	simm.s32 $0x1A220  }
0x4ab: {  	[spmem:s26] =	stream.indirect.scatter.add.f32 [tilespmem:s25], [sflag:$0x6], $0x80, s13, s17, $0xb8;
	[tilespmem:$0x1DD80] =	vst v63  }
0x4ac: {  	s4 =	sld [smem:$0x7F3];
	_ =	sdelay $0x2  }
0x4ad: {  	s3 =	sadd.s32 s3, s4  }
0x4ae: {  	s3 =	smul.u32 $0x50, s3;
	_ =	sdelay $0x1  }
0x4af: {  	s3 =	sadd.s32 s1, s3  }
.Ltmp7:
0x4b0: {  	s3 =	sshrl.u32 s3, $0x3;
	(pc) =	sbr.rel .LBB2_7-.Ltmp7, $4  }
0x4b1: {  	s13 =	simm.s32 $0x0;
	s26 =	sadd.s32 s5, s3  }
0x4b2: {  	[tilespmem:s12], [sflag:$0x4] =	stream.linear.gather [hbm4b:s26+s13], $0x50, $0x38;
	[tilespmem:$0x1DD80] =	vst v63  }
0x4b3: {  	s22 =	simm.s32 $0x197D0;
	s2 =	sadd.s32 $0x1, s2;
	s3 =	sadd.s32 s6, s3  }
0x4b4: {  	[tilespmem:s22], [sflag:$0x4] =	stream.linear.gather [hbm4b:s3+s13], $0x50, $0x38;
	[tilespmem:$0x1DD80] =	vst v63  }
.LBB2_17:
0x4b5: {  	_ =	swait.ge [sflag:s28], $0x500  }
0x4b6: {  	[sflag:s28] =	ssyncset.done $0x0  }
0x4b7: {  	[sflag:s28] =	ssyncadd.s32 $0xFFFFFB00  }
0x4b8: {  	_ =	swait.ge [sflag:s28], $0x500  }
0x4b9: {  	[sflag:s28] =	ssyncset.done $0x0  }
0x4ba: {  	[sflag:s28] =	ssyncadd.s32 $0xFFFFFB00  }
0x4bb: {  	_ =	swait.ge [sflag:s28], $0x2800  }
0x4bc: {  	s1 =	simm.s32 $0x0;
	[sflag:s28] =	ssyncset.done $0x0  }
0x4bd: {  	p1 =	por $0x1, $0x1;
	s22 =	simm.s32 $0x197D0;
	[sflag:s28] =	ssyncadd.s32 $0xFFFFD800  }
.LBB2_18:
0x4be: {  	v16 =	vmov s1  }
0x4bf: {  	v16 =	vshll.u32 v16, $0x4  }
0x4c0: {  	v16 =	vor.u32 v0, v16  }
0x4c1: {  	v16 =	vor.u32 v7, v16  }
0x4c2: {  	v17 =	vor.u32 v6, v16;
	_ =	sdelay $0x4  }
0x4c3: {  	v18 =	vld.idx.msk [tilespmem:v17+s18+$0x0], $0xffff  }
0x4c4: {  	v19 =	vld.idx.msk [tilespmem:v17+s19+$0x0], $0xffff;
	_ =	sdelay $0x4  }
0x4c5: {  	v40 =	vld.idx.msk [tilespmem:v14+s0+$0x0], $0xffff;
	v18 =	vadd.f32 v19, v18;
	_ =	sdelay $0x1  }
0x4c6: {  	v20 =	vmul.f32 $2.000000030e-01, v18;
	_ =	sdelay $0x1  }
0x4c7: {  	v18 =	vmax.f32 v18, v20  }
0x4c8: {  	v18 =	vsub.f32 v18, v40;
	_ =	sdelay $0x1  }
0x4c9: {  	v18 =	vmul.f32 $1.442695020e+00, v18;
	_ =	sdelay $0x1  }
0x4ca: {  	(erf) = vpow2.f32 v18;
	_ =	sdelay $0x5  }
0x4cb: {  	v41 =	vor.u32 v5, v16;
	_ =	sdelay $0x2  }
0x4cc: {  	v42 =	vpop (erf)  }
0x4cd: {  	[tilespmem:v17+s31+$0x0] =	vst.idx.msk $0xffff, v42  }
0x4ce: {  	v17 =	vld.idx.msk [tilespmem:v41+s18+$0x0], $0xffff  }
0x4cf: {  	v20 =	vld.idx.msk [tilespmem:v41+s19+$0x0], $0xffff;
	_ =	sdelay $0x4  }
0x4d0: {  	v43 =	vld.idx.msk [tilespmem:v12+s0+$0x0], $0xffff;
	v17 =	vadd.f32 v20, v17;
	_ =	sdelay $0x1  }
0x4d1: {  	v21 =	vmul.f32 $2.000000030e-01, v17;
	_ =	sdelay $0x1  }
0x4d2: {  	v17 =	vmax.f32 v17, v21  }
0x4d3: {  	v17 =	vsub.f32 v17, v43;
	_ =	sdelay $0x1  }
0x4d4: {  	v17 =	vmul.f32 $1.442695020e+00, v17;
	_ =	sdelay $0x1  }
0x4d5: {  	(erf) = vpow2.f32 v17;
	_ =	sdelay $0x5  }
0x4d6: {  	v17 =	vor.u32 v4, v16;
	_ =	sdelay $0x2  }
0x4d7: {  	v44 =	vpop (erf)  }
0x4d8: {  	[tilespmem:v41+s31+$0x0] =	vst.idx.msk $0xffff, v44  }
0x4d9: {  	v18 =	vld.idx.msk [tilespmem:v17+s18+$0x0], $0xffff  }
0x4da: {  	v20 =	vld.idx.msk [tilespmem:v17+s19+$0x0], $0xffff;
	_ =	sdelay $0x4  }
0x4db: {  	v45 =	vld.idx.msk [tilespmem:v11+s0+$0x0], $0xffff;
	v18 =	vadd.f32 v20, v18;
	_ =	sdelay $0x1  }
0x4dc: {  	v46 =	vmul.f32 $2.000000030e-01, v18;
	_ =	sdelay $0x1  }
0x4dd: {  	v18 =	vmax.f32 v18, v46  }
0x4de: {  	v18 =	vsub.f32 v18, v45;
	_ =	sdelay $0x1  }
0x4df: {  	v18 =	vmul.f32 $1.442695020e+00, v18;
	_ =	sdelay $0x1  }
0x4e0: {  	s26 =	sor.u32 $0x10, s1;
	(erf) = vpow2.f32 v18  }
0x4e1: {  	v47 =	vmov s26  }
0x4e2: {  	v18 =	vshll.u32 v47, $0x4  }
0x4e3: {  	v18 =	vor.u32 v0, v18  }
0x4e4: {  	v18 =	vor.u32 v7, v18  }
0x4e5: {  	v48 =	vor.u32 v6, v18  }
0x4e6: {  	v16 =	vor.u32 v3, v16;
	_ =	sdelay $0x2  }
0x4e7: {  	v49 =	vpop (erf)  }
0x4e8: {  	v22 =	vld.idx.msk [tilespmem:v48+s18+$0x0], $0xffff;
	[tilespmem:v17+s31+$0x0] =	vst.idx.msk $0xffff, v49  }
0x4e9: {  	v17 =	vld.idx.msk [tilespmem:v16+s18+$0x0], $0xffff  }
0x4ea: {  	v21 =	vld.idx.msk [tilespmem:v16+s19+$0x0], $0xffff  }
0x4eb: {  	v23 =	vld.idx.msk [tilespmem:v48+s19+$0x0], $0xffff;
	_ =	sdelay $0x3  }
0x4ec: {  	v50 =	vld.idx.msk [tilespmem:v9+s0+$0x0], $0xffff;
	v17 =	vadd.f32 v21, v17  }
0x4ed: {  	v22 =	vadd.f32 v23, v22  }
0x4ee: {  	v51 =	vmul.f32 $2.000000030e-01, v17  }
0x4ef: {  	v24 =	vmul.f32 $2.000000030e-01, v22  }
0x4f0: {  	v17 =	vmax.f32 v17, v51  }
0x4f1: {  	v52 =	vmax.f32 v22, v24;
	v17 =	vsub.f32 v17, v50  }
0x4f2: {  	v19 =	vsub.f32 v52, v40  }
0x4f3: {  	v17 =	vmul.f32 $1.442695020e+00, v17  }
0x4f4: {  	v19 =	vmul.f32 $1.442695020e+00, v19  }
0x4f5: {  	(erf) = vpow2.f32 v17  }
0x4f6: {  	(erf) = vpow2.f32 v19;
	_ =	sdelay $0x5  }
0x4f7: {  	v17 =	vor.u32 v5, v18;
	_ =	sdelay $0x1  }
0x4f8: {  	v53 =	vpop (erf)  }
0x4f9: {  	v54 =	vpop (erf)  }
0x4fa: {  	[tilespmem:v48+s31+$0x0] =	vst.idx.msk $0xffff, v54  }
0x4fb: {  	v20 =	vld.idx.msk [tilespmem:v17+s18+$0x0], $0xffff  }
0x4fc: {  	v21 =	vld.idx.msk [tilespmem:v17+s19+$0x0], $0xffff;
	_ =	sdelay $0x4  }
0x4fd: {  	v55 =	vld.idx.msk [tilespmem:v12+s0+$0x0], $0xffff;
	v20 =	vadd.f32 v21, v20;
	_ =	sdelay $0x1  }
0x4fe: {  	v56 =	vmul.f32 $2.000000030e-01, v20;
	_ =	sdelay $0x1  }
0x4ff: {  	v20 =	vmax.f32 v20, v56  }
0x500: {  	v20 =	vsub.f32 v20, v55;
	_ =	sdelay $0x1  }
0x501: {  	v20 =	vmul.f32 $1.442695020e+00, v20;
	_ =	sdelay $0x1  }
0x502: {  	(erf) = vpow2.f32 v20;
	_ =	sdelay $0x5  }
0x503: {  	v57 =	vor.u32 v4, v18;
	_ =	sdelay $0x2  }
0x504: {  	v58 =	vpop (erf)  }
0x505: {  	[tilespmem:v17+s31+$0x0] =	vst.idx.msk $0xffff, v58  }
0x506: {  	v17 =	vld.idx.msk [tilespmem:v57+s18+$0x0], $0xffff  }
0x507: {  	v21 =	vld.idx.msk [tilespmem:v57+s19+$0x0], $0xffff;
	_ =	sdelay $0x4  }
0x508: {  	v59 =	vld.idx.msk [tilespmem:v11+s0+$0x0], $0xffff;
	v17 =	vadd.f32 v21, v17;
	_ =	sdelay $0x1  }
0x509: {  	v60 =	vmul.f32 $2.000000030e-01, v17;
	_ =	sdelay $0x1  }
0x50a: {  	v17 =	vmax.f32 v17, v60  }
0x50b: {  	v17 =	vsub.f32 v17, v59;
	_ =	sdelay $0x1  }
0x50c: {  	v17 =	vmul.f32 $1.442695020e+00, v17;
	_ =	sdelay $0x1  }
0x50d: {  	(erf) = vpow2.f32 v17;
	_ =	sdelay $0x5  }
0x50e: {  	v17 =	vor.u32 v3, v18;
	_ =	sdelay $0x2  }
0x50f: {  	v61 =	vpop (erf)  }
0x510: {  	[tilespmem:v57+s31+$0x0] =	vst.idx.msk $0xffff, v61  }
0x511: {  	v18 =	vld.idx.msk [tilespmem:v17+s18+$0x0], $0xffff  }
0x512: {  	v20 =	vld.idx.msk [tilespmem:v17+s19+$0x0], $0xffff;
	_ =	sdelay $0x4  }
0x513: {  	v62 =	vld.idx.msk [tilespmem:v9+s0+$0x0], $0xffff;
	v18 =	vadd.f32 v20, v18;
	_ =	sdelay $0x1  }
0x514: {  	v63 =	vmul.f32 $2.000000030e-01, v18;
	_ =	sdelay $0x1  }
0x515: {  	v18 =	vmax.f32 v18, v63  }
0x516: {  	v18 =	vsub.f32 v18, v62;
	_ =	sdelay $0x1  }
0x517: {  	v18 =	vmul.f32 $1.442695020e+00, v18;
	_ =	sdelay $0x1  }
0x518: {  	(erf) = vpow2.f32 v18;
	_ =	sdelay $0x4  }
0x519: {  	p2 =	por p1, p1  }
.Ltmp8:
0x51a: {  	_ = 	snop;
	(pc) =	sbr.rel @p2 .LBB2_18-.Ltmp8, $3  }
0x51b: {  	_ =	sdelay $0x1  }
0x51c: {  	[tilespmem:v16+s31+$0x0] =	vst.idx.msk $0xffff, v53;
	v16 =	vpop (erf)  }
0x51d: {  	s1 =	simm.s32 $0x20;
	p1 =	por $0x0, $0x0;
	[tilespmem:v17+s31+$0x0] =	vst.idx.msk $0xffff, v16  }
0x51e: {  	_ =	sdelay $0x3  }
0x51f: {  	v16 =	vld.idx.msk [tilespmem:v15+s18+$0x0], $0xffff  }
0x520: {  	v17 =	vld.idx.msk [tilespmem:v15+s19+$0x0], $0xffff;
	_ =	sdelay $0x4  }
0x521: {  	v14 =	vld.idx.msk [tilespmem:v14+s0+$0x0], $0xffff;
	v16 =	vadd.f32 v17, v16;
	_ =	sdelay $0x1  }
0x522: {  	v17 =	vmul.f32 $2.000000030e-01, v16;
	_ =	sdelay $0x1  }
0x523: {  	v16 =	vmax.f32 v16, v17  }
0x524: {  	v14 =	vsub.f32 v16, v14;
	_ =	sdelay $0x1  }
0x525: {  	v14 =	vmul.f32 $1.442695020e+00, v14;
	_ =	sdelay $0x1  }
0x526: {  	(erf) = vpow2.f32 v14;
	_ =	sdelay $0x8  }
0x527: {  	v14 =	vpop (erf)  }
0x528: {  	[tilespmem:v15+s31+$0x0] =	vst.idx.msk $0xffff, v14  }
0x529: {  	v14 =	vld.idx.msk [tilespmem:v13+s18+$0x0], $0xffff  }
0x52a: {  	v15 =	vld.idx.msk [tilespmem:v13+s19+$0x0], $0xffff;
	_ =	sdelay $0x4  }
0x52b: {  	v12 =	vld.idx.msk [tilespmem:v12+s0+$0x0], $0xffff;
	v14 =	vadd.f32 v15, v14;
	_ =	sdelay $0x1  }
0x52c: {  	v15 =	vmul.f32 $2.000000030e-01, v14;
	_ =	sdelay $0x1  }
0x52d: {  	v14 =	vmax.f32 v14, v15  }
0x52e: {  	v12 =	vsub.f32 v14, v12;
	_ =	sdelay $0x1  }
0x52f: {  	v12 =	vmul.f32 $1.442695020e+00, v12;
	_ =	sdelay $0x1  }
0x530: {  	(erf) = vpow2.f32 v12;
	_ =	sdelay $0x8  }
0x531: {  	v12 =	vpop (erf)  }
0x532: {  	[tilespmem:v13+s31+$0x0] =	vst.idx.msk $0xffff, v12  }
0x533: {  	v12 =	vld.idx.msk [tilespmem:v10+s18+$0x0], $0xffff  }
0x534: {  	v13 =	vld.idx.msk [tilespmem:v10+s19+$0x0], $0xffff;
	_ =	sdelay $0x4  }
0x535: {  	v11 =	vld.idx.msk [tilespmem:v11+s0+$0x0], $0xffff;
	v12 =	vadd.f32 v13, v12;
	_ =	sdelay $0x1  }
0x536: {  	v13 =	vmul.f32 $2.000000030e-01, v12;
	_ =	sdelay $0x1  }
0x537: {  	v12 =	vmax.f32 v12, v13  }
0x538: {  	v11 =	vsub.f32 v12, v11;
	_ =	sdelay $0x1  }
0x539: {  	v11 =	vmul.f32 $1.442695020e+00, v11;
	_ =	sdelay $0x1  }
0x53a: {  	(erf) = vpow2.f32 v11;
	_ =	sdelay $0x8  }
0x53b: {  	v11 =	vpop (erf)  }
0x53c: {  	[tilespmem:v10+s31+$0x0] =	vst.idx.msk $0xffff, v11  }
0x53d: {  	v10 =	vld.idx.msk [tilespmem:v8+s18+$0x0], $0xffff  }
0x53e: {  	v11 =	vld.idx.msk [tilespmem:v8+s19+$0x0], $0xffff;
	_ =	sdelay $0x4  }
0x53f: {  	v9 =	vld.idx.msk [tilespmem:v9+s0+$0x0], $0xffff;
	v10 =	vadd.f32 v11, v10;
	_ =	sdelay $0x1  }
0x540: {  	v11 =	vmul.f32 $2.000000030e-01, v10;
	_ =	sdelay $0x1  }
0x541: {  	v10 =	vmax.f32 v10, v11  }
0x542: {  	v9 =	vsub.f32 v10, v9;
	_ =	sdelay $0x1  }
0x543: {  	v9 =	vmul.f32 $1.442695020e+00, v9;
	_ =	sdelay $0x1  }
0x544: {  	(erf) = vpow2.f32 v9;
	_ =	sdelay $0x3  }
0x545: {  	s1 =	simm.s32 $0x30  }
0x546: {  	v9 =	vor.u32 s1, v7  }
0x547: {  	v11 =	vor.u32 v6, v9  }
0x548: {  	s26 =	simm.s32 $0x10  }
0x549: {  	v13 =	vor.u32 s26, v7  }
0x54a: {  	v14 =	vor.u32 v6, v13;
	v12 =	vpop (erf)  }
0x54b: {  	[tilespmem:v8+s31+$0x0] =	vst.idx.msk $0xffff, v12  }
0x54c: {  	s1 =	simm.s32 $0x16B30;
	v11 =	vld.idx.msk [tilespmem:v11+s31+$0x0], $0xffff  }
0x54d: {  	s13 =	simm.s32 $0x50;
	v16 =	vld [tilespmem:s1+$0x80]  }
0x54e: {  	s3 =	simm.s32 $0x0;
	v23 =	vor.u32 s13, v7;
	v17 =	vld [tilespmem:s1+$0x90]  }
0x54f: {  	s15 =	simm.s32 $0x40;
	v24 =	vor.u32 v6, v23;
	v8 =	vor.u32 s3, v7;
	v14 =	vld.idx.msk [tilespmem:v14+s31+$0x0], $0xffff  }
0x550: {  	v25 =	vor.u32 s15, v7;
	v15 =	vor.u32 v6, v8;
	v19 =	vld [tilespmem:s1+$0xFFFFFF00]  }
0x551: {  	v28 =	vor.u32 v6, v25;
	v20 =	vld [tilespmem:s1+$0xFFFFFF10]  }
0x552: {  	s2 =	simm.s32 $0x20;
	v21 =	vld [tilespmem:s1+$0xA0]  }
0x553: {  	v10 =	vor.u32 s2, v7;
	v27 =	vld [tilespmem:s1+$0xE0]  }
0x554: {  	v12 =	vor.u32 v6, v10;
	v24 =	vld.idx.msk [tilespmem:v24+s31+$0x0], $0xffff  }
0x555: {  	v18 =	vor.u32 v5, v9;
	v15 =	vld.idx.msk [tilespmem:v15+s31+$0x0], $0xffff  }
0x556: {  	v28 =	vld.idx.msk [tilespmem:v28+s31+$0x0], $0xffff;
	v16 =	vmul.f32 v16, v11  }
0x557: {  	v11 =	vmul.f32 v17, v11;
	v17 =	vld [tilespmem:s1+$0xFFFFFF80]  }
0x558: {  	[tilespmem:s1+$0x80] =	vst v16;
	v16 =	vld [tilespmem:s1+$0xFFFFFF90]  }
0x559: {  	v12 =	vld.idx.msk [tilespmem:v12+s31+$0x0], $0xffff;
	[tilespmem:s1+$0x90] =	vst v11  }
0x55a: {  	v11 =	vor.u32 v5, v8;
	v18 =	vld.idx.msk [tilespmem:v18+s31+$0x0], $0xffff;
	v19 =	vmul.f32 v19, v15  }
0x55b: {  	v22 =	vor.u32 v5, v13;
	v15 =	vmul.f32 v20, v15;
	v20 =	vld [tilespmem:s1+$0xB0]  }
0x55c: {  	v17 =	vmul.f32 v17, v14;
	[tilespmem:s1+$0xFFFFFF00] =	vst v19;
	v19 =	vld [tilespmem:s1+$0x0]  }
0x55d: {  	[tilespmem:s1+$0xFFFFFF10] =	vst v15;
	v14 =	vmul.f32 v16, v14;
	v15 =	vld [tilespmem:s1+$0x10]  }
0x55e: {  	[tilespmem:s1+$0xFFFFFF80] =	vst v17;
	v17 =	vld [tilespmem:s1+$0xFFFFFF20]  }
0x55f: {  	v16 =	vor.u32 v4, v9;
	v11 =	vld.idx.msk [tilespmem:v11+s31+$0x0], $0xffff;
	[tilespmem:s1+$0xFFFFFF90] =	vst v14  }
0x560: {  	v14 =	vmul.f32 v21, v18;
	v21 =	vld.idx.msk [tilespmem:v22+s31+$0x0], $0xffff  }
0x561: {  	v18 =	vmul.f32 v20, v18;
	v20 =	vld [tilespmem:s1+$0xFFFFFF30]  }
0x562: {  	v22 =	vld [tilespmem:s1+$0xFFFFFFA0];
	[tilespmem:s1+$0xA0] =	vst v14  }
0x563: {  	v14 =	vor.u32 v5, v10;
	[tilespmem:s1+$0xB0] =	vst v18;
	v18 =	vmul.f32 v19, v12;
	v12 =	vmul.f32 v15, v12;
	v15 =	vld [tilespmem:s1+$0xC0]  }
0x564: {  	v16 =	vld.idx.msk [tilespmem:v16+s31+$0x0], $0xffff  }
0x565: {  	v19 =	vor.u32 v4, v8;
	[tilespmem:s1+$0x0] =	vst v18;
	v18 =	vld [tilespmem:s1+$0xD0]  }
0x566: {  	v17 =	vmul.f32 v17, v11;
	[tilespmem:s1+$0x10] =	vst v12;
	v12 =	vld [tilespmem:s1+$0xFFFFFFB0]  }
0x567: {  	v11 =	vmul.f32 v20, v11;
	v20 =	vld [tilespmem:s1+$0x20]  }
0x568: {  	v9 =	vor.u32 v3, v9;
	[tilespmem:s1+$0xFFFFFF20] =	vst v17;
	v17 =	vmul.f32 v22, v21;
	v14 =	vld.idx.msk [tilespmem:v14+s31+$0x0], $0xffff  }
0x569: {  	[tilespmem:s1+$0xFFFFFF30] =	vst v11;
	v11 =	vld [tilespmem:s1+$0x30];
	v15 =	vmul.f32 v15, v16  }
0x56a: {  	[tilespmem:s1+$0xFFFFFFA0] =	vst v17;
	v17 =	vld.idx.msk [tilespmem:v19+s31+$0x0], $0xffff;
	v16 =	vmul.f32 v18, v16  }
0x56b: {  	v22 =	vor.u32 v4, v13;
	v19 =	vld [tilespmem:s1+$0xFFFFFF50];
	[tilespmem:s1+$0xC0] =	vst v15  }
0x56c: {  	v18 =	vld [tilespmem:s1+$0xFFFFFF40];
	[tilespmem:s1+$0xD0] =	vst v16  }
0x56d: {  	v15 =	vmul.f32 v12, v21;
	v12 =	vld.idx.msk [tilespmem:v9+s31+$0x0], $0xffff  }
0x56e: {  	v16 =	vor.u32 v4, v10;
	v9 =	vmul.f32 v20, v14;
	v11 =	vmul.f32 v11, v14;
	v14 =	vld [tilespmem:s1+$0xFFFFFFC0]  }
0x56f: {  	[tilespmem:s1+$0xFFFFFFB0] =	vst v15;
	v20 =	vld [tilespmem:s1+$0xF0]  }
0x570: {  	v15 =	vld.idx.msk [tilespmem:v22+s31+$0x0], $0xffff  }
0x571: {  	v8 =	vor.u32 v3, v8;
	[tilespmem:s1+$0x20] =	vst v9;
	v9 =	vld [tilespmem:s1+$0xFFFFFFD0]  }
0x572: {  	v18 =	vmul.f32 v18, v17;
	[tilespmem:s1+$0x30] =	vst v11;
	v11 =	vmul.f32 v19, v17;
	v17 =	vld [tilespmem:s1+$0x40]  }
0x573: {  	v16 =	vld.idx.msk [tilespmem:v16+s31+$0x0], $0xffff  }
0x574: {  	v22 =	vld [tilespmem:s1+$0xFFFFFFF0];
	[tilespmem:s1+$0xFFFFFF40] =	vst v18  }
0x575: {  	v19 =	vld [tilespmem:s1+$0xFFFFFFE0];
	[tilespmem:s1+$0xFFFFFF50] =	vst v11  }
0x576: {  	v18 =	vld.idx.msk [tilespmem:v8+s31+$0x0], $0xffff;
	v8 =	vmul.f32 v9, v15  }
0x577: {  	s4 =	simm.s32 $0x70;
	v11 =	vld [tilespmem:s1+$0x50];
	v20 =	vmul.f32 v20, v12  }
0x578: {  	v14 =	vmul.f32 v14, v15;
	v15 =	vld [tilespmem:s1+$0xFFFFFF60];
	[tilespmem:s1+$0xFFFFFFD0] =	vst v8;
	v8 =	vmul.f32 v17, v16;
	v17 =	vor.u32 s4, v7  }
0x579: {  	s3 =	simm.s32 $0x60;
	v9 =	vld [tilespmem:s1+$0x60];
	[tilespmem:s1+$0xF0] =	vst v20;
	v21 =	vor.u32 v6, v17  }
0x57a: {  	v20 =	vor.u32 s3, v7;
	s3 =	simm.s32 $0x16D30;
	[tilespmem:s1+$0xFFFFFFC0] =	vst v14;
	v14 =	vld [tilespmem:s1+$0xFFFFFF70]  }
0x57b: {  	v29 =	vld [tilespmem:s3+$0x80]  }
0x57c: {  	v32 =	vld [tilespmem:s3+$0xFFFFFF00]  }
0x57d: {  	v33 =	vld [tilespmem:s3+$0xFFFFFF10]  }
0x57e: {  	v26 =	vor.u32 v6, v20;
	v21 =	vld.idx.msk [tilespmem:v21+s31+$0x0], $0xffff  }
0x57f: {  	v30 =	vld [tilespmem:s3+$0x90]  }
0x580: {  	v34 =	vld [tilespmem:s3+$0xA0]  }
0x581: {  	v60 =	vld [tilespmem:s3+$0xB0]  }
0x582: {  	v61 =	vld [tilespmem:s3+$0x0];
	v31 =	vor.u32 v5, v17;
	v32 =	vmul.f32 v32, v28;
	v28 =	vmul.f32 v33, v28  }
0x583: {  	v26 =	vld.idx.msk [tilespmem:v26+s31+$0x0], $0xffff;
	v29 =	vmul.f32 v29, v21  }
0x584: {  	v13 =	vor.u32 v3, v13;
	[tilespmem:s3+$0xFFFFFF10] =	vst v28;
	v28 =	vld [tilespmem:s3+$0x10];
	v21 =	vmul.f32 v30, v21  }
0x585: {  	v30 =	vld [tilespmem:s3+$0xFFFFFF80];
	[tilespmem:s3+$0x80] =	vst v29  }
0x586: {  	v29 =	vld [tilespmem:s3+$0xFFFFFF90];
	[tilespmem:s3+$0x90] =	vst v21  }
0x587: {  	v63 =	vor.u32 v5, v20;
	v31 =	vld.idx.msk [tilespmem:v31+s31+$0x0], $0xffff  }
0x588: {  	v12 =	vmul.f32 v27, v12;
	v27 =	vld [tilespmem:s3+$0x40];
	[tilespmem:s3+$0xFFFFFF00] =	vst v32;
	v32 =	vmul.f32 v61, v26;
	v21 =	vor.u32 v5, v25  }
0x589: {  	v13 =	vld.idx.msk [tilespmem:v13+s31+$0x0], $0xffff;
	[tilespmem:s1+$0x40] =	vst v8;
	v26 =	vmul.f32 v28, v26  }
0x58a: {  	v8 =	vld [tilespmem:s1+$0x70];
	[tilespmem:s3+$0x0] =	vst v32;
	v30 =	vmul.f32 v30, v24  }
0x58b: {  	[tilespmem:s3+$0x10] =	vst v26;
	v26 =	vld [tilespmem:s3+$0xD0];
	v24 =	vmul.f32 v29, v24;
	v29 =	vor.u32 v4, v17  }
0x58c: {  	v32 =	vld.idx.msk [tilespmem:v63+s31+$0x0], $0xffff;
	[tilespmem:s3+$0xFFFFFF80] =	vst v30;
	v30 =	vmul.f32 v34, v31  }
0x58d: {  	v35 =	vor.u32 v5, v23;
	v21 =	vld.idx.msk [tilespmem:v21+s31+$0x0], $0xffff;
	v31 =	vmul.f32 v60, v31;
	[tilespmem:s3+$0xFFFFFF90] =	vst v24  }
0x58e: {  	v24 =	vld [tilespmem:s3+$0xFFFFFF20];
	[tilespmem:s3+$0xA0] =	vst v30  }
0x58f: {  	v30 =	vld [tilespmem:s3+$0xFFFFFF30];
	[tilespmem:s3+$0xB0] =	vst v31  }
0x590: {  	v28 =	vld.idx.msk [tilespmem:v29+s31+$0x0], $0xffff  }
0x591: {  	v29 =	vld [tilespmem:s3+$0xC0]  }
0x592: {  	v11 =	vmul.f32 v11, v16;
	v16 =	vor.u32 v4, v25;
	v62 =	vld.idx.msk [tilespmem:v35+s31+$0x0], $0xffff  }
0x593: {  	[tilespmem:s1+$0xE0] =	vst v12;
	v31 =	vld [tilespmem:s3+$0xFFFFFFA0];
	v24 =	vmul.f32 v24, v21  }
0x594: {  	[tilespmem:s1+$0x50] =	vst v11;
	v11 =	vmul.f32 v30, v21;
	v21 =	vld [tilespmem:s3+$0xFFFFFFB0]  }
0x595: {  	v15 =	vmul.f32 v15, v18;
	v17 =	vor.u32 v3, v17;
	v30 =	vld [tilespmem:s3+$0x30];
	[tilespmem:s3+$0xFFFFFF20] =	vst v24  }
0x596: {  	v24 =	vld [tilespmem:s3+$0x20];
	[tilespmem:s3+$0xFFFFFF30] =	vst v11;
	v11 =	vmul.f32 v29, v28  }
0x597: {  	[tilespmem:s1+$0xFFFFFF60] =	vst v15;
	v29 =	vor.u32 v4, v23;
	v15 =	vld.idx.msk [tilespmem:v16+s31+$0x0], $0xffff;
	v16 =	vmul.f32 v26, v28  }
0x598: {  	v26 =	vmul.f32 v31, v62;
	v28 =	vld [tilespmem:s3+$0xFFFFFF40];
	[tilespmem:s3+$0xC0] =	vst v11  }
0x599: {  	v31 =	vld [tilespmem:s3+$0xFFFFFF50];
	v21 =	vmul.f32 v21, v62;
	[tilespmem:s3+$0xD0] =	vst v16  }
0x59a: {  	v19 =	vmul.f32 v19, v13;
	v16 =	vor.u32 v4, v20;
	[tilespmem:s3+$0xFFFFFFA0] =	vst v26;
	v11 =	vld.idx.msk [tilespmem:v17+s31+$0x0], $0xffff  }
0x59b: {  	v17 =	vmul.f32 v24, v32;
	[tilespmem:s3+$0xFFFFFFB0] =	vst v21;
	v21 =	vld [tilespmem:s3+$0xF0]  }
0x59c: {  	[tilespmem:s1+$0xFFFFFFE0] =	vst v19;
	v19 =	vmul.f32 v30, v32;
	v24 =	vld.idx.msk [tilespmem:v29+s31+$0x0], $0xffff  }
0x59d: {  	v13 =	vmul.f32 v22, v13;
	[tilespmem:s3+$0x20] =	vst v17;
	v17 =	vld [tilespmem:s3+$0xFFFFFFC0]  }
0x59e: {  	v10 =	vor.u32 v3, v10;
	v14 =	vmul.f32 v14, v18;
	v26 =	vld [tilespmem:s3+$0xFFFFFFD0];
	[tilespmem:s3+$0x30] =	vst v19  }
0x59f: {  	v22 =	vor.u32 v3, v25;
	[tilespmem:s1+$0xFFFFFFF0] =	vst v13;
	v13 =	vmul.f32 v28, v15;
	v19 =	vld.idx.msk [tilespmem:v16+s31+$0x0], $0xffff  }
0x5a0: {  	v18 =	vld [tilespmem:s3+$0xFFFFFF60];
	[tilespmem:s1+$0xFFFFFF70] =	vst v14;
	v12 =	vmul.f32 v31, v15  }
0x5a1: {  	v25 =	vld [tilespmem:s3+$0x50];
	[tilespmem:s3+$0xFFFFFF40] =	vst v13;
	v21 =	vmul.f32 v21, v11  }
0x5a2: {  	v15 =	vld [tilespmem:s3+$0xFFFFFF70];
	[tilespmem:s3+$0xFFFFFF50] =	vst v12;
	v12 =	vor.u32 v3, v23;
	v13 =	vmul.f32 v17, v24  }
0x5a3: {  	s20 =	simm.s32 $0x80;
	v16 =	vld.idx.msk [tilespmem:v10+s31+$0x0], $0xffff;
	v17 =	vmul.f32 v26, v24;
	[tilespmem:s3+$0xF0] =	vst v21  }
0x5a4: {  	s13 =	simm.s32 $0xB0;
	s26 =	simm.s32 $0x90;
	s4 =	simm.s32 $0xA0;
	v10 =	vor.u32 v3, v20;
	v20 =	vor.u32 s20, v7;
	v14 =	vld.idx.msk [tilespmem:v22+s31+$0x0], $0xffff;
	[tilespmem:s3+$0xFFFFFFC0] =	vst v13;
	v24 =	vmul.f32 v27, v19  }
0x5a5: {  	v23 =	vld [tilespmem:s3+$0xFFFFFFF0];
	v22 =	vor.u32 s26, v7;
	[tilespmem:s3+$0xFFFFFFD0] =	vst v17;
	v17 =	vor.u32 s4, v7;
	v13 =	vor.u32 s13, v7  }
0x5a6: {  	s2 =	simm.s32 $0x16D30;
	s20 =	simm.s32 $0xC;
	v28 =	vor.u32 v6, v22;
	v21 =	vld [tilespmem:s3+$0xFFFFFFE0];
	v27 =	vor.u32 v6, v17;
	v29 =	vor.u32 v6, v13;
	[tilespmem:s3+$0x40] =	vst v24  }
.LBB2_20:
0x5a7: {  	p1 =	slt.u32 s20, $0x4C;
	v30 =	vor.u32 v6, v20;
	v31 =	vor.u32 v5, v22;
	v32 =	vor.u32 v5, v17;
	v33 =	vld.idx.msk [tilespmem:v12+s31+$0x0], $0xffff  }
0x5a8: {  	v34 =	vor.u32 v5, v20;
	v26 =	vor.u32 v4, v22;
	v24 =	vor.u32 v4, v17;
	v35 =	vld [tilespmem:s3+$0x60]  }
0x5a9: {  	v36 =	vor.u32 v4, v20;
	v12 =	vor.u32 v3, v22;
	v19 =	vmul.f32 v25, v19;
	v22 =	vld [tilespmem:s3+$0x70]  }
0x5aa: {  	v20 =	vor.u32 v3, v20;
	v17 =	vor.u32 v3, v17;
	v37 =	vmul.f32 v9, v16;
	v25 =	vld [tilespmem:s3+$0xE0]  }
0x5ab: {  	v38 =	vmul.f32 v8, v16;
	v18 =	vmul.f32 v18, v14;
	s3 =	sadd.s32 $0x200, s3;
	v29 =	vld.idx.msk [tilespmem:v29+s31+$0x0], $0xffff;
	[tilespmem:s2+$0x50] =	vst v19  }
0x5ac: {  	v14 =	vmul.f32 v15, v14;
	v16 =	vld [tilespmem:s3+$0x80];
	[tilespmem:s1+$0x60] =	vst v37  }
0x5ad: {  	v19 =	vmul.f32 v21, v33;
	v21 =	vmul.f32 v23, v33;
	v15 =	vld [tilespmem:s3+$0x90];
	[tilespmem:s1+$0x70] =	vst v38;
	v9 =	vmov v35;
	s1 =	smov.u32 s2;
	s2 =	smov.u32 s3  }
0x5ae: {  	v23 =	vld.idx.msk [tilespmem:v28+s31+$0x0], $0xffff;
	[tilespmem:s1+$0xFFFFFF60] =	vst v18;
	v8 =	vmov v22  }
0x5af: {  	v18 =	vld.idx.msk [tilespmem:v27+s31+$0x0], $0xffff;
	[tilespmem:s1+$0xFFFFFFE0] =	vst v19;
	v11 =	vmul.f32 v25, v11  }
0x5b0: {  	v22 =	vor.u32 v5, v13;
	v19 =	vld.idx.msk [tilespmem:v30+s31+$0x0], $0xffff;
	[tilespmem:s1+$0xFFFFFFF0] =	vst v21  }
0x5b1: {  	v21 =	vld [tilespmem:s3+$0xFFFFFF00];
	v16 =	vmul.f32 v16, v29;
	[tilespmem:s1+$0xE0] =	vst v11  }
0x5b2: {  	v11 =	vld [tilespmem:s3+$0xFFFFFF10];
	v15 =	vmul.f32 v15, v29;
	[tilespmem:s1+$0xFFFFFF70] =	vst v14  }
0x5b3: {  	v14 =	vld [tilespmem:s3+$0xFFFFFF80];
	[tilespmem:s3+$0x80] =	vst v16  }
0x5b4: {  	v16 =	vld [tilespmem:s3+$0xFFFFFF90];
	[tilespmem:s3+$0x90] =	vst v15  }
0x5b5: {  	v15 =	vld.idx.msk [tilespmem:v22+s31+$0x0], $0xffff  }
0x5b6: {  	v21 =	vmul.f32 v21, v19;
	v22 =	vld [tilespmem:s3+$0xA0]  }
0x5b7: {  	v11 =	vmul.f32 v11, v19;
	v19 =	vld [tilespmem:s3+$0xB0]  }
0x5b8: {  	[tilespmem:s3+$0xFFFFFF00] =	vst v21;
	v14 =	vmul.f32 v14, v23;
	v21 =	vld [tilespmem:s3+$0x0]  }
0x5b9: {  	[tilespmem:s3+$0xFFFFFF10] =	vst v11;
	v11 =	vmul.f32 v16, v23;
	v16 =	vld [tilespmem:s3+$0x10]  }
0x5ba: {  	v23 =	vld.idx.msk [tilespmem:v34+s31+$0x0], $0xffff;
	[tilespmem:s3+$0xFFFFFF80] =	vst v14;
	v14 =	vor.u32 v4, v13  }
0x5bb: {  	v25 =	vld [tilespmem:s3+$0xFFFFFF20];
	[tilespmem:s3+$0xFFFFFF90] =	vst v11;
	v11 =	vmul.f32 v22, v15  }
0x5bc: {  	v22 =	vld.idx.msk [tilespmem:v31+s31+$0x0], $0xffff;
	v15 =	vmul.f32 v19, v15  }
0x5bd: {  	v19 =	vld [tilespmem:s3+$0xFFFFFF30];
	v21 =	vmul.f32 v21, v18;
	[tilespmem:s3+$0xA0] =	vst v11  }
0x5be: {  	v11 =	vld [tilespmem:s3+$0xFFFFFFA0];
	v16 =	vmul.f32 v16, v18;
	[tilespmem:s3+$0xB0] =	vst v15  }
0x5bf: {  	[tilespmem:s3+$0x0] =	vst v21;
	v14 =	vld.idx.msk [tilespmem:v14+s31+$0x0], $0xffff  }
0x5c0: {  	v15 =	vmul.f32 v25, v23;
	[tilespmem:s3+$0x10] =	vst v16;
	v16 =	vld [tilespmem:s3+$0xC0]  }
0x5c1: {  	v18 =	vld [tilespmem:s3+$0xD0]  }
0x5c2: {  	[tilespmem:s3+$0xFFFFFF20] =	vst v15;
	v15 =	vmul.f32 v19, v23;
	v19 =	vld.idx.msk [tilespmem:v32+s31+$0x0], $0xffff  }
0x5c3: {  	v11 =	vmul.f32 v11, v22;
	v21 =	vld [tilespmem:s3+$0xFFFFFFB0]  }
0x5c4: {  	v13 =	vor.u32 v3, v13;
	[tilespmem:s3+$0xFFFFFF30] =	vst v15;
	v15 =	vld [tilespmem:s3+$0x20]  }
0x5c5: {  	[tilespmem:s3+$0xFFFFFFA0] =	vst v11;
	v23 =	vld [tilespmem:s3+$0x30];
	v11 =	vmul.f32 v16, v14  }
0x5c6: {  	v16 =	vld.idx.msk [tilespmem:v36+s31+$0x0], $0xffff;
	v14 =	vmul.f32 v18, v14  }
0x5c7: {  	v18 =	vld [tilespmem:s3+$0xFFFFFF40];
	[tilespmem:s3+$0xC0] =	vst v11  }
0x5c8: {  	v25 =	vld [tilespmem:s3+$0xFFFFFF50];
	v21 =	vmul.f32 v21, v22;
	[tilespmem:s3+$0xD0] =	vst v14  }
0x5c9: {  	v14 =	vmul.f32 v15, v19;
	v11 =	vld.idx.msk [tilespmem:v13+s31+$0x0], $0xffff  }
0x5ca: {  	[tilespmem:s3+$0xFFFFFFB0] =	vst v21;
	v13 =	vmul.f32 v23, v19;
	v15 =	vld [tilespmem:s3+$0xF0]  }
0x5cb: {  	v21 =	vld.idx.msk [tilespmem:v26+s31+$0x0], $0xffff;
	[tilespmem:s3+$0x20] =	vst v14  }
0x5cc: {  	v14 =	vmul.f32 v18, v16;
	v18 =	vld [tilespmem:s3+$0xFFFFFFC0];
	[tilespmem:s3+$0x30] =	vst v13  }
0x5cd: {  	v13 =	vmul.f32 v25, v16;
	v19 =	vld.idx.msk [tilespmem:v24+s31+$0x0], $0xffff  }
0x5ce: {  	[tilespmem:s3+$0xFFFFFF40] =	vst v14;
	v22 =	vld [tilespmem:s3+$0xFFFFFFD0]  }
0x5cf: {  	[tilespmem:s3+$0xFFFFFF50] =	vst v13;
	v13 =	vld [tilespmem:s3+$0x40];
	v14 =	vmul.f32 v15, v11  }
0x5d0: {  	v25 =	vld [tilespmem:s3+$0x50]  }
0x5d1: {  	v15 =	vmul.f32 v18, v21;
	[tilespmem:s3+$0xF0] =	vst v14;
	v16 =	vld.idx.msk [tilespmem:v10+s31+$0x0], $0xffff;
	v10 =	vmov v17  }
.Ltmp9:
0x5d2: {  	v14 =	vld.idx.msk [tilespmem:v20+s31+$0x0], $0xffff;
	(pc) =	sbr.rel @p1 .LBB2_20-.Ltmp9, $4  }
0x5d3: {  	s4 =	sshll.u32 s20, $0x4;
	v18 =	vld [tilespmem:s3+$0xFFFFFF60];
	[tilespmem:s3+$0xFFFFFFC0] =	vst v15;
	v21 =	vmul.f32 v22, v21  }
0x5d4: {  	s13 =	sadd.s32 $0x10, s4;
	s15 =	sadd.s32 $0x20, s4;
	v20 =	vor.u32 s4, v7;
	s4 =	sadd.s32 $0x30, s4;
	v15 =	vld [tilespmem:s3+$0xFFFFFF70];
	v24 =	vmul.f32 v13, v19  }
0x5d5: {  	v17 =	vor.u32 s15, v7;
	v22 =	vor.u32 s13, v7;
	v13 =	vor.u32 s4, v7;
	[tilespmem:s3+$0xFFFFFFD0] =	vst v21;
	v21 =	vld [tilespmem:s3+$0xFFFFFFE0]  }
0x5d6: {  	s20 =	sadd.s32 $0x4, s20;
	v27 =	vor.u32 v6, v17;
	v28 =	vor.u32 v6, v22;
	v29 =	vor.u32 v6, v13;
	v23 =	vld [tilespmem:s3+$0xFFFFFFF0];
	[tilespmem:s3+$0x40] =	vst v24  }
0x5d7: {  	_ =	sdelay $0x3  }
0x5d8: {  	v12 =	vld.idx.msk [tilespmem:v12+s31+$0x0], $0xffff  }
0x5d9: {  	v24 =	vld [tilespmem:s3+$0x60]  }
0x5da: {  	v7 =	vld [tilespmem:s3+$0x70]  }
0x5db: {  	v26 =	vld [tilespmem:s3+$0xE0]  }
0x5dc: {  	v29 =	vld.idx.msk [tilespmem:v29+s31+$0x0], $0xffff  }
0x5dd: {  	v28 =	vld.idx.msk [tilespmem:v28+s31+$0x0], $0xffff  }
0x5de: {  	s26 =	sadd.s32 $0x200, s3;
	v27 =	vld.idx.msk [tilespmem:v27+s31+$0x0], $0xffff  }
0x5df: {  	v30 =	vld [tilespmem:s26+$0x80]  }
0x5e0: {  	v31 =	vld [tilespmem:s26+$0x90]  }
0x5e1: {  	v33 =	vld [tilespmem:s26+$0xFFFFFF00]  }
0x5e2: {  	v34 =	vld [tilespmem:s26+$0xFFFFFF10]  }
0x5e3: {  	v61 =	vld [tilespmem:s26+$0xFFFFFF80]  }
0x5e4: {  	v62 =	vld [tilespmem:s26+$0xFFFFFF90]  }
0x5e5: {  	v35 =	vld [tilespmem:s26+$0xA0]  }
0x5e6: {  	v39 =	vld [tilespmem:s26+$0xB0]  }
0x5e7: {  	v6 =	vor.u32 v6, v20;
	v40 =	vld [tilespmem:s26+$0x0]  }
0x5e8: {  	v19 =	vmul.f32 v25, v19;
	v42 =	vld [tilespmem:s26+$0x10]  }
0x5e9: {  	v9 =	vmul.f32 v9, v16;
	v44 =	vld [tilespmem:s26+$0xFFFFFF20]  }
0x5ea: {  	v8 =	vmul.f32 v8, v16;
	v48 =	vld [tilespmem:s26+$0xFFFFFF30];
	[tilespmem:s2+$0x50] =	vst v19  }
0x5eb: {  	v49 =	vld [tilespmem:s26+$0xFFFFFFA0];
	v37 =	vmul.f32 v18, v14;
	[tilespmem:s1+$0x60] =	vst v9  }
0x5ec: {  	[tilespmem:s1+$0x70] =	vst v8;
	v6 =	vld.idx.msk [tilespmem:v6+s31+$0x0], $0xffff;
	v11 =	vmul.f32 v26, v11  }
0x5ed: {  	v32 =	vor.u32 v5, v13;
	v51 =	vld [tilespmem:s26+$0xC0];
	[tilespmem:s2+$0xFFFFFF60] =	vst v37;
	v30 =	vmul.f32 v30, v29  }
0x5ee: {  	v53 =	vld [tilespmem:s26+$0xD0];
	v29 =	vmul.f32 v31, v29;
	[tilespmem:s2+$0xE0] =	vst v11  }
0x5ef: {  	v36 =	vor.u32 v5, v22;
	v55 =	vld [tilespmem:s26+$0xFFFFFFB0];
	v31 =	vmul.f32 v61, v28;
	[tilespmem:s26+$0x80] =	vst v30  }
0x5f0: {  	v56 =	vld [tilespmem:s26+$0x20];
	v41 =	vmul.f32 v62, v28;
	[tilespmem:s26+$0x90] =	vst v29  }
0x5f1: {  	v63 =	vor.u32 v5, v20;
	v58 =	vld [tilespmem:s26+$0x30];
	[tilespmem:s26+$0xFFFFFF80] =	vst v31;
	v33 =	vmul.f32 v33, v6  }
0x5f2: {  	[tilespmem:s26+$0xFFFFFF90] =	vst v41;
	v32 =	vld.idx.msk [tilespmem:v32+s31+$0x0], $0xffff;
	v6 =	vmul.f32 v34, v6  }
0x5f3: {  	v38 =	vld [tilespmem:s26+$0xFFFFFFC0];
	[tilespmem:s26+$0xFFFFFF00] =	vst v33;
	v33 =	vmul.f32 v40, v27  }
0x5f4: {  	v47 =	vor.u32 v5, v17;
	v46 =	vld.idx.msk [tilespmem:v36+s31+$0x0], $0xffff;
	[tilespmem:s26+$0xFFFFFF10] =	vst v6;
	v27 =	vmul.f32 v42, v27  }
0x5f5: {  	v40 =	vmul.f32 v21, v12;
	v42 =	vld [tilespmem:s26+$0xFFFFFFD0];
	[tilespmem:s26+$0x0] =	vst v33  }
0x5f6: {  	v43 =	vor.u32 v4, v13;
	v12 =	vmul.f32 v23, v12;
	v29 =	vld.idx.msk [tilespmem:v63+s31+$0x0], $0xffff;
	[tilespmem:s26+$0x10] =	vst v27  }
0x5f7: {  	v63 =	vld [tilespmem:s26+$0xFFFFFF40];
	v45 =	vmul.f32 v35, v32;
	[tilespmem:s2+$0xFFFFFFE0] =	vst v40  }
0x5f8: {  	v60 =	vor.u32 v4, v22;
	v32 =	vmul.f32 v39, v32;
	v33 =	vld [tilespmem:s26+$0xFFFFFF50];
	[tilespmem:s2+$0xFFFFFFF0] =	vst v12  }
0x5f9: {  	v62 =	vmul.f32 v49, v46;
	v5 =	vld.idx.msk [tilespmem:v47+s31+$0x0], $0xffff;
	[tilespmem:s26+$0xA0] =	vst v45  }
0x5fa: {  	v27 =	vmul.f32 v55, v46;
	v35 =	vld [tilespmem:s26+$0xF0];
	[tilespmem:s26+$0xB0] =	vst v32  }
0x5fb: {  	v52 =	vor.u32 v4, v20;
	v49 =	vmul.f32 v15, v14;
	[tilespmem:s26+$0xFFFFFFA0] =	vst v62;
	v50 =	vld.idx.msk [tilespmem:v43+s31+$0x0], $0xffff  }
0x5fc: {  	v46 =	vld.idx.msk [tilespmem:v10+s31+$0x0], $0xffff;
	[tilespmem:s26+$0xFFFFFFB0] =	vst v27;
	v6 =	vmul.f32 v44, v29  }
0x5fd: {  	v32 =	vor.u32 v4, v17;
	[tilespmem:s2+$0xFFFFFF70] =	vst v49;
	v36 =	vld.idx.msk [tilespmem:v60+s31+$0x0], $0xffff;
	v54 =	vmul.f32 v48, v29  }
0x5fe: {  	v55 =	vld [tilespmem:s26+$0xFFFFFFF0];
	[tilespmem:s26+$0xFFFFFF20] =	vst v6;
	v6 =	vmul.f32 v56, v5  }
0x5ff: {  	v43 =	vld [tilespmem:s26+$0x40];
	[tilespmem:s26+$0xFFFFFF30] =	vst v54;
	v5 =	vmul.f32 v58, v5  }
0x600: {  	v57 =	vor.u32 v3, v13;
	v61 =	vld.idx.msk [tilespmem:v52+s31+$0x0], $0xffff;
	v59 =	vmul.f32 v51, v50;
	[tilespmem:s26+$0x20] =	vst v6  }
0x601: {  	v45 =	vor.u32 v3, v22;
	v44 =	vld [tilespmem:s26+$0x50];
	v25 =	vmul.f32 v53, v50;
	[tilespmem:s26+$0x30] =	vst v5  }
0x602: {  	v47 =	vmul.f32 v38, v36;
	v4 =	vld.idx.msk [tilespmem:v32+s31+$0x0], $0xffff;
	[tilespmem:s26+$0xC0] =	vst v59  }
0x603: {  	v48 =	vld [tilespmem:s26+$0xFFFFFF60];
	v8 =	vmul.f32 v42, v36;
	[tilespmem:s26+$0xD0] =	vst v25  }
0x604: {  	v39 =	vor.u32 v3, v20;
	v52 =	vld [tilespmem:s26+$0xFFFFFFE0];
	[tilespmem:s26+$0xFFFFFFC0] =	vst v47;
	v59 =	vmul.f32 v7, v46  }
0x605: {  	[tilespmem:s26+$0xFFFFFFD0] =	vst v8;
	v13 =	vld.idx.msk [tilespmem:v57+s31+$0x0], $0xffff;
	v41 =	vmul.f32 v63, v61  }
0x606: {  	v3 =	vor.u32 v3, v17;
	v54 =	vld.idx.msk [tilespmem:v45+s31+$0x0], $0xffff;
	v9 =	vmul.f32 v33, v61;
	[tilespmem:s2+$0x70] =	vst v59  }
0x607: {  	v56 =	vld [tilespmem:s26+$0xE0];
	[tilespmem:s26+$0xFFFFFF40] =	vst v41;
	v53 =	vmul.f32 v43, v4  }
0x608: {  	v58 =	vld [tilespmem:s26+$0x60];
	[tilespmem:s26+$0xFFFFFF50] =	vst v9;
	v4 =	vmul.f32 v44, v4  }
0x609: {  	v57 =	vmul.f32 v24, v46;
	v5 =	vld.idx.msk [tilespmem:v39+s31+$0x0], $0xffff;
	[tilespmem:s26+$0x40] =	vst v53  }
0x60a: {  	v50 =	vld [tilespmem:s26+$0xFFFFFF70];
	v51 =	vmul.f32 v35, v13;
	[tilespmem:s26+$0x50] =	vst v4  }
0x60b: {  	[tilespmem:s2+$0x60] =	vst v57;
	v8 =	vmul.f32 v52, v54;
	v3 =	vld.idx.msk [tilespmem:v3+s31+$0x0], $0xffff  }
0x60c: {  	v61 =	vld [tilespmem:s26+$0x70];
	v62 =	vmul.f32 v55, v54;
	[tilespmem:s26+$0xF0] =	vst v51  }
0x60d: {  	v6 =	vmul.f32 v56, v13;
	[tilespmem:s26+$0xFFFFFFE0] =	vst v8  }
0x60e: {  	[tilespmem:s26+$0xFFFFFFF0] =	vst v62;
	v60 =	vmul.f32 v48, v5  }
0x60f: {  	[tilespmem:s26+$0xE0] =	vst v6;
	v5 =	vmul.f32 v50, v5  }
0x610: {  	[tilespmem:s26+$0xFFFFFF60] =	vst v60;
	v63 =	vmul.f32 v58, v3  }
0x611: {  	[tilespmem:s26+$0xFFFFFF70] =	vst v5;
	v3 =	vmul.f32 v61, v3  }
0x612: {  	[tilespmem:s26+$0x60] =	vst v63  }
0x613: {  	[tilespmem:s26+$0x70] =	vst v3  }
0x614: {  	v3 =	vld [tilespmem:$0x15FE0]  }
0x615: {  	v4 =	vld [tilespmem:$0x15FF0]  }
0x616: {  	v5 =	vld [tilespmem:$0x16000]  }
0x617: {  	v6 =	vld [tilespmem:$0x16010]  }
0x618: {  	v7 =	vld [tilespmem:$0x16020]  }
0x619: {  	[tilespmem:$0x19730] =	vst v3  }
0x61a: {  	[tilespmem:$0x19740] =	vst v4  }
0x61b: {  	[tilespmem:$0x19750] =	vst v5  }
0x61c: {  	[tilespmem:$0x19760] =	vst v6  }
0x61d: {  	s4 =	rddreg [dreg:$0x2];
	s13 =	simm.s32 $0x19730;
	[tilespmem:$0x19770] =	vst v7  }
0x61e: {  	[spmem:s4] =	stream.indirect.scatter.add.f32 [tilespmem:s31], [sflag:$0x3], $0x10, s13, s17, $0xb8;
	[tilespmem:$0x1DD80] =	vst v63  }
0x61f: {  	s15 =	rddreg [dreg:$0x3]  }
0x620: {  	[spmem:s15] =	stream.indirect.scatter.add.f32 [tilespmem:s11], [sflag:$0x3], $0x80, s13, s17, $0xb8;
	[tilespmem:$0x1DD80] =	vst v63  }
0x621: {  	_ =	swait.ge [sflag:s29], $0x500  }
0x622: {  	[sflag:s29] =	ssyncset.done $0x0  }
0x623: {  	[sflag:s29] =	ssyncadd.s32 $0xFFFFFB00  }
0x624: {  	_ =	swait.ge [sflag:s29], $0x2800  }
0x625: {  	[sflag:s29] =	ssyncset.done $0x0  }
0x626: {  	s20 =	simm.s32 $0x6;
	[sflag:s29] =	ssyncadd.s32 $0xFFFFD800  }
0x627: {  	_ =	swait.ge [sflag:s20], $0x500  }
0x628: {  	[sflag:s20] =	ssyncset.done $0x0  }
0x629: {  	s26 =	sld [smem:$0x7D0];
	[sflag:s20] =	ssyncadd.s32 $0xFFFFFB00  }
0x62a: {  	_ =	swait.ge [sflag:s20], $0x2800  }
0x62b: {  	[sflag:s20] =	ssyncset.done $0x0;
	s4 =	sld [smem:$0x7F1]  }
0x62c: {  	s2 =	smul.u32 $0x138800, s26;
	s13 =	sld [smem:$0x7F8];
	[sflag:s20] =	ssyncadd.s32 $0xFFFFD800  }
0x62d: {  	s15 =	stileid.u32;
	[bflag:$0x0] =	sbarrier.arrive $0xFFFF  }
0x62e: {  	s3 =	sshll.u32 s15, $0x6;
	s2 =	sadd.s32 s4, s2;
	s15 =	sld [smem:$0x7FC]  }
0x62f: {  	s1 =	sadd.s32 s13, s2  }
0x630: {  	s13 =	rddreg [dreg:$0x7];
	s1 =	sshrl.u32 s1, $0x3  }
0x631: {  	s4 =	sadd.s32 s13, s1;
	s1 =	sor.u32 $0x1C07, s3;
	s20 =	sshrl.u32 s15, $0x3  }
0x632: {  	[hbm:s4], [sflag:s1] =	dma.local [spmem:s20], $0x2700  }
0x633: {  	_ =	swait.ge [sflag:s9], $0x2700  }
0x634: {  	s20 =	sld [smem:$0x7FD]  }
0x635: {  	s2 =	sshrl.u32 @!p0 s2, $0x3  }
0x636: {  	s26 =	sadd.s32 $0x1, s26;
	s2 =	sadd.s32 @!p0 s13, s2;
	[sflag:s9] =	ssyncset.done $0x0  }
0x637: {  	s2 =	sadd.s32 @!p0 $0x27000, s2;
	[sflag:s9] =	ssyncadd.s32 $0xFFFFD900;
	s3 =	sshrl.u32 @!p0 s20, $0x3  }
0x638: {  	[hbm:s2], [sflag:s1] =	dma.local @!p0 [spmem:s3], $0x100  }
0x639: {  	p1 =	sne.s32 s26, $0x3;
	s2 =	simm.s32 @!p0 $0x7  }
.Ltmp10:
0x63a: {  	_ =	swait.ge @!p0 [sflag:s2], $0x100;
	(pc) =	sbr.rel @p1 .LBB2_4-.Ltmp10, $3  }
0x63b: {  	[sflag:s2] =	ssyncset.done @!p0 $0x0  }
0x63c: {  	[smem:$0x7D0] =	sst s26;
	[sflag:s2] =	ssyncadd.s32 @!p0 $0xFFFFFF00  }
0x63d: {  	[bflag:$0x0] =	sbarrier.arrive $0xFFFF;
	_ =	sdelay $0x1  }
0x63e: {  	s3 =	rddreg [dreg:$0x8]  }
0x63f: {  	s4 =	rddreg [dreg:$0xb];
	s3 =	sshrl.u32 s3, $0x3  }
0x640: {  	[hbm:s4], [sflag:s1] =	dma.local [spmem:s3], $0x4E0  }
0x641: {  	_ =	swait.ge [sflag:s9], $0x4E0  }
0x642: {  	s13 =	sld [smem:$0x7FB]  }
0x643: {  	s4 =	sld [smem:$0x7F5]  }
0x644: {  	[sflag:s9] =	ssyncset.done $0x0  }
0x645: {  	[sflag:s9] =	ssyncadd.s32 $0xFFFFFB20;
	s3 =	sshrl.u32 @!p0 s13, $0x3  }
0x646: {  	[hbm:s4], [sflag:s1] =	dma.local @!p0 [spmem:s3], $0x20  }
0x647: {  	_ =	swait.ge @!p0 [sflag:s2], $0x20  }
0x648: {  	s4 =	sld [smem:$0x7D1]  }
0x649: {  	s26 =	sld [smem:$0x7F7];
	_ =	sdelay $0x1  }
0x64a: {  	s3 =	sadd.s32 $0x1, s4  }
0x64b: {  	p1 =	sne.s32 s3, s26  }
.Ltmp11:
0x64c: {  	_ = 	snop;
	(pc) =	sbr.rel @p1 .LBB2_1-.Ltmp11, $3  }
0x64d: {  	_ =	sdelay $0x1  }
0x64e: {  	[sflag:s2] =	ssyncset.done @!p0 $0x0  }
0x64f: {  	[sflag:s2] =	ssyncadd.s32 @!p0 $0xFFFFFFE0  }
0x650: {  	_ =	sfence.sel $0x180000  }
0x651: {  	[bflag:$0x0] =	sbarrier.arrive $0xFFFF  }
0x652: {  	_ =	strace $0x90000047  }
0x653: {  	[bflag:$0x2] =	sbarrier.arrive $0xFFFF  }
0x654: {  	s0 =	rddreg [dreg:$0x4]  }
0x655: {  	s0 =	sadd.s32 @!p0 $0x100000, s0  }
0x656: {  	[sflag:s0] =	ssyncadd.tile.s32 @!p0 $0x1;
	_ =	shalt  }
.Lfunc_end2:
_tile_overlayer_lowered:
.L_overlay_start_2:
0x657: {  	(tag) =	ssettag $0x2  }
0x658: {  	s0 =	rddreg [dreg:$0x0];
	s2 =	stileid.u32  }
0x659: {  	s1 =	rddreg [dreg:$0x1];
	p0 =	sne.s32 s2, $0x0  }
0x65a: {  	s3 =	rddreg [dreg:$0x2];
	[bflag:$0x3] =	sbarrier.arrive $0xFFFF;
	s2 =	simm.s32 @!p0 $0x1C07  }
0x65b: {  	[timem:s3], [sflag:s2] =	dma.local @!p0 [hbm:s0], s1  }
0x65c: {  	s0 =	simm.s32 @!p0 $0x7  }
0x65d: {  	_ =	swait.ge @!p0 [sflag:s0], s1  }
0x65e: {  	s1 =	ssub.s32 @!p0 $0x0, s1;
	[sflag:s0] =	ssyncset.done @!p0 $0x0  }
0x65f: {  	[sflag:s0] =	ssyncadd.s32 @!p0 s1  }
0x660: {  	[bflag:$0x3] =	sbarrier.arrive $0xFFFF  }
0x661: {  	_ =	shalt  }

</sc_bundles>
